<compile_context>
chip_gen: v7x
topology: tpu7x:2x2x1
jax: 0.10.2.dev20260603
libtpu: 0.0.44.dev20260713+nightly
codegen_flags: <defaults>
</compile_context>

<pallas_src>
import functools

import jax
import jax.numpy as jnp
from jax import lax
from jax.experimental import pallas as pl
from jax.experimental.pallas import tpu as pltpu
from jax.experimental.pallas import tpu_sc as plsc

_LANES = 16


def _tc_pack_table(table):
    V, H = table.shape
    Hh = H // 2
    BV = 2000

    def pack_kernel(x_ref, o_ref):
        x = x_ref[...]
        lo = lax.bitcast_convert_type(
            x[:, :Hh].astype(jnp.bfloat16), jnp.uint16).astype(jnp.int32)
        hi = lax.bitcast_convert_type(
            x[:, Hh:].astype(jnp.bfloat16), jnp.uint16).astype(jnp.int32)
        o_ref[...] = lo | lax.shift_left(hi, 16)

    return pl.pallas_call(
        pack_kernel,
        grid=(V // BV,),
        in_specs=[pl.BlockSpec((BV, H), lambda i: (i, 0))],
        out_specs=pl.BlockSpec((BV, Hh), lambda i: (i, 0)),
        out_shape=jax.ShapeDtypeStruct((V, Hh), jnp.int32),
    )(table)


def _sc_gather_sum(ids, table):
    B, L = ids.shape
    _, H2 = table.shape
    H = 2 * H2
    NC, NS = 2, 16
    NW = NC * NS
    RPW = B // NW
    CH = H2 // _LANES
    NBUF = 8
    QR = L // (NBUF // 2)
    mesh = plsc.VectorSubcoreMesh(core_axis_name="c", subcore_axis_name="s")

    @functools.partial(
        pl.kernel,
        out_type=jax.ShapeDtypeStruct((B, H), jnp.float32),
        mesh=mesh,
        scratch_types=(
            [pltpu.VMEM((RPW, L), jnp.int32)]
            + [pltpu.VMEM((QR, H2), jnp.int32)] * NBUF
            + [pltpu.VMEM((RPW, H), jnp.float32)]
            + [pltpu.SemaphoreType.DMA] * NBUF
        ),
    )
    def sc_kernel(ids_hbm, table_hbm, out_hbm, idx_v, *rest):
        bufs = rest[:NBUF]
        out_v = rest[NBUF]
        sems = rest[NBUF + 1:]
        wid = lax.axis_index("s") * NC + lax.axis_index("c")
        base = wid * RPW
        pltpu.sync_copy(ids_hbm.at[pl.ds(base, RPW)], idx_v)

        def issue(r, h, k):
            pltpu.async_copy(
                table_hbm.at[idx_v.at[r, pl.ds(h * QR, QR)]], bufs[k], sems[k])

        def wait(r, h, k):
            pltpu.make_async_copy(
                table_hbm.at[idx_v.at[r, pl.ds(h * QR, QR)]],
                bufs[k], sems[k]).wait()

        def reduce_half(buf, accs):
            def body(i, a):
                r0 = 4 * i
                new_lo, new_hi = [], []
                for j in range(CH):
                    w = [buf[r0 + k, pl.ds(_LANES * j, _LANES)]
                         for k in range(4)]
                    f = [lax.bitcast_convert_type(lax.shift_left(wk, 16),
                                                  jnp.float32) for wk in w]
                    g = [lax.bitcast_convert_type(wk, jnp.float32)
                         for wk in w]
                    new_lo.append(a[j] + ((f[0] + f[1]) + (f[2] + f[3])))
                    new_hi.append(a[CH + j] + ((g[0] + g[1]) + (g[2] + g[3])))
                return tuple(new_lo + new_hi)
            return lax.fori_loop(0, QR // 4, body, accs)

        def store(accs, r):
            for j in range(2 * CH):
                out_v[r, pl.ds(_LANES * j, _LANES)] = accs[j]

        zeros = tuple(jnp.zeros((_LANES,), jnp.float32) for _ in range(2 * CH))
        NQ = NBUF // 2

        for h in range(NQ):
            issue(0, h, h)
            issue(1, h, NQ + h)

        def loop_body(g, carry):
            r0 = 2 * g
            more = g < RPW // 2 - 1

            accs = zeros
            for h in range(NQ):
                wait(r0, h, h)
                accs = reduce_half(bufs[h], accs)

                @pl.when(more)
                def _(h=h):
                    issue(r0 + 2, h, h)

            store(accs, r0)

            accs = zeros
            for h in range(NQ):
                wait(r0 + 1, h, NQ + h)
                accs = reduce_half(bufs[NQ + h], accs)

                @pl.when(more)
                def _(h=h):
                    issue(r0 + 3, h, NQ + h)

            store(accs, r0 + 1)
            return carry

        lax.fori_loop(0, RPW // 2, loop_body, 0)
        pltpu.sync_copy(out_v, out_hbm.at[pl.ds(base, RPW)])

    return sc_kernel(ids, table)


def _tc_mlp(sums, pos, W1, b1, W2, b2, inv_l):
    B, H = sums.shape
    L = pos.shape[0]
    BM = B

    def mlp_kernel(s_ref, pos_ref, w1_ref, b1_ref, w2_ref, b2_ref, o_ref):
        pos_mean = jnp.mean(pos_ref[...], axis=0, keepdims=True)
        x = s_ref[...] * inv_l + pos_mean
        h = lax.dot_general(x, w1_ref[...], (((1,), (1,)), ((), ())),
                            preferred_element_type=jnp.float32)
        h = jnp.maximum(h + b1_ref[...], 0.0)
        o = lax.dot_general(h, w2_ref[...], (((1,), (1,)), ((), ())),
                            preferred_element_type=jnp.float32)
        o_ref[...] = o + b2_ref[...]

    return pl.pallas_call(
        mlp_kernel,
        grid=(B // BM,),
        in_specs=[
            pl.BlockSpec((BM, H), lambda i: (i, 0)),
            pl.BlockSpec((L, H), lambda i: (0, 0)),
            pl.BlockSpec(W1.shape, lambda i: (0, 0)),
            pl.BlockSpec((1, H), lambda i: (0, 0)),
            pl.BlockSpec(W2.shape, lambda i: (0, 0)),
            pl.BlockSpec((1, H), lambda i: (0, 0)),
        ],
        out_specs=pl.BlockSpec((BM, W2.shape[0]), lambda i: (i, 0)),
        out_shape=jax.ShapeDtypeStruct((B, W2.shape[0]), jnp.float32),
    )(sums, pos, W1, b1, W2, b2)


def kernel(input_ids, emb_table, pos_table, W1, b1, W2, b2):
    ids = input_ids.astype(jnp.int32)
    L = ids.shape[1]
    packed = _tc_pack_table(emb_table)
    sums = _sc_gather_sum(ids, packed)
    return _tc_mlp(sums, pos_table[:L], W1, b1.reshape(1, -1),
                   W2, b2.reshape(1, -1), 1.0 / L)

# --- scband reference (transcript-rebuilt; emitter-appended) ---
"""Pipeline reference for scband-simple-language-encoder-29635274342513 (READ-ONLY COPY).

The authoritative reference and input builder live on the scoring server;
editing this copy changes nothing except your own understanding.
"""

import jax, jax.numpy as jnp
import numpy as np

B, L = 4096, 128
VOCAB = 100000
MAXLEN = 128
IN_DIM = 256
HID = 256
OUT = 256

def setup_inputs(seed: int = 0) -> dict:
    key = jax.random.key(seed)
    k_ids, k_emb, k_pos, k_w1, k_b1, k_w2, k_b2 = jax.random.split(key, 7)
    input_ids = jax.random.randint(k_ids, (B, L), 0, VOCAB, dtype=jnp.int64 if jax.config.jax_enable_x64 else jnp.int32)
    emb_table = jax.random.normal(k_emb, (VOCAB, HID), dtype=jnp.float32) * 0.02
    pos_table = jax.random.normal(k_pos, (MAXLEN, HID), dtype=jnp.float32) * 0.02
    W1 = jax.random.normal(k_w1, (HID, IN_DIM), dtype=jnp.float32) * (1.0 / np.sqrt(IN_DIM))
    b1 = jnp.zeros((HID,), dtype=jnp.float32)
    W2 = jax.random.normal(k_w2, (OUT, HID), dtype=jnp.float32) * (1.0 / np.sqrt(HID))
    b2 = jnp.zeros((OUT,), dtype=jnp.float32)
    return {"input_ids": input_ids, "emb_table": emb_table, "pos_table": pos_table, "W1": W1, "b1": b1, "W2": W2, "b2": b2}

def reference(input_ids, emb_table, pos_table, W1, b1, W2, b2):
    Bq, Lq = input_ids.shape
    positions = jnp.arange(Lq)
    tok_emb = jnp.take(emb_table, input_ids, axis=0)            # [B, L, HID]
    pos_emb = jnp.take(pos_table, positions, axis=0)[None, :, :]  # [1, L, HID]
    embeddings = tok_emb + pos_emb
    features = jnp.mean(embeddings, axis=1)                      # [B, HID]
    h = jnp.maximum(features @ W1.T + b1, 0.0)                   # Linear + ReLU
    out = h @ W2.T + b2                                          # [B, OUT]
    return out

if __name__ == "__main__":
    import jax
    _d = setup_inputs()
    print(jax.jit(kernel)(*tuple(_d.values())))

</pallas_src>

<mosaic_0001>
#map = affine_map<(d0, d1) -> (0, 0)>
module attributes {stable_mosaic.version = 14 : i64} {
  func.func @sc_kernel(%arg0: i32, %arg1: i32, %arg2: memref<4096x128xi32, #tpu.memory_space<hbm>>, %arg3: memref<100000x128xi32, #tpu.memory_space<hbm>>, %arg4: memref<4096x256xf32, #tpu.memory_space<hbm>>, %arg5: memref<128x128xi32, #tpu.memory_space<vmem>>, %arg6: memref<32x128xi32, #tpu.memory_space<vmem>>, %arg7: memref<32x128xi32, #tpu.memory_space<vmem>>, %arg8: memref<32x128xi32, #tpu.memory_space<vmem>>, %arg9: memref<32x128xi32, #tpu.memory_space<vmem>>, %arg10: memref<32x128xi32, #tpu.memory_space<vmem>>, %arg11: memref<32x128xi32, #tpu.memory_space<vmem>>, %arg12: memref<32x128xi32, #tpu.memory_space<vmem>>, %arg13: memref<32x128xi32, #tpu.memory_space<vmem>>, %arg14: memref<128x256xf32, #tpu.memory_space<vmem>>, %arg15: memref<!tpu.dma_semaphore, #tpu.memory_space<semaphore_mem>>, %arg16: memref<!tpu.dma_semaphore, #tpu.memory_space<semaphore_mem>>, %arg17: memref<!tpu.dma_semaphore, #tpu.memory_space<semaphore_mem>>, %arg18: memref<!tpu.dma_semaphore, #tpu.memory_space<semaphore_mem>>, %arg19: memref<!tpu.dma_semaphore, #tpu.memory_space<semaphore_mem>>, %arg20: memref<!tpu.dma_semaphore, #tpu.memory_space<semaphore_mem>>, %arg21: memref<!tpu.dma_semaphore, #tpu.memory_space<semaphore_mem>>, %arg22: memref<!tpu.dma_semaphore, #tpu.memory_space<semaphore_mem>>) attributes {dimension_semantics = [#tpu.dimension_semantics<core_parallel>, #tpu.dimension_semantics<subcore_parallel>], iteration_bounds = array<i64: 2, 16>, scalar_prefetch = 0 : i64, scratch_operands = 18 : i64, tpu.core_type = #tpu.core_type<sc_vector_subcore>, window_params = [{transform_indices = #map}, {transform_indices = #map}, {transform_indices = #map}]} {
    %mul3A = arith.constant 2 : i32
    %mul3A_0 = arith.muli %arg1, %mul3A : i32
    %add3A = arith.addi %mul3A_0, %arg0 : i32
    %mul3A_1 = arith.constant 128 : i32
    %mul3A_2 = arith.muli %add3A, %mul3A_1 : i32
    "tpu.region"() ({
      %run_scoped3A = tpu.sem_alloc : memref<!tpu.dma_semaphore, #tpu.memory_space<semaphore_mem>>
      %dma_start3A_94 = arith.constant 0 : i32
      %dma_start3A_95 = tpu.memref_slice %arg2[%mul3A_2, %dma_start3A_94] : memref<4096x128xi32, #tpu.memory_space<hbm>> -> memref<128x128xi32, #tpu.memory_space<hbm>>
      %dma_start3A_96 = arith.constant 0 : i32
      %dma_start3A_97 = tpu.memref_slice %arg2[%mul3A_2, %dma_start3A_96] : memref<4096x128xi32, #tpu.memory_space<hbm>> -> memref<128x128xi32, #tpu.memory_space<hbm>>
      tpu.enqueue_dma source(%dma_start3A_97 : memref<128x128xi32, #tpu.memory_space<hbm>>) target(%arg5 : memref<128x128xi32, #tpu.memory_space<vmem>>) target_semaphore(%run_scoped3A : memref<!tpu.dma_semaphore, #tpu.memory_space<semaphore_mem>>)
      %dma_wait3A = arith.constant 0 : i32
      %dma_wait3A_98 = tpu.memref_slice %arg2[%mul3A_2, %dma_wait3A] : memref<4096x128xi32, #tpu.memory_space<hbm>> -> memref<128x128xi32, #tpu.memory_space<hbm>>
      %dma_wait3A_99 = arith.constant 0 : i32
      %dma_wait3A_100 = tpu.memref_slice %arg2[%mul3A_2, %dma_wait3A_99] : memref<4096x128xi32, #tpu.memory_space<hbm>> -> memref<128x128xi32, #tpu.memory_space<hbm>>
      tpu.wait_dma2 semaphore(%run_scoped3A : memref<!tpu.dma_semaphore, #tpu.memory_space<semaphore_mem>>) src(%dma_wait3A_100 : memref<128x128xi32, #tpu.memory_space<hbm>>) dst(%arg5 : memref<128x128xi32, #tpu.memory_space<vmem>>)
      tpu.yield
    }) : () -> ()
    %broadcast_in_dim3A = arith.constant 0.000000e+00 : f32
    %broadcast_in_dim3A_3 = vector.broadcast %broadcast_in_dim3A : f32 to vector<16xf32>
    %broadcast_in_dim3A_4 = arith.constant 0.000000e+00 : f32
    %broadcast_in_dim3A_5 = vector.broadcast %broadcast_in_dim3A_4 : f32 to vector<16xf32>
    %broadcast_in_dim3A_6 = arith.constant 0.000000e+00 : f32
    %broadcast_in_dim3A_7 = vector.broadcast %broadcast_in_dim3A_6 : f32 to vector<16xf32>
    %broadcast_in_dim3A_8 = arith.constant 0.000000e+00 : f32
    %broadcast_in_dim3A_9 = vector.broadcast %broadcast_in_dim3A_8 : f32 to vector<16xf32>
    %broadcast_in_dim3A_10 = arith.constant 0.000000e+00 : f32
    %broadcast_in_dim3A_11 = vector.broadcast %broadcast_in_dim3A_10 : f32 to vector<16xf32>
    %broadcast_in_dim3A_12 = arith.constant 0.000000e+00 : f32
    %broadcast_in_dim3A_13 = vector.broadcast %broadcast_in_dim3A_12 : f32 to vector<16xf32>
    %broadcast_in_dim3A_14 = arith.constant 0.000000e+00 : f32
    %broadcast_in_dim3A_15 = vector.broadcast %broadcast_in_dim3A_14 : f32 to vector<16xf32>
    %broadcast_in_dim3A_16 = arith.constant 0.000000e+00 : f32
    %broadcast_in_dim3A_17 = vector.broadcast %broadcast_in_dim3A_16 : f32 to vector<16xf32>
    %broadcast_in_dim3A_18 = arith.constant 0.000000e+00 : f32
    %broadcast_in_dim3A_19 = vector.broadcast %broadcast_in_dim3A_18 : f32 to vector<16xf32>
    %broadcast_in_dim3A_20 = arith.constant 0.000000e+00 : f32
    %broadcast_in_dim3A_21 = vector.broadcast %broadcast_in_dim3A_20 : f32 to vector<16xf32>
    %broadcast_in_dim3A_22 = arith.constant 0.000000e+00 : f32
    %broadcast_in_dim3A_23 = vector.broadcast %broadcast_in_dim3A_22 : f32 to vector<16xf32>
    %broadcast_in_dim3A_24 = arith.constant 0.000000e+00 : f32
    %broadcast_in_dim3A_25 = vector.broadcast %broadcast_in_dim3A_24 : f32 to vector<16xf32>
    %broadcast_in_dim3A_26 = arith.constant 0.000000e+00 : f32
    %broadcast_in_dim3A_27 = vector.broadcast %broadcast_in_dim3A_26 : f32 to vector<16xf32>
    %broadcast_in_dim3A_28 = arith.constant 0.000000e+00 : f32
    %broadcast_in_dim3A_29 = vector.broadcast %broadcast_in_dim3A_28 : f32 to vector<16xf32>
    %broadcast_in_dim3A_30 = arith.constant 0.000000e+00 : f32
    %broadcast_in_dim3A_31 = vector.broadcast %broadcast_in_dim3A_30 : f32 to vector<16xf32>
    %broadcast_in_dim3A_32 = arith.constant 0.000000e+00 : f32
    %broadcast_in_dim3A_33 = vector.broadcast %broadcast_in_dim3A_32 : f32 to vector<16xf32>
    %dma_start3A = arith.constant 0 : i32
    %dma_start3A_34 = arith.constant 0 : i32
    %dma_start3A_35 = tpu.memref_slice %arg5[%dma_start3A, %dma_start3A_34] : memref<128x128xi32, #tpu.memory_space<vmem>> -> memref<1x32xi32, #tpu.memory_space<vmem>>
    %dma_start3A_36 = tpu.memref_squeeze %dma_start3A_35 : memref<1x32xi32, #tpu.memory_space<vmem>> -> memref<32xi32, #tpu.memory_space<vmem>>
    %dma_start3A_37 = arith.constant 0 : i32
    %dma_start3A_38 = arith.constant 0 : i32
    %dma_start3A_39 = tpu.memref_slice %arg3[%dma_start3A_37, %dma_start3A_38] : memref<100000x128xi32, #tpu.memory_space<hbm>> -> memref<100000x128xi32, #tpu.memory_space<hbm>>
    tpu.enqueue_indirect_dma source(%dma_start3A_39 : memref<100000x128xi32, #tpu.memory_space<hbm>>) target(%arg6 : memref<32x128xi32, #tpu.memory_space<vmem>>) offsets(%dma_start3A_36 : memref<32xi32, #tpu.memory_space<vmem>>) semaphore(%arg15 : memref<!tpu.dma_semaphore, #tpu.memory_space<semaphore_mem>>)
    %dma_start3A_40 = arith.constant 1 : i32
    %dma_start3A_41 = arith.constant 0 : i32
    %dma_start3A_42 = tpu.memref_slice %arg5[%dma_start3A_40, %dma_start3A_41] : memref<128x128xi32, #tpu.memory_space<vmem>> -> memref<1x32xi32, #tpu.memory_space<vmem>>
    %dma_start3A_43 = tpu.memref_squeeze %dma_start3A_42 : memref<1x32xi32, #tpu.memory_space<vmem>> -> memref<32xi32, #tpu.memory_space<vmem>>
    %dma_start3A_44 = arith.constant 0 : i32
    %dma_start3A_45 = arith.constant 0 : i32
    %dma_start3A_46 = tpu.memref_slice %arg3[%dma_start3A_44, %dma_start3A_45] : memref<100000x128xi32, #tpu.memory_space<hbm>> -> memref<100000x128xi32, #tpu.memory_space<hbm>>
    tpu.enqueue_indirect_dma source(%dma_start3A_46 : memref<100000x128xi32, #tpu.memory_space<hbm>>) target(%arg10 : memref<32x128xi32, #tpu.memory_space<vmem>>) offsets(%dma_start3A_43 : memref<32xi32, #tpu.memory_space<vmem>>) semaphore(%arg19 : memref<!tpu.dma_semaphore, #tpu.memory_space<semaphore_mem>>)
    %dma_start3A_47 = arith.constant 0 : i32
    %dma_start3A_48 = arith.constant 32 : i32
    %dma_start3A_49 = tpu.memref_slice %arg5[%dma_start3A_47, %dma_start3A_48] : memref<128x128xi32, #tpu.memory_space<vmem>> -> memref<1x32xi32, #tpu.memory_space<vmem>>
    %dma_start3A_50 = tpu.memref_squeeze %dma_start3A_49 : memref<1x32xi32, #tpu.memory_space<vmem>> -> memref<32xi32, #tpu.memory_space<vmem>>
    %dma_start3A_51 = arith.constant 0 : i32
    %dma_start3A_52 = arith.constant 0 : i32
    %dma_start3A_53 = tpu.memref_slice %arg3[%dma_start3A_51, %dma_start3A_52] : memref<100000x128xi32, #tpu.memory_space<hbm>> -> memref<100000x128xi32, #tpu.memory_space<hbm>>
    tpu.enqueue_indirect_dma source(%dma_start3A_53 : memref<100000x128xi32, #tpu.memory_space<hbm>>) target(%arg7 : memref<32x128xi32, #tpu.memory_space<vmem>>) offsets(%dma_start3A_50 : memref<32xi32, #tpu.memory_space<vmem>>) semaphore(%arg16 : memref<!tpu.dma_semaphore, #tpu.memory_space<semaphore_mem>>)
    %dma_start3A_54 = arith.constant 1 : i32
    %dma_start3A_55 = arith.constant 32 : i32
    %dma_start3A_56 = tpu.memref_slice %arg5[%dma_start3A_54, %dma_start3A_55] : memref<128x128xi32, #tpu.memory_space<vmem>> -> memref<1x32xi32, #tpu.memory_space<vmem>>
    %dma_start3A_57 = tpu.memref_squeeze %dma_start3A_56 : memref<1x32xi32, #tpu.memory_space<vmem>> -> memref<32xi32, #tpu.memory_space<vmem>>
    %dma_start3A_58 = arith.constant 0 : i32
    %dma_start3A_59 = arith.constant 0 : i32
    %dma_start3A_60 = tpu.memref_slice %arg3[%dma_start3A_58, %dma_start3A_59] : memref<100000x128xi32, #tpu.memory_space<hbm>> -> memref<100000x128xi32, #tpu.memory_space<hbm>>
    tpu.enqueue_indirect_dma source(%dma_start3A_60 : memref<100000x128xi32, #tpu.memory_space<hbm>>) target(%arg11 : memref<32x128xi32, #tpu.memory_space<vmem>>) offsets(%dma_start3A_57 : memref<32xi32, #tpu.memory_space<vmem>>) semaphore(%arg20 : memref<!tpu.dma_semaphore, #tpu.memory_space<semaphore_mem>>)
    %dma_start3A_61 = arith.constant 0 : i32
    %dma_start3A_62 = arith.constant 64 : i32
    %dma_start3A_63 = tpu.memref_slice %arg5[%dma_start3A_61, %dma_start3A_62] : memref<128x128xi32, #tpu.memory_space<vmem>> -> memref<1x32xi32, #tpu.memory_space<vmem>>
    %dma_start3A_64 = tpu.memref_squeeze %dma_start3A_63 : memref<1x32xi32, #tpu.memory_space<vmem>> -> memref<32xi32, #tpu.memory_space<vmem>>
    %dma_start3A_65 = arith.constant 0 : i32
    %dma_start3A_66 = arith.constant 0 : i32
    %dma_start3A_67 = tpu.memref_slice %arg3[%dma_start3A_65, %dma_start3A_66] : memref<100000x128xi32, #tpu.memory_space<hbm>> -> memref<100000x128xi32, #tpu.memory_space<hbm>>
    tpu.enqueue_indirect_dma source(%dma_start3A_67 : memref<100000x128xi32, #tpu.memory_space<hbm>>) target(%arg8 : memref<32x128xi32, #tpu.memory_space<vmem>>) offsets(%dma_start3A_64 : memref<32xi32, #tpu.memory_space<vmem>>) semaphore(%arg17 : memref<!tpu.dma_semaphore, #tpu.memory_space<semaphore_mem>>)
    %dma_start3A_68 = arith.constant 1 : i32
    %dma_start3A_69 = arith.constant 64 : i32
    %dma_start3A_70 = tpu.memref_slice %arg5[%dma_start3A_68, %dma_start3A_69] : memref<128x128xi32, #tpu.memory_space<vmem>> -> memref<1x32xi32, #tpu.memory_space<vmem>>
    %dma_start3A_71 = tpu.memref_squeeze %dma_start3A_70 : memref<1x32xi32, #tpu.memory_space<vmem>> -> memref<32xi32, #tpu.memory_space<vmem>>
    %dma_start3A_72 = arith.constant 0 : i32
    %dma_start3A_73 = arith.constant 0 : i32
    %dma_start3A_74 = tpu.memref_slice %arg3[%dma_start3A_72, %dma_start3A_73] : memref<100000x128xi32, #tpu.memory_space<hbm>> -> memref<100000x128xi32, #tpu.memory_space<hbm>>
    tpu.enqueue_indirect_dma source(%dma_start3A_74 : memref<100000x128xi32, #tpu.memory_space<hbm>>) target(%arg12 : memref<32x128xi32, #tpu.memory_space<vmem>>) offsets(%dma_start3A_71 : memref<32xi32, #tpu.memory_space<vmem>>) semaphore(%arg21 : memref<!tpu.dma_semaphore, #tpu.memory_space<semaphore_mem>>)
    %dma_start3A_75 = arith.constant 0 : i32
    %dma_start3A_76 = arith.constant 96 : i32
    %dma_start3A_77 = tpu.memref_slice %arg5[%dma_start3A_75, %dma_start3A_76] : memref<128x128xi32, #tpu.memory_space<vmem>> -> memref<1x32xi32, #tpu.memory_space<vmem>>
    %dma_start3A_78 = tpu.memref_squeeze %dma_start3A_77 : memref<1x32xi32, #tpu.memory_space<vmem>> -> memref<32xi32, #tpu.memory_space<vmem>>
    %dma_start3A_79 = arith.constant 0 : i32
    %dma_start3A_80 = arith.constant 0 : i32
    %dma_start3A_81 = tpu.memref_slice %arg3[%dma_start3A_79, %dma_start3A_80] : memref<100000x128xi32, #tpu.memory_space<hbm>> -> memref<100000x128xi32, #tpu.memory_space<hbm>>
    tpu.enqueue_indirect_dma source(%dma_start3A_81 : memref<100000x128xi32, #tpu.memory_space<hbm>>) target(%arg9 : memref<32x128xi32, #tpu.memory_space<vmem>>) offsets(%dma_start3A_78 : memref<32xi32, #tpu.memory_space<vmem>>) semaphore(%arg18 : memref<!tpu.dma_semaphore, #tpu.memory_space<semaphore_mem>>)
    %dma_start3A_82 = arith.constant 1 : i32
    %dma_start3A_83 = arith.constant 96 : i32
    %dma_start3A_84 = tpu.memref_slice %arg5[%dma_start3A_82, %dma_start3A_83] : memref<128x128xi32, #tpu.memory_space<vmem>> -> memref<1x32xi32, #tpu.memory_space<vmem>>
    %dma_start3A_85 = tpu.memref_squeeze %dma_start3A_84 : memref<1x32xi32, #tpu.memory_space<vmem>> -> memref<32xi32, #tpu.memory_space<vmem>>
    %dma_start3A_86 = arith.constant 0 : i32
    %dma_start3A_87 = arith.constant 0 : i32
    %dma_start3A_88 = tpu.memref_slice %arg3[%dma_start3A_86, %dma_start3A_87] : memref<100000x128xi32, #tpu.memory_space<hbm>> -> memref<100000x128xi32, #tpu.memory_space<hbm>>
    tpu.enqueue_indirect_dma source(%dma_start3A_88 : memref<100000x128xi32, #tpu.memory_space<hbm>>) target(%arg13 : memref<32x128xi32, #tpu.memory_space<vmem>>) offsets(%dma_start3A_85 : memref<32xi32, #tpu.memory_space<vmem>>) semaphore(%arg22 : memref<!tpu.dma_semaphore, #tpu.memory_space<semaphore_mem>>)
    %scan3A = arith.constant 0 : i32
    %scan3A_89 = arith.constant 0 : i32
    %scan3A_90 = arith.constant 64 : i32
    %scan3A_91 = arith.addi %scan3A_89, %scan3A_90 : i32
    %scan3A_92 = arith.constant 1 : i32
    scf.for %scan3A_94 = %scan3A_89 to %scan3A_91 step %scan3A_92  : i32 {
      %mul3A_95 = arith.constant 2 : i32
      %mul3A_96 = arith.muli %mul3A_95, %scan3A_94 : i32
      %lt3A = arith.constant 63 : i32
      %lt3A_97 = arith.cmpi slt, %scan3A_94, %lt3A : i32
      %dma_wait3A = arith.constant 0 : i32
      %dma_wait3A_98 = tpu.memref_slice %arg5[%mul3A_96, %dma_wait3A] : memref<128x128xi32, #tpu.memory_space<vmem>> -> memref<1x32xi32, #tpu.memory_space<vmem>>
      %dma_wait3A_99 = tpu.memref_squeeze %dma_wait3A_98 : memref<1x32xi32, #tpu.memory_space<vmem>> -> memref<32xi32, #tpu.memory_space<vmem>>
      %dma_wait3A_100 = arith.constant 0 : i32
      %dma_wait3A_101 = arith.constant 0 : i32
      %dma_wait3A_102 = tpu.memref_slice %arg3[%dma_wait3A_100, %dma_wait3A_101] : memref<100000x128xi32, #tpu.memory_space<hbm>> -> memref<100000x128xi32, #tpu.memory_space<hbm>>
      tpu.wait_indirect_dma semaphore(%arg15 : memref<!tpu.dma_semaphore, #tpu.memory_space<semaphore_mem>>) src(%dma_wait3A_102 : memref<100000x128xi32, #tpu.memory_space<hbm>>) dst(%arg6 : memref<32x128xi32, #tpu.memory_space<vmem>>)
      %scan3A_103 = arith.constant 0 : i32
      %scan3A_104 = arith.constant 8 : i32
      %scan3A_105 = arith.addi %scan3A_103, %scan3A_104 : i32
      %scan3A_106 = arith.constant 1 : i32
      %scan3A_107:16 = scf.for %scan3A_384 = %scan3A_103 to %scan3A_105 step %scan3A_106 iter_args(%scan3A_385 = %broadcast_in_dim3A_3, %scan3A_386 = %broadcast_in_dim3A_5, %scan3A_387 = %broadcast_in_dim3A_7, %scan3A_388 = %broadcast_in_dim3A_9, %scan3A_389 = %broadcast_in_dim3A_11, %scan3A_390 = %broadcast_in_dim3A_13, %scan3A_391 = %broadcast_in_dim3A_15, %scan3A_392 = %broadcast_in_dim3A_17, %scan3A_393 = %broadcast_in_dim3A_19, %scan3A_394 = %broadcast_in_dim3A_21, %scan3A_395 = %broadcast_in_dim3A_23, %scan3A_396 = %broadcast_in_dim3A_25, %scan3A_397 = %broadcast_in_dim3A_27, %scan3A_398 = %broadcast_in_dim3A_29, %scan3A_399 = %broadcast_in_dim3A_31, %scan3A_400 = %broadcast_in_dim3A_33) -> (vector<16xf32>, vector<16xf32>, vector<16xf32>, vector<16xf32>, vector<16xf32>, vector<16xf32>, vector<16xf32>, vector<16xf32>, vector<16xf32>, vector<16xf32>, vector<16xf32>, vector<16xf32>, vector<16xf32>, vector<16xf32>, vector<16xf32>, vector<16xf32>)  : i32 {
        %mul3A_401 = arith.constant 4 : i32
        %mul3A_402 = arith.muli %mul3A_401, %scan3A_384 : i32
        %add3A_403 = arith.constant 0 : i32
        %add3A_404 = arith.addi %mul3A_402, %add3A_403 : i32
        %get3A = arith.index_cast %add3A_404 : i32 to index
        %get3A_405 = arith.constant 0 : index
        %get3A_406 = tpu.vector_load %arg6[%get3A, %get3A_405] {strides = array<i32>} : memref<32x128xi32, #tpu.memory_space<vmem>>, vector<1x16xi32>,
        %get3A_407 = vector.shape_cast %get3A_406 : vector<1x16xi32> to vector<16xi32>
        %add3A_408 = arith.constant 1 : i32
        %add3A_409 = arith.addi %mul3A_402, %add3A_408 : i32
        %get3A_410 = arith.index_cast %add3A_409 : i32 to index
        %get3A_411 = arith.constant 0 : index
        %get3A_412 = tpu.vector_load %arg6[%get3A_410, %get3A_411] {strides = array<i32>} : memref<32x128xi32, #tpu.memory_space<vmem>>, vector<1x16xi32>,
        %get3A_413 = vector.shape_cast %get3A_412 : vector<1x16xi32> to vector<16xi32>
        %add3A_414 = arith.constant 2 : i32
        %add3A_415 = arith.addi %mul3A_402, %add3A_414 : i32
        %get3A_416 = arith.index_cast %add3A_415 : i32 to index
        %get3A_417 = arith.constant 0 : index
        %get3A_418 = tpu.vector_load %arg6[%get3A_416, %get3A_417] {strides = array<i32>} : memref<32x128xi32, #tpu.memory_space<vmem>>, vector<1x16xi32>,
        %get3A_419 = vector.shape_cast %get3A_418 : vector<1x16xi32> to vector<16xi32>
        %add3A_420 = arith.constant 3 : i32
        %add3A_421 = arith.addi %mul3A_402, %add3A_420 : i32
        %get3A_422 = arith.index_cast %add3A_421 : i32 to index
        %get3A_423 = arith.constant 0 : index
        %get3A_424 = tpu.vector_load %arg6[%get3A_422, %get3A_423] {strides = array<i32>} : memref<32x128xi32, #tpu.memory_space<vmem>>, vector<1x16xi32>,
        %get3A_425 = vector.shape_cast %get3A_424 : vector<1x16xi32> to vector<16xi32>
        %shift_left3A = arith.constant 16 : i32
        %shift_left3A_426 = vector.broadcast %shift_left3A : i32 to vector<16xi32>
        %shift_left3A_427 = arith.shli %get3A_407, %shift_left3A_426 : vector<16xi32>
        %bitcast_convert_type3A = tpu.bitcast %shift_left3A_427 : vector<16xi32> -> vector<16xf32>
        %shift_left3A_428 = arith.constant 16 : i32
        %shift_left3A_429 = vector.broadcast %shift_left3A_428 : i32 to vector<16xi32>
        %shift_left3A_430 = arith.shli %get3A_413, %shift_left3A_429 : vector<16xi32>
        %bitcast_convert_type3A_431 = tpu.bitcast %shift_left3A_430 : vector<16xi32> -> vector<16xf32>
        %shift_left3A_432 = arith.constant 16 : i32
        %shift_left3A_433 = vector.broadcast %shift_left3A_432 : i32 to vector<16xi32>
        %shift_left3A_434 = arith.shli %get3A_419, %shift_left3A_433 : vector<16xi32>
        %bitcast_convert_type3A_435 = tpu.bitcast %shift_left3A_434 : vector<16xi32> -> vector<16xf32>
        %shift_left3A_436 = arith.constant 16 : i32
        %shift_left3A_437 = vector.broadcast %shift_left3A_436 : i32 to vector<16xi32>
        %shift_left3A_438 = arith.shli %get3A_425, %shift_left3A_437 : vector<16xi32>
        %bitcast_convert_type3A_439 = tpu.bitcast %shift_left3A_438 : vector<16xi32> -> vector<16xf32>
        %bitcast_convert_type3A_440 = tpu.bitcast %get3A_407 : vector<16xi32> -> vector<16xf32>
        %bitcast_convert_type3A_441 = tpu.bitcast %get3A_413 : vector<16xi32> -> vector<16xf32>
        %bitcast_convert_type3A_442 = tpu.bitcast %get3A_419 : vector<16xi32> -> vector<16xf32>
        %bitcast_convert_type3A_443 = tpu.bitcast %get3A_425 : vector<16xi32> -> vector<16xf32>
        %add3A_444 = arith.addf %bitcast_convert_type3A, %bitcast_convert_type3A_431 : vector<16xf32>
        %add3A_445 = arith.addf %bitcast_convert_type3A_435, %bitcast_convert_type3A_439 : vector<16xf32>
        %add3A_446 = arith.addf %add3A_444, %add3A_445 : vector<16xf32>
        %add3A_447 = arith.addf %scan3A_385, %add3A_446 : vector<16xf32>
        %add3A_448 = arith.addf %bitcast_convert_type3A_440, %bitcast_convert_type3A_441 : vector<16xf32>
        %add3A_449 = arith.addf %bitcast_convert_type3A_442, %bitcast_convert_type3A_443 : vector<16xf32>
        %add3A_450 = arith.addf %add3A_448, %add3A_449 : vector<16xf32>
        %add3A_451 = arith.addf %scan3A_393, %add3A_450 : vector<16xf32>
        %add3A_452 = arith.constant 0 : i32
        %add3A_453 = arith.addi %mul3A_402, %add3A_452 : i32
        %get3A_454 = arith.index_cast %add3A_453 : i32 to index
        %get3A_455 = arith.constant 16 : index
        %get3A_456 = tpu.vector_load %arg6[%get3A_454, %get3A_455] {strides = array<i32>} : memref<32x128xi32, #tpu.memory_space<vmem>>, vector<1x16xi32>,
        %get3A_457 = vector.shape_cast %get3A_456 : vector<1x16xi32> to vector<16xi32>
        %add3A_458 = arith.constant 1 : i32
        %add3A_459 = arith.addi %mul3A_402, %add3A_458 : i32
        %get3A_460 = arith.index_cast %add3A_459 : i32 to index
        %get3A_461 = arith.constant 16 : index
        %get3A_462 = tpu.vector_load %arg6[%get3A_460, %get3A_461] {strides = array<i32>} : memref<32x128xi32, #tpu.memory_space<vmem>>, vector<1x16xi32>,
        %get3A_463 = vector.shape_cast %get3A_462 : vector<1x16xi32> to vector<16xi32>
        %add3A_464 = arith.constant 2 : i32
        %add3A_465 = arith.addi %mul3A_402, %add3A_464 : i32
        %get3A_466 = arith.index_cast %add3A_465 : i32 to index
        %get3A_467 = arith.constant 16 : index
        %get3A_468 = tpu.vector_load %arg6[%get3A_466, %get3A_467] {strides = array<i32>} : memref<32x128xi32, #tpu.memory_space<vmem>>, vector<1x16xi32>,
        %get3A_469 = vector.shape_cast %get3A_468 : vector<1x16xi32> to vector<16xi32>
        %add3A_470 = arith.constant 3 : i32
        %add3A_471 = arith.addi %mul3A_402, %add3A_470 : i32
        %get3A_472 = arith.index_cast %add3A_471 : i32 to index
        %get3A_473 = arith.constant 16 : index
        %get3A_474 = tpu.vector_load %arg6[%get3A_472, %get3A_473] {strides = array<i32>} : memref<32x128xi32, #tpu.memory_space<vmem>>, vector<1x16xi32>,
        %get3A_475 = vector.shape_cast %get3A_474 : vector<1x16xi32> to vector<16xi32>
        %shift_left3A_476 = arith.constant 16 : i32
        %shift_left3A_477 = vector.broadcast %shift_left3A_476 : i32 to vector<16xi32>
        %shift_left3A_478 = arith.shli %get3A_457, %shift_left3A_477 : vector<16xi32>
        %bitcast_convert_type3A_479 = tpu.bitcast %shift_left3A_478 : vector<16xi32> -> vector<16xf32>
        %shift_left3A_480 = arith.constant 16 : i32
        %shift_left3A_481 = vector.broadcast %shift_left3A_480 : i32 to vector<16xi32>
        %shift_left3A_482 = arith.shli %get3A_463, %shift_left3A_481 : vector<16xi32>
        %bitcast_convert_type3A_483 = tpu.bitcast %shift_left3A_482 : vector<16xi32> -> vector<16xf32>
        %shift_left3A_484 = arith.constant 16 : i32
        %shift_left3A_485 = vector.broadcast %shift_left3A_484 : i32 to vector<16xi32>
        %shift_left3A_486 = arith.shli %get3A_469, %shift_left3A_485 : vector<16xi32>
        %bitcast_convert_type3A_487 = tpu.bitcast %shift_left3A_486 : vector<16xi32> -> vector<16xf32>
        %shift_left3A_488 = arith.constant 16 : i32
        %shift_left3A_489 = vector.broadcast %shift_left3A_488 : i32 to vector<16xi32>
        %shift_left3A_490 = arith.shli %get3A_475, %shift_left3A_489 : vector<16xi32>
        %bitcast_convert_type3A_491 = tpu.bitcast %shift_left3A_490 : vector<16xi32> -> vector<16xf32>
        %bitcast_convert_type3A_492 = tpu.bitcast %get3A_457 : vector<16xi32> -> vector<16xf32>
        %bitcast_convert_type3A_493 = tpu.bitcast %get3A_463 : vector<16xi32> -> vector<16xf32>
        %bitcast_convert_type3A_494 = tpu.bitcast %get3A_469 : vector<16xi32> -> vector<16xf32>
        %bitcast_convert_type3A_495 = tpu.bitcast %get3A_475 : vector<16xi32> -> vector<16xf32>
        %add3A_496 = arith.addf %bitcast_convert_type3A_479, %bitcast_convert_type3A_483 : vector<16xf32>
        %add3A_497 = arith.addf %bitcast_convert_type3A_487, %bitcast_convert_type3A_491 : vector<16xf32>
        %add3A_498 = arith.addf %add3A_496, %add3A_497 : vector<16xf32>
        %add3A_499 = arith.addf %scan3A_386, %add3A_498 : vector<16xf32>
        %add3A_500 = arith.addf %bitcast_convert_type3A_492, %bitcast_convert_type3A_493 : vector<16xf32>
        %add3A_501 = arith.addf %bitcast_convert_type3A_494, %bitcast_convert_type3A_495 : vector<16xf32>
        %add3A_502 = arith.addf %add3A_500, %add3A_501 : vector<16xf32>
        %add3A_503 = arith.addf %scan3A_394, %add3A_502 : vector<16xf32>
        %add3A_504 = arith.constant 0 : i32
        %add3A_505 = arith.addi %mul3A_402, %add3A_504 : i32
        %get3A_506 = arith.index_cast %add3A_505 : i32 to index
        %get3A_507 = arith.constant 32 : index
        %get3A_508 = tpu.vector_load %arg6[%get3A_506, %get3A_507] {strides = array<i32>} : memref<32x128xi32, #tpu.memory_space<vmem>>, vector<1x16xi32>,
        %get3A_509 = vector.shape_cast %get3A_508 : vector<1x16xi32> to vector<16xi32>
        %add3A_510 = arith.constant 1 : i32
        %add3A_511 = arith.addi %mul3A_402, %add3A_510 : i32
        %get3A_512 = arith.index_cast %add3A_511 : i32 to index
        %get3A_513 = arith.constant 32 : index
        %get3A_514 = tpu.vector_load %arg6[%get3A_512, %get3A_513] {strides = array<i32>} : memref<32x128xi32, #tpu.memory_space<vmem>>, vector<1x16xi32>,
        %get3A_515 = vector.shape_cast %get3A_514 : vector<1x16xi32> to vector<16xi32>
        %add3A_516 = arith.constant 2 : i32
        %add3A_517 = arith.addi %mul3A_402, %add3A_516 : i32
        %get3A_518 = arith.index_cast %add3A_517 : i32 to index
        %get3A_519 = arith.constant 32 : index
        %get3A_520 = tpu.vector_load %arg6[%get3A_518, %get3A_519] {strides = array<i32>} : memref<32x128xi32, #tpu.memory_space<vmem>>, vector<1x16xi32>,
        %get3A_521 = vector.shape_cast %get3A_520 : vector<1x16xi32> to vector<16xi32>
        %add3A_522 = arith.constant 3 : i32
        %add3A_523 = arith.addi %mul3A_402, %add3A_522 : i32
        %get3A_524 = arith.index_cast %add3A_523 : i32 to index
        %get3A_525 = arith.constant 32 : index
        %get3A_526 = tpu.vector_load %arg6[%get3A_524, %get3A_525] {strides = array<i32>} : memref<32x128xi32, #tpu.memory_space<vmem>>, vector<1x16xi32>,
        %get3A_527 = vector.shape_cast %get3A_526 : vector<1x16xi32> to vector<16xi32>
        %shift_left3A_528 = arith.constant 16 : i32
        %shift_left3A_529 = vector.broadcast %shift_left3A_528 : i32 to vector<16xi32>
        %shift_left3A_530 = arith.shli %get3A_509, %shift_left3A_529 : vector<16xi32>
        %bitcast_convert_type3A_531 = tpu.bitcast %shift_left3A_530 : vector<16xi32> -> vector<16xf32>
        %shift_left3A_532 = arith.constant 16 : i32
        %shift_left3A_533 = vector.broadcast %shift_left3A_532 : i32 to vector<16xi32>
        %shift_left3A_534 = arith.shli %get3A_515, %shift_left3A_533 : vector<16xi32>
        %bitcast_convert_type3A_535 = tpu.bitcast %shift_left3A_534 : vector<16xi32> -> vector<16xf32>
        %shift_left3A_536 = arith.constant 16 : i32
        %shift_left3A_537 = vector.broadcast %shift_left3A_536 : i32 to vector<16xi32>
        %shift_left3A_538 = arith.shli %get3A_521, %shift_left3A_537 : vector<16xi32>
        %bitcast_convert_type3A_539 = tpu.bitcast %shift_left3A_538 : vector<16xi32> -> vector<16xf32>
        %shift_left3A_540 = arith.constant 16 : i32
        %shift_left3A_541 = vector.broadcast %shift_left3A_540 : i32 to vector<16xi32>
        %shift_left3A_542 = arith.shli %get3A_527, %shift_left3A_541 : vector<16xi32>
        %bitcast_convert_type3A_543 = tpu.bitcast %shift_left3A_542 : vector<16xi32> -> vector<16xf32>
        %bitcast_convert_type3A_544 = tpu.bitcast %get3A_509 : vector<16xi32> -> vector<16xf32>
        %bitcast_convert_type3A_545 = tpu.bitcast %get3A_515 : vector<16xi32> -> vector<16xf32>
        %bitcast_convert_type3A_546 = tpu.bitcast %get3A_521 : vector<16xi32> -> vector<16xf32>
        %bitcast_convert_type3A_547 = tpu.bitcast %get3A_527 : vector<16xi32> -> vector<16xf32>
        %add3A_548 = arith.addf %bitcast_convert_type3A_531, %bitcast_convert_type3A_535 : vector<16xf32>
        %add3A_549 = arith.addf %bitcast_convert_type3A_539, %bitcast_convert_type3A_543 : vector<16xf32>
        %add3A_550 = arith.addf %add3A_548, %add3A_549 : vector<16xf32>
        %add3A_551 = arith.addf %scan3A_387, %add3A_550 : vector<16xf32>
        %add3A_552 = arith.addf %bitcast_convert_type3A_544, %bitcast_convert_type3A_545 : vector<16xf32>
        %add3A_553 = arith.addf %bitcast_convert_type3A_546, %bitcast_convert_type3A_547 : vector<16xf32>
        %add3A_554 = arith.addf %add3A_552, %add3A_553 : vector<16xf32>
        %add3A_555 = arith.addf %scan3A_395, %add3A_554 : vector<16xf32>
        %add3A_556 = arith.constant 0 : i32
        %add3A_557 = arith.addi %mul3A_402, %add3A_556 : i32
        %get3A_558 = arith.index_cast %add3A_557 : i32 to index
        %get3A_559 = arith.constant 48 : index
        %get3A_560 = tpu.vector_load %arg6[%get3A_558, %get3A_559] {strides = array<i32>} : memref<32x128xi32, #tpu.memory_space<vmem>>, vector<1x16xi32>,
        %get3A_561 = vector.shape_cast %get3A_560 : vector<1x16xi32> to vector<16xi32>
        %add3A_562 = arith.constant 1 : i32
        %add3A_563 = arith.addi %mul3A_402, %add3A_562 : i32
        %get3A_564 = arith.index_cast %add3A_563 : i32 to index
        %get3A_565 = arith.constant 48 : index
        %get3A_566 = tpu.vector_load %arg6[%get3A_564, %get3A_565] {strides = array<i32>} : memref<32x128xi32, #tpu.memory_space<vmem>>, vector<1x16xi32>,
        %get3A_567 = vector.shape_cast %get3A_566 : vector<1x16xi32> to vector<16xi32>
        %add3A_568 = arith.constant 2 : i32
        %add3A_569 = arith.addi %mul3A_402, %add3A_568 : i32
        %get3A_570 = arith.index_cast %add3A_569 : i32 to index
        %get3A_571 = arith.constant 48 : index
        %get3A_572 = tpu.vector_load %arg6[%get3A_570, %get3A_571] {strides = array<i32>} : memref<32x128xi32, #tpu.memory_space<vmem>>, vector<1x16xi32>,
        %get3A_573 = vector.shape_cast %get3A_572 : vector<1x16xi32> to vector<16xi32>
        %add3A_574 = arith.constant 3 : i32
        %add3A_575 = arith.addi %mul3A_402, %add3A_574 : i32
        %get3A_576 = arith.index_cast %add3A_575 : i32 to index
        %get3A_577 = arith.constant 48 : index
        %get3A_578 = tpu.vector_load %arg6[%get3A_576, %get3A_577] {strides = array<i32>} : memref<32x128xi32, #tpu.memory_space<vmem>>, vector<1x16xi32>,
        %get3A_579 = vector.shape_cast %get3A_578 : vector<1x16xi32> to vector<16xi32>
        %shift_left3A_580 = arith.constant 16 : i32
        %shift_left3A_581 = vector.broadcast %shift_left3A_580 : i32 to vector<16xi32>
        %shift_left3A_582 = arith.shli %get3A_561, %shift_left3A_581 : vector<16xi32>
        %bitcast_convert_type3A_583 = tpu.bitcast %shift_left3A_582 : vector<16xi32> -> vector<16xf32>
        %shift_left3A_584 = arith.constant 16 : i32
        %shift_left3A_585 = vector.broadcast %shift_left3A_584 : i32 to vector<16xi32>
        %shift_left3A_586 = arith.shli %get3A_567, %shift_left3A_585 : vector<16xi32>
        %bitcast_convert_type3A_587 = tpu.bitcast %shift_left3A_586 : vector<16xi32> -> vector<16xf32>
        %shift_left3A_588 = arith.constant 16 : i32
        %shift_left3A_589 = vector.broadcast %shift_left3A_588 : i32 to vector<16xi32>
        %shift_left3A_590 = arith.shli %get3A_573, %shift_left3A_589 : vector<16xi32>
        %bitcast_convert_type3A_591 = tpu.bitcast %shift_left3A_590 : vector<16xi32> -> vector<16xf32>
        %shift_left3A_592 = arith.constant 16 : i32
        %shift_left3A_593 = vector.broadcast %shift_left3A_592 : i32 to vector<16xi32>
        %shift_left3A_594 = arith.shli %get3A_579, %shift_left3A_593 : vector<16xi32>
        %bitcast_convert_type3A_595 = tpu.bitcast %shift_left3A_594 : vector<16xi32> -> vector<16xf32>
        %bitcast_convert_type3A_596 = tpu.bitcast %get3A_561 : vector<16xi32> -> vector<16xf32>
        %bitcast_convert_type3A_597 = tpu.bitcast %get3A_567 : vector<16xi32> -> vector<16xf32>
        %bitcast_convert_type3A_598 = tpu.bitcast %get3A_573 : vector<16xi32> -> vector<16xf32>
        %bitcast_convert_type3A_599 = tpu.bitcast %get3A_579 : vector<16xi32> -> vector<16xf32>
        %add3A_600 = arith.addf %bitcast_convert_type3A_583, %bitcast_convert_type3A_587 : vector<16xf32>
        %add3A_601 = arith.addf %bitcast_convert_type3A_591, %bitcast_convert_type3A_595 : vector<16xf32>
        %add3A_602 = arith.addf %add3A_600, %add3A_601 : vector<16xf32>
        %add3A_603 = arith.addf %scan3A_388, %add3A_602 : vector<16xf32>
        %add3A_604 = arith.addf %bitcast_convert_type3A_596, %bitcast_convert_type3A_597 : vector<16xf32>
        %add3A_605 = arith.addf %bitcast_convert_type3A_598, %bitcast_convert_type3A_599 : vector<16xf32>
        %add3A_606 = arith.addf %add3A_604, %add3A_605 : vector<16xf32>
        %add3A_607 = arith.addf %scan3A_396, %add3A_606 : vector<16xf32>
        %add3A_608 = arith.constant 0 : i32
        %add3A_609 = arith.addi %mul3A_402, %add3A_608 : i32
        %get3A_610 = arith.index_cast %add3A_609 : i32 to index
        %get3A_611 = arith.constant 64 : index
        %get3A_612 = tpu.vector_load %arg6[%get3A_610, %get3A_611] {strides = array<i32>} : memref<32x128xi32, #tpu.memory_space<vmem>>, vector<1x16xi32>,
        %get3A_613 = vector.shape_cast %get3A_612 : vector<1x16xi32> to vector<16xi32>
        %add3A_614 = arith.constant 1 : i32
        %add3A_615 = arith.addi %mul3A_402, %add3A_614 : i32
        %get3A_616 = arith.index_cast %add3A_615 : i32 to index
        %get3A_617 = arith.constant 64 : index
        %get3A_618 = tpu.vector_load %arg6[%get3A_616, %get3A_617] {strides = array<i32>} : memref<32x128xi32, #tpu.memory_space<vmem>>, vector<1x16xi32>,
        %get3A_619 = vector.shape_cast %get3A_618 : vector<1x16xi32> to vector<16xi32>
        %add3A_620 = arith.constant 2 : i32
        %add3A_621 = arith.addi %mul3A_402, %add3A_620 : i32
        %get3A_622 = arith.index_cast %add3A_621 : i32 to index
        %get3A_623 = arith.constant 64 : index
        %get3A_624 = tpu.vector_load %arg6[%get3A_622, %get3A_623] {strides = array<i32>} : memref<32x128xi32, #tpu.memory_space<vmem>>, vector<1x16xi32>,
        %get3A_625 = vector.shape_cast %get3A_624 : vector<1x16xi32> to vector<16xi32>
        %add3A_626 = arith.constant 3 : i32
        %add3A_627 = arith.addi %mul3A_402, %add3A_626 : i32
        %get3A_628 = arith.index_cast %add3A_627 : i32 to index
        %get3A_629 = arith.constant 64 : index
        %get3A_630 = tpu.vector_load %arg6[%get3A_628, %get3A_629] {strides = array<i32>} : memref<32x128xi32, #tpu.memory_space<vmem>>, vector<1x16xi32>,
        %get3A_631 = vector.shape_cast %get3A_630 : vector<1x16xi32> to vector<16xi32>
        %shift_left3A_632 = arith.constant 16 : i32
        %shift_left3A_633 = vector.broadcast %shift_left3A_632 : i32 to vector<16xi32>
        %shift_left3A_634 = arith.shli %get3A_613, %shift_left3A_633 : vector<16xi32>
        %bitcast_convert_type3A_635 = tpu.bitcast %shift_left3A_634 : vector<16xi32> -> vector<16xf32>
        %shift_left3A_636 = arith.constant 16 : i32
        %shift_left3A_637 = vector.broadcast %shift_left3A_636 : i32 to vector<16xi32>
        %shift_left3A_638 = arith.shli %get3A_619, %shift_left3A_637 : vector<16xi32>
        %bitcast_convert_type3A_639 = tpu.bitcast %shift_left3A_638 : vector<16xi32> -> vector<16xf32>
        %shift_left3A_640 = arith.constant 16 : i32
        %shift_left3A_641 = vector.broadcast %shift_left3A_640 : i32 to vector<16xi32>
        %shift_left3A_642 = arith.shli %get3A_625, %shift_left3A_641 : vector<16xi32>
        %bitcast_convert_type3A_643 = tpu.bitcast %shift_left3A_642 : vector<16xi32> -> vector<16xf32>
        %shift_left3A_644 = arith.constant 16 : i32
        %shift_left3A_645 = vector.broadcast %shift_left3A_644 : i32 to vector<16xi32>
        %shift_left3A_646 = arith.shli %get3A_631, %shift_left3A_645 : vector<16xi32>
        %bitcast_convert_type3A_647 = tpu.bitcast %shift_left3A_646 : vector<16xi32> -> vector<16xf32>
        %bitcast_convert_type3A_648 = tpu.bitcast %get3A_613 : vector<16xi32> -> vector<16xf32>
        %bitcast_convert_type3A_649 = tpu.bitcast %get3A_619 : vector<16xi32> -> vector<16xf32>
        %bitcast_convert_type3A_650 = tpu.bitcast %get3A_625 : vector<16xi32> -> vector<16xf32>
        %bitcast_convert_type3A_651 = tpu.bitcast %get3A_631 : vector<16xi32> -> vector<16xf32>
        %add3A_652 = arith.addf %bitcast_convert_type3A_635, %bitcast_convert_type3A_639 : vector<16xf32>
        %add3A_653 = arith.addf %bitcast_convert_type3A_643, %bitcast_convert_type3A_647 : vector<16xf32>
        %add3A_654 = arith.addf %add3A_652, %add3A_653 : vector<16xf32>
        %add3A_655 = arith.addf %scan3A_389, %add3A_654 : vector<16xf32>
        %add3A_656 = arith.addf %bitcast_convert_type3A_648, %bitcast_convert_type3A_649 : vector<16xf32>
        %add3A_657 = arith.addf %bitcast_convert_type3A_650, %bitcast_convert_type3A_651 : vector<16xf32>
        %add3A_658 = arith.addf %add3A_656, %add3A_657 : vector<16xf32>
        %add3A_659 = arith.addf %scan3A_397, %add3A_658 : vector<16xf32>
        %add3A_660 = arith.constant 0 : i32
        %add3A_661 = arith.addi %mul3A_402, %add3A_660 : i32
        %get3A_662 = arith.index_cast %add3A_661 : i32 to index
        %get3A_663 = arith.constant 80 : index
        %get3A_664 = tpu.vector_load %arg6[%get3A_662, %get3A_663] {strides = array<i32>} : memref<32x128xi32, #tpu.memory_space<vmem>>, vector<1x16xi32>,
        %get3A_665 = vector.shape_cast %get3A_664 : vector<1x16xi32> to vector<16xi32>
        %add3A_666 = arith.constant 1 : i32
        %add3A_667 = arith.addi %mul3A_402, %add3A_666 : i32
        %get3A_668 = arith.index_cast %add3A_667 : i32 to index
        %get3A_669 = arith.constant 80 : index
        %get3A_670 = tpu.vector_load %arg6[%get3A_668, %get3A_669] {strides = array<i32>} : memref<32x128xi32, #tpu.memory_space<vmem>>, vector<1x16xi32>,
        %get3A_671 = vector.shape_cast %get3A_670 : vector<1x16xi32> to vector<16xi32>
        %add3A_672 = arith.constant 2 : i32
        %add3A_673 = arith.addi %mul3A_402, %add3A_672 : i32
        %get3A_674 = arith.index_cast %add3A_673 : i32 to index
        %get3A_675 = arith.constant 80 : index
        %get3A_676 = tpu.vector_load %arg6[%get3A_674, %get3A_675] {strides = array<i32>} : memref<32x128xi32, #tpu.memory_space<vmem>>, vector<1x16xi32>,
        %get3A_677 = vector.shape_cast %get3A_676 : vector<1x16xi32> to vector<16xi32>
        %add3A_678 = arith.constant 3 : i32
        %add3A_679 = arith.addi %mul3A_402, %add3A_678 : i32
        %get3A_680 = arith.index_cast %add3A_679 : i32 to index
        %get3A_681 = arith.constant 80 : index
        %get3A_682 = tpu.vector_load %arg6[%get3A_680, %get3A_681] {strides = array<i32>} : memref<32x128xi32, #tpu.memory_space<vmem>>, vector<1x16xi32>,
        %get3A_683 = vector.shape_cast %get3A_682 : vector<1x16xi32> to vector<16xi32>
        %shift_left3A_684 = arith.constant 16 : i32
        %shift_left3A_685 = vector.broadcast %shift_left3A_684 : i32 to vector<16xi32>
        %shift_left3A_686 = arith.shli %get3A_665, %shift_left3A_685 : vector<16xi32>
        %bitcast_convert_type3A_687 = tpu.bitcast %shift_left3A_686 : vector<16xi32> -> vector<16xf32>
        %shift_left3A_688 = arith.constant 16 : i32
        %shift_left3A_689 = vector.broadcast %shift_left3A_688 : i32 to vector<16xi32>
        %shift_left3A_690 = arith.shli %get3A_671, %shift_left3A_689 : vector<16xi32>
        %bitcast_convert_type3A_691 = tpu.bitcast %shift_left3A_690 : vector<16xi32> -> vector<16xf32>
        %shift_left3A_692 = arith.constant 16 : i32
        %shift_left3A_693 = vector.broadcast %shift_left3A_692 : i32 to vector<16xi32>
        %shift_left3A_694 = arith.shli %get3A_677, %shift_left3A_693 : vector<16xi32>
        %bitcast_convert_type3A_695 = tpu.bitcast %shift_left3A_694 : vector<16xi32> -> vector<16xf32>
        %shift_left3A_696 = arith.constant 16 : i32
        %shift_left3A_697 = vector.broadcast %shift_left3A_696 : i32 to vector<16xi32>
        %shift_left3A_698 = arith.shli %get3A_683, %shift_left3A_697 : vector<16xi32>
        %bitcast_convert_type3A_699 = tpu.bitcast %shift_left3A_698 : vector<16xi32> -> vector<16xf32>
        %bitcast_convert_type3A_700 = tpu.bitcast %get3A_665 : vector<16xi32> -> vector<16xf32>
        %bitcast_convert_type3A_701 = tpu.bitcast %get3A_671 : vector<16xi32> -> vector<16xf32>
        %bitcast_convert_type3A_702 = tpu.bitcast %get3A_677 : vector<16xi32> -> vector<16xf32>
        %bitcast_convert_type3A_703 = tpu.bitcast %get3A_683 : vector<16xi32> -> vector<16xf32>
        %add3A_704 = arith.addf %bitcast_convert_type3A_687, %bitcast_convert_type3A_691 : vector<16xf32>
        %add3A_705 = arith.addf %bitcast_convert_type3A_695, %bitcast_convert_type3A_699 : vector<16xf32>
        %add3A_706 = arith.addf %add3A_704, %add3A_705 : vector<16xf32>
        %add3A_707 = arith.addf %scan3A_390, %add3A_706 : vector<16xf32>
        %add3A_708 = arith.addf %bitcast_convert_type3A_700, %bitcast_convert_type3A_701 : vector<16xf32>
        %add3A_709 = arith.addf %bitcast_convert_type3A_702, %bitcast_convert_type3A_703 : vector<16xf32>
        %add3A_710 = arith.addf %add3A_708, %add3A_709 : vector<16xf32>
        %add3A_711 = arith.addf %scan3A_398, %add3A_710 : vector<16xf32>
        %add3A_712 = arith.constant 0 : i32
        %add3A_713 = arith.addi %mul3A_402, %add3A_712 : i32
        %get3A_714 = arith.index_cast %add3A_713 : i32 to index
        %get3A_715 = arith.constant 96 : index
        %get3A_716 = tpu.vector_load %arg6[%get3A_714, %get3A_715] {strides = array<i32>} : memref<32x128xi32, #tpu.memory_space<vmem>>, vector<1x16xi32>,
        %get3A_717 = vector.shape_cast %get3A_716 : vector<1x16xi32> to vector<16xi32>
        %add3A_718 = arith.constant 1 : i32
        %add3A_719 = arith.addi %mul3A_402, %add3A_718 : i32
        %get3A_720 = arith.index_cast %add3A_719 : i32 to index
        %get3A_721 = arith.constant 96 : index
        %get3A_722 = tpu.vector_load %arg6[%get3A_720, %get3A_721] {strides = array<i32>} : memref<32x128xi32, #tpu.memory_space<vmem>>, vector<1x16xi32>,
        %get3A_723 = vector.shape_cast %get3A_722 : vector<1x16xi32> to vector<16xi32>
        %add3A_724 = arith.constant 2 : i32
        %add3A_725 = arith.addi %mul3A_402, %add3A_724 : i32
        %get3A_726 = arith.index_cast %add3A_725 : i32 to index
        %get3A_727 = arith.constant 96 : index
        %get3A_728 = tpu.vector_load %arg6[%get3A_726, %get3A_727] {strides = array<i32>} : memref<32x128xi32, #tpu.memory_space<vmem>>, vector<1x16xi32>,
        %get3A_729 = vector.shape_cast %get3A_728 : vector<1x16xi32> to vector<16xi32>
        %add3A_730 = arith.constant 3 : i32
        %add3A_731 = arith.addi %mul3A_402, %add3A_730 : i32
        %get3A_732 = arith.index_cast %add3A_731 : i32 to index
        %get3A_733 = arith.constant 96 : index
        %get3A_734 = tpu.vector_load %arg6[%get3A_732, %get3A_733] {strides = array<i32>} : memref<32x128xi32, #tpu.memory_space<vmem>>, vector<1x16xi32>,
        %get3A_735 = vector.shape_cast %get3A_734 : vector<1x16xi32> to vector<16xi32>
        %shift_left3A_736 = arith.constant 16 : i32
        %shift_left3A_737 = vector.broadcast %shift_left3A_736 : i32 to vector<16xi32>
        %shift_left3A_738 = arith.shli %get3A_717, %shift_left3A_737 : vector<16xi32>
        %bitcast_convert_type3A_739 = tpu.bitcast %shift_left3A_738 : vector<16xi32> -> vector<16xf32>
        %shift_left3A_740 = arith.constant 16 : i32
        %shift_left3A_741 = vector.broadcast %shift_left3A_740 : i32 to vector<16xi32>
        %shift_left3A_742 = arith.shli %get3A_723, %shift_left3A_741 : vector<16xi32>
        %bitcast_convert_type3A_743 = tpu.bitcast %shift_left3A_742 : vector<16xi32> -> vector<16xf32>
        %shift_left3A_744 = arith.constant 16 : i32
        %shift_left3A_745 = vector.broadcast %shift_left3A_744 : i32 to vector<16xi32>
        %shift_left3A_746 = arith.shli %get3A_729, %shift_left3A_745 : vector<16xi32>
        %bitcast_convert_type3A_747 = tpu.bitcast %shift_left3A_746 : vector<16xi32> -> vector<16xf32>
        %shift_left3A_748 = arith.constant 16 : i32
        %shift_left3A_749 = vector.broadcast %shift_left3A_748 : i32 to vector<16xi32>
        %shift_left3A_750 = arith.shli %get3A_735, %shift_left3A_749 : vector<16xi32>
        %bitcast_convert_type3A_751 = tpu.bitcast %shift_left3A_750 : vector<16xi32> -> vector<16xf32>
        %bitcast_convert_type3A_752 = tpu.bitcast %get3A_717 : vector<16xi32> -> vector<16xf32>
        %bitcast_convert_type3A_753 = tpu.bitcast %get3A_723 : vector<16xi32> -> vector<16xf32>
        %bitcast_convert_type3A_754 = tpu.bitcast %get3A_729 : vector<16xi32> -> vector<16xf32>
        %bitcast_convert_type3A_755 = tpu.bitcast %get3A_735 : vector<16xi32> -> vector<16xf32>
        %add3A_756 = arith.addf %bitcast_convert_type3A_739, %bitcast_convert_type3A_743 : vector<16xf32>
        %add3A_757 = arith.addf %bitcast_convert_type3A_747, %bitcast_convert_type3A_751 : vector<16xf32>
        %add3A_758 = arith.addf %add3A_756, %add3A_757 : vector<16xf32>
        %add3A_759 = arith.addf %scan3A_391, %add3A_758 : vector<16xf32>
        %add3A_760 = arith.addf %bitcast_convert_type3A_752, %bitcast_convert_type3A_753 : vector<16xf32>
        %add3A_761 = arith.addf %bitcast_convert_type3A_754, %bitcast_convert_type3A_755 : vector<16xf32>
        %add3A_762 = arith.addf %add3A_760, %add3A_761 : vector<16xf32>
        %add3A_763 = arith.addf %scan3A_399, %add3A_762 : vector<16xf32>
        %add3A_764 = arith.constant 0 : i32
        %add3A_765 = arith.addi %mul3A_402, %add3A_764 : i32
        %get3A_766 = arith.index_cast %add3A_765 : i32 to index
        %get3A_767 = arith.constant 112 : index
        %get3A_768 = tpu.vector_load %arg6[%get3A_766, %get3A_767] {strides = array<i32>} : memref<32x128xi32, #tpu.memory_space<vmem>>, vector<1x16xi32>,
        %get3A_769 = vector.shape_cast %get3A_768 : vector<1x16xi32> to vector<16xi32>
        %add3A_770 = arith.constant 1 : i32
        %add3A_771 = arith.addi %mul3A_402, %add3A_770 : i32
        %get3A_772 = arith.index_cast %add3A_771 : i32 to index
        %get3A_773 = arith.constant 112 : index
        %get3A_774 = tpu.vector_load %arg6[%get3A_772, %get3A_773] {strides = array<i32>} : memref<32x128xi32, #tpu.memory_space<vmem>>, vector<1x16xi32>,
        %get3A_775 = vector.shape_cast %get3A_774 : vector<1x16xi32> to vector<16xi32>
        %add3A_776 = arith.constant 2 : i32
        %add3A_777 = arith.addi %mul3A_402, %add3A_776 : i32
        %get3A_778 = arith.index_cast %add3A_777 : i32 to index
        %get3A_779 = arith.constant 112 : index
        %get3A_780 = tpu.vector_load %arg6[%get3A_778, %get3A_779] {strides = array<i32>} : memref<32x128xi32, #tpu.memory_space<vmem>>, vector<1x16xi32>,
        %get3A_781 = vector.shape_cast %get3A_780 : vector<1x16xi32> to vector<16xi32>
        %add3A_782 = arith.constant 3 : i32
        %add3A_783 = arith.addi %mul3A_402, %add3A_782 : i32
        %get3A_784 = arith.index_cast %add3A_783 : i32 to index
        %get3A_785 = arith.constant 112 : index
        %get3A_786 = tpu.vector_load %arg6[%get3A_784, %get3A_785] {strides = array<i32>} : memref<32x128xi32, #tpu.memory_space<vmem>>, vector<1x16xi32>,
        %get3A_787 = vector.shape_cast %get3A_786 : vector<1x16xi32> to vector<16xi32>
        %shift_left3A_788 = arith.constant 16 : i32
        %shift_left3A_789 = vector.broadcast %shift_left3A_788 : i32 to vector<16xi32>
        %shift_left3A_790 = arith.shli %get3A_769, %shift_left3A_789 : vector<16xi32>
        %bitcast_convert_type3A_791 = tpu.bitcast %shift_left3A_790 : vector<16xi32> -> vector<16xf32>
        %shift_left3A_792 = arith.constant 16 : i32
        %shift_left3A_793 = vector.broadcast %shift_left3A_792 : i32 to vector<16xi32>
        %shift_left3A_794 = arith.shli %get3A_775, %shift_left3A_793 : vector<16xi32>
        %bitcast_convert_type3A_795 = tpu.bitcast %shift_left3A_794 : vector<16xi32> -> vector<16xf32>
        %shift_left3A_796 = arith.constant 16 : i32
        %shift_left3A_797 = vector.broadcast %shift_left3A_796 : i32 to vector<16xi32>
        %shift_left3A_798 = arith.shli %get3A_781, %shift_left3A_797 : vector<16xi32>
        %bitcast_convert_type3A_799 = tpu.bitcast %shift_left3A_798 : vector<16xi32> -> vector<16xf32>
        %shift_left3A_800 = arith.constant 16 : i32
        %shift_left3A_801 = vector.broadcast %shift_left3A_800 : i32 to vector<16xi32>
        %shift_left3A_802 = arith.shli %get3A_787, %shift_left3A_801 : vector<16xi32>
        %bitcast_convert_type3A_803 = tpu.bitcast %shift_left3A_802 : vector<16xi32> -> vector<16xf32>
        %bitcast_convert_type3A_804 = tpu.bitcast %get3A_769 : vector<16xi32> -> vector<16xf32>
        %bitcast_convert_type3A_805 = tpu.bitcast %get3A_775 : vector<16xi32> -> vector<16xf32>
        %bitcast_convert_type3A_806 = tpu.bitcast %get3A_781 : vector<16xi32> -> vector<16xf32>
        %bitcast_convert_type3A_807 = tpu.bitcast %get3A_787 : vector<16xi32> -> vector<16xf32>
        %add3A_808 = arith.addf %bitcast_convert_type3A_791, %bitcast_convert_type3A_795 : vector<16xf32>
        %add3A_809 = arith.addf %bitcast_convert_type3A_799, %bitcast_convert_type3A_803 : vector<16xf32>
        %add3A_810 = arith.addf %add3A_808, %add3A_809 : vector<16xf32>
        %add3A_811 = arith.addf %scan3A_392, %add3A_810 : vector<16xf32>
        %add3A_812 = arith.addf %bitcast_convert_type3A_804, %bitcast_convert_type3A_805 : vector<16xf32>
        %add3A_813 = arith.addf %bitcast_convert_type3A_806, %bitcast_convert_type3A_807 : vector<16xf32>
        %add3A_814 = arith.addf %add3A_812, %add3A_813 : vector<16xf32>
        %add3A_815 = arith.addf %scan3A_400, %add3A_814 : vector<16xf32>
        scf.yield %add3A_447, %add3A_499, %add3A_551, %add3A_603, %add3A_655, %add3A_707, %add3A_759, %add3A_811, %add3A_451, %add3A_503, %add3A_555, %add3A_607, %add3A_659, %add3A_711, %add3A_763, %add3A_815 : vector<16xf32>, vector<16xf32>, vector<16xf32>, vector<16xf32>, vector<16xf32>, vector<16xf32>, vector<16xf32>, vector<16xf32>, vector<16xf32>, vector<16xf32>, vector<16xf32>, vector<16xf32>, vector<16xf32>, vector<16xf32>, vector<16xf32>, vector<16xf32>
      }
      %scan3A_108 = arith.constant 8 : i32
      %convert_element_type3A = arith.extui %lt3A_97 : i1 to i32
      %cond3A = arith.constant 0 : i32
      %cond3A_109 = arith.cmpi ne, %convert_element_type3A, %cond3A : i32
      scf.if %cond3A_109 {
        %add3A_384 = arith.constant 2 : i32
        %add3A_385 = arith.addi %mul3A_96, %add3A_384 : i32
        %dma_start3A_386 = arith.constant 0 : i32
        %dma_start3A_387 = tpu.memref_slice %arg5[%add3A_385, %dma_start3A_386] : memref<128x128xi32, #tpu.memory_space<vmem>> -> memref<1x32xi32, #tpu.memory_space<vmem>>
        %dma_start3A_388 = tpu.memref_squeeze %dma_start3A_387 : memref<1x32xi32, #tpu.memory_space<vmem>> -> memref<32xi32, #tpu.memory_space<vmem>>
        %dma_start3A_389 = arith.constant 0 : i32
        %dma_start3A_390 = arith.constant 0 : i32
        %dma_start3A_391 = tpu.memref_slice %arg3[%dma_start3A_389, %dma_start3A_390] : memref<100000x128xi32, #tpu.memory_space<hbm>> -> memref<100000x128xi32, #tpu.memory_space<hbm>>
        tpu.enqueue_indirect_dma source(%dma_start3A_391 : memref<100000x128xi32, #tpu.memory_space<hbm>>) target(%arg6 : memref<32x128xi32, #tpu.memory_space<vmem>>) offsets(%dma_start3A_388 : memref<32xi32, #tpu.memory_space<vmem>>) semaphore(%arg15 : memref<!tpu.dma_semaphore, #tpu.memory_space<semaphore_mem>>)
      } else {
      }
      %dma_wait3A_110 = arith.constant 32 : i32
      %dma_wait3A_111 = tpu.memref_slice %arg5[%mul3A_96, %dma_wait3A_110] : memref<128x128xi32, #tpu.memory_space<vmem>> -> memref<1x32xi32, #tpu.memory_space<vmem>>
      %dma_wait3A_112 = tpu.memref_squeeze %dma_wait3A_111 : memref<1x32xi32, #tpu.memory_space<vmem>> -> memref<32xi32, #tpu.memory_space<vmem>>
      %dma_wait3A_113 = arith.constant 0 : i32
      %dma_wait3A_114 = arith.constant 0 : i32
      %dma_wait3A_115 = tpu.memref_slice %arg3[%dma_wait3A_113, %dma_wait3A_114] : memref<100000x128xi32, #tpu.memory_space<hbm>> -> memref<100000x128xi32, #tpu.memory_space<hbm>>
      tpu.wait_indirect_dma semaphore(%arg16 : memref<!tpu.dma_semaphore, #tpu.memory_space<semaphore_mem>>) src(%dma_wait3A_115 : memref<100000x128xi32, #tpu.memory_space<hbm>>) dst(%arg7 : memref<32x128xi32, #tpu.memory_space<vmem>>)
      %scan3A_116 = arith.constant 0 : i32
      %scan3A_117 = arith.constant 8 : i32
      %scan3A_118 = arith.addi %scan3A_116, %scan3A_117 : i32
      %scan3A_119 = arith.constant 1 : i32
      %scan3A_120:16 = scf.for %scan3A_384 = %scan3A_116 to %scan3A_118 step %scan3A_119 iter_args(%scan3A_385 = %scan3A_107#0, %scan3A_386 = %scan3A_107#1, %scan3A_387 = %scan3A_107#2, %scan3A_388 = %scan3A_107#3, %scan3A_389 = %scan3A_107#4, %scan3A_390 = %scan3A_107#5, %scan3A_391 = %scan3A_107#6, %scan3A_392 = %scan3A_107#7, %scan3A_393 = %scan3A_107#8, %scan3A_394 = %scan3A_107#9, %scan3A_395 = %scan3A_107#10, %scan3A_396 = %scan3A_107#11, %scan3A_397 = %scan3A_107#12, %scan3A_398 = %scan3A_107#13, %scan3A_399 = %scan3A_107#14, %scan3A_400 = %scan3A_107#15) -> (vector<16xf32>, vector<16xf32>, vector<16xf32>, vector<16xf32>, vector<16xf32>, vector<16xf32>, vector<16xf32>, vector<16xf32>, vector<16xf32>, vector<16xf32>, vector<16xf32>, vector<16xf32>, vector<16xf32>, vector<16xf32>, vector<16xf32>, vector<16xf32>)  : i32 {
        %mul3A_401 = arith.constant 4 : i32
        %mul3A_402 = arith.muli %mul3A_401, %scan3A_384 : i32
        %add3A_403 = arith.constant 0 : i32
        %add3A_404 = arith.addi %mul3A_402, %add3A_403 : i32
        %get3A = arith.index_cast %add3A_404 : i32 to index
        %get3A_405 = arith.constant 0 : index
        %get3A_406 = tpu.vector_load %arg7[%get3A, %get3A_405] {strides = array<i32>} : memref<32x128xi32, #tpu.memory_space<vmem>>, vector<1x16xi32>,
        %get3A_407 = vector.shape_cast %get3A_406 : vector<1x16xi32> to vector<16xi32>
        %add3A_408 = arith.constant 1 : i32
        %add3A_409 = arith.addi %mul3A_402, %add3A_408 : i32
        %get3A_410 = arith.index_cast %add3A_409 : i32 to index
        %get3A_411 = arith.constant 0 : index
        %get3A_412 = tpu.vector_load %arg7[%get3A_410, %get3A_411] {strides = array<i32>} : memref<32x128xi32, #tpu.memory_space<vmem>>, vector<1x16xi32>,
        %get3A_413 = vector.shape_cast %get3A_412 : vector<1x16xi32> to vector<16xi32>
        %add3A_414 = arith.constant 2 : i32
        %add3A_415 = arith.addi %mul3A_402, %add3A_414 : i32
        %get3A_416 = arith.index_cast %add3A_415 : i32 to index
        %get3A_417 = arith.constant 0 : index
        %get3A_418 = tpu.vector_load %arg7[%get3A_416, %get3A_417] {strides = array<i32>} : memref<32x128xi32, #tpu.memory_space<vmem>>, vector<1x16xi32>,
        %get3A_419 = vector.shape_cast %get3A_418 : vector<1x16xi32> to vector<16xi32>
        %add3A_420 = arith.constant 3 : i32
        %add3A_421 = arith.addi %mul3A_402, %add3A_420 : i32
        %get3A_422 = arith.index_cast %add3A_421 : i32 to index
        %get3A_423 = arith.constant 0 : index
        %get3A_424 = tpu.vector_load %arg7[%get3A_422, %get3A_423] {strides = array<i32>} : memref<32x128xi32, #tpu.memory_space<vmem>>, vector<1x16xi32>,
        %get3A_425 = vector.shape_cast %get3A_424 : vector<1x16xi32> to vector<16xi32>
        %shift_left3A = arith.constant 16 : i32
        %shift_left3A_426 = vector.broadcast %shift_left3A : i32 to vector<16xi32>
        %shift_left3A_427 = arith.shli %get3A_407, %shift_left3A_426 : vector<16xi32>
        %bitcast_convert_type3A = tpu.bitcast %shift_left3A_427 : vector<16xi32> -> vector<16xf32>
        %shift_left3A_428 = arith.constant 16 : i32
        %shift_left3A_429 = vector.broadcast %shift_left3A_428 : i32 to vector<16xi32>
        %shift_left3A_430 = arith.shli %get3A_413, %shift_left3A_429 : vector<16xi32>
        %bitcast_convert_type3A_431 = tpu.bitcast %shift_left3A_430 : vector<16xi32> -> vector<16xf32>
        %shift_left3A_432 = arith.constant 16 : i32
        %shift_left3A_433 = vector.broadcast %shift_left3A_432 : i32 to vector<16xi32>
        %shift_left3A_434 = arith.shli %get3A_419, %shift_left3A_433 : vector<16xi32>
        %bitcast_convert_type3A_435 = tpu.bitcast %shift_left3A_434 : vector<16xi32> -> vector<16xf32>
        %shift_left3A_436 = arith.constant 16 : i32
        %shift_left3A_437 = vector.broadcast %shift_left3A_436 : i32 to vector<16xi32>
        %shift_left3A_438 = arith.shli %get3A_425, %shift_left3A_437 : vector<16xi32>
        %bitcast_convert_type3A_439 = tpu.bitcast %shift_left3A_438 : vector<16xi32> -> vector<16xf32>
        %bitcast_convert_type3A_440 = tpu.bitcast %get3A_407 : vector<16xi32> -> vector<16xf32>
        %bitcast_convert_type3A_441 = tpu.bitcast %get3A_413 : vector<16xi32> -> vector<16xf32>
        %bitcast_convert_type3A_442 = tpu.bitcast %get3A_419 : vector<16xi32> -> vector<16xf32>
        %bitcast_convert_type3A_443 = tpu.bitcast %get3A_425 : vector<16xi32> -> vector<16xf32>
        %add3A_444 = arith.addf %bitcast_convert_type3A, %bitcast_convert_type3A_431 : vector<16xf32>
        %add3A_445 = arith.addf %bitcast_convert_type3A_435, %bitcast_convert_type3A_439 : vector<16xf32>
        %add3A_446 = arith.addf %add3A_444, %add3A_445 : vector<16xf32>
        %add3A_447 = arith.addf %scan3A_385, %add3A_446 : vector<16xf32>
        %add3A_448 = arith.addf %bitcast_convert_type3A_440, %bitcast_convert_type3A_441 : vector<16xf32>
        %add3A_449 = arith.addf %bitcast_convert_type3A_442, %bitcast_convert_type3A_443 : vector<16xf32>
        %add3A_450 = arith.addf %add3A_448, %add3A_449 : vector<16xf32>
        %add3A_451 = arith.addf %scan3A_393, %add3A_450 : vector<16xf32>
        %add3A_452 = arith.constant 0 : i32
        %add3A_453 = arith.addi %mul3A_402, %add3A_452 : i32
        %get3A_454 = arith.index_cast %add3A_453 : i32 to index
        %get3A_455 = arith.constant 16 : index
        %get3A_456 = tpu.vector_load %arg7[%get3A_454, %get3A_455] {strides = array<i32>} : memref<32x128xi32, #tpu.memory_space<vmem>>, vector<1x16xi32>,
        %get3A_457 = vector.shape_cast %get3A_456 : vector<1x16xi32> to vector<16xi32>
        %add3A_458 = arith.constant 1 : i32
        %add3A_459 = arith.addi %mul3A_402, %add3A_458 : i32
        %get3A_460 = arith.index_cast %add3A_459 : i32 to index
        %get3A_461 = arith.constant 16 : index
        %get3A_462 = tpu.vector_load %arg7[%get3A_460, %get3A_461] {strides = array<i32>} : memref<32x128xi32, #tpu.memory_space<vmem>>, vector<1x16xi32>,
        %get3A_463 = vector.shape_cast %get3A_462 : vector<1x16xi32> to vector<16xi32>
        %add3A_464 = arith.constant 2 : i32
        %add3A_465 = arith.addi %mul3A_402, %add3A_464 : i32
        %get3A_466 = arith.index_cast %add3A_465 : i32 to index
        %get3A_467 = arith.constant 16 : index
        %get3A_468 = tpu.vector_load %arg7[%get3A_466, %get3A_467] {strides = array<i32>} : memref<32x128xi32, #tpu.memory_space<vmem>>, vector<1x16xi32>,
        %get3A_469 = vector.shape_cast %get3A_468 : vector<1x16xi32> to vector<16xi32>
        %add3A_470 = arith.constant 3 : i32
        %add3A_471 = arith.addi %mul3A_402, %add3A_470 : i32
        %get3A_472 = arith.index_cast %add3A_471 : i32 to index
        %get3A_473 = arith.constant 16 : index
        %get3A_474 = tpu.vector_load %arg7[%get3A_472, %get3A_473] {strides = array<i32>} : memref<32x128xi32, #tpu.memory_space<vmem>>, vector<1x16xi32>,
        %get3A_475 = vector.shape_cast %get3A_474 : vector<1x16xi32> to vector<16xi32>
        %shift_left3A_476 = arith.constant 16 : i32
        %shift_left3A_477 = vector.broadcast %shift_left3A_476 : i32 to vector<16xi32>
        %shift_left3A_478 = arith.shli %get3A_457, %shift_left3A_477 : vector<16xi32>
        %bitcast_convert_type3A_479 = tpu.bitcast %shift_left3A_478 : vector<16xi32> -> vector<16xf32>
        %shift_left3A_480 = arith.constant 16 : i32
        %shift_left3A_481 = vector.broadcast %shift_left3A_480 : i32 to vector<16xi32>
        %shift_left3A_482 = arith.shli %get3A_463, %shift_left3A_481 : vector<16xi32>
        %bitcast_convert_type3A_483 = tpu.bitcast %shift_left3A_482 : vector<16xi32> -> vector<16xf32>
        %shift_left3A_484 = arith.constant 16 : i32
        %shift_left3A_485 = vector.broadcast %shift_left3A_484 : i32 to vector<16xi32>
        %shift_left3A_486 = arith.shli %get3A_469, %shift_left3A_485 : vector<16xi32>
        %bitcast_convert_type3A_487 = tpu.bitcast %shift_left3A_486 : vector<16xi32> -> vector<16xf32>
        %shift_left3A_488 = arith.constant 16 : i32
        %shift_left3A_489 = vector.broadcast %shift_left3A_488 : i32 to vector<16xi32>
        %shift_left3A_490 = arith.shli %get3A_475, %shift_left3A_489 : vector<16xi32>
        %bitcast_convert_type3A_491 = tpu.bitcast %shift_left3A_490 : vector<16xi32> -> vector<16xf32>
        %bitcast_convert_type3A_492 = tpu.bitcast %get3A_457 : vector<16xi32> -> vector<16xf32>
        %bitcast_convert_type3A_493 = tpu.bitcast %get3A_463 : vector<16xi32> -> vector<16xf32>
        %bitcast_convert_type3A_494 = tpu.bitcast %get3A_469 : vector<16xi32> -> vector<16xf32>
        %bitcast_convert_type3A_495 = tpu.bitcast %get3A_475 : vector<16xi32> -> vector<16xf32>
        %add3A_496 = arith.addf %bitcast_convert_type3A_479, %bitcast_convert_type3A_483 : vector<16xf32>
        %add3A_497 = arith.addf %bitcast_convert_type3A_487, %bitcast_convert_type3A_491 : vector<16xf32>
        %add3A_498 = arith.addf %add3A_496, %add3A_497 : vector<16xf32>
        %add3A_499 = arith.addf %scan3A_386, %add3A_498 : vector<16xf32>
        %add3A_500 = arith.addf %bitcast_convert_type3A_492, %bitcast_convert_type3A_493 : vector<16xf32>
        %add3A_501 = arith.addf %bitcast_convert_type3A_494, %bitcast_convert_type3A_495 : vector<16xf32>
        %add3A_502 = arith.addf %add3A_500, %add3A_501 : vector<16xf32>
        %add3A_503 = arith.addf %scan3A_394, %add3A_502 : vector<16xf32>
        %add3A_504 = arith.constant 0 : i32
        %add3A_505 = arith.addi %mul3A_402, %add3A_504 : i32
        %get3A_506 = arith.index_cast %add3A_505 : i32 to index
        %get3A_507 = arith.constant 32 : index
        %get3A_508 = tpu.vector_load %arg7[%get3A_506, %get3A_507] {strides = array<i32>} : memref<32x128xi32, #tpu.memory_space<vmem>>, vector<1x16xi32>,
        %get3A_509 = vector.shape_cast %get3A_508 : vector<1x16xi32> to vector<16xi32>
        %add3A_510 = arith.constant 1 : i32
        %add3A_511 = arith.addi %mul3A_402, %add3A_510 : i32
        %get3A_512 = arith.index_cast %add3A_511 : i32 to index
        %get3A_513 = arith.constant 32 : index
        %get3A_514 = tpu.vector_load %arg7[%get3A_512, %get3A_513] {strides = array<i32>} : memref<32x128xi32, #tpu.memory_space<vmem>>, vector<1x16xi32>,
        %get3A_515 = vector.shape_cast %get3A_514 : vector<1x16xi32> to vector<16xi32>
        %add3A_516 = arith.constant 2 : i32
        %add3A_517 = arith.addi %mul3A_402, %add3A_516 : i32
        %get3A_518 = arith.index_cast %add3A_517 : i32 to index
        %get3A_519 = arith.constant 32 : index
        %get3A_520 = tpu.vector_load %arg7[%get3A_518, %get3A_519] {strides = array<i32>} : memref<32x128xi32, #tpu.memory_space<vmem>>, vector<1x16xi32>,
        %get3A_521 = vector.shape_cast %get3A_520 : vector<1x16xi32> to vector<16xi32>
        %add3A_522 = arith.constant 3 : i32
        %add3A_523 = arith.addi %mul3A_402, %add3A_522 : i32
        %get3A_524 = arith.index_cast %add3A_523 : i32 to index
        %get3A_525 = arith.constant 32 : index
        %get3A_526 = tpu.vector_load %arg7[%get3A_524, %get3A_525] {strides = array<i32>} : memref<32x128xi32, #tpu.memory_space<vmem>>, vector<1x16xi32>,
        %get3A_527 = vector.shape_cast %get3A_526 : vector<1x16xi32> to vector<16xi32>
        %shift_left3A_528 = arith.constant 16 : i32
        %shift_left3A_529 = vector.broadcast %shift_left3A_528 : i32 to vector<16xi32>
        %shift_left3A_530 = arith.shli %get3A_509, %shift_left3A_529 : vector<16xi32>
        %bitcast_convert_type3A_531 = tpu.bitcast %shift_left3A_530 : vector<16xi32> -> vector<16xf32>
        %shift_left3A_532 = arith.constant 16 : i32
        %shift_left3A_533 = vector.broadcast %shift_left3A_532 : i32 to vector<16xi32>
        %shift_left3A_534 = arith.shli %get3A_515, %shift_left3A_533 : vector<16xi32>
        %bitcast_convert_type3A_535 = tpu.bitcast %shift_left3A_534 : vector<16xi32> -> vector<16xf32>
        %shift_left3A_536 = arith.constant 16 : i32
        %shift_left3A_537 = vector.broadcast %shift_left3A_536 : i32 to vector<16xi32>
        %shift_left3A_538 = arith.shli %get3A_521, %shift_left3A_537 : vector<16xi32>
        %bitcast_convert_type3A_539 = tpu.bitcast %shift_left3A_538 : vector<16xi32> -> vector<16xf32>
        %shift_left3A_540 = arith.constant 16 : i32
        %shift_left3A_541 = vector.broadcast %shift_left3A_540 : i32 to vector<16xi32>
        %shift_left3A_542 = arith.shli %get3A_527, %shift_left3A_541 : vector<16xi32>
        %bitcast_convert_type3A_543 = tpu.bitcast %shift_left3A_542 : vector<16xi32> -> vector<16xf32>
        %bitcast_convert_type3A_544 = tpu.bitcast %get3A_509 : vector<16xi32> -> vector<16xf32>
        %bitcast_convert_type3A_545 = tpu.bitcast %get3A_515 : vector<16xi32> -> vector<16xf32>
        %bitcast_convert_type3A_546 = tpu.bitcast %get3A_521 : vector<16xi32> -> vector<16xf32>
        %bitcast_convert_type3A_547 = tpu.bitcast %get3A_527 : vector<16xi32> -> vector<16xf32>
        %add3A_548 = arith.addf %bitcast_convert_type3A_531, %bitcast_convert_type3A_535 : vector<16xf32>
        %add3A_549 = arith.addf %bitcast_convert_type3A_539, %bitcast_convert_type3A_543 : vector<16xf32>
        %add3A_550 = arith.addf %add3A_548, %add3A_549 : vector<16xf32>
        %add3A_551 = arith.addf %scan3A_387, %add3A_550 : vector<16xf32>
        %add3A_552 = arith.addf %bitcast_convert_type3A_544, %bitcast_convert_type3A_545 : vector<16xf32>
        %add3A_553 = arith.addf %bitcast_convert_type3A_546, %bitcast_convert_type3A_547 : vector<16xf32>
        %add3A_554 = arith.addf %add3A_552, %add3A_553 : vector<16xf32>
        %add3A_555 = arith.addf %scan3A_395, %add3A_554 : vector<16xf32>
        %add3A_556 = arith.constant 0 : i32
        %add3A_557 = arith.addi %mul3A_402, %add3A_556 : i32
        %get3A_558 = arith.index_cast %add3A_557 : i32 to index
        %get3A_559 = arith.constant 48 : index
        %get3A_560 = tpu.vector_load %arg7[%get3A_558, %get3A_559] {strides = array<i32>} : memref<32x128xi32, #tpu.memory_space<vmem>>, vector<1x16xi32>,
        %get3A_561 = vector.shape_cast %get3A_560 : vector<1x16xi32> to vector<16xi32>
        %add3A_562 = arith.constant 1 : i32
        %add3A_563 = arith.addi %mul3A_402, %add3A_562 : i32
        %get3A_564 = arith.index_cast %add3A_563 : i32 to index
        %get3A_565 = arith.constant 48 : index
        %get3A_566 = tpu.vector_load %arg7[%get3A_564, %get3A_565] {strides = array<i32>} : memref<32x128xi32, #tpu.memory_space<vmem>>, vector<1x16xi32>,
        %get3A_567 = vector.shape_cast %get3A_566 : vector<1x16xi32> to vector<16xi32>
        %add3A_568 = arith.constant 2 : i32
        %add3A_569 = arith.addi %mul3A_402, %add3A_568 : i32
        %get3A_570 = arith.index_cast %add3A_569 : i32 to index
        %get3A_571 = arith.constant 48 : index
        %get3A_572 = tpu.vector_load %arg7[%get3A_570, %get3A_571] {strides = array<i32>} : memref<32x128xi32, #tpu.memory_space<vmem>>, vector<1x16xi32>,
        %get3A_573 = vector.shape_cast %get3A_572 : vector<1x16xi32> to vector<16xi32>
        %add3A_574 = arith.constant 3 : i32
        %add3A_575 = arith.addi %mul3A_402, %add3A_574 : i32
        %get3A_576 = arith.index_cast %add3A_575 : i32 to index
        %get3A_577 = arith.constant 48 : index
        %get3A_578 = tpu.vector_load %arg7[%get3A_576, %get3A_577] {strides = array<i32>} : memref<32x128xi32, #tpu.memory_space<vmem>>, vector<1x16xi32>,
        %get3A_579 = vector.shape_cast %get3A_578 : vector<1x16xi32> to vector<16xi32>
        %shift_left3A_580 = arith.constant 16 : i32
        %shift_left3A_581 = vector.broadcast %shift_left3A_580 : i32 to vector<16xi32>
        %shift_left3A_582 = arith.shli %get3A_561, %shift_left3A_581 : vector<16xi32>
        %bitcast_convert_type3A_583 = tpu.bitcast %shift_left3A_582 : vector<16xi32> -> vector<16xf32>
        %shift_left3A_584 = arith.constant 16 : i32
        %shift_left3A_585 = vector.broadcast %shift_left3A_584 : i32 to vector<16xi32>
        %shift_left3A_586 = arith.shli %get3A_567, %shift_left3A_585 : vector<16xi32>
        %bitcast_convert_type3A_587 = tpu.bitcast %shift_left3A_586 : vector<16xi32> -> vector<16xf32>
        %shift_left3A_588 = arith.constant 16 : i32
        %shift_left3A_589 = vector.broadcast %shift_left3A_588 : i32 to vector<16xi32>
        %shift_left3A_590 = arith.shli %get3A_573, %shift_left3A_589 : vector<16xi32>
        %bitcast_convert_type3A_591 = tpu.bitcast %shift_left3A_590 : vector<16xi32> -> vector<16xf32>
        %shift_left3A_592 = arith.constant 16 : i32
        %shift_left3A_593 = vector.broadcast %shift_left3A_592 : i32 to vector<16xi32>
        %shift_left3A_594 = arith.shli %get3A_579, %shift_left3A_593 : vector<16xi32>
        %bitcast_convert_type3A_595 = tpu.bitcast %shift_left3A_594 : vector<16xi32> -> vector<16xf32>
        %bitcast_convert_type3A_596 = tpu.bitcast %get3A_561 : vector<16xi32> -> vector<16xf32>
        %bitcast_convert_type3A_597 = tpu.bitcast %get3A_567 : vector<16xi32> -> vector<16xf32>
        %bitcast_convert_type3A_598 = tpu.bitcast %get3A_573 : vector<16xi32> -> vector<16xf32>
        %bitcast_convert_type3A_599 = tpu.bitcast %get3A_579 : vector<16xi32> -> vector<16xf32>
        %add3A_600 = arith.addf %bitcast_convert_type3A_583, %bitcast_convert_type3A_587 : vector<16xf32>
        %add3A_601 = arith.addf %bitcast_convert_type3A_591, %bitcast_convert_type3A_595 : vector<16xf32>
        %add3A_602 = arith.addf %add3A_600, %add3A_601 : vector<16xf32>
        %add3A_603 = arith.addf %scan3A_388, %add3A_602 : vector<16xf32>
        %add3A_604 = arith.addf %bitcast_convert_type3A_596, %bitcast_convert_type3A_597 : vector<16xf32>
        %add3A_605 = arith.addf %bitcast_convert_type3A_598, %bitcast_convert_type3A_599 : vector<16xf32>
        %add3A_606 = arith.addf %add3A_604, %add3A_605 : vector<16xf32>
        %add3A_607 = arith.addf %scan3A_396, %add3A_606 : vector<16xf32>
        %add3A_608 = arith.constant 0 : i32
        %add3A_609 = arith.addi %mul3A_402, %add3A_608 : i32
        %get3A_610 = arith.index_cast %add3A_609 : i32 to index
        %get3A_611 = arith.constant 64 : index
        %get3A_612 = tpu.vector_load %arg7[%get3A_610, %get3A_611] {strides = array<i32>} : memref<32x128xi32, #tpu.memory_space<vmem>>, vector<1x16xi32>,
        %get3A_613 = vector.shape_cast %get3A_612 : vector<1x16xi32> to vector<16xi32>
        %add3A_614 = arith.constant 1 : i32
        %add3A_615 = arith.addi %mul3A_402, %add3A_614 : i32
        %get3A_616 = arith.index_cast %add3A_615 : i32 to index
        %get3A_617 = arith.constant 64 : index
        %get3A_618 = tpu.vector_load %arg7[%get3A_616, %get3A_617] {strides = array<i32>} : memref<32x128xi32, #tpu.memory_space<vmem>>, vector<1x16xi32>,
        %get3A_619 = vector.shape_cast %get3A_618 : vector<1x16xi32> to vector<16xi32>
        %add3A_620 = arith.constant 2 : i32
        %add3A_621 = arith.addi %mul3A_402, %add3A_620 : i32
        %get3A_622 = arith.index_cast %add3A_621 : i32 to index
        %get3A_623 = arith.constant 64 : index
        %get3A_624 = tpu.vector_load %arg7[%get3A_622, %get3A_623] {strides = array<i32>} : memref<32x128xi32, #tpu.memory_space<vmem>>, vector<1x16xi32>,
        %get3A_625 = vector.shape_cast %get3A_624 : vector<1x16xi32> to vector<16xi32>
        %add3A_626 = arith.constant 3 : i32
        %add3A_627 = arith.addi %mul3A_402, %add3A_626 : i32
        %get3A_628 = arith.index_cast %add3A_627 : i32 to index
        %get3A_629 = arith.constant 64 : index
        %get3A_630 = tpu.vector_load %arg7[%get3A_628, %get3A_629] {strides = array<i32>} : memref<32x128xi32, #tpu.memory_space<vmem>>, vector<1x16xi32>,
        %get3A_631 = vector.shape_cast %get3A_630 : vector<1x16xi32> to vector<16xi32>
        %shift_left3A_632 = arith.constant 16 : i32
        %shift_left3A_633 = vector.broadcast %shift_left3A_632 : i32 to vector<16xi32>
        %shift_left3A_634 = arith.shli %get3A_613, %shift_left3A_633 : vector<16xi32>
        %bitcast_convert_type3A_635 = tpu.bitcast %shift_left3A_634 : vector<16xi32> -> vector<16xf32>
        %shift_left3A_636 = arith.constant 16 : i32
        %shift_left3A_637 = vector.broadcast %shift_left3A_636 : i32 to vector<16xi32>
        %shift_left3A_638 = arith.shli %get3A_619, %shift_left3A_637 : vector<16xi32>
        %bitcast_convert_type3A_639 = tpu.bitcast %shift_left3A_638 : vector<16xi32> -> vector<16xf32>
        %shift_left3A_640 = arith.constant 16 : i32
        %shift_left3A_641 = vector.broadcast %shift_left3A_640 : i32 to vector<16xi32>
        %shift_left3A_642 = arith.shli %get3A_625, %shift_left3A_641 : vector<16xi32>
        %bitcast_convert_type3A_643 = tpu.bitcast %shift_left3A_642 : vector<16xi32> -> vector<16xf32>
        %shift_left3A_644 = arith.constant 16 : i32
        %shift_left3A_645 = vector.broadcast %shift_left3A_644 : i32 to vector<16xi32>
        %shift_left3A_646 = arith.shli %get3A_631, %shift_left3A_645 : vector<16xi32>
        %bitcast_convert_type3A_647 = tpu.bitcast %shift_left3A_646 : vector<16xi32> -> vector<16xf32>
        %bitcast_convert_type3A_648 = tpu.bitcast %get3A_613 : vector<16xi32> -> vector<16xf32>
        %bitcast_convert_type3A_649 = tpu.bitcast %get3A_619 : vector<16xi32> -> vector<16xf32>
        %bitcast_convert_type3A_650 = tpu.bitcast %get3A_625 : vector<16xi32> -> vector<16xf32>
        %bitcast_convert_type3A_651 = tpu.bitcast %get3A_631 : vector<16xi32> -> vector<16xf32>
        %add3A_652 = arith.addf %bitcast_convert_type3A_635, %bitcast_convert_type3A_639 : vector<16xf32>
        %add3A_653 = arith.addf %bitcast_convert_type3A_643, %bitcast_convert_type3A_647 : vector<16xf32>
        %add3A_654 = arith.addf %add3A_652, %add3A_653 : vector<16xf32>
        %add3A_655 = arith.addf %scan3A_389, %add3A_654 : vector<16xf32>
        %add3A_656 = arith.addf %bitcast_convert_type3A_648, %bitcast_convert_type3A_649 : vector<16xf32>
        %add3A_657 = arith.addf %bitcast_convert_type3A_650, %bitcast_convert_type3A_651 : vector<16xf32>
        %add3A_658 = arith.addf %add3A_656, %add3A_657 : vector<16xf32>
        %add3A_659 = arith.addf %scan3A_397, %add3A_658 : vector<16xf32>
        %add3A_660 = arith.constant 0 : i32
        %add3A_661 = arith.addi %mul3A_402, %add3A_660 : i32
        %get3A_662 = arith.index_cast %add3A_661 : i32 to index
        %get3A_663 = arith.constant 80 : index
        %get3A_664 = tpu.vector_load %arg7[%get3A_662, %get3A_663] {strides = array<i32>} : memref<32x128xi32, #tpu.memory_space<vmem>>, vector<1x16xi32>,
        %get3A_665 = vector.shape_cast %get3A_664 : vector<1x16xi32> to vector<16xi32>
        %add3A_666 = arith.constant 1 : i32
        %add3A_667 = arith.addi %mul3A_402, %add3A_666 : i32
        %get3A_668 = arith.index_cast %add3A_667 : i32 to index
        %get3A_669 = arith.constant 80 : index
        %get3A_670 = tpu.vector_load %arg7[%get3A_668, %get3A_669] {strides = array<i32>} : memref<32x128xi32, #tpu.memory_space<vmem>>, vector<1x16xi32>,
        %get3A_671 = vector.shape_cast %get3A_670 : vector<1x16xi32> to vector<16xi32>
        %add3A_672 = arith.constant 2 : i32
        %add3A_673 = arith.addi %mul3A_402, %add3A_672 : i32
        %get3A_674 = arith.index_cast %add3A_673 : i32 to index
        %get3A_675 = arith.constant 80 : index
        %get3A_676 = tpu.vector_load %arg7[%get3A_674, %get3A_675] {strides = array<i32>} : memref<32x128xi32, #tpu.memory_space<vmem>>, vector<1x16xi32>,
        %get3A_677 = vector.shape_cast %get3A_676 : vector<1x16xi32> to vector<16xi32>
        %add3A_678 = arith.constant 3 : i32
        %add3A_679 = arith.addi %mul3A_402, %add3A_678 : i32
        %get3A_680 = arith.index_cast %add3A_679 : i32 to index
        %get3A_681 = arith.constant 80 : index
        %get3A_682 = tpu.vector_load %arg7[%get3A_680, %get3A_681] {strides = array<i32>} : memref<32x128xi32, #tpu.memory_space<vmem>>, vector<1x16xi32>,
        %get3A_683 = vector.shape_cast %get3A_682 : vector<1x16xi32> to vector<16xi32>
        %shift_left3A_684 = arith.constant 16 : i32
        %shift_left3A_685 = vector.broadcast %shift_left3A_684 : i32 to vector<16xi32>
        %shift_left3A_686 = arith.shli %get3A_665, %shift_left3A_685 : vector<16xi32>
        %bitcast_convert_type3A_687 = tpu.bitcast %shift_left3A_686 : vector<16xi32> -> vector<16xf32>
        %shift_left3A_688 = arith.constant 16 : i32
        %shift_left3A_689 = vector.broadcast %shift_left3A_688 : i32 to vector<16xi32>
        %shift_left3A_690 = arith.shli %get3A_671, %shift_left3A_689 : vector<16xi32>
        %bitcast_convert_type3A_691 = tpu.bitcast %shift_left3A_690 : vector<16xi32> -> vector<16xf32>
        %shift_left3A_692 = arith.constant 16 : i32
        %shift_left3A_693 = vector.broadcast %shift_left3A_692 : i32 to vector<16xi32>
        %shift_left3A_694 = arith.shli %get3A_677, %shift_left3A_693 : vector<16xi32>
        %bitcast_convert_type3A_695 = tpu.bitcast %shift_left3A_694 : vector<16xi32> -> vector<16xf32>
        %shift_left3A_696 = arith.constant 16 : i32
        %shift_left3A_697 = vector.broadcast %shift_left3A_696 : i32 to vector<16xi32>
        %shift_left3A_698 = arith.shli %get3A_683, %shift_left3A_697 : vector<16xi32>
        %bitcast_convert_type3A_699 = tpu.bitcast %shift_left3A_698 : vector<16xi32> -> vector<16xf32>
        %bitcast_convert_type3A_700 = tpu.bitcast %get3A_665 : vector<16xi32> -> vector<16xf32>
        %bitcast_convert_type3A_701 = tpu.bitcast %get3A_671 : vector<16xi32> -> vector<16xf32>
        %bitcast_convert_type3A_702 = tpu.bitcast %get3A_677 : vector<16xi32> -> vector<16xf32>
        %bitcast_convert_type3A_703 = tpu.bitcast %get3A_683 : vector<16xi32> -> vector<16xf32>
        %add3A_704 = arith.addf %bitcast_convert_type3A_687, %bitcast_convert_type3A_691 : vector<16xf32>
        %add3A_705 = arith.addf %bitcast_convert_type3A_695, %bitcast_convert_type3A_699 : vector<16xf32>
        %add3A_706 = arith.addf %add3A_704, %add3A_705 : vector<16xf32>
        %add3A_707 = arith.addf %scan3A_390, %add3A_706 : vector<16xf32>
        %add3A_708 = arith.addf %bitcast_convert_type3A_700, %bitcast_convert_type3A_701 : vector<16xf32>
        %add3A_709 = arith.addf %bitcast_convert_type3A_702, %bitcast_convert_type3A_703 : vector<16xf32>
        %add3A_710 = arith.addf %add3A_708, %add3A_709 : vector<16xf32>
        %add3A_711 = arith.addf %scan3A_398, %add3A_710 : vector<16xf32>
        %add3A_712 = arith.constant 0 : i32
        %add3A_713 = arith.addi %mul3A_402, %add3A_712 : i32
        %get3A_714 = arith.index_cast %add3A_713 : i32 to index
        %get3A_715 = arith.constant 96 : index
        %get3A_716 = tpu.vector_load %arg7[%get3A_714, %get3A_715] {strides = array<i32>} : memref<32x128xi32, #tpu.memory_space<vmem>>, vector<1x16xi32>,
        %get3A_717 = vector.shape_cast %get3A_716 : vector<1x16xi32> to vector<16xi32>
        %add3A_718 = arith.constant 1 : i32
        %add3A_719 = arith.addi %mul3A_402, %add3A_718 : i32
        %get3A_720 = arith.index_cast %add3A_719 : i32 to index
        %get3A_721 = arith.constant 96 : index
        %get3A_722 = tpu.vector_load %arg7[%get3A_720, %get3A_721] {strides = array<i32>} : memref<32x128xi32, #tpu.memory_space<vmem>>, vector<1x16xi32>,
        %get3A_723 = vector.shape_cast %get3A_722 : vector<1x16xi32> to vector<16xi32>
        %add3A_724 = arith.constant 2 : i32
        %add3A_725 = arith.addi %mul3A_402, %add3A_724 : i32
        %get3A_726 = arith.index_cast %add3A_725 : i32 to index
        %get3A_727 = arith.constant 96 : index
        %get3A_728 = tpu.vector_load %arg7[%get3A_726, %get3A_727] {strides = array<i32>} : memref<32x128xi32, #tpu.memory_space<vmem>>, vector<1x16xi32>,
        %get3A_729 = vector.shape_cast %get3A_728 : vector<1x16xi32> to vector<16xi32>
        %add3A_730 = arith.constant 3 : i32
        %add3A_731 = arith.addi %mul3A_402, %add3A_730 : i32
        %get3A_732 = arith.index_cast %add3A_731 : i32 to index
        %get3A_733 = arith.constant 96 : index
        %get3A_734 = tpu.vector_load %arg7[%get3A_732, %get3A_733] {strides = array<i32>} : memref<32x128xi32, #tpu.memory_space<vmem>>, vector<1x16xi32>,
        %get3A_735 = vector.shape_cast %get3A_734 : vector<1x16xi32> to vector<16xi32>
        %shift_left3A_736 = arith.constant 16 : i32
        %shift_left3A_737 = vector.broadcast %shift_left3A_736 : i32 to vector<16xi32>
        %shift_left3A_738 = arith.shli %get3A_717, %shift_left3A_737 : vector<16xi32>
        %bitcast_convert_type3A_739 = tpu.bitcast %shift_left3A_738 : vector<16xi32> -> vector<16xf32>
        %shift_left3A_740 = arith.constant 16 : i32
        %shift_left3A_741 = vector.broadcast %shift_left3A_740 : i32 to vector<16xi32>
        %shift_left3A_742 = arith.shli %get3A_723, %shift_left3A_741 : vector<16xi32>
        %bitcast_convert_type3A_743 = tpu.bitcast %shift_left3A_742 : vector<16xi32> -> vector<16xf32>
        %shift_left3A_744 = arith.constant 16 : i32
        %shift_left3A_745 = vector.broadcast %shift_left3A_744 : i32 to vector<16xi32>
        %shift_left3A_746 = arith.shli %get3A_729, %shift_left3A_745 : vector<16xi32>
        %bitcast_convert_type3A_747 = tpu.bitcast %shift_left3A_746 : vector<16xi32> -> vector<16xf32>
        %shift_left3A_748 = arith.constant 16 : i32
        %shift_left3A_749 = vector.broadcast %shift_left3A_748 : i32 to vector<16xi32>
        %shift_left3A_750 = arith.shli %get3A_735, %shift_left3A_749 : vector<16xi32>
        %bitcast_convert_type3A_751 = tpu.bitcast %shift_left3A_750 : vector<16xi32> -> vector<16xf32>
        %bitcast_convert_type3A_752 = tpu.bitcast %get3A_717 : vector<16xi32> -> vector<16xf32>
        %bitcast_convert_type3A_753 = tpu.bitcast %get3A_723 : vector<16xi32> -> vector<16xf32>
        %bitcast_convert_type3A_754 = tpu.bitcast %get3A_729 : vector<16xi32> -> vector<16xf32>
        %bitcast_convert_type3A_755 = tpu.bitcast %get3A_735 : vector<16xi32> -> vector<16xf32>
        %add3A_756 = arith.addf %bitcast_convert_type3A_739, %bitcast_convert_type3A_743 : vector<16xf32>
        %add3A_757 = arith.addf %bitcast_convert_type3A_747, %bitcast_convert_type3A_751 : vector<16xf32>
        %add3A_758 = arith.addf %add3A_756, %add3A_757 : vector<16xf32>
        %add3A_759 = arith.addf %scan3A_391, %add3A_758 : vector<16xf32>
        %add3A_760 = arith.addf %bitcast_convert_type3A_752, %bitcast_convert_type3A_753 : vector<16xf32>
        %add3A_761 = arith.addf %bitcast_convert_type3A_754, %bitcast_convert_type3A_755 : vector<16xf32>
        %add3A_762 = arith.addf %add3A_760, %add3A_761 : vector<16xf32>
        %add3A_763 = arith.addf %scan3A_399, %add3A_762 : vector<16xf32>
        %add3A_764 = arith.constant 0 : i32
        %add3A_765 = arith.addi %mul3A_402, %add3A_764 : i32
        %get3A_766 = arith.index_cast %add3A_765 : i32 to index
        %get3A_767 = arith.constant 112 : index
        %get3A_768 = tpu.vector_load %arg7[%get3A_766, %get3A_767] {strides = array<i32>} : memref<32x128xi32, #tpu.memory_space<vmem>>, vector<1x16xi32>,
        %get3A_769 = vector.shape_cast %get3A_768 : vector<1x16xi32> to vector<16xi32>
        %add3A_770 = arith.constant 1 : i32
        %add3A_771 = arith.addi %mul3A_402, %add3A_770 : i32
        %get3A_772 = arith.index_cast %add3A_771 : i32 to index
        %get3A_773 = arith.constant 112 : index
        %get3A_774 = tpu.vector_load %arg7[%get3A_772, %get3A_773] {strides = array<i32>} : memref<32x128xi32, #tpu.memory_space<vmem>>, vector<1x16xi32>,
        %get3A_775 = vector.shape_cast %get3A_774 : vector<1x16xi32> to vector<16xi32>
        %add3A_776 = arith.constant 2 : i32
        %add3A_777 = arith.addi %mul3A_402, %add3A_776 : i32
        %get3A_778 = arith.index_cast %add3A_777 : i32 to index
        %get3A_779 = arith.constant 112 : index
        %get3A_780 = tpu.vector_load %arg7[%get3A_778, %get3A_779] {strides = array<i32>} : memref<32x128xi32, #tpu.memory_space<vmem>>, vector<1x16xi32>,
        %get3A_781 = vector.shape_cast %get3A_780 : vector<1x16xi32> to vector<16xi32>
        %add3A_782 = arith.constant 3 : i32
        %add3A_783 = arith.addi %mul3A_402, %add3A_782 : i32
        %get3A_784 = arith.index_cast %add3A_783 : i32 to index
        %get3A_785 = arith.constant 112 : index
        %get3A_786 = tpu.vector_load %arg7[%get3A_784, %get3A_785] {strides = array<i32>} : memref<32x128xi32, #tpu.memory_space<vmem>>, vector<1x16xi32>,
        %get3A_787 = vector.shape_cast %get3A_786 : vector<1x16xi32> to vector<16xi32>
        %shift_left3A_788 = arith.constant 16 : i32
        %shift_left3A_789 = vector.broadcast %shift_left3A_788 : i32 to vector<16xi32>
        %shift_left3A_790 = arith.shli %get3A_769, %shift_left3A_789 : vector<16xi32>
        %bitcast_convert_type3A_791 = tpu.bitcast %shift_left3A_790 : vector<16xi32> -> vector<16xf32>
        %shift_left3A_792 = arith.constant 16 : i32
        %shift_left3A_793 = vector.broadcast %shift_left3A_792 : i32 to vector<16xi32>
        %shift_left3A_794 = arith.shli %get3A_775, %shift_left3A_793 : vector<16xi32>
        %bitcast_convert_type3A_795 = tpu.bitcast %shift_left3A_794 : vector<16xi32> -> vector<16xf32>
        %shift_left3A_796 = arith.constant 16 : i32
        %shift_left3A_797 = vector.broadcast %shift_left3A_796 : i32 to vector<16xi32>
        %shift_left3A_798 = arith.shli %get3A_781, %shift_left3A_797 : vector<16xi32>
        %bitcast_convert_type3A_799 = tpu.bitcast %shift_left3A_798 : vector<16xi32> -> vector<16xf32>
        %shift_left3A_800 = arith.constant 16 : i32
        %shift_left3A_801 = vector.broadcast %shift_left3A_800 : i32 to vector<16xi32>
        %shift_left3A_802 = arith.shli %get3A_787, %shift_left3A_801 : vector<16xi32>
        %bitcast_convert_type3A_803 = tpu.bitcast %shift_left3A_802 : vector<16xi32> -> vector<16xf32>
        %bitcast_convert_type3A_804 = tpu.bitcast %get3A_769 : vector<16xi32> -> vector<16xf32>
        %bitcast_convert_type3A_805 = tpu.bitcast %get3A_775 : vector<16xi32> -> vector<16xf32>
        %bitcast_convert_type3A_806 = tpu.bitcast %get3A_781 : vector<16xi32> -> vector<16xf32>
        %bitcast_convert_type3A_807 = tpu.bitcast %get3A_787 : vector<16xi32> -> vector<16xf32>
        %add3A_808 = arith.addf %bitcast_convert_type3A_791, %bitcast_convert_type3A_795 : vector<16xf32>
        %add3A_809 = arith.addf %bitcast_convert_type3A_799, %bitcast_convert_type3A_803 : vector<16xf32>
        %add3A_810 = arith.addf %add3A_808, %add3A_809 : vector<16xf32>
        %add3A_811 = arith.addf %scan3A_392, %add3A_810 : vector<16xf32>
        %add3A_812 = arith.addf %bitcast_convert_type3A_804, %bitcast_convert_type3A_805 : vector<16xf32>
        %add3A_813 = arith.addf %bitcast_convert_type3A_806, %bitcast_convert_type3A_807 : vector<16xf32>
        %add3A_814 = arith.addf %add3A_812, %add3A_813 : vector<16xf32>
        %add3A_815 = arith.addf %scan3A_400, %add3A_814 : vector<16xf32>
        scf.yield %add3A_447, %add3A_499, %add3A_551, %add3A_603, %add3A_655, %add3A_707, %add3A_759, %add3A_811, %add3A_451, %add3A_503, %add3A_555, %add3A_607, %add3A_659, %add3A_711, %add3A_763, %add3A_815 : vector<16xf32>, vector<16xf32>, vector<16xf32>, vector<16xf32>, vector<16xf32>, vector<16xf32>, vector<16xf32>, vector<16xf32>, vector<16xf32>, vector<16xf32>, vector<16xf32>, vector<16xf32>, vector<16xf32>, vector<16xf32>, vector<16xf32>, vector<16xf32>
      }
      %scan3A_121 = arith.constant 8 : i32
      %convert_element_type3A_122 = arith.extui %lt3A_97 : i1 to i32
      %cond3A_123 = arith.constant 0 : i32
      %cond3A_124 = arith.cmpi ne, %convert_element_type3A_122, %cond3A_123 : i32
      scf.if %cond3A_124 {
        %add3A_384 = arith.constant 2 : i32
        %add3A_385 = arith.addi %mul3A_96, %add3A_384 : i32
        %dma_start3A_386 = arith.constant 32 : i32
        %dma_start3A_387 = tpu.memref_slice %arg5[%add3A_385, %dma_start3A_386] : memref<128x128xi32, #tpu.memory_space<vmem>> -> memref<1x32xi32, #tpu.memory_space<vmem>>
        %dma_start3A_388 = tpu.memref_squeeze %dma_start3A_387 : memref<1x32xi32, #tpu.memory_space<vmem>> -> memref<32xi32, #tpu.memory_space<vmem>>
        %dma_start3A_389 = arith.constant 0 : i32
        %dma_start3A_390 = arith.constant 0 : i32
        %dma_start3A_391 = tpu.memref_slice %arg3[%dma_start3A_389, %dma_start3A_390] : memref<100000x128xi32, #tpu.memory_space<hbm>> -> memref<100000x128xi32, #tpu.memory_space<hbm>>
        tpu.enqueue_indirect_dma source(%dma_start3A_391 : memref<100000x128xi32, #tpu.memory_space<hbm>>) target(%arg7 : memref<32x128xi32, #tpu.memory_space<vmem>>) offsets(%dma_start3A_388 : memref<32xi32, #tpu.memory_space<vmem>>) semaphore(%arg16 : memref<!tpu.dma_semaphore, #tpu.memory_space<semaphore_mem>>)
      } else {
      }
      %dma_wait3A_125 = arith.constant 64 : i32
      %dma_wait3A_126 = tpu.memref_slice %arg5[%mul3A_96, %dma_wait3A_125] : memref<128x128xi32, #tpu.memory_space<vmem>> -> memref<1x32xi32, #tpu.memory_space<vmem>>
      %dma_wait3A_127 = tpu.memref_squeeze %dma_wait3A_126 : memref<1x32xi32, #tpu.memory_space<vmem>> -> memref<32xi32, #tpu.memory_space<vmem>>
      %dma_wait3A_128 = arith.constant 0 : i32
      %dma_wait3A_129 = arith.constant 0 : i32
      %dma_wait3A_130 = tpu.memref_slice %arg3[%dma_wait3A_128, %dma_wait3A_129] : memref<100000x128xi32, #tpu.memory_space<hbm>> -> memref<100000x128xi32, #tpu.memory_space<hbm>>
      tpu.wait_indirect_dma semaphore(%arg17 : memref<!tpu.dma_semaphore, #tpu.memory_space<semaphore_mem>>) src(%dma_wait3A_130 : memref<100000x128xi32, #tpu.memory_space<hbm>>) dst(%arg8 : memref<32x128xi32, #tpu.memory_space<vmem>>)
      %scan3A_131 = arith.constant 0 : i32
      %scan3A_132 = arith.constant 8 : i32
      %scan3A_133 = arith.addi %scan3A_131, %scan3A_132 : i32
      %scan3A_134 = arith.constant 1 : i32
      %scan3A_135:16 = scf.for %scan3A_384 = %scan3A_131 to %scan3A_133 step %scan3A_134 iter_args(%scan3A_385 = %scan3A_120#0, %scan3A_386 = %scan3A_120#1, %scan3A_387 = %scan3A_120#2, %scan3A_388 = %scan3A_120#3, %scan3A_389 = %scan3A_120#4, %scan3A_390 = %scan3A_120#5, %scan3A_391 = %scan3A_120#6, %scan3A_392 = %scan3A_120#7, %scan3A_393 = %scan3A_120#8, %scan3A_394 = %scan3A_120#9, %scan3A_395 = %scan3A_120#10, %scan3A_396 = %scan3A_120#11, %scan3A_397 = %scan3A_120#12, %scan3A_398 = %scan3A_120#13, %scan3A_399 = %scan3A_120#14, %scan3A_400 = %scan3A_120#15) -> (vector<16xf32>, vector<16xf32>, vector<16xf32>, vector<16xf32>, vector<16xf32>, vector<16xf32>, vector<16xf32>, vector<16xf32>, vector<16xf32>, vector<16xf32>, vector<16xf32>, vector<16xf32>, vector<16xf32>, vector<16xf32>, vector<16xf32>, vector<16xf32>)  : i32 {
        %mul3A_401 = arith.constant 4 : i32
        %mul3A_402 = arith.muli %mul3A_401, %scan3A_384 : i32
        %add3A_403 = arith.constant 0 : i32
        %add3A_404 = arith.addi %mul3A_402, %add3A_403 : i32
        %get3A = arith.index_cast %add3A_404 : i32 to index
        %get3A_405 = arith.constant 0 : index
        %get3A_406 = tpu.vector_load %arg8[%get3A, %get3A_405] {strides = array<i32>} : memref<32x128xi32, #tpu.memory_space<vmem>>, vector<1x16xi32>,
        %get3A_407 = vector.shape_cast %get3A_406 : vector<1x16xi32> to vector<16xi32>
        %add3A_408 = arith.constant 1 : i32
        %add3A_409 = arith.addi %mul3A_402, %add3A_408 : i32
        %get3A_410 = arith.index_cast %add3A_409 : i32 to index
        %get3A_411 = arith.constant 0 : index
        %get3A_412 = tpu.vector_load %arg8[%get3A_410, %get3A_411] {strides = array<i32>} : memref<32x128xi32, #tpu.memory_space<vmem>>, vector<1x16xi32>,
        %get3A_413 = vector.shape_cast %get3A_412 : vector<1x16xi32> to vector<16xi32>
        %add3A_414 = arith.constant 2 : i32
        %add3A_415 = arith.addi %mul3A_402, %add3A_414 : i32
        %get3A_416 = arith.index_cast %add3A_415 : i32 to index
        %get3A_417 = arith.constant 0 : index
        %get3A_418 = tpu.vector_load %arg8[%get3A_416, %get3A_417] {strides = array<i32>} : memref<32x128xi32, #tpu.memory_space<vmem>>, vector<1x16xi32>,
        %get3A_419 = vector.shape_cast %get3A_418 : vector<1x16xi32> to vector<16xi32>
        %add3A_420 = arith.constant 3 : i32
        %add3A_421 = arith.addi %mul3A_402, %add3A_420 : i32
        %get3A_422 = arith.index_cast %add3A_421 : i32 to index
        %get3A_423 = arith.constant 0 : index
        %get3A_424 = tpu.vector_load %arg8[%get3A_422, %get3A_423] {strides = array<i32>} : memref<32x128xi32, #tpu.memory_space<vmem>>, vector<1x16xi32>,
        %get3A_425 = vector.shape_cast %get3A_424 : vector<1x16xi32> to vector<16xi32>
        %shift_left3A = arith.constant 16 : i32
        %shift_left3A_426 = vector.broadcast %shift_left3A : i32 to vector<16xi32>
        %shift_left3A_427 = arith.shli %get3A_407, %shift_left3A_426 : vector<16xi32>
        %bitcast_convert_type3A = tpu.bitcast %shift_left3A_427 : vector<16xi32> -> vector<16xf32>
        %shift_left3A_428 = arith.constant 16 : i32
        %shift_left3A_429 = vector.broadcast %shift_left3A_428 : i32 to vector<16xi32>
        %shift_left3A_430 = arith.shli %get3A_413, %shift_left3A_429 : vector<16xi32>
        %bitcast_convert_type3A_431 = tpu.bitcast %shift_left3A_430 : vector<16xi32> -> vector<16xf32>
        %shift_left3A_432 = arith.constant 16 : i32
        %shift_left3A_433 = vector.broadcast %shift_left3A_432 : i32 to vector<16xi32>
        %shift_left3A_434 = arith.shli %get3A_419, %shift_left3A_433 : vector<16xi32>
        %bitcast_convert_type3A_435 = tpu.bitcast %shift_left3A_434 : vector<16xi32> -> vector<16xf32>
        %shift_left3A_436 = arith.constant 16 : i32
        %shift_left3A_437 = vector.broadcast %shift_left3A_436 : i32 to vector<16xi32>
        %shift_left3A_438 = arith.shli %get3A_425, %shift_left3A_437 : vector<16xi32>
        %bitcast_convert_type3A_439 = tpu.bitcast %shift_left3A_438 : vector<16xi32> -> vector<16xf32>
        %bitcast_convert_type3A_440 = tpu.bitcast %get3A_407 : vector<16xi32> -> vector<16xf32>
        %bitcast_convert_type3A_441 = tpu.bitcast %get3A_413 : vector<16xi32> -> vector<16xf32>
        %bitcast_convert_type3A_442 = tpu.bitcast %get3A_419 : vector<16xi32> -> vector<16xf32>
        %bitcast_convert_type3A_443 = tpu.bitcast %get3A_425 : vector<16xi32> -> vector<16xf32>
        %add3A_444 = arith.addf %bitcast_convert_type3A, %bitcast_convert_type3A_431 : vector<16xf32>
        %add3A_445 = arith.addf %bitcast_convert_type3A_435, %bitcast_convert_type3A_439 : vector<16xf32>
        %add3A_446 = arith.addf %add3A_444, %add3A_445 : vector<16xf32>
        %add3A_447 = arith.addf %scan3A_385, %add3A_446 : vector<16xf32>
        %add3A_448 = arith.addf %bitcast_convert_type3A_440, %bitcast_convert_type3A_441 : vector<16xf32>
        %add3A_449 = arith.addf %bitcast_convert_type3A_442, %bitcast_convert_type3A_443 : vector<16xf32>
        %add3A_450 = arith.addf %add3A_448, %add3A_449 : vector<16xf32>
        %add3A_451 = arith.addf %scan3A_393, %add3A_450 : vector<16xf32>
        %add3A_452 = arith.constant 0 : i32
        %add3A_453 = arith.addi %mul3A_402, %add3A_452 : i32
        %get3A_454 = arith.index_cast %add3A_453 : i32 to index
        %get3A_455 = arith.constant 16 : index
        %get3A_456 = tpu.vector_load %arg8[%get3A_454, %get3A_455] {strides = array<i32>} : memref<32x128xi32, #tpu.memory_space<vmem>>, vector<1x16xi32>,
        %get3A_457 = vector.shape_cast %get3A_456 : vector<1x16xi32> to vector<16xi32>
        %add3A_458 = arith.constant 1 : i32
        %add3A_459 = arith.addi %mul3A_402, %add3A_458 : i32
        %get3A_460 = arith.index_cast %add3A_459 : i32 to index
        %get3A_461 = arith.constant 16 : index
        %get3A_462 = tpu.vector_load %arg8[%get3A_460, %get3A_461] {strides = array<i32>} : memref<32x128xi32, #tpu.memory_space<vmem>>, vector<1x16xi32>,
        %get3A_463 = vector.shape_cast %get3A_462 : vector<1x16xi32> to vector<16xi32>
        %add3A_464 = arith.constant 2 : i32
        %add3A_465 = arith.addi %mul3A_402, %add3A_464 : i32
        %get3A_466 = arith.index_cast %add3A_465 : i32 to index
        %get3A_467 = arith.constant 16 : index
        %get3A_468 = tpu.vector_load %arg8[%get3A_466, %get3A_467] {strides = array<i32>} : memref<32x128xi32, #tpu.memory_space<vmem>>, vector<1x16xi32>,
        %get3A_469 = vector.shape_cast %get3A_468 : vector<1x16xi32> to vector<16xi32>
        %add3A_470 = arith.constant 3 : i32
        %add3A_471 = arith.addi %mul3A_402, %add3A_470 : i32
        %get3A_472 = arith.index_cast %add3A_471 : i32 to index
        %get3A_473 = arith.constant 16 : index
        %get3A_474 = tpu.vector_load %arg8[%get3A_472, %get3A_473] {strides = array<i32>} : memref<32x128xi32, #tpu.memory_space<vmem>>, vector<1x16xi32>,
        %get3A_475 = vector.shape_cast %get3A_474 : vector<1x16xi32> to vector<16xi32>
        %shift_left3A_476 = arith.constant 16 : i32
        %shift_left3A_477 = vector.broadcast %shift_left3A_476 : i32 to vector<16xi32>
        %shift_left3A_478 = arith.shli %get3A_457, %shift_left3A_477 : vector<16xi32>
        %bitcast_convert_type3A_479 = tpu.bitcast %shift_left3A_478 : vector<16xi32> -> vector<16xf32>
        %shift_left3A_480 = arith.constant 16 : i32
        %shift_left3A_481 = vector.broadcast %shift_left3A_480 : i32 to vector<16xi32>
        %shift_left3A_482 = arith.shli %get3A_463, %shift_left3A_481 : vector<16xi32>
        %bitcast_convert_type3A_483 = tpu.bitcast %shift_left3A_482 : vector<16xi32> -> vector<16xf32>
        %shift_left3A_484 = arith.constant 16 : i32
        %shift_left3A_485 = vector.broadcast %shift_left3A_484 : i32 to vector<16xi32>
        %shift_left3A_486 = arith.shli %get3A_469, %shift_left3A_485 : vector<16xi32>
        %bitcast_convert_type3A_487 = tpu.bitcast %shift_left3A_486 : vector<16xi32> -> vector<16xf32>
        %shift_left3A_488 = arith.constant 16 : i32
        %shift_left3A_489 = vector.broadcast %shift_left3A_488 : i32 to vector<16xi32>
        %shift_left3A_490 = arith.shli %get3A_475, %shift_left3A_489 : vector<16xi32>
        %bitcast_convert_type3A_491 = tpu.bitcast %shift_left3A_490 : vector<16xi32> -> vector<16xf32>
        %bitcast_convert_type3A_492 = tpu.bitcast %get3A_457 : vector<16xi32> -> vector<16xf32>
        %bitcast_convert_type3A_493 = tpu.bitcast %get3A_463 : vector<16xi32> -> vector<16xf32>
        %bitcast_convert_type3A_494 = tpu.bitcast %get3A_469 : vector<16xi32> -> vector<16xf32>
        %bitcast_convert_type3A_495 = tpu.bitcast %get3A_475 : vector<16xi32> -> vector<16xf32>
        %add3A_496 = arith.addf %bitcast_convert_type3A_479, %bitcast_convert_type3A_483 : vector<16xf32>
        %add3A_497 = arith.addf %bitcast_convert_type3A_487, %bitcast_convert_type3A_491 : vector<16xf32>
        %add3A_498 = arith.addf %add3A_496, %add3A_497 : vector<16xf32>
        %add3A_499 = arith.addf %scan3A_386, %add3A_498 : vector<16xf32>
        %add3A_500 = arith.addf %bitcast_convert_type3A_492, %bitcast_convert_type3A_493 : vector<16xf32>
        %add3A_501 = arith.addf %bitcast_convert_type3A_494, %bitcast_convert_type3A_495 : vector<16xf32>
        %add3A_502 = arith.addf %add3A_500, %add3A_501 : vector<16xf32>
        %add3A_503 = arith.addf %scan3A_394, %add3A_502 : vector<16xf32>
        %add3A_504 = arith.constant 0 : i32
        %add3A_505 = arith.addi %mul3A_402, %add3A_504 : i32
        %get3A_506 = arith.index_cast %add3A_505 : i32 to index
        %get3A_507 = arith.constant 32 : index
        %get3A_508 = tpu.vector_load %arg8[%get3A_506, %get3A_507] {strides = array<i32>} : memref<32x128xi32, #tpu.memory_space<vmem>>, vector<1x16xi32>,
        %get3A_509 = vector.shape_cast %get3A_508 : vector<1x16xi32> to vector<16xi32>
        %add3A_510 = arith.constant 1 : i32
        %add3A_511 = arith.addi %mul3A_402, %add3A_510 : i32
        %get3A_512 = arith.index_cast %add3A_511 : i32 to index
        %get3A_513 = arith.constant 32 : index
        %get3A_514 = tpu.vector_load %arg8[%get3A_512, %get3A_513] {strides = array<i32>} : memref<32x128xi32, #tpu.memory_space<vmem>>, vector<1x16xi32>,
        %get3A_515 = vector.shape_cast %get3A_514 : vector<1x16xi32> to vector<16xi32>
        %add3A_516 = arith.constant 2 : i32
        %add3A_517 = arith.addi %mul3A_402, %add3A_516 : i32
        %get3A_518 = arith.index_cast %add3A_517 : i32 to index
        %get3A_519 = arith.constant 32 : index
        %get3A_520 = tpu.vector_load %arg8[%get3A_518, %get3A_519] {strides = array<i32>} : memref<32x128xi32, #tpu.memory_space<vmem>>, vector<1x16xi32>,
        %get3A_521 = vector.shape_cast %get3A_520 : vector<1x16xi32> to vector<16xi32>
        %add3A_522 = arith.constant 3 : i32
        %add3A_523 = arith.addi %mul3A_402, %add3A_522 : i32
        %get3A_524 = arith.index_cast %add3A_523 : i32 to index
        %get3A_525 = arith.constant 32 : index
        %get3A_526 = tpu.vector_load %arg8[%get3A_524, %get3A_525] {strides = array<i32>} : memref<32x128xi32, #tpu.memory_space<vmem>>, vector<1x16xi32>,
        %get3A_527 = vector.shape_cast %get3A_526 : vector<1x16xi32> to vector<16xi32>
        %shift_left3A_528 = arith.constant 16 : i32
        %shift_left3A_529 = vector.broadcast %shift_left3A_528 : i32 to vector<16xi32>
        %shift_left3A_530 = arith.shli %get3A_509, %shift_left3A_529 : vector<16xi32>
        %bitcast_convert_type3A_531 = tpu.bitcast %shift_left3A_530 : vector<16xi32> -> vector<16xf32>
        %shift_left3A_532 = arith.constant 16 : i32
        %shift_left3A_533 = vector.broadcast %shift_left3A_532 : i32 to vector<16xi32>
        %shift_left3A_534 = arith.shli %get3A_515, %shift_left3A_533 : vector<16xi32>
        %bitcast_convert_type3A_535 = tpu.bitcast %shift_left3A_534 : vector<16xi32> -> vector<16xf32>
        %shift_left3A_536 = arith.constant 16 : i32
        %shift_left3A_537 = vector.broadcast %shift_left3A_536 : i32 to vector<16xi32>
        %shift_left3A_538 = arith.shli %get3A_521, %shift_left3A_537 : vector<16xi32>
        %bitcast_convert_type3A_539 = tpu.bitcast %shift_left3A_538 : vector<16xi32> -> vector<16xf32>
        %shift_left3A_540 = arith.constant 16 : i32
        %shift_left3A_541 = vector.broadcast %shift_left3A_540 : i32 to vector<16xi32>
        %shift_left3A_542 = arith.shli %get3A_527, %shift_left3A_541 : vector<16xi32>
        %bitcast_convert_type3A_543 = tpu.bitcast %shift_left3A_542 : vector<16xi32> -> vector<16xf32>
        %bitcast_convert_type3A_544 = tpu.bitcast %get3A_509 : vector<16xi32> -> vector<16xf32>
        %bitcast_convert_type3A_545 = tpu.bitcast %get3A_515 : vector<16xi32> -> vector<16xf32>
        %bitcast_convert_type3A_546 = tpu.bitcast %get3A_521 : vector<16xi32> -> vector<16xf32>
        %bitcast_convert_type3A_547 = tpu.bitcast %get3A_527 : vector<16xi32> -> vector<16xf32>
        %add3A_548 = arith.addf %bitcast_convert_type3A_531, %bitcast_convert_type3A_535 : vector<16xf32>
        %add3A_549 = arith.addf %bitcast_convert_type3A_539, %bitcast_convert_type3A_543 : vector<16xf32>
        %add3A_550 = arith.addf %add3A_548, %add3A_549 : vector<16xf32>
        %add3A_551 = arith.addf %scan3A_387, %add3A_550 : vector<16xf32>
        %add3A_552 = arith.addf %bitcast_convert_type3A_544, %bitcast_convert_type3A_545 : vector<16xf32>
        %add3A_553 = arith.addf %bitcast_convert_type3A_546, %bitcast_convert_type3A_547 : vector<16xf32>
        %add3A_554 = arith.addf %add3A_552, %add3A_553 : vector<16xf32>
        %add3A_555 = arith.addf %scan3A_395, %add3A_554 : vector<16xf32>
        %add3A_556 = arith.constant 0 : i32
        %add3A_557 = arith.addi %mul3A_402, %add3A_556 : i32
        %get3A_558 = arith.index_cast %add3A_557 : i32 to index
        %get3A_559 = arith.constant 48 : index
        %get3A_560 = tpu.vector_load %arg8[%get3A_558, %get3A_559] {strides = array<i32>} : memref<32x128xi32, #tpu.memory_space<vmem>>, vector<1x16xi32>,
        %get3A_561 = vector.shape_cast %get3A_560 : vector<1x16xi32> to vector<16xi32>
        %add3A_562 = arith.constant 1 : i32
        %add3A_563 = arith.addi %mul3A_402, %add3A_562 : i32
        %get3A_564 = arith.index_cast %add3A_563 : i32 to index
        %get3A_565 = arith.constant 48 : index
        %get3A_566 = tpu.vector_load %arg8[%get3A_564, %get3A_565] {strides = array<i32>} : memref<32x128xi32, #tpu.memory_space<vmem>>, vector<1x16xi32>,
        %get3A_567 = vector.shape_cast %get3A_566 : vector<1x16xi32> to vector<16xi32>
        %add3A_568 = arith.constant 2 : i32
        %add3A_569 = arith.addi %mul3A_402, %add3A_568 : i32
        %get3A_570 = arith.index_cast %add3A_569 : i32 to index
        %get3A_571 = arith.constant 48 : index
        %get3A_572 = tpu.vector_load %arg8[%get3A_570, %get3A_571] {strides = array<i32>} : memref<32x128xi32, #tpu.memory_space<vmem>>, vector<1x16xi32>,
        %get3A_573 = vector.shape_cast %get3A_572 : vector<1x16xi32> to vector<16xi32>
        %add3A_574 = arith.constant 3 : i32
        %add3A_575 = arith.addi %mul3A_402, %add3A_574 : i32
        %get3A_576 = arith.index_cast %add3A_575 : i32 to index
        %get3A_577 = arith.constant 48 : index
        %get3A_578 = tpu.vector_load %arg8[%get3A_576, %get3A_577] {strides = array<i32>} : memref<32x128xi32, #tpu.memory_space<vmem>>, vector<1x16xi32>,
        %get3A_579 = vector.shape_cast %get3A_578 : vector<1x16xi32> to vector<16xi32>
        %shift_left3A_580 = arith.constant 16 : i32
        %shift_left3A_581 = vector.broadcast %shift_left3A_580 : i32 to vector<16xi32>
        %shift_left3A_582 = arith.shli %get3A_561, %shift_left3A_581 : vector<16xi32>
        %bitcast_convert_type3A_583 = tpu.bitcast %shift_left3A_582 : vector<16xi32> -> vector<16xf32>
        %shift_left3A_584 = arith.constant 16 : i32
        %shift_left3A_585 = vector.broadcast %shift_left3A_584 : i32 to vector<16xi32>
        %shift_left3A_586 = arith.shli %get3A_567, %shift_left3A_585 : vector<16xi32>
        %bitcast_convert_type3A_587 = tpu.bitcast %shift_left3A_586 : vector<16xi32> -> vector<16xf32>
        %shift_left3A_588 = arith.constant 16 : i32
        %shift_left3A_589 = vector.broadcast %shift_left3A_588 : i32 to vector<16xi32>
        %shift_left3A_590 = arith.shli %get3A_573, %shift_left3A_589 : vector<16xi32>
        %bitcast_convert_type3A_591 = tpu.bitcast %shift_left3A_590 : vector<16xi32> -> vector<16xf32>
        %shift_left3A_592 = arith.constant 16 : i32
        %shift_left3A_593 = vector.broadcast %shift_left3A_592 : i32 to vector<16xi32>
        %shift_left3A_594 = arith.shli %get3A_579, %shift_left3A_593 : vector<16xi32>
        %bitcast_convert_type3A_595 = tpu.bitcast %shift_left3A_594 : vector<16xi32> -> vector<16xf32>
        %bitcast_convert_type3A_596 = tpu.bitcast %get3A_561 : vector<16xi32> -> vector<16xf32>
        %bitcast_convert_type3A_597 = tpu.bitcast %get3A_567 : vector<16xi32> -> vector<16xf32>
        %bitcast_convert_type3A_598 = tpu.bitcast %get3A_573 : vector<16xi32> -> vector<16xf32>
        %bitcast_convert_type3A_599 = tpu.bitcast %get3A_579 : vector<16xi32> -> vector<16xf32>
        %add3A_600 = arith.addf %bitcast_convert_type3A_583, %bitcast_convert_type3A_587 : vector<16xf32>
        %add3A_601 = arith.addf %bitcast_convert_type3A_591, %bitcast_convert_type3A_595 : vector<16xf32>
        %add3A_602 = arith.addf %add3A_600, %add3A_601 : vector<16xf32>
        %add3A_603 = arith.addf %scan3A_388, %add3A_602 : vector<16xf32>
        %add3A_604 = arith.addf %bitcast_convert_type3A_596, %bitcast_convert_type3A_597 : vector<16xf32>
        %add3A_605 = arith.addf %bitcast_convert_type3A_598, %bitcast_convert_type3A_599 : vector<16xf32>
        %add3A_606 = arith.addf %add3A_604, %add3A_605 : vector<16xf32>
        %add3A_607 = arith.addf %scan3A_396, %add3A_606 : vector<16xf32>
        %add3A_608 = arith.constant 0 : i32
        %add3A_609 = arith.addi %mul3A_402, %add3A_608 : i32
        %get3A_610 = arith.index_cast %add3A_609 : i32 to index
        %get3A_611 = arith.constant 64 : index
        %get3A_612 = tpu.vector_load %arg8[%get3A_610, %get3A_611] {strides = array<i32>} : memref<32x128xi32, #tpu.memory_space<vmem>>, vector<1x16xi32>,
        %get3A_613 = vector.shape_cast %get3A_612 : vector<1x16xi32> to vector<16xi32>
        %add3A_614 = arith.constant 1 : i32
        %add3A_615 = arith.addi %mul3A_402, %add3A_614 : i32
        %get3A_616 = arith.index_cast %add3A_615 : i32 to index
        %get3A_617 = arith.constant 64 : index
        %get3A_618 = tpu.vector_load %arg8[%get3A_616, %get3A_617] {strides = array<i32>} : memref<32x128xi32, #tpu.memory_space<vmem>>, vector<1x16xi32>,
        %get3A_619 = vector.shape_cast %get3A_618 : vector<1x16xi32> to vector<16xi32>
        %add3A_620 = arith.constant 2 : i32
        %add3A_621 = arith.addi %mul3A_402, %add3A_620 : i32
        %get3A_622 = arith.index_cast %add3A_621 : i32 to index
        %get3A_623 = arith.constant 64 : index
        %get3A_624 = tpu.vector_load %arg8[%get3A_622, %get3A_623] {strides = array<i32>} : memref<32x128xi32, #tpu.memory_space<vmem>>, vector<1x16xi32>,
        %get3A_625 = vector.shape_cast %get3A_624 : vector<1x16xi32> to vector<16xi32>
        %add3A_626 = arith.constant 3 : i32
        %add3A_627 = arith.addi %mul3A_402, %add3A_626 : i32
        %get3A_628 = arith.index_cast %add3A_627 : i32 to index
        %get3A_629 = arith.constant 64 : index
        %get3A_630 = tpu.vector_load %arg8[%get3A_628, %get3A_629] {strides = array<i32>} : memref<32x128xi32, #tpu.memory_space<vmem>>, vector<1x16xi32>,
        %get3A_631 = vector.shape_cast %get3A_630 : vector<1x16xi32> to vector<16xi32>
        %shift_left3A_632 = arith.constant 16 : i32
        %shift_left3A_633 = vector.broadcast %shift_left3A_632 : i32 to vector<16xi32>
        %shift_left3A_634 = arith.shli %get3A_613, %shift_left3A_633 : vector<16xi32>
        %bitcast_convert_type3A_635 = tpu.bitcast %shift_left3A_634 : vector<16xi32> -> vector<16xf32>
        %shift_left3A_636 = arith.constant 16 : i32
        %shift_left3A_637 = vector.broadcast %shift_left3A_636 : i32 to vector<16xi32>
        %shift_left3A_638 = arith.shli %get3A_619, %shift_left3A_637 : vector<16xi32>
        %bitcast_convert_type3A_639 = tpu.bitcast %shift_left3A_638 : vector<16xi32> -> vector<16xf32>
        %shift_left3A_640 = arith.constant 16 : i32
        %shift_left3A_641 = vector.broadcast %shift_left3A_640 : i32 to vector<16xi32>
        %shift_left3A_642 = arith.shli %get3A_625, %shift_left3A_641 : vector<16xi32>
        %bitcast_convert_type3A_643 = tpu.bitcast %shift_left3A_642 : vector<16xi32> -> vector<16xf32>
        %shift_left3A_644 = arith.constant 16 : i32
        %shift_left3A_645 = vector.broadcast %shift_left3A_644 : i32 to vector<16xi32>
        %shift_left3A_646 = arith.shli %get3A_631, %shift_left3A_645 : vector<16xi32>
        %bitcast_convert_type3A_647 = tpu.bitcast %shift_left3A_646 : vector<16xi32> -> vector<16xf32>
        %bitcast_convert_type3A_648 = tpu.bitcast %get3A_613 : vector<16xi32> -> vector<16xf32>
        %bitcast_convert_type3A_649 = tpu.bitcast %get3A_619 : vector<16xi32> -> vector<16xf32>
        %bitcast_convert_type3A_650 = tpu.bitcast %get3A_625 : vector<16xi32> -> vector<16xf32>
        %bitcast_convert_type3A_651 = tpu.bitcast %get3A_631 : vector<16xi32> -> vector<16xf32>
        %add3A_652 = arith.addf %bitcast_convert_type3A_635, %bitcast_convert_type3A_639 : vector<16xf32>
        %add3A_653 = arith.addf %bitcast_convert_type3A_643, %bitcast_convert_type3A_647 : vector<16xf32>
        %add3A_654 = arith.addf %add3A_652, %add3A_653 : vector<16xf32>
        %add3A_655 = arith.addf %scan3A_389, %add3A_654 : vector<16xf32>
        %add3A_656 = arith.addf %bitcast_convert_type3A_648, %bitcast_convert_type3A_649 : vector<16xf32>
        %add3A_657 = arith.addf %bitcast_convert_type3A_650, %bitcast_convert_type3A_651 : vector<16xf32>
        %add3A_658 = arith.addf %add3A_656, %add3A_657 : vector<16xf32>
        %add3A_659 = arith.addf %scan3A_397, %add3A_658 : vector<16xf32>
        %add3A_660 = arith.constant 0 : i32
        %add3A_661 = arith.addi %mul3A_402, %add3A_660 : i32
        %get3A_662 = arith.index_cast %add3A_661 : i32 to index
        %get3A_663 = arith.constant 80 : index
        %get3A_664 = tpu.vector_load %arg8[%get3A_662, %get3A_663] {strides = array<i32>} : memref<32x128xi32, #tpu.memory_space<vmem>>, vector<1x16xi32>,
        %get3A_665 = vector.shape_cast %get3A_664 : vector<1x16xi32> to vector<16xi32>
        %add3A_666 = arith.constant 1 : i32
        %add3A_667 = arith.addi %mul3A_402, %add3A_666 : i32
        %get3A_668 = arith.index_cast %add3A_667 : i32 to index
        %get3A_669 = arith.constant 80 : index
        %get3A_670 = tpu.vector_load %arg8[%get3A_668, %get3A_669] {strides = array<i32>} : memref<32x128xi32, #tpu.memory_space<vmem>>, vector<1x16xi32>,
        %get3A_671 = vector.shape_cast %get3A_670 : vector<1x16xi32> to vector<16xi32>
        %add3A_672 = arith.constant 2 : i32
        %add3A_673 = arith.addi %mul3A_402, %add3A_672 : i32
        %get3A_674 = arith.index_cast %add3A_673 : i32 to index
        %get3A_675 = arith.constant 80 : index
        %get3A_676 = tpu.vector_load %arg8[%get3A_674, %get3A_675] {strides = array<i32>} : memref<32x128xi32, #tpu.memory_space<vmem>>, vector<1x16xi32>,
        %get3A_677 = vector.shape_cast %get3A_676 : vector<1x16xi32> to vector<16xi32>
        %add3A_678 = arith.constant 3 : i32
        %add3A_679 = arith.addi %mul3A_402, %add3A_678 : i32
        %get3A_680 = arith.index_cast %add3A_679 : i32 to index
        %get3A_681 = arith.constant 80 : index
        %get3A_682 = tpu.vector_load %arg8[%get3A_680, %get3A_681] {strides = array<i32>} : memref<32x128xi32, #tpu.memory_space<vmem>>, vector<1x16xi32>,
        %get3A_683 = vector.shape_cast %get3A_682 : vector<1x16xi32> to vector<16xi32>
        %shift_left3A_684 = arith.constant 16 : i32
        %shift_left3A_685 = vector.broadcast %shift_left3A_684 : i32 to vector<16xi32>
        %shift_left3A_686 = arith.shli %get3A_665, %shift_left3A_685 : vector<16xi32>
        %bitcast_convert_type3A_687 = tpu.bitcast %shift_left3A_686 : vector<16xi32> -> vector<16xf32>
        %shift_left3A_688 = arith.constant 16 : i32
        %shift_left3A_689 = vector.broadcast %shift_left3A_688 : i32 to vector<16xi32>
        %shift_left3A_690 = arith.shli %get3A_671, %shift_left3A_689 : vector<16xi32>
        %bitcast_convert_type3A_691 = tpu.bitcast %shift_left3A_690 : vector<16xi32> -> vector<16xf32>
        %shift_left3A_692 = arith.constant 16 : i32
        %shift_left3A_693 = vector.broadcast %shift_left3A_692 : i32 to vector<16xi32>
        %shift_left3A_694 = arith.shli %get3A_677, %shift_left3A_693 : vector<16xi32>
        %bitcast_convert_type3A_695 = tpu.bitcast %shift_left3A_694 : vector<16xi32> -> vector<16xf32>
        %shift_left3A_696 = arith.constant 16 : i32
        %shift_left3A_697 = vector.broadcast %shift_left3A_696 : i32 to vector<16xi32>
        %shift_left3A_698 = arith.shli %get3A_683, %shift_left3A_697 : vector<16xi32>
        %bitcast_convert_type3A_699 = tpu.bitcast %shift_left3A_698 : vector<16xi32> -> vector<16xf32>
        %bitcast_convert_type3A_700 = tpu.bitcast %get3A_665 : vector<16xi32> -> vector<16xf32>
        %bitcast_convert_type3A_701 = tpu.bitcast %get3A_671 : vector<16xi32> -> vector<16xf32>
        %bitcast_convert_type3A_702 = tpu.bitcast %get3A_677 : vector<16xi32> -> vector<16xf32>
        %bitcast_convert_type3A_703 = tpu.bitcast %get3A_683 : vector<16xi32> -> vector<16xf32>
        %add3A_704 = arith.addf %bitcast_convert_type3A_687, %bitcast_convert_type3A_691 : vector<16xf32>
        %add3A_705 = arith.addf %bitcast_convert_type3A_695, %bitcast_convert_type3A_699 : vector<16xf32>
        %add3A_706 = arith.addf %add3A_704, %add3A_705 : vector<16xf32>
        %add3A_707 = arith.addf %scan3A_390, %add3A_706 : vector<16xf32>
        %add3A_708 = arith.addf %bitcast_convert_type3A_700, %bitcast_convert_type3A_701 : vector<16xf32>
        %add3A_709 = arith.addf %bitcast_convert_type3A_702, %bitcast_convert_type3A_703 : vector<16xf32>
        %add3A_710 = arith.addf %add3A_708, %add3A_709 : vector<16xf32>
        %add3A_711 = arith.addf %scan3A_398, %add3A_710 : vector<16xf32>
        %add3A_712 = arith.constant 0 : i32
        %add3A_713 = arith.addi %mul3A_402, %add3A_712 : i32
        %get3A_714 = arith.index_cast %add3A_713 : i32 to index
        %get3A_715 = arith.constant 96 : index
        %get3A_716 = tpu.vector_load %arg8[%get3A_714, %get3A_715] {strides = array<i32>} : memref<32x128xi32, #tpu.memory_space<vmem>>, vector<1x16xi32>,
        %get3A_717 = vector.shape_cast %get3A_716 : vector<1x16xi32> to vector<16xi32>
        %add3A_718 = arith.constant 1 : i32
        %add3A_719 = arith.addi %mul3A_402, %add3A_718 : i32
        %get3A_720 = arith.index_cast %add3A_719 : i32 to index
        %get3A_721 = arith.constant 96 : index
        %get3A_722 = tpu.vector_load %arg8[%get3A_720, %get3A_721] {strides = array<i32>} : memref<32x128xi32, #tpu.memory_space<vmem>>, vector<1x16xi32>,
        %get3A_723 = vector.shape_cast %get3A_722 : vector<1x16xi32> to vector<16xi32>
        %add3A_724 = arith.constant 2 : i32
        %add3A_725 = arith.addi %mul3A_402, %add3A_724 : i32
        %get3A_726 = arith.index_cast %add3A_725 : i32 to index
        %get3A_727 = arith.constant 96 : index
        %get3A_728 = tpu.vector_load %arg8[%get3A_726, %get3A_727] {strides = array<i32>} : memref<32x128xi32, #tpu.memory_space<vmem>>, vector<1x16xi32>,
        %get3A_729 = vector.shape_cast %get3A_728 : vector<1x16xi32> to vector<16xi32>
        %add3A_730 = arith.constant 3 : i32
        %add3A_731 = arith.addi %mul3A_402, %add3A_730 : i32
        %get3A_732 = arith.index_cast %add3A_731 : i32 to index
        %get3A_733 = arith.constant 96 : index
        %get3A_734 = tpu.vector_load %arg8[%get3A_732, %get3A_733] {strides = array<i32>} : memref<32x128xi32, #tpu.memory_space<vmem>>, vector<1x16xi32>,
        %get3A_735 = vector.shape_cast %get3A_734 : vector<1x16xi32> to vector<16xi32>
        %shift_left3A_736 = arith.constant 16 : i32
        %shift_left3A_737 = vector.broadcast %shift_left3A_736 : i32 to vector<16xi32>
        %shift_left3A_738 = arith.shli %get3A_717, %shift_left3A_737 : vector<16xi32>
        %bitcast_convert_type3A_739 = tpu.bitcast %shift_left3A_738 : vector<16xi32> -> vector<16xf32>
        %shift_left3A_740 = arith.constant 16 : i32
        %shift_left3A_741 = vector.broadcast %shift_left3A_740 : i32 to vector<16xi32>
        %shift_left3A_742 = arith.shli %get3A_723, %shift_left3A_741 : vector<16xi32>
        %bitcast_convert_type3A_743 = tpu.bitcast %shift_left3A_742 : vector<16xi32> -> vector<16xf32>
        %shift_left3A_744 = arith.constant 16 : i32
        %shift_left3A_745 = vector.broadcast %shift_left3A_744 : i32 to vector<16xi32>
        %shift_left3A_746 = arith.shli %get3A_729, %shift_left3A_745 : vector<16xi32>
        %bitcast_convert_type3A_747 = tpu.bitcast %shift_left3A_746 : vector<16xi32> -> vector<16xf32>
        %shift_left3A_748 = arith.constant 16 : i32
        %shift_left3A_749 = vector.broadcast %shift_left3A_748 : i32 to vector<16xi32>
        %shift_left3A_750 = arith.shli %get3A_735, %shift_left3A_749 : vector<16xi32>
        %bitcast_convert_type3A_751 = tpu.bitcast %shift_left3A_750 : vector<16xi32> -> vector<16xf32>
        %bitcast_convert_type3A_752 = tpu.bitcast %get3A_717 : vector<16xi32> -> vector<16xf32>
        %bitcast_convert_type3A_753 = tpu.bitcast %get3A_723 : vector<16xi32> -> vector<16xf32>
        %bitcast_convert_type3A_754 = tpu.bitcast %get3A_729 : vector<16xi32> -> vector<16xf32>
        %bitcast_convert_type3A_755 = tpu.bitcast %get3A_735 : vector<16xi32> -> vector<16xf32>
        %add3A_756 = arith.addf %bitcast_convert_type3A_739, %bitcast_convert_type3A_743 : vector<16xf32>
        %add3A_757 = arith.addf %bitcast_convert_type3A_747, %bitcast_convert_type3A_751 : vector<16xf32>
        %add3A_758 = arith.addf %add3A_756, %add3A_757 : vector<16xf32>
        %add3A_759 = arith.addf %scan3A_391, %add3A_758 : vector<16xf32>
        %add3A_760 = arith.addf %bitcast_convert_type3A_752, %bitcast_convert_type3A_753 : vector<16xf32>
        %add3A_761 = arith.addf %bitcast_convert_type3A_754, %bitcast_convert_type3A_755 : vector<16xf32>
        %add3A_762 = arith.addf %add3A_760, %add3A_761 : vector<16xf32>
        %add3A_763 = arith.addf %scan3A_399, %add3A_762 : vector<16xf32>
        %add3A_764 = arith.constant 0 : i32
        %add3A_765 = arith.addi %mul3A_402, %add3A_764 : i32
        %get3A_766 = arith.index_cast %add3A_765 : i32 to index
        %get3A_767 = arith.constant 112 : index
        %get3A_768 = tpu.vector_load %arg8[%get3A_766, %get3A_767] {strides = array<i32>} : memref<32x128xi32, #tpu.memory_space<vmem>>, vector<1x16xi32>,
        %get3A_769 = vector.shape_cast %get3A_768 : vector<1x16xi32> to vector<16xi32>
        %add3A_770 = arith.constant 1 : i32
        %add3A_771 = arith.addi %mul3A_402, %add3A_770 : i32
        %get3A_772 = arith.index_cast %add3A_771 : i32 to index
        %get3A_773 = arith.constant 112 : index
        %get3A_774 = tpu.vector_load %arg8[%get3A_772, %get3A_773] {strides = array<i32>} : memref<32x128xi32, #tpu.memory_space<vmem>>, vector<1x16xi32>,
        %get3A_775 = vector.shape_cast %get3A_774 : vector<1x16xi32> to vector<16xi32>
        %add3A_776 = arith.constant 2 : i32
        %add3A_777 = arith.addi %mul3A_402, %add3A_776 : i32
        %get3A_778 = arith.index_cast %add3A_777 : i32 to index
        %get3A_779 = arith.constant 112 : index
        %get3A_780 = tpu.vector_load %arg8[%get3A_778, %get3A_779] {strides = array<i32>} : memref<32x128xi32, #tpu.memory_space<vmem>>, vector<1x16xi32>,
        %get3A_781 = vector.shape_cast %get3A_780 : vector<1x16xi32> to vector<16xi32>
        %add3A_782 = arith.constant 3 : i32
        %add3A_783 = arith.addi %mul3A_402, %add3A_782 : i32
        %get3A_784 = arith.index_cast %add3A_783 : i32 to index
        %get3A_785 = arith.constant 112 : index
        %get3A_786 = tpu.vector_load %arg8[%get3A_784, %get3A_785] {strides = array<i32>} : memref<32x128xi32, #tpu.memory_space<vmem>>, vector<1x16xi32>,
        %get3A_787 = vector.shape_cast %get3A_786 : vector<1x16xi32> to vector<16xi32>
        %shift_left3A_788 = arith.constant 16 : i32
        %shift_left3A_789 = vector.broadcast %shift_left3A_788 : i32 to vector<16xi32>
        %shift_left3A_790 = arith.shli %get3A_769, %shift_left3A_789 : vector<16xi32>
        %bitcast_convert_type3A_791 = tpu.bitcast %shift_left3A_790 : vector<16xi32> -> vector<16xf32>
        %shift_left3A_792 = arith.constant 16 : i32
        %shift_left3A_793 = vector.broadcast %shift_left3A_792 : i32 to vector<16xi32>
        %shift_left3A_794 = arith.shli %get3A_775, %shift_left3A_793 : vector<16xi32>
        %bitcast_convert_type3A_795 = tpu.bitcast %shift_left3A_794 : vector<16xi32> -> vector<16xf32>
        %shift_left3A_796 = arith.constant 16 : i32
        %shift_left3A_797 = vector.broadcast %shift_left3A_796 : i32 to vector<16xi32>
        %shift_left3A_798 = arith.shli %get3A_781, %shift_left3A_797 : vector<16xi32>
        %bitcast_convert_type3A_799 = tpu.bitcast %shift_left3A_798 : vector<16xi32> -> vector<16xf32>
        %shift_left3A_800 = arith.constant 16 : i32
        %shift_left3A_801 = vector.broadcast %shift_left3A_800 : i32 to vector<16xi32>
        %shift_left3A_802 = arith.shli %get3A_787, %shift_left3A_801 : vector<16xi32>
        %bitcast_convert_type3A_803 = tpu.bitcast %shift_left3A_802 : vector<16xi32> -> vector<16xf32>
        %bitcast_convert_type3A_804 = tpu.bitcast %get3A_769 : vector<16xi32> -> vector<16xf32>
        %bitcast_convert_type3A_805 = tpu.bitcast %get3A_775 : vector<16xi32> -> vector<16xf32>
        %bitcast_convert_type3A_806 = tpu.bitcast %get3A_781 : vector<16xi32> -> vector<16xf32>
        %bitcast_convert_type3A_807 = tpu.bitcast %get3A_787 : vector<16xi32> -> vector<16xf32>
        %add3A_808 = arith.addf %bitcast_convert_type3A_791, %bitcast_convert_type3A_795 : vector<16xf32>
        %add3A_809 = arith.addf %bitcast_convert_type3A_799, %bitcast_convert_type3A_803 : vector<16xf32>
        %add3A_810 = arith.addf %add3A_808, %add3A_809 : vector<16xf32>
        %add3A_811 = arith.addf %scan3A_392, %add3A_810 : vector<16xf32>
        %add3A_812 = arith.addf %bitcast_convert_type3A_804, %bitcast_convert_type3A_805 : vector<16xf32>
        %add3A_813 = arith.addf %bitcast_convert_type3A_806, %bitcast_convert_type3A_807 : vector<16xf32>
        %add3A_814 = arith.addf %add3A_812, %add3A_813 : vector<16xf32>
        %add3A_815 = arith.addf %scan3A_400, %add3A_814 : vector<16xf32>
        scf.yield %add3A_447, %add3A_499, %add3A_551, %add3A_603, %add3A_655, %add3A_707, %add3A_759, %add3A_811, %add3A_451, %add3A_503, %add3A_555, %add3A_607, %add3A_659, %add3A_711, %add3A_763, %add3A_815 : vector<16xf32>, vector<16xf32>, vector<16xf32>, vector<16xf32>, vector<16xf32>, vector<16xf32>, vector<16xf32>, vector<16xf32>, vector<16xf32>, vector<16xf32>, vector<16xf32>, vector<16xf32>, vector<16xf32>, vector<16xf32>, vector<16xf32>, vector<16xf32>
      }
      %scan3A_136 = arith.constant 8 : i32
      %convert_element_type3A_137 = arith.extui %lt3A_97 : i1 to i32
      %cond3A_138 = arith.constant 0 : i32
      %cond3A_139 = arith.cmpi ne, %convert_element_type3A_137, %cond3A_138 : i32
      scf.if %cond3A_139 {
        %add3A_384 = arith.constant 2 : i32
        %add3A_385 = arith.addi %mul3A_96, %add3A_384 : i32
        %dma_start3A_386 = arith.constant 64 : i32
        %dma_start3A_387 = tpu.memref_slice %arg5[%add3A_385, %dma_start3A_386] : memref<128x128xi32, #tpu.memory_space<vmem>> -> memref<1x32xi32, #tpu.memory_space<vmem>>
        %dma_start3A_388 = tpu.memref_squeeze %dma_start3A_387 : memref<1x32xi32, #tpu.memory_space<vmem>> -> memref<32xi32, #tpu.memory_space<vmem>>
        %dma_start3A_389 = arith.constant 0 : i32
        %dma_start3A_390 = arith.constant 0 : i32
        %dma_start3A_391 = tpu.memref_slice %arg3[%dma_start3A_389, %dma_start3A_390] : memref<100000x128xi32, #tpu.memory_space<hbm>> -> memref<100000x128xi32, #tpu.memory_space<hbm>>
        tpu.enqueue_indirect_dma source(%dma_start3A_391 : memref<100000x128xi32, #tpu.memory_space<hbm>>) target(%arg8 : memref<32x128xi32, #tpu.memory_space<vmem>>) offsets(%dma_start3A_388 : memref<32xi32, #tpu.memory_space<vmem>>) semaphore(%arg17 : memref<!tpu.dma_semaphore, #tpu.memory_space<semaphore_mem>>)
      } else {
      }
      %dma_wait3A_140 = arith.constant 96 : i32
      %dma_wait3A_141 = tpu.memref_slice %arg5[%mul3A_96, %dma_wait3A_140] : memref<128x128xi32, #tpu.memory_space<vmem>> -> memref<1x32xi32, #tpu.memory_space<vmem>>
      %dma_wait3A_142 = tpu.memref_squeeze %dma_wait3A_141 : memref<1x32xi32, #tpu.memory_space<vmem>> -> memref<32xi32, #tpu.memory_space<vmem>>
      %dma_wait3A_143 = arith.constant 0 : i32
      %dma_wait3A_144 = arith.constant 0 : i32
      %dma_wait3A_145 = tpu.memref_slice %arg3[%dma_wait3A_143, %dma_wait3A_144] : memref<100000x128xi32, #tpu.memory_space<hbm>> -> memref<100000x128xi32, #tpu.memory_space<hbm>>
      tpu.wait_indirect_dma semaphore(%arg18 : memref<!tpu.dma_semaphore, #tpu.memory_space<semaphore_mem>>) src(%dma_wait3A_145 : memref<100000x128xi32, #tpu.memory_space<hbm>>) dst(%arg9 : memref<32x128xi32, #tpu.memory_space<vmem>>)
      %scan3A_146 = arith.constant 0 : i32
      %scan3A_147 = arith.constant 8 : i32
      %scan3A_148 = arith.addi %scan3A_146, %scan3A_147 : i32
      %scan3A_149 = arith.constant 1 : i32
      %scan3A_150:16 = scf.for %scan3A_384 = %scan3A_146 to %scan3A_148 step %scan3A_149 iter_args(%scan3A_385 = %scan3A_135#0, %scan3A_386 = %scan3A_135#1, %scan3A_387 = %scan3A_135#2, %scan3A_388 = %scan3A_135#3, %scan3A_389 = %scan3A_135#4, %scan3A_390 = %scan3A_135#5, %scan3A_391 = %scan3A_135#6, %scan3A_392 = %scan3A_135#7, %scan3A_393 = %scan3A_135#8, %scan3A_394 = %scan3A_135#9, %scan3A_395 = %scan3A_135#10, %scan3A_396 = %scan3A_135#11, %scan3A_397 = %scan3A_135#12, %scan3A_398 = %scan3A_135#13, %scan3A_399 = %scan3A_135#14, %scan3A_400 = %scan3A_135#15) -> (vector<16xf32>, vector<16xf32>, vector<16xf32>, vector<16xf32>, vector<16xf32>, vector<16xf32>, vector<16xf32>, vector<16xf32>, vector<16xf32>, vector<16xf32>, vector<16xf32>, vector<16xf32>, vector<16xf32>, vector<16xf32>, vector<16xf32>, vector<16xf32>)  : i32 {
        %mul3A_401 = arith.constant 4 : i32
        %mul3A_402 = arith.muli %mul3A_401, %scan3A_384 : i32
        %add3A_403 = arith.constant 0 : i32
        %add3A_404 = arith.addi %mul3A_402, %add3A_403 : i32
        %get3A = arith.index_cast %add3A_404 : i32 to index
        %get3A_405 = arith.constant 0 : index
        %get3A_406 = tpu.vector_load %arg9[%get3A, %get3A_405] {strides = array<i32>} : memref<32x128xi32, #tpu.memory_space<vmem>>, vector<1x16xi32>,
        %get3A_407 = vector.shape_cast %get3A_406 : vector<1x16xi32> to vector<16xi32>
        %add3A_408 = arith.constant 1 : i32
        %add3A_409 = arith.addi %mul3A_402, %add3A_408 : i32
        %get3A_410 = arith.index_cast %add3A_409 : i32 to index
        %get3A_411 = arith.constant 0 : index
        %get3A_412 = tpu.vector_load %arg9[%get3A_410, %get3A_411] {strides = array<i32>} : memref<32x128xi32, #tpu.memory_space<vmem>>, vector<1x16xi32>,
        %get3A_413 = vector.shape_cast %get3A_412 : vector<1x16xi32> to vector<16xi32>
        %add3A_414 = arith.constant 2 : i32
        %add3A_415 = arith.addi %mul3A_402, %add3A_414 : i32
        %get3A_416 = arith.index_cast %add3A_415 : i32 to index
        %get3A_417 = arith.constant 0 : index
        %get3A_418 = tpu.vector_load %arg9[%get3A_416, %get3A_417] {strides = array<i32>} : memref<32x128xi32, #tpu.memory_space<vmem>>, vector<1x16xi32>,
        %get3A_419 = vector.shape_cast %get3A_418 : vector<1x16xi32> to vector<16xi32>
        %add3A_420 = arith.constant 3 : i32
        %add3A_421 = arith.addi %mul3A_402, %add3A_420 : i32
        %get3A_422 = arith.index_cast %add3A_421 : i32 to index
        %get3A_423 = arith.constant 0 : index
        %get3A_424 = tpu.vector_load %arg9[%get3A_422, %get3A_423] {strides = array<i32>} : memref<32x128xi32, #tpu.memory_space<vmem>>, vector<1x16xi32>,
        %get3A_425 = vector.shape_cast %get3A_424 : vector<1x16xi32> to vector<16xi32>
        %shift_left3A = arith.constant 16 : i32
        %shift_left3A_426 = vector.broadcast %shift_left3A : i32 to vector<16xi32>
        %shift_left3A_427 = arith.shli %get3A_407, %shift_left3A_426 : vector<16xi32>
        %bitcast_convert_type3A = tpu.bitcast %shift_left3A_427 : vector<16xi32> -> vector<16xf32>
        %shift_left3A_428 = arith.constant 16 : i32
        %shift_left3A_429 = vector.broadcast %shift_left3A_428 : i32 to vector<16xi32>
        %shift_left3A_430 = arith.shli %get3A_413, %shift_left3A_429 : vector<16xi32>
        %bitcast_convert_type3A_431 = tpu.bitcast %shift_left3A_430 : vector<16xi32> -> vector<16xf32>
        %shift_left3A_432 = arith.constant 16 : i32
        %shift_left3A_433 = vector.broadcast %shift_left3A_432 : i32 to vector<16xi32>
        %shift_left3A_434 = arith.shli %get3A_419, %shift_left3A_433 : vector<16xi32>
        %bitcast_convert_type3A_435 = tpu.bitcast %shift_left3A_434 : vector<16xi32> -> vector<16xf32>
        %shift_left3A_436 = arith.constant 16 : i32
        %shift_left3A_437 = vector.broadcast %shift_left3A_436 : i32 to vector<16xi32>
        %shift_left3A_438 = arith.shli %get3A_425, %shift_left3A_437 : vector<16xi32>
        %bitcast_convert_type3A_439 = tpu.bitcast %shift_left3A_438 : vector<16xi32> -> vector<16xf32>
        %bitcast_convert_type3A_440 = tpu.bitcast %get3A_407 : vector<16xi32> -> vector<16xf32>
        %bitcast_convert_type3A_441 = tpu.bitcast %get3A_413 : vector<16xi32> -> vector<16xf32>
        %bitcast_convert_type3A_442 = tpu.bitcast %get3A_419 : vector<16xi32> -> vector<16xf32>
        %bitcast_convert_type3A_443 = tpu.bitcast %get3A_425 : vector<16xi32> -> vector<16xf32>
        %add3A_444 = arith.addf %bitcast_convert_type3A, %bitcast_convert_type3A_431 : vector<16xf32>
        %add3A_445 = arith.addf %bitcast_convert_type3A_435, %bitcast_convert_type3A_439 : vector<16xf32>
        %add3A_446 = arith.addf %add3A_444, %add3A_445 : vector<16xf32>
        %add3A_447 = arith.addf %scan3A_385, %add3A_446 : vector<16xf32>
        %add3A_448 = arith.addf %bitcast_convert_type3A_440, %bitcast_convert_type3A_441 : vector<16xf32>
        %add3A_449 = arith.addf %bitcast_convert_type3A_442, %bitcast_convert_type3A_443 : vector<16xf32>
        %add3A_450 = arith.addf %add3A_448, %add3A_449 : vector<16xf32>
        %add3A_451 = arith.addf %scan3A_393, %add3A_450 : vector<16xf32>
        %add3A_452 = arith.constant 0 : i32
        %add3A_453 = arith.addi %mul3A_402, %add3A_452 : i32
        %get3A_454 = arith.index_cast %add3A_453 : i32 to index
        %get3A_455 = arith.constant 16 : index
        %get3A_456 = tpu.vector_load %arg9[%get3A_454, %get3A_455] {strides = array<i32>} : memref<32x128xi32, #tpu.memory_space<vmem>>, vector<1x16xi32>,
        %get3A_457 = vector.shape_cast %get3A_456 : vector<1x16xi32> to vector<16xi32>
        %add3A_458 = arith.constant 1 : i32
        %add3A_459 = arith.addi %mul3A_402, %add3A_458 : i32
        %get3A_460 = arith.index_cast %add3A_459 : i32 to index
        %get3A_461 = arith.constant 16 : index
        %get3A_462 = tpu.vector_load %arg9[%get3A_460, %get3A_461] {strides = array<i32>} : memref<32x128xi32, #tpu.memory_space<vmem>>, vector<1x16xi32>,
        %get3A_463 = vector.shape_cast %get3A_462 : vector<1x16xi32> to vector<16xi32>
        %add3A_464 = arith.constant 2 : i32
        %add3A_465 = arith.addi %mul3A_402, %add3A_464 : i32
        %get3A_466 = arith.index_cast %add3A_465 : i32 to index
        %get3A_467 = arith.constant 16 : index
        %get3A_468 = tpu.vector_load %arg9[%get3A_466, %get3A_467] {strides = array<i32>} : memref<32x128xi32, #tpu.memory_space<vmem>>, vector<1x16xi32>,
        %get3A_469 = vector.shape_cast %get3A_468 : vector<1x16xi32> to vector<16xi32>
        %add3A_470 = arith.constant 3 : i32
        %add3A_471 = arith.addi %mul3A_402, %add3A_470 : i32
        %get3A_472 = arith.index_cast %add3A_471 : i32 to index
        %get3A_473 = arith.constant 16 : index
        %get3A_474 = tpu.vector_load %arg9[%get3A_472, %get3A_473] {strides = array<i32>} : memref<32x128xi32, #tpu.memory_space<vmem>>, vector<1x16xi32>,
        %get3A_475 = vector.shape_cast %get3A_474 : vector<1x16xi32> to vector<16xi32>
        %shift_left3A_476 = arith.constant 16 : i32
        %shift_left3A_477 = vector.broadcast %shift_left3A_476 : i32 to vector<16xi32>
        %shift_left3A_478 = arith.shli %get3A_457, %shift_left3A_477 : vector<16xi32>
        %bitcast_convert_type3A_479 = tpu.bitcast %shift_left3A_478 : vector<16xi32> -> vector<16xf32>
        %shift_left3A_480 = arith.constant 16 : i32
        %shift_left3A_481 = vector.broadcast %shift_left3A_480 : i32 to vector<16xi32>
        %shift_left3A_482 = arith.shli %get3A_463, %shift_left3A_481 : vector<16xi32>
        %bitcast_convert_type3A_483 = tpu.bitcast %shift_left3A_482 : vector<16xi32> -> vector<16xf32>
        %shift_left3A_484 = arith.constant 16 : i32
        %shift_left3A_485 = vector.broadcast %shift_left3A_484 : i32 to vector<16xi32>
        %shift_left3A_486 = arith.shli %get3A_469, %shift_left3A_485 : vector<16xi32>
        %bitcast_convert_type3A_487 = tpu.bitcast %shift_left3A_486 : vector<16xi32> -> vector<16xf32>
        %shift_left3A_488 = arith.constant 16 : i32
        %shift_left3A_489 = vector.broadcast %shift_left3A_488 : i32 to vector<16xi32>
        %shift_left3A_490 = arith.shli %get3A_475, %shift_left3A_489 : vector<16xi32>
        %bitcast_convert_type3A_491 = tpu.bitcast %shift_left3A_490 : vector<16xi32> -> vector<16xf32>
        %bitcast_convert_type3A_492 = tpu.bitcast %get3A_457 : vector<16xi32> -> vector<16xf32>
        %bitcast_convert_type3A_493 = tpu.bitcast %get3A_463 : vector<16xi32> -> vector<16xf32>
        %bitcast_convert_type3A_494 = tpu.bitcast %get3A_469 : vector<16xi32> -> vector<16xf32>
        %bitcast_convert_type3A_495 = tpu.bitcast %get3A_475 : vector<16xi32> -> vector<16xf32>
        %add3A_496 = arith.addf %bitcast_convert_type3A_479, %bitcast_convert_type3A_483 : vector<16xf32>
        %add3A_497 = arith.addf %bitcast_convert_type3A_487, %bitcast_convert_type3A_491 : vector<16xf32>
        %add3A_498 = arith.addf %add3A_496, %add3A_497 : vector<16xf32>
        %add3A_499 = arith.addf %scan3A_386, %add3A_498 : vector<16xf32>
        %add3A_500 = arith.addf %bitcast_convert_type3A_492, %bitcast_convert_type3A_493 : vector<16xf32>
        %add3A_501 = arith.addf %bitcast_convert_type3A_494, %bitcast_convert_type3A_495 : vector<16xf32>
        %add3A_502 = arith.addf %add3A_500, %add3A_501 : vector<16xf32>
        %add3A_503 = arith.addf %scan3A_394, %add3A_502 : vector<16xf32>
        %add3A_504 = arith.constant 0 : i32
        %add3A_505 = arith.addi %mul3A_402, %add3A_504 : i32
        %get3A_506 = arith.index_cast %add3A_505 : i32 to index
        %get3A_507 = arith.constant 32 : index
        %get3A_508 = tpu.vector_load %arg9[%get3A_506, %get3A_507] {strides = array<i32>} : memref<32x128xi32, #tpu.memory_space<vmem>>, vector<1x16xi32>,
        %get3A_509 = vector.shape_cast %get3A_508 : vector<1x16xi32> to vector<16xi32>
        %add3A_510 = arith.constant 1 : i32
        %add3A_511 = arith.addi %mul3A_402, %add3A_510 : i32
        %get3A_512 = arith.index_cast %add3A_511 : i32 to index
        %get3A_513 = arith.constant 32 : index
        %get3A_514 = tpu.vector_load %arg9[%get3A_512, %get3A_513] {strides = array<i32>} : memref<32x128xi32, #tpu.memory_space<vmem>>, vector<1x16xi32>,
        %get3A_515 = vector.shape_cast %get3A_514 : vector<1x16xi32> to vector<16xi32>
        %add3A_516 = arith.constant 2 : i32
        %add3A_517 = arith.addi %mul3A_402, %add3A_516 : i32
        %get3A_518 = arith.index_cast %add3A_517 : i32 to index
        %get3A_519 = arith.constant 32 : index
        %get3A_520 = tpu.vector_load %arg9[%get3A_518, %get3A_519] {strides = array<i32>} : memref<32x128xi32, #tpu.memory_space<vmem>>, vector<1x16xi32>,
        %get3A_521 = vector.shape_cast %get3A_520 : vector<1x16xi32> to vector<16xi32>
        %add3A_522 = arith.constant 3 : i32
        %add3A_523 = arith.addi %mul3A_402, %add3A_522 : i32
        %get3A_524 = arith.index_cast %add3A_523 : i32 to index
        %get3A_525 = arith.constant 32 : index
        %get3A_526 = tpu.vector_load %arg9[%get3A_524, %get3A_525] {strides = array<i32>} : memref<32x128xi32, #tpu.memory_space<vmem>>, vector<1x16xi32>,
        %get3A_527 = vector.shape_cast %get3A_526 : vector<1x16xi32> to vector<16xi32>
        %shift_left3A_528 = arith.constant 16 : i32
        %shift_left3A_529 = vector.broadcast %shift_left3A_528 : i32 to vector<16xi32>
        %shift_left3A_530 = arith.shli %get3A_509, %shift_left3A_529 : vector<16xi32>
        %bitcast_convert_type3A_531 = tpu.bitcast %shift_left3A_530 : vector<16xi32> -> vector<16xf32>
        %shift_left3A_532 = arith.constant 16 : i32
        %shift_left3A_533 = vector.broadcast %shift_left3A_532 : i32 to vector<16xi32>
        %shift_left3A_534 = arith.shli %get3A_515, %shift_left3A_533 : vector<16xi32>
        %bitcast_convert_type3A_535 = tpu.bitcast %shift_left3A_534 : vector<16xi32> -> vector<16xf32>
        %shift_left3A_536 = arith.constant 16 : i32
        %shift_left3A_537 = vector.broadcast %shift_left3A_536 : i32 to vector<16xi32>
        %shift_left3A_538 = arith.shli %get3A_521, %shift_left3A_537 : vector<16xi32>
        %bitcast_convert_type3A_539 = tpu.bitcast %shift_left3A_538 : vector<16xi32> -> vector<16xf32>
        %shift_left3A_540 = arith.constant 16 : i32
        %shift_left3A_541 = vector.broadcast %shift_left3A_540 : i32 to vector<16xi32>
        %shift_left3A_542 = arith.shli %get3A_527, %shift_left3A_541 : vector<16xi32>
        %bitcast_convert_type3A_543 = tpu.bitcast %shift_left3A_542 : vector<16xi32> -> vector<16xf32>
        %bitcast_convert_type3A_544 = tpu.bitcast %get3A_509 : vector<16xi32> -> vector<16xf32>
        %bitcast_convert_type3A_545 = tpu.bitcast %get3A_515 : vector<16xi32> -> vector<16xf32>
        %bitcast_convert_type3A_546 = tpu.bitcast %get3A_521 : vector<16xi32> -> vector<16xf32>
        %bitcast_convert_type3A_547 = tpu.bitcast %get3A_527 : vector<16xi32> -> vector<16xf32>
        %add3A_548 = arith.addf %bitcast_convert_type3A_531, %bitcast_convert_type3A_535 : vector<16xf32>
        %add3A_549 = arith.addf %bitcast_convert_type3A_539, %bitcast_convert_type3A_543 : vector<16xf32>
        %add3A_550 = arith.addf %add3A_548, %add3A_549 : vector<16xf32>
        %add3A_551 = arith.addf %scan3A_387, %add3A_550 : vector<16xf32>
        %add3A_552 = arith.addf %bitcast_convert_type3A_544, %bitcast_convert_type3A_545 : vector<16xf32>
        %add3A_553 = arith.addf %bitcast_convert_type3A_546, %bitcast_convert_type3A_547 : vector<16xf32>
        %add3A_554 = arith.addf %add3A_552, %add3A_553 : vector<16xf32>
        %add3A_555 = arith.addf %scan3A_395, %add3A_554 : vector<16xf32>
        %add3A_556 = arith.constant 0 : i32
        %add3A_557 = arith.addi %mul3A_402, %add3A_556 : i32
        %get3A_558 = arith.index_cast %add3A_557 : i32 to index
        %get3A_559 = arith.constant 48 : index
        %get3A_560 = tpu.vector_load %arg9[%get3A_558, %get3A_559] {strides = array<i32>} : memref<32x128xi32, #tpu.memory_space<vmem>>, vector<1x16xi32>,
        %get3A_561 = vector.shape_cast %get3A_560 : vector<1x16xi32> to vector<16xi32>
        %add3A_562 = arith.constant 1 : i32
        %add3A_563 = arith.addi %mul3A_402, %add3A_562 : i32
        %get3A_564 = arith.index_cast %add3A_563 : i32 to index
        %get3A_565 = arith.constant 48 : index
        %get3A_566 = tpu.vector_load %arg9[%get3A_564, %get3A_565] {strides = array<i32>} : memref<32x128xi32, #tpu.memory_space<vmem>>, vector<1x16xi32>,
        %get3A_567 = vector.shape_cast %get3A_566 : vector<1x16xi32> to vector<16xi32>
        %add3A_568 = arith.constant 2 : i32
        %add3A_569 = arith.addi %mul3A_402, %add3A_568 : i32
        %get3A_570 = arith.index_cast %add3A_569 : i32 to index
        %get3A_571 = arith.constant 48 : index
        %get3A_572 = tpu.vector_load %arg9[%get3A_570, %get3A_571] {strides = array<i32>} : memref<32x128xi32, #tpu.memory_space<vmem>>, vector<1x16xi32>,
        %get3A_573 = vector.shape_cast %get3A_572 : vector<1x16xi32> to vector<16xi32>
        %add3A_574 = arith.constant 3 : i32
        %add3A_575 = arith.addi %mul3A_402, %add3A_574 : i32
        %get3A_576 = arith.index_cast %add3A_575 : i32 to index
        %get3A_577 = arith.constant 48 : index
        %get3A_578 = tpu.vector_load %arg9[%get3A_576, %get3A_577] {strides = array<i32>} : memref<32x128xi32, #tpu.memory_space<vmem>>, vector<1x16xi32>,
        %get3A_579 = vector.shape_cast %get3A_578 : vector<1x16xi32> to vector<16xi32>
        %shift_left3A_580 = arith.constant 16 : i32
        %shift_left3A_581 = vector.broadcast %shift_left3A_580 : i32 to vector<16xi32>
        %shift_left3A_582 = arith.shli %get3A_561, %shift_left3A_581 : vector<16xi32>
        %bitcast_convert_type3A_583 = tpu.bitcast %shift_left3A_582 : vector<16xi32> -> vector<16xf32>
        %shift_left3A_584 = arith.constant 16 : i32
        %shift_left3A_585 = vector.broadcast %shift_left3A_584 : i32 to vector<16xi32>
        %shift_left3A_586 = arith.shli %get3A_567, %shift_left3A_585 : vector<16xi32>
        %bitcast_convert_type3A_587 = tpu.bitcast %shift_left3A_586 : vector<16xi32> -> vector<16xf32>
        %shift_left3A_588 = arith.constant 16 : i32
        %shift_left3A_589 = vector.broadcast %shift_left3A_588 : i32 to vector<16xi32>
        %shift_left3A_590 = arith.shli %get3A_573, %shift_left3A_589 : vector<16xi32>
        %bitcast_convert_type3A_591 = tpu.bitcast %shift_left3A_590 : vector<16xi32> -> vector<16xf32>
        %shift_left3A_592 = arith.constant 16 : i32
        %shift_left3A_593 = vector.broadcast %shift_left3A_592 : i32 to vector<16xi32>
        %shift_left3A_594 = arith.shli %get3A_579, %shift_left3A_593 : vector<16xi32>
        %bitcast_convert_type3A_595 = tpu.bitcast %shift_left3A_594 : vector<16xi32> -> vector<16xf32>
        %bitcast_convert_type3A_596 = tpu.bitcast %get3A_561 : vector<16xi32> -> vector<16xf32>
        %bitcast_convert_type3A_597 = tpu.bitcast %get3A_567 : vector<16xi32> -> vector<16xf32>
        %bitcast_convert_type3A_598 = tpu.bitcast %get3A_573 : vector<16xi32> -> vector<16xf32>
        %bitcast_convert_type3A_599 = tpu.bitcast %get3A_579 : vector<16xi32> -> vector<16xf32>
        %add3A_600 = arith.addf %bitcast_convert_type3A_583, %bitcast_convert_type3A_587 : vector<16xf32>
        %add3A_601 = arith.addf %bitcast_convert_type3A_591, %bitcast_convert_type3A_595 : vector<16xf32>
        %add3A_602 = arith.addf %add3A_600, %add3A_601 : vector<16xf32>
        %add3A_603 = arith.addf %scan3A_388, %add3A_602 : vector<16xf32>
        %add3A_604 = arith.addf %bitcast_convert_type3A_596, %bitcast_convert_type3A_597 : vector<16xf32>
        %add3A_605 = arith.addf %bitcast_convert_type3A_598, %bitcast_convert_type3A_599 : vector<16xf32>
        %add3A_606 = arith.addf %add3A_604, %add3A_605 : vector<16xf32>
        %add3A_607 = arith.addf %scan3A_396, %add3A_606 : vector<16xf32>
        %add3A_608 = arith.constant 0 : i32
        %add3A_609 = arith.addi %mul3A_402, %add3A_608 : i32
        %get3A_610 = arith.index_cast %add3A_609 : i32 to index
        %get3A_611 = arith.constant 64 : index
        %get3A_612 = tpu.vector_load %arg9[%get3A_610, %get3A_611] {strides = array<i32>} : memref<32x128xi32, #tpu.memory_space<vmem>>, vector<1x16xi32>,
        %get3A_613 = vector.shape_cast %get3A_612 : vector<1x16xi32> to vector<16xi32>
        %add3A_614 = arith.constant 1 : i32
        %add3A_615 = arith.addi %mul3A_402, %add3A_614 : i32
        %get3A_616 = arith.index_cast %add3A_615 : i32 to index
        %get3A_617 = arith.constant 64 : index
        %get3A_618 = tpu.vector_load %arg9[%get3A_616, %get3A_617] {strides = array<i32>} : memref<32x128xi32, #tpu.memory_space<vmem>>, vector<1x16xi32>,
        %get3A_619 = vector.shape_cast %get3A_618 : vector<1x16xi32> to vector<16xi32>
        %add3A_620 = arith.constant 2 : i32
        %add3A_621 = arith.addi %mul3A_402, %add3A_620 : i32
        %get3A_622 = arith.index_cast %add3A_621 : i32 to index
        %get3A_623 = arith.constant 64 : index
        %get3A_624 = tpu.vector_load %arg9[%get3A_622, %get3A_623] {strides = array<i32>} : memref<32x128xi32, #tpu.memory_space<vmem>>, vector<1x16xi32>,
        %get3A_625 = vector.shape_cast %get3A_624 : vector<1x16xi32> to vector<16xi32>
        %add3A_626 = arith.constant 3 : i32
        %add3A_627 = arith.addi %mul3A_402, %add3A_626 : i32
        %get3A_628 = arith.index_cast %add3A_627 : i32 to index
        %get3A_629 = arith.constant 64 : index
        %get3A_630 = tpu.vector_load %arg9[%get3A_628, %get3A_629] {strides = array<i32>} : memref<32x128xi32, #tpu.memory_space<vmem>>, vector<1x16xi32>,
        %get3A_631 = vector.shape_cast %get3A_630 : vector<1x16xi32> to vector<16xi32>
        %shift_left3A_632 = arith.constant 16 : i32
        %shift_left3A_633 = vector.broadcast %shift_left3A_632 : i32 to vector<16xi32>
        %shift_left3A_634 = arith.shli %get3A_613, %shift_left3A_633 : vector<16xi32>
        %bitcast_convert_type3A_635 = tpu.bitcast %shift_left3A_634 : vector<16xi32> -> vector<16xf32>
        %shift_left3A_636 = arith.constant 16 : i32
        %shift_left3A_637 = vector.broadcast %shift_left3A_636 : i32 to vector<16xi32>
        %shift_left3A_638 = arith.shli %get3A_619, %shift_left3A_637 : vector<16xi32>
        %bitcast_convert_type3A_639 = tpu.bitcast %shift_left3A_638 : vector<16xi32> -> vector<16xf32>
        %shift_left3A_640 = arith.constant 16 : i32
        %shift_left3A_641 = vector.broadcast %shift_left3A_640 : i32 to vector<16xi32>
        %shift_left3A_642 = arith.shli %get3A_625, %shift_left3A_641 : vector<16xi32>
        %bitcast_convert_type3A_643 = tpu.bitcast %shift_left3A_642 : vector<16xi32> -> vector<16xf32>
        %shift_left3A_644 = arith.constant 16 : i32
        %shift_left3A_645 = vector.broadcast %shift_left3A_644 : i32 to vector<16xi32>
        %shift_left3A_646 = arith.shli %get3A_631, %shift_left3A_645 : vector<16xi32>
        %bitcast_convert_type3A_647 = tpu.bitcast %shift_left3A_646 : vector<16xi32> -> vector<16xf32>
        %bitcast_convert_type3A_648 = tpu.bitcast %get3A_613 : vector<16xi32> -> vector<16xf32>
        %bitcast_convert_type3A_649 = tpu.bitcast %get3A_619 : vector<16xi32> -> vector<16xf32>
        %bitcast_convert_type3A_650 = tpu.bitcast %get3A_625 : vector<16xi32> -> vector<16xf32>
        %bitcast_convert_type3A_651 = tpu.bitcast %get3A_631 : vector<16xi32> -> vector<16xf32>
        %add3A_652 = arith.addf %bitcast_convert_type3A_635, %bitcast_convert_type3A_639 : vector<16xf32>
        %add3A_653 = arith.addf %bitcast_convert_type3A_643, %bitcast_convert_type3A_647 : vector<16xf32>
        %add3A_654 = arith.addf %add3A_652, %add3A_653 : vector<16xf32>
        %add3A_655 = arith.addf %scan3A_389, %add3A_654 : vector<16xf32>
        %add3A_656 = arith.addf %bitcast_convert_type3A_648, %bitcast_convert_type3A_649 : vector<16xf32>
        %add3A_657 = arith.addf %bitcast_convert_type3A_650, %bitcast_convert_type3A_651 : vector<16xf32>
        %add3A_658 = arith.addf %add3A_656, %add3A_657 : vector<16xf32>
        %add3A_659 = arith.addf %scan3A_397, %add3A_658 : vector<16xf32>
        %add3A_660 = arith.constant 0 : i32
        %add3A_661 = arith.addi %mul3A_402, %add3A_660 : i32
        %get3A_662 = arith.index_cast %add3A_661 : i32 to index
        %get3A_663 = arith.constant 80 : index
        %get3A_664 = tpu.vector_load %arg9[%get3A_662, %get3A_663] {strides = array<i32>} : memref<32x128xi32, #tpu.memory_space<vmem>>, vector<1x16xi32>,
        %get3A_665 = vector.shape_cast %get3A_664 : vector<1x16xi32> to vector<16xi32>
        %add3A_666 = arith.constant 1 : i32
        %add3A_667 = arith.addi %mul3A_402, %add3A_666 : i32
        %get3A_668 = arith.index_cast %add3A_667 : i32 to index
        %get3A_669 = arith.constant 80 : index
        %get3A_670 = tpu.vector_load %arg9[%get3A_668, %get3A_669] {strides = array<i32>} : memref<32x128xi32, #tpu.memory_space<vmem>>, vector<1x16xi32>,
        %get3A_671 = vector.shape_cast %get3A_670 : vector<1x16xi32> to vector<16xi32>
        %add3A_672 = arith.constant 2 : i32
        %add3A_673 = arith.addi %mul3A_402, %add3A_672 : i32
        %get3A_674 = arith.index_cast %add3A_673 : i32 to index
        %get3A_675 = arith.constant 80 : index
        %get3A_676 = tpu.vector_load %arg9[%get3A_674, %get3A_675] {strides = array<i32>} : memref<32x128xi32, #tpu.memory_space<vmem>>, vector<1x16xi32>,
        %get3A_677 = vector.shape_cast %get3A_676 : vector<1x16xi32> to vector<16xi32>
        %add3A_678 = arith.constant 3 : i32
        %add3A_679 = arith.addi %mul3A_402, %add3A_678 : i32
        %get3A_680 = arith.index_cast %add3A_679 : i32 to index
        %get3A_681 = arith.constant 80 : index
        %get3A_682 = tpu.vector_load %arg9[%get3A_680, %get3A_681] {strides = array<i32>} : memref<32x128xi32, #tpu.memory_space<vmem>>, vector<1x16xi32>,
        %get3A_683 = vector.shape_cast %get3A_682 : vector<1x16xi32> to vector<16xi32>
        %shift_left3A_684 = arith.constant 16 : i32
        %shift_left3A_685 = vector.broadcast %shift_left3A_684 : i32 to vector<16xi32>
        %shift_left3A_686 = arith.shli %get3A_665, %shift_left3A_685 : vector<16xi32>
        %bitcast_convert_type3A_687 = tpu.bitcast %shift_left3A_686 : vector<16xi32> -> vector<16xf32>
        %shift_left3A_688 = arith.constant 16 : i32
        %shift_left3A_689 = vector.broadcast %shift_left3A_688 : i32 to vector<16xi32>
        %shift_left3A_690 = arith.shli %get3A_671, %shift_left3A_689 : vector<16xi32>
        %bitcast_convert_type3A_691 = tpu.bitcast %shift_left3A_690 : vector<16xi32> -> vector<16xf32>
        %shift_left3A_692 = arith.constant 16 : i32
        %shift_left3A_693 = vector.broadcast %shift_left3A_692 : i32 to vector<16xi32>
        %shift_left3A_694 = arith.shli %get3A_677, %shift_left3A_693 : vector<16xi32>
        %bitcast_convert_type3A_695 = tpu.bitcast %shift_left3A_694 : vector<16xi32> -> vector<16xf32>
        %shift_left3A_696 = arith.constant 16 : i32
        %shift_left3A_697 = vector.broadcast %shift_left3A_696 : i32 to vector<16xi32>
        %shift_left3A_698 = arith.shli %get3A_683, %shift_left3A_697 : vector<16xi32>
        %bitcast_convert_type3A_699 = tpu.bitcast %shift_left3A_698 : vector<16xi32> -> vector<16xf32>
        %bitcast_convert_type3A_700 = tpu.bitcast %get3A_665 : vector<16xi32> -> vector<16xf32>
        %bitcast_convert_type3A_701 = tpu.bitcast %get3A_671 : vector<16xi32> -> vector<16xf32>
        %bitcast_convert_type3A_702 = tpu.bitcast %get3A_677 : vector<16xi32> -> vector<16xf32>
        %bitcast_convert_type3A_703 = tpu.bitcast %get3A_683 : vector<16xi32> -> vector<16xf32>
        %add3A_704 = arith.addf %bitcast_convert_type3A_687, %bitcast_convert_type3A_691 : vector<16xf32>
        %add3A_705 = arith.addf %bitcast_convert_type3A_695, %bitcast_convert_type3A_699 : vector<16xf32>
        %add3A_706 = arith.addf %add3A_704, %add3A_705 : vector<16xf32>
        %add3A_707 = arith.addf %scan3A_390, %add3A_706 : vector<16xf32>
        %add3A_708 = arith.addf %bitcast_convert_type3A_700, %bitcast_convert_type3A_701 : vector<16xf32>
        %add3A_709 = arith.addf %bitcast_convert_type3A_702, %bitcast_convert_type3A_703 : vector<16xf32>
        %add3A_710 = arith.addf %add3A_708, %add3A_709 : vector<16xf32>
        %add3A_711 = arith.addf %scan3A_398, %add3A_710 : vector<16xf32>
        %add3A_712 = arith.constant 0 : i32
        %add3A_713 = arith.addi %mul3A_402, %add3A_712 : i32
        %get3A_714 = arith.index_cast %add3A_713 : i32 to index
        %get3A_715 = arith.constant 96 : index
        %get3A_716 = tpu.vector_load %arg9[%get3A_714, %get3A_715] {strides = array<i32>} : memref<32x128xi32, #tpu.memory_space<vmem>>, vector<1x16xi32>,
        %get3A_717 = vector.shape_cast %get3A_716 : vector<1x16xi32> to vector<16xi32>
        %add3A_718 = arith.constant 1 : i32
        %add3A_719 = arith.addi %mul3A_402, %add3A_718 : i32
        %get3A_720 = arith.index_cast %add3A_719 : i32 to index
        %get3A_721 = arith.constant 96 : index
        %get3A_722 = tpu.vector_load %arg9[%get3A_720, %get3A_721] {strides = array<i32>} : memref<32x128xi32, #tpu.memory_space<vmem>>, vector<1x16xi32>,
        %get3A_723 = vector.shape_cast %get3A_722 : vector<1x16xi32> to vector<16xi32>
        %add3A_724 = arith.constant 2 : i32
        %add3A_725 = arith.addi %mul3A_402, %add3A_724 : i32
        %get3A_726 = arith.index_cast %add3A_725 : i32 to index
        %get3A_727 = arith.constant 96 : index
        %get3A_728 = tpu.vector_load %arg9[%get3A_726, %get3A_727] {strides = array<i32>} : memref<32x128xi32, #tpu.memory_space<vmem>>, vector<1x16xi32>,
        %get3A_729 = vector.shape_cast %get3A_728 : vector<1x16xi32> to vector<16xi32>
        %add3A_730 = arith.constant 3 : i32
        %add3A_731 = arith.addi %mul3A_402, %add3A_730 : i32
        %get3A_732 = arith.index_cast %add3A_731 : i32 to index
        %get3A_733 = arith.constant 96 : index
        %get3A_734 = tpu.vector_load %arg9[%get3A_732, %get3A_733] {strides = array<i32>} : memref<32x128xi32, #tpu.memory_space<vmem>>, vector<1x16xi32>,
        %get3A_735 = vector.shape_cast %get3A_734 : vector<1x16xi32> to vector<16xi32>
        %shift_left3A_736 = arith.constant 16 : i32
        %shift_left3A_737 = vector.broadcast %shift_left3A_736 : i32 to vector<16xi32>
        %shift_left3A_738 = arith.shli %get3A_717, %shift_left3A_737 : vector<16xi32>
        %bitcast_convert_type3A_739 = tpu.bitcast %shift_left3A_738 : vector<16xi32> -> vector<16xf32>
        %shift_left3A_740 = arith.constant 16 : i32
        %shift_left3A_741 = vector.broadcast %shift_left3A_740 : i32 to vector<16xi32>
        %shift_left3A_742 = arith.shli %get3A_723, %shift_left3A_741 : vector<16xi32>
        %bitcast_convert_type3A_743 = tpu.bitcast %shift_left3A_742 : vector<16xi32> -> vector<16xf32>
        %shift_left3A_744 = arith.constant 16 : i32
        %shift_left3A_745 = vector.broadcast %shift_left3A_744 : i32 to vector<16xi32>
        %shift_left3A_746 = arith.shli %get3A_729, %shift_left3A_745 : vector<16xi32>
        %bitcast_convert_type3A_747 = tpu.bitcast %shift_left3A_746 : vector<16xi32> -> vector<16xf32>
        %shift_left3A_748 = arith.constant 16 : i32
        %shift_left3A_749 = vector.broadcast %shift_left3A_748 : i32 to vector<16xi32>
        %shift_left3A_750 = arith.shli %get3A_735, %shift_left3A_749 : vector<16xi32>
        %bitcast_convert_type3A_751 = tpu.bitcast %shift_left3A_750 : vector<16xi32> -> vector<16xf32>
        %bitcast_convert_type3A_752 = tpu.bitcast %get3A_717 : vector<16xi32> -> vector<16xf32>
        %bitcast_convert_type3A_753 = tpu.bitcast %get3A_723 : vector<16xi32> -> vector<16xf32>
        %bitcast_convert_type3A_754 = tpu.bitcast %get3A_729 : vector<16xi32> -> vector<16xf32>
        %bitcast_convert_type3A_755 = tpu.bitcast %get3A_735 : vector<16xi32> -> vector<16xf32>
        %add3A_756 = arith.addf %bitcast_convert_type3A_739, %bitcast_convert_type3A_743 : vector<16xf32>
        %add3A_757 = arith.addf %bitcast_convert_type3A_747, %bitcast_convert_type3A_751 : vector<16xf32>
        %add3A_758 = arith.addf %add3A_756, %add3A_757 : vector<16xf32>
        %add3A_759 = arith.addf %scan3A_391, %add3A_758 : vector<16xf32>
        %add3A_760 = arith.addf %bitcast_convert_type3A_752, %bitcast_convert_type3A_753 : vector<16xf32>
        %add3A_761 = arith.addf %bitcast_convert_type3A_754, %bitcast_convert_type3A_755 : vector<16xf32>
        %add3A_762 = arith.addf %add3A_760, %add3A_761 : vector<16xf32>
        %add3A_763 = arith.addf %scan3A_399, %add3A_762 : vector<16xf32>
        %add3A_764 = arith.constant 0 : i32
        %add3A_765 = arith.addi %mul3A_402, %add3A_764 : i32
        %get3A_766 = arith.index_cast %add3A_765 : i32 to index
        %get3A_767 = arith.constant 112 : index
        %get3A_768 = tpu.vector_load %arg9[%get3A_766, %get3A_767] {strides = array<i32>} : memref<32x128xi32, #tpu.memory_space<vmem>>, vector<1x16xi32>,
        %get3A_769 = vector.shape_cast %get3A_768 : vector<1x16xi32> to vector<16xi32>
        %add3A_770 = arith.constant 1 : i32
        %add3A_771 = arith.addi %mul3A_402, %add3A_770 : i32
        %get3A_772 = arith.index_cast %add3A_771 : i32 to index
        %get3A_773 = arith.constant 112 : index
        %get3A_774 = tpu.vector_load %arg9[%get3A_772, %get3A_773] {strides = array<i32>} : memref<32x128xi32, #tpu.memory_space<vmem>>, vector<1x16xi32>,
        %get3A_775 = vector.shape_cast %get3A_774 : vector<1x16xi32> to vector<16xi32>
        %add3A_776 = arith.constant 2 : i32
        %add3A_777 = arith.addi %mul3A_402, %add3A_776 : i32
        %get3A_778 = arith.index_cast %add3A_777 : i32 to index
        %get3A_779 = arith.constant 112 : index
        %get3A_780 = tpu.vector_load %arg9[%get3A_778, %get3A_779] {strides = array<i32>} : memref<32x128xi32, #tpu.memory_space<vmem>>, vector<1x16xi32>,
        %get3A_781 = vector.shape_cast %get3A_780 : vector<1x16xi32> to vector<16xi32>
        %add3A_782 = arith.constant 3 : i32
        %add3A_783 = arith.addi %mul3A_402, %add3A_782 : i32
        %get3A_784 = arith.index_cast %add3A_783 : i32 to index
        %get3A_785 = arith.constant 112 : index
        %get3A_786 = tpu.vector_load %arg9[%get3A_784, %get3A_785] {strides = array<i32>} : memref<32x128xi32, #tpu.memory_space<vmem>>, vector<1x16xi32>,
        %get3A_787 = vector.shape_cast %get3A_786 : vector<1x16xi32> to vector<16xi32>
        %shift_left3A_788 = arith.constant 16 : i32
        %shift_left3A_789 = vector.broadcast %shift_left3A_788 : i32 to vector<16xi32>
        %shift_left3A_790 = arith.shli %get3A_769, %shift_left3A_789 : vector<16xi32>
        %bitcast_convert_type3A_791 = tpu.bitcast %shift_left3A_790 : vector<16xi32> -> vector<16xf32>
        %shift_left3A_792 = arith.constant 16 : i32
        %shift_left3A_793 = vector.broadcast %shift_left3A_792 : i32 to vector<16xi32>
        %shift_left3A_794 = arith.shli %get3A_775, %shift_left3A_793 : vector<16xi32>
        %bitcast_convert_type3A_795 = tpu.bitcast %shift_left3A_794 : vector<16xi32> -> vector<16xf32>
        %shift_left3A_796 = arith.constant 16 : i32
        %shift_left3A_797 = vector.broadcast %shift_left3A_796 : i32 to vector<16xi32>
        %shift_left3A_798 = arith.shli %get3A_781, %shift_left3A_797 : vector<16xi32>
        %bitcast_convert_type3A_799 = tpu.bitcast %shift_left3A_798 : vector<16xi32> -> vector<16xf32>
        %shift_left3A_800 = arith.constant 16 : i32
        %shift_left3A_801 = vector.broadcast %shift_left3A_800 : i32 to vector<16xi32>
        %shift_left3A_802 = arith.shli %get3A_787, %shift_left3A_801 : vector<16xi32>
        %bitcast_convert_type3A_803 = tpu.bitcast %shift_left3A_802 : vector<16xi32> -> vector<16xf32>
        %bitcast_convert_type3A_804 = tpu.bitcast %get3A_769 : vector<16xi32> -> vector<16xf32>
        %bitcast_convert_type3A_805 = tpu.bitcast %get3A_775 : vector<16xi32> -> vector<16xf32>
        %bitcast_convert_type3A_806 = tpu.bitcast %get3A_781 : vector<16xi32> -> vector<16xf32>
        %bitcast_convert_type3A_807 = tpu.bitcast %get3A_787 : vector<16xi32> -> vector<16xf32>
        %add3A_808 = arith.addf %bitcast_convert_type3A_791, %bitcast_convert_type3A_795 : vector<16xf32>
        %add3A_809 = arith.addf %bitcast_convert_type3A_799, %bitcast_convert_type3A_803 : vector<16xf32>
        %add3A_810 = arith.addf %add3A_808, %add3A_809 : vector<16xf32>
        %add3A_811 = arith.addf %scan3A_392, %add3A_810 : vector<16xf32>
        %add3A_812 = arith.addf %bitcast_convert_type3A_804, %bitcast_convert_type3A_805 : vector<16xf32>
        %add3A_813 = arith.addf %bitcast_convert_type3A_806, %bitcast_convert_type3A_807 : vector<16xf32>
        %add3A_814 = arith.addf %add3A_812, %add3A_813 : vector<16xf32>
        %add3A_815 = arith.addf %scan3A_400, %add3A_814 : vector<16xf32>
        scf.yield %add3A_447, %add3A_499, %add3A_551, %add3A_603, %add3A_655, %add3A_707, %add3A_759, %add3A_811, %add3A_451, %add3A_503, %add3A_555, %add3A_607, %add3A_659, %add3A_711, %add3A_763, %add3A_815 : vector<16xf32>, vector<16xf32>, vector<16xf32>, vector<16xf32>, vector<16xf32>, vector<16xf32>, vector<16xf32>, vector<16xf32>, vector<16xf32>, vector<16xf32>, vector<16xf32>, vector<16xf32>, vector<16xf32>, vector<16xf32>, vector<16xf32>, vector<16xf32>
      }
      %scan3A_151 = arith.constant 8 : i32
      %convert_element_type3A_152 = arith.extui %lt3A_97 : i1 to i32
      %cond3A_153 = arith.constant 0 : i32
      %cond3A_154 = arith.cmpi ne, %convert_element_type3A_152, %cond3A_153 : i32
      scf.if %cond3A_154 {
        %add3A_384 = arith.constant 2 : i32
        %add3A_385 = arith.addi %mul3A_96, %add3A_384 : i32
        %dma_start3A_386 = arith.constant 96 : i32
        %dma_start3A_387 = tpu.memref_slice %arg5[%add3A_385, %dma_start3A_386] : memref<128x128xi32, #tpu.memory_space<vmem>> -> memref<1x32xi32, #tpu.memory_space<vmem>>
        %dma_start3A_388 = tpu.memref_squeeze %dma_start3A_387 : memref<1x32xi32, #tpu.memory_space<vmem>> -> memref<32xi32, #tpu.memory_space<vmem>>
        %dma_start3A_389 = arith.constant 0 : i32
        %dma_start3A_390 = arith.constant 0 : i32
        %dma_start3A_391 = tpu.memref_slice %arg3[%dma_start3A_389, %dma_start3A_390] : memref<100000x128xi32, #tpu.memory_space<hbm>> -> memref<100000x128xi32, #tpu.memory_space<hbm>>
        tpu.enqueue_indirect_dma source(%dma_start3A_391 : memref<100000x128xi32, #tpu.memory_space<hbm>>) target(%arg9 : memref<32x128xi32, #tpu.memory_space<vmem>>) offsets(%dma_start3A_388 : memref<32xi32, #tpu.memory_space<vmem>>) semaphore(%arg18 : memref<!tpu.dma_semaphore, #tpu.memory_space<semaphore_mem>>)
      } else {
      }
      %swap3A = arith.index_cast %mul3A_96 : i32 to index
      %swap3A_155 = arith.constant 0 : index
      %swap3A_156 = tpu.vector_load %arg14[%swap3A, %swap3A_155] {strides = array<i32>} : memref<128x256xf32, #tpu.memory_space<vmem>>, vector<1x16xf32>,
      %swap3A_157 = vector.shape_cast %swap3A_156 : vector<1x16xf32> to vector<16xf32>
      %swap3A_158 = vector.shape_cast %scan3A_150#0 : vector<16xf32> to vector<1x16xf32>
      tpu.vector_store %arg14[%swap3A, %swap3A_155], %swap3A_158 {strides = array<i32>} : memref<128x256xf32, #tpu.memory_space<vmem>>, vector<1x16xf32>,
      %swap3A_159 = arith.index_cast %mul3A_96 : i32 to index
      %swap3A_160 = arith.constant 16 : index
      %swap3A_161 = tpu.vector_load %arg14[%swap3A_159, %swap3A_160] {strides = array<i32>} : memref<128x256xf32, #tpu.memory_space<vmem>>, vector<1x16xf32>,
      %swap3A_162 = vector.shape_cast %swap3A_161 : vector<1x16xf32> to vector<16xf32>
      %swap3A_163 = vector.shape_cast %scan3A_150#1 : vector<16xf32> to vector<1x16xf32>
      tpu.vector_store %arg14[%swap3A_159, %swap3A_160], %swap3A_163 {strides = array<i32>} : memref<128x256xf32, #tpu.memory_space<vmem>>, vector<1x16xf32>,
      %swap3A_164 = arith.index_cast %mul3A_96 : i32 to index
      %swap3A_165 = arith.constant 32 : index
      %swap3A_166 = tpu.vector_load %arg14[%swap3A_164, %swap3A_165] {strides = array<i32>} : memref<128x256xf32, #tpu.memory_space<vmem>>, vector<1x16xf32>,
      %swap3A_167 = vector.shape_cast %swap3A_166 : vector<1x16xf32> to vector<16xf32>
      %swap3A_168 = vector.shape_cast %scan3A_150#2 : vector<16xf32> to vector<1x16xf32>
      tpu.vector_store %arg14[%swap3A_164, %swap3A_165], %swap3A_168 {strides = array<i32>} : memref<128x256xf32, #tpu.memory_space<vmem>>, vector<1x16xf32>,
      %swap3A_169 = arith.index_cast %mul3A_96 : i32 to index
      %swap3A_170 = arith.constant 48 : index
      %swap3A_171 = tpu.vector_load %arg14[%swap3A_169, %swap3A_170] {strides = array<i32>} : memref<128x256xf32, #tpu.memory_space<vmem>>, vector<1x16xf32>,
      %swap3A_172 = vector.shape_cast %swap3A_171 : vector<1x16xf32> to vector<16xf32>
      %swap3A_173 = vector.shape_cast %scan3A_150#3 : vector<16xf32> to vector<1x16xf32>
      tpu.vector_store %arg14[%swap3A_169, %swap3A_170], %swap3A_173 {strides = array<i32>} : memref<128x256xf32, #tpu.memory_space<vmem>>, vector<1x16xf32>,
      %swap3A_174 = arith.index_cast %mul3A_96 : i32 to index
      %swap3A_175 = arith.constant 64 : index
      %swap3A_176 = tpu.vector_load %arg14[%swap3A_174, %swap3A_175] {strides = array<i32>} : memref<128x256xf32, #tpu.memory_space<vmem>>, vector<1x16xf32>,
      %swap3A_177 = vector.shape_cast %swap3A_176 : vector<1x16xf32> to vector<16xf32>
      %swap3A_178 = vector.shape_cast %scan3A_150#4 : vector<16xf32> to vector<1x16xf32>
      tpu.vector_store %arg14[%swap3A_174, %swap3A_175], %swap3A_178 {strides = array<i32>} : memref<128x256xf32, #tpu.memory_space<vmem>>, vector<1x16xf32>,
      %swap3A_179 = arith.index_cast %mul3A_96 : i32 to index
      %swap3A_180 = arith.constant 80 : index
      %swap3A_181 = tpu.vector_load %arg14[%swap3A_179, %swap3A_180] {strides = array<i32>} : memref<128x256xf32, #tpu.memory_space<vmem>>, vector<1x16xf32>,
      %swap3A_182 = vector.shape_cast %swap3A_181 : vector<1x16xf32> to vector<16xf32>
      %swap3A_183 = vector.shape_cast %scan3A_150#5 : vector<16xf32> to vector<1x16xf32>
      tpu.vector_store %arg14[%swap3A_179, %swap3A_180], %swap3A_183 {strides = array<i32>} : memref<128x256xf32, #tpu.memory_space<vmem>>, vector<1x16xf32>,
      %swap3A_184 = arith.index_cast %mul3A_96 : i32 to index
      %swap3A_185 = arith.constant 96 : index
      %swap3A_186 = tpu.vector_load %arg14[%swap3A_184, %swap3A_185] {strides = array<i32>} : memref<128x256xf32, #tpu.memory_space<vmem>>, vector<1x16xf32>,
      %swap3A_187 = vector.shape_cast %swap3A_186 : vector<1x16xf32> to vector<16xf32>
      %swap3A_188 = vector.shape_cast %scan3A_150#6 : vector<16xf32> to vector<1x16xf32>
      tpu.vector_store %arg14[%swap3A_184, %swap3A_185], %swap3A_188 {strides = array<i32>} : memref<128x256xf32, #tpu.memory_space<vmem>>, vector<1x16xf32>,
      %swap3A_189 = arith.index_cast %mul3A_96 : i32 to index
      %swap3A_190 = arith.constant 112 : index
      %swap3A_191 = tpu.vector_load %arg14[%swap3A_189, %swap3A_190] {strides = array<i32>} : memref<128x256xf32, #tpu.memory_space<vmem>>, vector<1x16xf32>,
      %swap3A_192 = vector.shape_cast %swap3A_191 : vector<1x16xf32> to vector<16xf32>
      %swap3A_193 = vector.shape_cast %scan3A_150#7 : vector<16xf32> to vector<1x16xf32>
      tpu.vector_store %arg14[%swap3A_189, %swap3A_190], %swap3A_193 {strides = array<i32>} : memref<128x256xf32, #tpu.memory_space<vmem>>, vector<1x16xf32>,
      %swap3A_194 = arith.index_cast %mul3A_96 : i32 to index
      %swap3A_195 = arith.constant 128 : index
      %swap3A_196 = tpu.vector_load %arg14[%swap3A_194, %swap3A_195] {strides = array<i32>} : memref<128x256xf32, #tpu.memory_space<vmem>>, vector<1x16xf32>,
      %swap3A_197 = vector.shape_cast %swap3A_196 : vector<1x16xf32> to vector<16xf32>
      %swap3A_198 = vector.shape_cast %scan3A_150#8 : vector<16xf32> to vector<1x16xf32>
      tpu.vector_store %arg14[%swap3A_194, %swap3A_195], %swap3A_198 {strides = array<i32>} : memref<128x256xf32, #tpu.memory_space<vmem>>, vector<1x16xf32>,
      %swap3A_199 = arith.index_cast %mul3A_96 : i32 to index
      %swap3A_200 = arith.constant 144 : index
      %swap3A_201 = tpu.vector_load %arg14[%swap3A_199, %swap3A_200] {strides = array<i32>} : memref<128x256xf32, #tpu.memory_space<vmem>>, vector<1x16xf32>,
      %swap3A_202 = vector.shape_cast %swap3A_201 : vector<1x16xf32> to vector<16xf32>
      %swap3A_203 = vector.shape_cast %scan3A_150#9 : vector<16xf32> to vector<1x16xf32>
      tpu.vector_store %arg14[%swap3A_199, %swap3A_200], %swap3A_203 {strides = array<i32>} : memref<128x256xf32, #tpu.memory_space<vmem>>, vector<1x16xf32>,
      %swap3A_204 = arith.index_cast %mul3A_96 : i32 to index
      %swap3A_205 = arith.constant 160 : index
      %swap3A_206 = tpu.vector_load %arg14[%swap3A_204, %swap3A_205] {strides = array<i32>} : memref<128x256xf32, #tpu.memory_space<vmem>>, vector<1x16xf32>,
      %swap3A_207 = vector.shape_cast %swap3A_206 : vector<1x16xf32> to vector<16xf32>
      %swap3A_208 = vector.shape_cast %scan3A_150#10 : vector<16xf32> to vector<1x16xf32>
      tpu.vector_store %arg14[%swap3A_204, %swap3A_205], %swap3A_208 {strides = array<i32>} : memref<128x256xf32, #tpu.memory_space<vmem>>, vector<1x16xf32>,
      %swap3A_209 = arith.index_cast %mul3A_96 : i32 to index
      %swap3A_210 = arith.constant 176 : index
      %swap3A_211 = tpu.vector_load %arg14[%swap3A_209, %swap3A_210] {strides = array<i32>} : memref<128x256xf32, #tpu.memory_space<vmem>>, vector<1x16xf32>,
      %swap3A_212 = vector.shape_cast %swap3A_211 : vector<1x16xf32> to vector<16xf32>
      %swap3A_213 = vector.shape_cast %scan3A_150#11 : vector<16xf32> to vector<1x16xf32>
      tpu.vector_store %arg14[%swap3A_209, %swap3A_210], %swap3A_213 {strides = array<i32>} : memref<128x256xf32, #tpu.memory_space<vmem>>, vector<1x16xf32>,
      %swap3A_214 = arith.index_cast %mul3A_96 : i32 to index
      %swap3A_215 = arith.constant 192 : index
      %swap3A_216 = tpu.vector_load %arg14[%swap3A_214, %swap3A_215] {strides = array<i32>} : memref<128x256xf32, #tpu.memory_space<vmem>>, vector<1x16xf32>,
      %swap3A_217 = vector.shape_cast %swap3A_216 : vector<1x16xf32> to vector<16xf32>
      %swap3A_218 = vector.shape_cast %scan3A_150#12 : vector<16xf32> to vector<1x16xf32>
      tpu.vector_store %arg14[%swap3A_214, %swap3A_215], %swap3A_218 {strides = array<i32>} : memref<128x256xf32, #tpu.memory_space<vmem>>, vector<1x16xf32>,
      %swap3A_219 = arith.index_cast %mul3A_96 : i32 to index
      %swap3A_220 = arith.constant 208 : index
      %swap3A_221 = tpu.vector_load %arg14[%swap3A_219, %swap3A_220] {strides = array<i32>} : memref<128x256xf32, #tpu.memory_space<vmem>>, vector<1x16xf32>,
      %swap3A_222 = vector.shape_cast %swap3A_221 : vector<1x16xf32> to vector<16xf32>
      %swap3A_223 = vector.shape_cast %scan3A_150#13 : vector<16xf32> to vector<1x16xf32>
      tpu.vector_store %arg14[%swap3A_219, %swap3A_220], %swap3A_223 {strides = array<i32>} : memref<128x256xf32, #tpu.memory_space<vmem>>, vector<1x16xf32>,
      %swap3A_224 = arith.index_cast %mul3A_96 : i32 to index
      %swap3A_225 = arith.constant 224 : index
      %swap3A_226 = tpu.vector_load %arg14[%swap3A_224, %swap3A_225] {strides = array<i32>} : memref<128x256xf32, #tpu.memory_space<vmem>>, vector<1x16xf32>,
      %swap3A_227 = vector.shape_cast %swap3A_226 : vector<1x16xf32> to vector<16xf32>
      %swap3A_228 = vector.shape_cast %scan3A_150#14 : vector<16xf32> to vector<1x16xf32>
      tpu.vector_store %arg14[%swap3A_224, %swap3A_225], %swap3A_228 {strides = array<i32>} : memref<128x256xf32, #tpu.memory_space<vmem>>, vector<1x16xf32>,
      %swap3A_229 = arith.index_cast %mul3A_96 : i32 to index
      %swap3A_230 = arith.constant 240 : index
      %swap3A_231 = tpu.vector_load %arg14[%swap3A_229, %swap3A_230] {strides = array<i32>} : memref<128x256xf32, #tpu.memory_space<vmem>>, vector<1x16xf32>,
      %swap3A_232 = vector.shape_cast %swap3A_231 : vector<1x16xf32> to vector<16xf32>
      %swap3A_233 = vector.shape_cast %scan3A_150#15 : vector<16xf32> to vector<1x16xf32>
      tpu.vector_store %arg14[%swap3A_229, %swap3A_230], %swap3A_233 {strides = array<i32>} : memref<128x256xf32, #tpu.memory_space<vmem>>, vector<1x16xf32>,
      %add3A_234 = arith.constant 1 : i32
      %add3A_235 = arith.addi %mul3A_96, %add3A_234 : i32
      %dma_wait3A_236 = arith.constant 0 : i32
      %dma_wait3A_237 = tpu.memref_slice %arg5[%add3A_235, %dma_wait3A_236] : memref<128x128xi32, #tpu.memory_space<vmem>> -> memref<1x32xi32, #tpu.memory_space<vmem>>
      %dma_wait3A_238 = tpu.memref_squeeze %dma_wait3A_237 : memref<1x32xi32, #tpu.memory_space<vmem>> -> memref<32xi32, #tpu.memory_space<vmem>>
      %dma_wait3A_239 = arith.constant 0 : i32
      %dma_wait3A_240 = arith.constant 0 : i32
      %dma_wait3A_241 = tpu.memref_slice %arg3[%dma_wait3A_239, %dma_wait3A_240] : memref<100000x128xi32, #tpu.memory_space<hbm>> -> memref<100000x128xi32, #tpu.memory_space<hbm>>
      tpu.wait_indirect_dma semaphore(%arg19 : memref<!tpu.dma_semaphore, #tpu.memory_space<semaphore_mem>>) src(%dma_wait3A_241 : memref<100000x128xi32, #tpu.memory_space<hbm>>) dst(%arg10 : memref<32x128xi32, #tpu.memory_space<vmem>>)
      %scan3A_242 = arith.constant 0 : i32
      %scan3A_243 = arith.constant 8 : i32
      %scan3A_244 = arith.addi %scan3A_242, %scan3A_243 : i32
      %scan3A_245 = arith.constant 1 : i32
      %scan3A_246:16 = scf.for %scan3A_384 = %scan3A_242 to %scan3A_244 step %scan3A_245 iter_args(%scan3A_385 = %broadcast_in_dim3A_3, %scan3A_386 = %broadcast_in_dim3A_5, %scan3A_387 = %broadcast_in_dim3A_7, %scan3A_388 = %broadcast_in_dim3A_9, %scan3A_389 = %broadcast_in_dim3A_11, %scan3A_390 = %broadcast_in_dim3A_13, %scan3A_391 = %broadcast_in_dim3A_15, %scan3A_392 = %broadcast_in_dim3A_17, %scan3A_393 = %broadcast_in_dim3A_19, %scan3A_394 = %broadcast_in_dim3A_21, %scan3A_395 = %broadcast_in_dim3A_23, %scan3A_396 = %broadcast_in_dim3A_25, %scan3A_397 = %broadcast_in_dim3A_27, %scan3A_398 = %broadcast_in_dim3A_29, %scan3A_399 = %broadcast_in_dim3A_31, %scan3A_400 = %broadcast_in_dim3A_33) -> (vector<16xf32>, vector<16xf32>, vector<16xf32>, vector<16xf32>, vector<16xf32>, vector<16xf32>, vector<16xf32>, vector<16xf32>, vector<16xf32>, vector<16xf32>, vector<16xf32>, vector<16xf32>, vector<16xf32>, vector<16xf32>, vector<16xf32>, vector<16xf32>)  : i32 {
        %mul3A_401 = arith.constant 4 : i32
        %mul3A_402 = arith.muli %mul3A_401, %scan3A_384 : i32
        %add3A_403 = arith.constant 0 : i32
        %add3A_404 = arith.addi %mul3A_402, %add3A_403 : i32
        %get3A = arith.index_cast %add3A_404 : i32 to index
        %get3A_405 = arith.constant 0 : index
        %get3A_406 = tpu.vector_load %arg10[%get3A, %get3A_405] {strides = array<i32>} : memref<32x128xi32, #tpu.memory_space<vmem>>, vector<1x16xi32>,
        %get3A_407 = vector.shape_cast %get3A_406 : vector<1x16xi32> to vector<16xi32>
        %add3A_408 = arith.constant 1 : i32
        %add3A_409 = arith.addi %mul3A_402, %add3A_408 : i32
        %get3A_410 = arith.index_cast %add3A_409 : i32 to index
        %get3A_411 = arith.constant 0 : index
        %get3A_412 = tpu.vector_load %arg10[%get3A_410, %get3A_411] {strides = array<i32>} : memref<32x128xi32, #tpu.memory_space<vmem>>, vector<1x16xi32>,
        %get3A_413 = vector.shape_cast %get3A_412 : vector<1x16xi32> to vector<16xi32>
        %add3A_414 = arith.constant 2 : i32
        %add3A_415 = arith.addi %mul3A_402, %add3A_414 : i32
        %get3A_416 = arith.index_cast %add3A_415 : i32 to index
        %get3A_417 = arith.constant 0 : index
        %get3A_418 = tpu.vector_load %arg10[%get3A_416, %get3A_417] {strides = array<i32>} : memref<32x128xi32, #tpu.memory_space<vmem>>, vector<1x16xi32>,
        %get3A_419 = vector.shape_cast %get3A_418 : vector<1x16xi32> to vector<16xi32>
        %add3A_420 = arith.constant 3 : i32
        %add3A_421 = arith.addi %mul3A_402, %add3A_420 : i32
        %get3A_422 = arith.index_cast %add3A_421 : i32 to index
        %get3A_423 = arith.constant 0 : index
        %get3A_424 = tpu.vector_load %arg10[%get3A_422, %get3A_423] {strides = array<i32>} : memref<32x128xi32, #tpu.memory_space<vmem>>, vector<1x16xi32>,
        %get3A_425 = vector.shape_cast %get3A_424 : vector<1x16xi32> to vector<16xi32>
        %shift_left3A = arith.constant 16 : i32
        %shift_left3A_426 = vector.broadcast %shift_left3A : i32 to vector<16xi32>
        %shift_left3A_427 = arith.shli %get3A_407, %shift_left3A_426 : vector<16xi32>
        %bitcast_convert_type3A = tpu.bitcast %shift_left3A_427 : vector<16xi32> -> vector<16xf32>
        %shift_left3A_428 = arith.constant 16 : i32
        %shift_left3A_429 = vector.broadcast %shift_left3A_428 : i32 to vector<16xi32>
        %shift_left3A_430 = arith.shli %get3A_413, %shift_left3A_429 : vector<16xi32>
        %bitcast_convert_type3A_431 = tpu.bitcast %shift_left3A_430 : vector<16xi32> -> vector<16xf32>
        %shift_left3A_432 = arith.constant 16 : i32
        %shift_left3A_433 = vector.broadcast %shift_left3A_432 : i32 to vector<16xi32>
        %shift_left3A_434 = arith.shli %get3A_419, %shift_left3A_433 : vector<16xi32>
        %bitcast_convert_type3A_435 = tpu.bitcast %shift_left3A_434 : vector<16xi32> -> vector<16xf32>
        %shift_left3A_436 = arith.constant 16 : i32
        %shift_left3A_437 = vector.broadcast %shift_left3A_436 : i32 to vector<16xi32>
        %shift_left3A_438 = arith.shli %get3A_425, %shift_left3A_437 : vector<16xi32>
        %bitcast_convert_type3A_439 = tpu.bitcast %shift_left3A_438 : vector<16xi32> -> vector<16xf32>
        %bitcast_convert_type3A_440 = tpu.bitcast %get3A_407 : vector<16xi32> -> vector<16xf32>
        %bitcast_convert_type3A_441 = tpu.bitcast %get3A_413 : vector<16xi32> -> vector<16xf32>
        %bitcast_convert_type3A_442 = tpu.bitcast %get3A_419 : vector<16xi32> -> vector<16xf32>
        %bitcast_convert_type3A_443 = tpu.bitcast %get3A_425 : vector<16xi32> -> vector<16xf32>
        %add3A_444 = arith.addf %bitcast_convert_type3A, %bitcast_convert_type3A_431 : vector<16xf32>
        %add3A_445 = arith.addf %bitcast_convert_type3A_435, %bitcast_convert_type3A_439 : vector<16xf32>
        %add3A_446 = arith.addf %add3A_444, %add3A_445 : vector<16xf32>
        %add3A_447 = arith.addf %scan3A_385, %add3A_446 : vector<16xf32>
        %add3A_448 = arith.addf %bitcast_convert_type3A_440, %bitcast_convert_type3A_441 : vector<16xf32>
        %add3A_449 = arith.addf %bitcast_convert_type3A_442, %bitcast_convert_type3A_443 : vector<16xf32>
        %add3A_450 = arith.addf %add3A_448, %add3A_449 : vector<16xf32>
        %add3A_451 = arith.addf %scan3A_393, %add3A_450 : vector<16xf32>
        %add3A_452 = arith.constant 0 : i32
        %add3A_453 = arith.addi %mul3A_402, %add3A_452 : i32
        %get3A_454 = arith.index_cast %add3A_453 : i32 to index
        %get3A_455 = arith.constant 16 : index
        %get3A_456 = tpu.vector_load %arg10[%get3A_454, %get3A_455] {strides = array<i32>} : memref<32x128xi32, #tpu.memory_space<vmem>>, vector<1x16xi32>,
        %get3A_457 = vector.shape_cast %get3A_456 : vector<1x16xi32> to vector<16xi32>
        %add3A_458 = arith.constant 1 : i32
        %add3A_459 = arith.addi %mul3A_402, %add3A_458 : i32
        %get3A_460 = arith.index_cast %add3A_459 : i32 to index
        %get3A_461 = arith.constant 16 : index
        %get3A_462 = tpu.vector_load %arg10[%get3A_460, %get3A_461] {strides = array<i32>} : memref<32x128xi32, #tpu.memory_space<vmem>>, vector<1x16xi32>,
        %get3A_463 = vector.shape_cast %get3A_462 : vector<1x16xi32> to vector<16xi32>
        %add3A_464 = arith.constant 2 : i32
        %add3A_465 = arith.addi %mul3A_402, %add3A_464 : i32
        %get3A_466 = arith.index_cast %add3A_465 : i32 to index
        %get3A_467 = arith.constant 16 : index
        %get3A_468 = tpu.vector_load %arg10[%get3A_466, %get3A_467] {strides = array<i32>} : memref<32x128xi32, #tpu.memory_space<vmem>>, vector<1x16xi32>,
        %get3A_469 = vector.shape_cast %get3A_468 : vector<1x16xi32> to vector<16xi32>
        %add3A_470 = arith.constant 3 : i32
        %add3A_471 = arith.addi %mul3A_402, %add3A_470 : i32
        %get3A_472 = arith.index_cast %add3A_471 : i32 to index
        %get3A_473 = arith.constant 16 : index
        %get3A_474 = tpu.vector_load %arg10[%get3A_472, %get3A_473] {strides = array<i32>} : memref<32x128xi32, #tpu.memory_space<vmem>>, vector<1x16xi32>,
        %get3A_475 = vector.shape_cast %get3A_474 : vector<1x16xi32> to vector<16xi32>
        %shift_left3A_476 = arith.constant 16 : i32
        %shift_left3A_477 = vector.broadcast %shift_left3A_476 : i32 to vector<16xi32>
        %shift_left3A_478 = arith.shli %get3A_457, %shift_left3A_477 : vector<16xi32>
        %bitcast_convert_type3A_479 = tpu.bitcast %shift_left3A_478 : vector<16xi32> -> vector<16xf32>
        %shift_left3A_480 = arith.constant 16 : i32
        %shift_left3A_481 = vector.broadcast %shift_left3A_480 : i32 to vector<16xi32>
        %shift_left3A_482 = arith.shli %get3A_463, %shift_left3A_481 : vector<16xi32>
        %bitcast_convert_type3A_483 = tpu.bitcast %shift_left3A_482 : vector<16xi32> -> vector<16xf32>
        %shift_left3A_484 = arith.constant 16 : i32
        %shift_left3A_485 = vector.broadcast %shift_left3A_484 : i32 to vector<16xi32>
        %shift_left3A_486 = arith.shli %get3A_469, %shift_left3A_485 : vector<16xi32>
        %bitcast_convert_type3A_487 = tpu.bitcast %shift_left3A_486 : vector<16xi32> -> vector<16xf32>
        %shift_left3A_488 = arith.constant 16 : i32
        %shift_left3A_489 = vector.broadcast %shift_left3A_488 : i32 to vector<16xi32>
        %shift_left3A_490 = arith.shli %get3A_475, %shift_left3A_489 : vector<16xi32>
        %bitcast_convert_type3A_491 = tpu.bitcast %shift_left3A_490 : vector<16xi32> -> vector<16xf32>
        %bitcast_convert_type3A_492 = tpu.bitcast %get3A_457 : vector<16xi32> -> vector<16xf32>
        %bitcast_convert_type3A_493 = tpu.bitcast %get3A_463 : vector<16xi32> -> vector<16xf32>
        %bitcast_convert_type3A_494 = tpu.bitcast %get3A_469 : vector<16xi32> -> vector<16xf32>
        %bitcast_convert_type3A_495 = tpu.bitcast %get3A_475 : vector<16xi32> -> vector<16xf32>
        %add3A_496 = arith.addf %bitcast_convert_type3A_479, %bitcast_convert_type3A_483 : vector<16xf32>
        %add3A_497 = arith.addf %bitcast_convert_type3A_487, %bitcast_convert_type3A_491 : vector<16xf32>
        %add3A_498 = arith.addf %add3A_496, %add3A_497 : vector<16xf32>
        %add3A_499 = arith.addf %scan3A_386, %add3A_498 : vector<16xf32>
        %add3A_500 = arith.addf %bitcast_convert_type3A_492, %bitcast_convert_type3A_493 : vector<16xf32>
        %add3A_501 = arith.addf %bitcast_convert_type3A_494, %bitcast_convert_type3A_495 : vector<16xf32>
        %add3A_502 = arith.addf %add3A_500, %add3A_501 : vector<16xf32>
        %add3A_503 = arith.addf %scan3A_394, %add3A_502 : vector<16xf32>
        %add3A_504 = arith.constant 0 : i32
        %add3A_505 = arith.addi %mul3A_402, %add3A_504 : i32
        %get3A_506 = arith.index_cast %add3A_505 : i32 to index
        %get3A_507 = arith.constant 32 : index
        %get3A_508 = tpu.vector_load %arg10[%get3A_506, %get3A_507] {strides = array<i32>} : memref<32x128xi32, #tpu.memory_space<vmem>>, vector<1x16xi32>,
        %get3A_509 = vector.shape_cast %get3A_508 : vector<1x16xi32> to vector<16xi32>
        %add3A_510 = arith.constant 1 : i32
        %add3A_511 = arith.addi %mul3A_402, %add3A_510 : i32
        %get3A_512 = arith.index_cast %add3A_511 : i32 to index
        %get3A_513 = arith.constant 32 : index
        %get3A_514 = tpu.vector_load %arg10[%get3A_512, %get3A_513] {strides = array<i32>} : memref<32x128xi32, #tpu.memory_space<vmem>>, vector<1x16xi32>,
        %get3A_515 = vector.shape_cast %get3A_514 : vector<1x16xi32> to vector<16xi32>
        %add3A_516 = arith.constant 2 : i32
        %add3A_517 = arith.addi %mul3A_402, %add3A_516 : i32
        %get3A_518 = arith.index_cast %add3A_517 : i32 to index
        %get3A_519 = arith.constant 32 : index
        %get3A_520 = tpu.vector_load %arg10[%get3A_518, %get3A_519] {strides = array<i32>} : memref<32x128xi32, #tpu.memory_space<vmem>>, vector<1x16xi32>,
        %get3A_521 = vector.shape_cast %get3A_520 : vector<1x16xi32> to vector<16xi32>
        %add3A_522 = arith.constant 3 : i32
        %add3A_523 = arith.addi %mul3A_402, %add3A_522 : i32
        %get3A_524 = arith.index_cast %add3A_523 : i32 to index
        %get3A_525 = arith.constant 32 : index
        %get3A_526 = tpu.vector_load %arg10[%get3A_524, %get3A_525] {strides = array<i32>} : memref<32x128xi32, #tpu.memory_space<vmem>>, vector<1x16xi32>,
        %get3A_527 = vector.shape_cast %get3A_526 : vector<1x16xi32> to vector<16xi32>
        %shift_left3A_528 = arith.constant 16 : i32
        %shift_left3A_529 = vector.broadcast %shift_left3A_528 : i32 to vector<16xi32>
        %shift_left3A_530 = arith.shli %get3A_509, %shift_left3A_529 : vector<16xi32>
        %bitcast_convert_type3A_531 = tpu.bitcast %shift_left3A_530 : vector<16xi32> -> vector<16xf32>
        %shift_left3A_532 = arith.constant 16 : i32
        %shift_left3A_533 = vector.broadcast %shift_left3A_532 : i32 to vector<16xi32>
        %shift_left3A_534 = arith.shli %get3A_515, %shift_left3A_533 : vector<16xi32>
        %bitcast_convert_type3A_535 = tpu.bitcast %shift_left3A_534 : vector<16xi32> -> vector<16xf32>
        %shift_left3A_536 = arith.constant 16 : i32
        %shift_left3A_537 = vector.broadcast %shift_left3A_536 : i32 to vector<16xi32>
        %shift_left3A_538 = arith.shli %get3A_521, %shift_left3A_537 : vector<16xi32>
        %bitcast_convert_type3A_539 = tpu.bitcast %shift_left3A_538 : vector<16xi32> -> vector<16xf32>
        %shift_left3A_540 = arith.constant 16 : i32
        %shift_left3A_541 = vector.broadcast %shift_left3A_540 : i32 to vector<16xi32>
        %shift_left3A_542 = arith.shli %get3A_527, %shift_left3A_541 : vector<16xi32>
        %bitcast_convert_type3A_543 = tpu.bitcast %shift_left3A_542 : vector<16xi32> -> vector<16xf32>
        %bitcast_convert_type3A_544 = tpu.bitcast %get3A_509 : vector<16xi32> -> vector<16xf32>
        %bitcast_convert_type3A_545 = tpu.bitcast %get3A_515 : vector<16xi32> -> vector<16xf32>
        %bitcast_convert_type3A_546 = tpu.bitcast %get3A_521 : vector<16xi32> -> vector<16xf32>
        %bitcast_convert_type3A_547 = tpu.bitcast %get3A_527 : vector<16xi32> -> vector<16xf32>
        %add3A_548 = arith.addf %bitcast_convert_type3A_531, %bitcast_convert_type3A_535 : vector<16xf32>
        %add3A_549 = arith.addf %bitcast_convert_type3A_539, %bitcast_convert_type3A_543 : vector<16xf32>
        %add3A_550 = arith.addf %add3A_548, %add3A_549 : vector<16xf32>
        %add3A_551 = arith.addf %scan3A_387, %add3A_550 : vector<16xf32>
        %add3A_552 = arith.addf %bitcast_convert_type3A_544, %bitcast_convert_type3A_545 : vector<16xf32>
        %add3A_553 = arith.addf %bitcast_convert_type3A_546, %bitcast_convert_type3A_547 : vector<16xf32>
        %add3A_554 = arith.addf %add3A_552, %add3A_553 : vector<16xf32>
        %add3A_555 = arith.addf %scan3A_395, %add3A_554 : vector<16xf32>
        %add3A_556 = arith.constant 0 : i32
        %add3A_557 = arith.addi %mul3A_402, %add3A_556 : i32
        %get3A_558 = arith.index_cast %add3A_557 : i32 to index
        %get3A_559 = arith.constant 48 : index
        %get3A_560 = tpu.vector_load %arg10[%get3A_558, %get3A_559] {strides = array<i32>} : memref<32x128xi32, #tpu.memory_space<vmem>>, vector<1x16xi32>,
        %get3A_561 = vector.shape_cast %get3A_560 : vector<1x16xi32> to vector<16xi32>
        %add3A_562 = arith.constant 1 : i32
        %add3A_563 = arith.addi %mul3A_402, %add3A_562 : i32
        %get3A_564 = arith.index_cast %add3A_563 : i32 to index
        %get3A_565 = arith.constant 48 : index
        %get3A_566 = tpu.vector_load %arg10[%get3A_564, %get3A_565] {strides = array<i32>} : memref<32x128xi32, #tpu.memory_space<vmem>>, vector<1x16xi32>,
        %get3A_567 = vector.shape_cast %get3A_566 : vector<1x16xi32> to vector<16xi32>
        %add3A_568 = arith.constant 2 : i32
        %add3A_569 = arith.addi %mul3A_402, %add3A_568 : i32
        %get3A_570 = arith.index_cast %add3A_569 : i32 to index
        %get3A_571 = arith.constant 48 : index
        %get3A_572 = tpu.vector_load %arg10[%get3A_570, %get3A_571] {strides = array<i32>} : memref<32x128xi32, #tpu.memory_space<vmem>>, vector<1x16xi32>,
        %get3A_573 = vector.shape_cast %get3A_572 : vector<1x16xi32> to vector<16xi32>
        %add3A_574 = arith.constant 3 : i32
        %add3A_575 = arith.addi %mul3A_402, %add3A_574 : i32
        %get3A_576 = arith.index_cast %add3A_575 : i32 to index
        %get3A_577 = arith.constant 48 : index
        %get3A_578 = tpu.vector_load %arg10[%get3A_576, %get3A_577] {strides = array<i32>} : memref<32x128xi32, #tpu.memory_space<vmem>>, vector<1x16xi32>,
        %get3A_579 = vector.shape_cast %get3A_578 : vector<1x16xi32> to vector<16xi32>
        %shift_left3A_580 = arith.constant 16 : i32
        %shift_left3A_581 = vector.broadcast %shift_left3A_580 : i32 to vector<16xi32>
        %shift_left3A_582 = arith.shli %get3A_561, %shift_left3A_581 : vector<16xi32>
        %bitcast_convert_type3A_583 = tpu.bitcast %shift_left3A_582 : vector<16xi32> -> vector<16xf32>
        %shift_left3A_584 = arith.constant 16 : i32
        %shift_left3A_585 = vector.broadcast %shift_left3A_584 : i32 to vector<16xi32>
        %shift_left3A_586 = arith.shli %get3A_567, %shift_left3A_585 : vector<16xi32>
        %bitcast_convert_type3A_587 = tpu.bitcast %shift_left3A_586 : vector<16xi32> -> vector<16xf32>
        %shift_left3A_588 = arith.constant 16 : i32
        %shift_left3A_589 = vector.broadcast %shift_left3A_588 : i32 to vector<16xi32>
        %shift_left3A_590 = arith.shli %get3A_573, %shift_left3A_589 : vector<16xi32>
        %bitcast_convert_type3A_591 = tpu.bitcast %shift_left3A_590 : vector<16xi32> -> vector<16xf32>
        %shift_left3A_592 = arith.constant 16 : i32
        %shift_left3A_593 = vector.broadcast %shift_left3A_592 : i32 to vector<16xi32>
        %shift_left3A_594 = arith.shli %get3A_579, %shift_left3A_593 : vector<16xi32>
        %bitcast_convert_type3A_595 = tpu.bitcast %shift_left3A_594 : vector<16xi32> -> vector<16xf32>
        %bitcast_convert_type3A_596 = tpu.bitcast %get3A_561 : vector<16xi32> -> vector<16xf32>
        %bitcast_convert_type3A_597 = tpu.bitcast %get3A_567 : vector<16xi32> -> vector<16xf32>
        %bitcast_convert_type3A_598 = tpu.bitcast %get3A_573 : vector<16xi32> -> vector<16xf32>
        %bitcast_convert_type3A_599 = tpu.bitcast %get3A_579 : vector<16xi32> -> vector<16xf32>
        %add3A_600 = arith.addf %bitcast_convert_type3A_583, %bitcast_convert_type3A_587 : vector<16xf32>
        %add3A_601 = arith.addf %bitcast_convert_type3A_591, %bitcast_convert_type3A_595 : vector<16xf32>
        %add3A_602 = arith.addf %add3A_600, %add3A_601 : vector<16xf32>
        %add3A_603 = arith.addf %scan3A_388, %add3A_602 : vector<16xf32>
        %add3A_604 = arith.addf %bitcast_convert_type3A_596, %bitcast_convert_type3A_597 : vector<16xf32>
        %add3A_605 = arith.addf %bitcast_convert_type3A_598, %bitcast_convert_type3A_599 : vector<16xf32>
        %add3A_606 = arith.addf %add3A_604, %add3A_605 : vector<16xf32>
        %add3A_607 = arith.addf %scan3A_396, %add3A_606 : vector<16xf32>
        %add3A_608 = arith.constant 0 : i32
        %add3A_609 = arith.addi %mul3A_402, %add3A_608 : i32
        %get3A_610 = arith.index_cast %add3A_609 : i32 to index
        %get3A_611 = arith.constant 64 : index
        %get3A_612 = tpu.vector_load %arg10[%get3A_610, %get3A_611] {strides = array<i32>} : memref<32x128xi32, #tpu.memory_space<vmem>>, vector<1x16xi32>,
        %get3A_613 = vector.shape_cast %get3A_612 : vector<1x16xi32> to vector<16xi32>
        %add3A_614 = arith.constant 1 : i32
        %add3A_615 = arith.addi %mul3A_402, %add3A_614 : i32
        %get3A_616 = arith.index_cast %add3A_615 : i32 to index
        %get3A_617 = arith.constant 64 : index
        %get3A_618 = tpu.vector_load %arg10[%get3A_616, %get3A_617] {strides = array<i32>} : memref<32x128xi32, #tpu.memory_space<vmem>>, vector<1x16xi32>,
        %get3A_619 = vector.shape_cast %get3A_618 : vector<1x16xi32> to vector<16xi32>
        %add3A_620 = arith.constant 2 : i32
        %add3A_621 = arith.addi %mul3A_402, %add3A_620 : i32
        %get3A_622 = arith.index_cast %add3A_621 : i32 to index
        %get3A_623 = arith.constant 64 : index
        %get3A_624 = tpu.vector_load %arg10[%get3A_622, %get3A_623] {strides = array<i32>} : memref<32x128xi32, #tpu.memory_space<vmem>>, vector<1x16xi32>,
        %get3A_625 = vector.shape_cast %get3A_624 : vector<1x16xi32> to vector<16xi32>
        %add3A_626 = arith.constant 3 : i32
        %add3A_627 = arith.addi %mul3A_402, %add3A_626 : i32
        %get3A_628 = arith.index_cast %add3A_627 : i32 to index
        %get3A_629 = arith.constant 64 : index
        %get3A_630 = tpu.vector_load %arg10[%get3A_628, %get3A_629] {strides = array<i32>} : memref<32x128xi32, #tpu.memory_space<vmem>>, vector<1x16xi32>,
        %get3A_631 = vector.shape_cast %get3A_630 : vector<1x16xi32> to vector<16xi32>
        %shift_left3A_632 = arith.constant 16 : i32
        %shift_left3A_633 = vector.broadcast %shift_left3A_632 : i32 to vector<16xi32>
        %shift_left3A_634 = arith.shli %get3A_613, %shift_left3A_633 : vector<16xi32>
        %bitcast_convert_type3A_635 = tpu.bitcast %shift_left3A_634 : vector<16xi32> -> vector<16xf32>
        %shift_left3A_636 = arith.constant 16 : i32
        %shift_left3A_637 = vector.broadcast %shift_left3A_636 : i32 to vector<16xi32>
        %shift_left3A_638 = arith.shli %get3A_619, %shift_left3A_637 : vector<16xi32>
        %bitcast_convert_type3A_639 = tpu.bitcast %shift_left3A_638 : vector<16xi32> -> vector<16xf32>
        %shift_left3A_640 = arith.constant 16 : i32
        %shift_left3A_641 = vector.broadcast %shift_left3A_640 : i32 to vector<16xi32>
        %shift_left3A_642 = arith.shli %get3A_625, %shift_left3A_641 : vector<16xi32>
        %bitcast_convert_type3A_643 = tpu.bitcast %shift_left3A_642 : vector<16xi32> -> vector<16xf32>
        %shift_left3A_644 = arith.constant 16 : i32
        %shift_left3A_645 = vector.broadcast %shift_left3A_644 : i32 to vector<16xi32>
        %shift_left3A_646 = arith.shli %get3A_631, %shift_left3A_645 : vector<16xi32>
        %bitcast_convert_type3A_647 = tpu.bitcast %shift_left3A_646 : vector<16xi32> -> vector<16xf32>
        %bitcast_convert_type3A_648 = tpu.bitcast %get3A_613 : vector<16xi32> -> vector<16xf32>
        %bitcast_convert_type3A_649 = tpu.bitcast %get3A_619 : vector<16xi32> -> vector<16xf32>
        %bitcast_convert_type3A_650 = tpu.bitcast %get3A_625 : vector<16xi32> -> vector<16xf32>
        %bitcast_convert_type3A_651 = tpu.bitcast %get3A_631 : vector<16xi32> -> vector<16xf32>
        %add3A_652 = arith.addf %bitcast_convert_type3A_635, %bitcast_convert_type3A_639 : vector<16xf32>
        %add3A_653 = arith.addf %bitcast_convert_type3A_643, %bitcast_convert_type3A_647 : vector<16xf32>
        %add3A_654 = arith.addf %add3A_652, %add3A_653 : vector<16xf32>
        %add3A_655 = arith.addf %scan3A_389, %add3A_654 : vector<16xf32>
        %add3A_656 = arith.addf %bitcast_convert_type3A_648, %bitcast_convert_type3A_649 : vector<16xf32>
        %add3A_657 = arith.addf %bitcast_convert_type3A_650, %bitcast_convert_type3A_651 : vector<16xf32>
        %add3A_658 = arith.addf %add3A_656, %add3A_657 : vector<16xf32>
        %add3A_659 = arith.addf %scan3A_397, %add3A_658 : vector<16xf32>
        %add3A_660 = arith.constant 0 : i32
        %add3A_661 = arith.addi %mul3A_402, %add3A_660 : i32
        %get3A_662 = arith.index_cast %add3A_661 : i32 to index
        %get3A_663 = arith.constant 80 : index
        %get3A_664 = tpu.vector_load %arg10[%get3A_662, %get3A_663] {strides = array<i32>} : memref<32x128xi32, #tpu.memory_space<vmem>>, vector<1x16xi32>,
        %get3A_665 = vector.shape_cast %get3A_664 : vector<1x16xi32> to vector<16xi32>
        %add3A_666 = arith.constant 1 : i32
        %add3A_667 = arith.addi %mul3A_402, %add3A_666 : i32
        %get3A_668 = arith.index_cast %add3A_667 : i32 to index
        %get3A_669 = arith.constant 80 : index
        %get3A_670 = tpu.vector_load %arg10[%get3A_668, %get3A_669] {strides = array<i32>} : memref<32x128xi32, #tpu.memory_space<vmem>>, vector<1x16xi32>,
        %get3A_671 = vector.shape_cast %get3A_670 : vector<1x16xi32> to vector<16xi32>
        %add3A_672 = arith.constant 2 : i32
        %add3A_673 = arith.addi %mul3A_402, %add3A_672 : i32
        %get3A_674 = arith.index_cast %add3A_673 : i32 to index
        %get3A_675 = arith.constant 80 : index
        %get3A_676 = tpu.vector_load %arg10[%get3A_674, %get3A_675] {strides = array<i32>} : memref<32x128xi32, #tpu.memory_space<vmem>>, vector<1x16xi32>,
        %get3A_677 = vector.shape_cast %get3A_676 : vector<1x16xi32> to vector<16xi32>
        %add3A_678 = arith.constant 3 : i32
        %add3A_679 = arith.addi %mul3A_402, %add3A_678 : i32
        %get3A_680 = arith.index_cast %add3A_679 : i32 to index
        %get3A_681 = arith.constant 80 : index
        %get3A_682 = tpu.vector_load %arg10[%get3A_680, %get3A_681] {strides = array<i32>} : memref<32x128xi32, #tpu.memory_space<vmem>>, vector<1x16xi32>,
        %get3A_683 = vector.shape_cast %get3A_682 : vector<1x16xi32> to vector<16xi32>
        %shift_left3A_684 = arith.constant 16 : i32
        %shift_left3A_685 = vector.broadcast %shift_left3A_684 : i32 to vector<16xi32>
        %shift_left3A_686 = arith.shli %get3A_665, %shift_left3A_685 : vector<16xi32>
        %bitcast_convert_type3A_687 = tpu.bitcast %shift_left3A_686 : vector<16xi32> -> vector<16xf32>
        %shift_left3A_688 = arith.constant 16 : i32
        %shift_left3A_689 = vector.broadcast %shift_left3A_688 : i32 to vector<16xi32>
        %shift_left3A_690 = arith.shli %get3A_671, %shift_left3A_689 : vector<16xi32>
        %bitcast_convert_type3A_691 = tpu.bitcast %shift_left3A_690 : vector<16xi32> -> vector<16xf32>
        %shift_left3A_692 = arith.constant 16 : i32
        %shift_left3A_693 = vector.broadcast %shift_left3A_692 : i32 to vector<16xi32>
        %shift_left3A_694 = arith.shli %get3A_677, %shift_left3A_693 : vector<16xi32>
        %bitcast_convert_type3A_695 = tpu.bitcast %shift_left3A_694 : vector<16xi32> -> vector<16xf32>
        %shift_left3A_696 = arith.constant 16 : i32
        %shift_left3A_697 = vector.broadcast %shift_left3A_696 : i32 to vector<16xi32>
        %shift_left3A_698 = arith.shli %get3A_683, %shift_left3A_697 : vector<16xi32>
        %bitcast_convert_type3A_699 = tpu.bitcast %shift_left3A_698 : vector<16xi32> -> vector<16xf32>
        %bitcast_convert_type3A_700 = tpu.bitcast %get3A_665 : vector<16xi32> -> vector<16xf32>
        %bitcast_convert_type3A_701 = tpu.bitcast %get3A_671 : vector<16xi32> -> vector<16xf32>
        %bitcast_convert_type3A_702 = tpu.bitcast %get3A_677 : vector<16xi32> -> vector<16xf32>
        %bitcast_convert_type3A_703 = tpu.bitcast %get3A_683 : vector<16xi32> -> vector<16xf32>
        %add3A_704 = arith.addf %bitcast_convert_type3A_687, %bitcast_convert_type3A_691 : vector<16xf32>
        %add3A_705 = arith.addf %bitcast_convert_type3A_695, %bitcast_convert_type3A_699 : vector<16xf32>
        %add3A_706 = arith.addf %add3A_704, %add3A_705 : vector<16xf32>
        %add3A_707 = arith.addf %scan3A_390, %add3A_706 : vector<16xf32>
        %add3A_708 = arith.addf %bitcast_convert_type3A_700, %bitcast_convert_type3A_701 : vector<16xf32>
        %add3A_709 = arith.addf %bitcast_convert_type3A_702, %bitcast_convert_type3A_703 : vector<16xf32>
        %add3A_710 = arith.addf %add3A_708, %add3A_709 : vector<16xf32>
        %add3A_711 = arith.addf %scan3A_398, %add3A_710 : vector<16xf32>
        %add3A_712 = arith.constant 0 : i32
        %add3A_713 = arith.addi %mul3A_402, %add3A_712 : i32
        %get3A_714 = arith.index_cast %add3A_713 : i32 to index
        %get3A_715 = arith.constant 96 : index
        %get3A_716 = tpu.vector_load %arg10[%get3A_714, %get3A_715] {strides = array<i32>} : memref<32x128xi32, #tpu.memory_space<vmem>>, vector<1x16xi32>,
        %get3A_717 = vector.shape_cast %get3A_716 : vector<1x16xi32> to vector<16xi32>
        %add3A_718 = arith.constant 1 : i32
        %add3A_719 = arith.addi %mul3A_402, %add3A_718 : i32
        %get3A_720 = arith.index_cast %add3A_719 : i32 to index
        %get3A_721 = arith.constant 96 : index
        %get3A_722 = tpu.vector_load %arg10[%get3A_720, %get3A_721] {strides = array<i32>} : memref<32x128xi32, #tpu.memory_space<vmem>>, vector<1x16xi32>,
        %get3A_723 = vector.shape_cast %get3A_722 : vector<1x16xi32> to vector<16xi32>
        %add3A_724 = arith.constant 2 : i32
        %add3A_725 = arith.addi %mul3A_402, %add3A_724 : i32
        %get3A_726 = arith.index_cast %add3A_725 : i32 to index
        %get3A_727 = arith.constant 96 : index
        %get3A_728 = tpu.vector_load %arg10[%get3A_726, %get3A_727] {strides = array<i32>} : memref<32x128xi32, #tpu.memory_space<vmem>>, vector<1x16xi32>,
        %get3A_729 = vector.shape_cast %get3A_728 : vector<1x16xi32> to vector<16xi32>
        %add3A_730 = arith.constant 3 : i32
        %add3A_731 = arith.addi %mul3A_402, %add3A_730 : i32
        %get3A_732 = arith.index_cast %add3A_731 : i32 to index
        %get3A_733 = arith.constant 96 : index
        %get3A_734 = tpu.vector_load %arg10[%get3A_732, %get3A_733] {strides = array<i32>} : memref<32x128xi32, #tpu.memory_space<vmem>>, vector<1x16xi32>,
        %get3A_735 = vector.shape_cast %get3A_734 : vector<1x16xi32> to vector<16xi32>
        %shift_left3A_736 = arith.constant 16 : i32
        %shift_left3A_737 = vector.broadcast %shift_left3A_736 : i32 to vector<16xi32>
        %shift_left3A_738 = arith.shli %get3A_717, %shift_left3A_737 : vector<16xi32>
        %bitcast_convert_type3A_739 = tpu.bitcast %shift_left3A_738 : vector<16xi32> -> vector<16xf32>
        %shift_left3A_740 = arith.constant 16 : i32
        %shift_left3A_741 = vector.broadcast %shift_left3A_740 : i32 to vector<16xi32>
        %shift_left3A_742 = arith.shli %get3A_723, %shift_left3A_741 : vector<16xi32>
        %bitcast_convert_type3A_743 = tpu.bitcast %shift_left3A_742 : vector<16xi32> -> vector<16xf32>
        %shift_left3A_744 = arith.constant 16 : i32
        %shift_left3A_745 = vector.broadcast %shift_left3A_744 : i32 to vector<16xi32>
        %shift_left3A_746 = arith.shli %get3A_729, %shift_left3A_745 : vector<16xi32>
        %bitcast_convert_type3A_747 = tpu.bitcast %shift_left3A_746 : vector<16xi32> -> vector<16xf32>
        %shift_left3A_748 = arith.constant 16 : i32
        %shift_left3A_749 = vector.broadcast %shift_left3A_748 : i32 to vector<16xi32>
        %shift_left3A_750 = arith.shli %get3A_735, %shift_left3A_749 : vector<16xi32>
        %bitcast_convert_type3A_751 = tpu.bitcast %shift_left3A_750 : vector<16xi32> -> vector<16xf32>
        %bitcast_convert_type3A_752 = tpu.bitcast %get3A_717 : vector<16xi32> -> vector<16xf32>
        %bitcast_convert_type3A_753 = tpu.bitcast %get3A_723 : vector<16xi32> -> vector<16xf32>
        %bitcast_convert_type3A_754 = tpu.bitcast %get3A_729 : vector<16xi32> -> vector<16xf32>
        %bitcast_convert_type3A_755 = tpu.bitcast %get3A_735 : vector<16xi32> -> vector<16xf32>
        %add3A_756 = arith.addf %bitcast_convert_type3A_739, %bitcast_convert_type3A_743 : vector<16xf32>
        %add3A_757 = arith.addf %bitcast_convert_type3A_747, %bitcast_convert_type3A_751 : vector<16xf32>
        %add3A_758 = arith.addf %add3A_756, %add3A_757 : vector<16xf32>
        %add3A_759 = arith.addf %scan3A_391, %add3A_758 : vector<16xf32>
        %add3A_760 = arith.addf %bitcast_convert_type3A_752, %bitcast_convert_type3A_753 : vector<16xf32>
        %add3A_761 = arith.addf %bitcast_convert_type3A_754, %bitcast_convert_type3A_755 : vector<16xf32>
        %add3A_762 = arith.addf %add3A_760, %add3A_761 : vector<16xf32>
        %add3A_763 = arith.addf %scan3A_399, %add3A_762 : vector<16xf32>
        %add3A_764 = arith.constant 0 : i32
        %add3A_765 = arith.addi %mul3A_402, %add3A_764 : i32
        %get3A_766 = arith.index_cast %add3A_765 : i32 to index
        %get3A_767 = arith.constant 112 : index
        %get3A_768 = tpu.vector_load %arg10[%get3A_766, %get3A_767] {strides = array<i32>} : memref<32x128xi32, #tpu.memory_space<vmem>>, vector<1x16xi32>,
        %get3A_769 = vector.shape_cast %get3A_768 : vector<1x16xi32> to vector<16xi32>
        %add3A_770 = arith.constant 1 : i32
        %add3A_771 = arith.addi %mul3A_402, %add3A_770 : i32
        %get3A_772 = arith.index_cast %add3A_771 : i32 to index
        %get3A_773 = arith.constant 112 : index
        %get3A_774 = tpu.vector_load %arg10[%get3A_772, %get3A_773] {strides = array<i32>} : memref<32x128xi32, #tpu.memory_space<vmem>>, vector<1x16xi32>,
        %get3A_775 = vector.shape_cast %get3A_774 : vector<1x16xi32> to vector<16xi32>
        %add3A_776 = arith.constant 2 : i32
        %add3A_777 = arith.addi %mul3A_402, %add3A_776 : i32
        %get3A_778 = arith.index_cast %add3A_777 : i32 to index
        %get3A_779 = arith.constant 112 : index
        %get3A_780 = tpu.vector_load %arg10[%get3A_778, %get3A_779] {strides = array<i32>} : memref<32x128xi32, #tpu.memory_space<vmem>>, vector<1x16xi32>,
        %get3A_781 = vector.shape_cast %get3A_780 : vector<1x16xi32> to vector<16xi32>
        %add3A_782 = arith.constant 3 : i32
        %add3A_783 = arith.addi %mul3A_402, %add3A_782 : i32
        %get3A_784 = arith.index_cast %add3A_783 : i32 to index
        %get3A_785 = arith.constant 112 : index
        %get3A_786 = tpu.vector_load %arg10[%get3A_784, %get3A_785] {strides = array<i32>} : memref<32x128xi32, #tpu.memory_space<vmem>>, vector<1x16xi32>,
        %get3A_787 = vector.shape_cast %get3A_786 : vector<1x16xi32> to vector<16xi32>
        %shift_left3A_788 = arith.constant 16 : i32
        %shift_left3A_789 = vector.broadcast %shift_left3A_788 : i32 to vector<16xi32>
        %shift_left3A_790 = arith.shli %get3A_769, %shift_left3A_789 : vector<16xi32>
        %bitcast_convert_type3A_791 = tpu.bitcast %shift_left3A_790 : vector<16xi32> -> vector<16xf32>
        %shift_left3A_792 = arith.constant 16 : i32
        %shift_left3A_793 = vector.broadcast %shift_left3A_792 : i32 to vector<16xi32>
        %shift_left3A_794 = arith.shli %get3A_775, %shift_left3A_793 : vector<16xi32>
        %bitcast_convert_type3A_795 = tpu.bitcast %shift_left3A_794 : vector<16xi32> -> vector<16xf32>
        %shift_left3A_796 = arith.constant 16 : i32
        %shift_left3A_797 = vector.broadcast %shift_left3A_796 : i32 to vector<16xi32>
        %shift_left3A_798 = arith.shli %get3A_781, %shift_left3A_797 : vector<16xi32>
        %bitcast_convert_type3A_799 = tpu.bitcast %shift_left3A_798 : vector<16xi32> -> vector<16xf32>
        %shift_left3A_800 = arith.constant 16 : i32
        %shift_left3A_801 = vector.broadcast %shift_left3A_800 : i32 to vector<16xi32>
        %shift_left3A_802 = arith.shli %get3A_787, %shift_left3A_801 : vector<16xi32>
        %bitcast_convert_type3A_803 = tpu.bitcast %shift_left3A_802 : vector<16xi32> -> vector<16xf32>
        %bitcast_convert_type3A_804 = tpu.bitcast %get3A_769 : vector<16xi32> -> vector<16xf32>
        %bitcast_convert_type3A_805 = tpu.bitcast %get3A_775 : vector<16xi32> -> vector<16xf32>
        %bitcast_convert_type3A_806 = tpu.bitcast %get3A_781 : vector<16xi32> -> vector<16xf32>
        %bitcast_convert_type3A_807 = tpu.bitcast %get3A_787 : vector<16xi32> -> vector<16xf32>
        %add3A_808 = arith.addf %bitcast_convert_type3A_791, %bitcast_convert_type3A_795 : vector<16xf32>
        %add3A_809 = arith.addf %bitcast_convert_type3A_799, %bitcast_convert_type3A_803 : vector<16xf32>
        %add3A_810 = arith.addf %add3A_808, %add3A_809 : vector<16xf32>
        %add3A_811 = arith.addf %scan3A_392, %add3A_810 : vector<16xf32>
        %add3A_812 = arith.addf %bitcast_convert_type3A_804, %bitcast_convert_type3A_805 : vector<16xf32>
        %add3A_813 = arith.addf %bitcast_convert_type3A_806, %bitcast_convert_type3A_807 : vector<16xf32>
        %add3A_814 = arith.addf %add3A_812, %add3A_813 : vector<16xf32>
        %add3A_815 = arith.addf %scan3A_400, %add3A_814 : vector<16xf32>
        scf.yield %add3A_447, %add3A_499, %add3A_551, %add3A_603, %add3A_655, %add3A_707, %add3A_759, %add3A_811, %add3A_451, %add3A_503, %add3A_555, %add3A_607, %add3A_659, %add3A_711, %add3A_763, %add3A_815 : vector<16xf32>, vector<16xf32>, vector<16xf32>, vector<16xf32>, vector<16xf32>, vector<16xf32>, vector<16xf32>, vector<16xf32>, vector<16xf32>, vector<16xf32>, vector<16xf32>, vector<16xf32>, vector<16xf32>, vector<16xf32>, vector<16xf32>, vector<16xf32>
      }
      %scan3A_247 = arith.constant 8 : i32
      %convert_element_type3A_248 = arith.extui %lt3A_97 : i1 to i32
      %cond3A_249 = arith.constant 0 : i32
      %cond3A_250 = arith.cmpi ne, %convert_element_type3A_248, %cond3A_249 : i32
      scf.if %cond3A_250 {
        %add3A_384 = arith.constant 3 : i32
        %add3A_385 = arith.addi %mul3A_96, %add3A_384 : i32
        %dma_start3A_386 = arith.constant 0 : i32
        %dma_start3A_387 = tpu.memref_slice %arg5[%add3A_385, %dma_start3A_386] : memref<128x128xi32, #tpu.memory_space<vmem>> -> memref<1x32xi32, #tpu.memory_space<vmem>>
        %dma_start3A_388 = tpu.memref_squeeze %dma_start3A_387 : memref<1x32xi32, #tpu.memory_space<vmem>> -> memref<32xi32, #tpu.memory_space<vmem>>
        %dma_start3A_389 = arith.constant 0 : i32
        %dma_start3A_390 = arith.constant 0 : i32
        %dma_start3A_391 = tpu.memref_slice %arg3[%dma_start3A_389, %dma_start3A_390] : memref<100000x128xi32, #tpu.memory_space<hbm>> -> memref<100000x128xi32, #tpu.memory_space<hbm>>
        tpu.enqueue_indirect_dma source(%dma_start3A_391 : memref<100000x128xi32, #tpu.memory_space<hbm>>) target(%arg10 : memref<32x128xi32, #tpu.memory_space<vmem>>) offsets(%dma_start3A_388 : memref<32xi32, #tpu.memory_space<vmem>>) semaphore(%arg19 : memref<!tpu.dma_semaphore, #tpu.memory_space<semaphore_mem>>)
      } else {
      }
      %add3A_251 = arith.constant 1 : i32
      %add3A_252 = arith.addi %mul3A_96, %add3A_251 : i32
      %dma_wait3A_253 = arith.constant 32 : i32
      %dma_wait3A_254 = tpu.memref_slice %arg5[%add3A_252, %dma_wait3A_253] : memref<128x128xi32, #tpu.memory_space<vmem>> -> memref<1x32xi32, #tpu.memory_space<vmem>>
      %dma_wait3A_255 = tpu.memref_squeeze %dma_wait3A_254 : memref<1x32xi32, #tpu.memory_space<vmem>> -> memref<32xi32, #tpu.memory_space<vmem>>
      %dma_wait3A_256 = arith.constant 0 : i32
      %dma_wait3A_257 = arith.constant 0 : i32
      %dma_wait3A_258 = tpu.memref_slice %arg3[%dma_wait3A_256, %dma_wait3A_257] : memref<100000x128xi32, #tpu.memory_space<hbm>> -> memref<100000x128xi32, #tpu.memory_space<hbm>>
      tpu.wait_indirect_dma semaphore(%arg20 : memref<!tpu.dma_semaphore, #tpu.memory_space<semaphore_mem>>) src(%dma_wait3A_258 : memref<100000x128xi32, #tpu.memory_space<hbm>>) dst(%arg11 : memref<32x128xi32, #tpu.memory_space<vmem>>)
      %scan3A_259 = arith.constant 0 : i32
      %scan3A_260 = arith.constant 8 : i32
      %scan3A_261 = arith.addi %scan3A_259, %scan3A_260 : i32
      %scan3A_262 = arith.constant 1 : i32
      %scan3A_263:16 = scf.for %scan3A_384 = %scan3A_259 to %scan3A_261 step %scan3A_262 iter_args(%scan3A_385 = %scan3A_246#0, %scan3A_386 = %scan3A_246#1, %scan3A_387 = %scan3A_246#2, %scan3A_388 = %scan3A_246#3, %scan3A_389 = %scan3A_246#4, %scan3A_390 = %scan3A_246#5, %scan3A_391 = %scan3A_246#6, %scan3A_392 = %scan3A_246#7, %scan3A_393 = %scan3A_246#8, %scan3A_394 = %scan3A_246#9, %scan3A_395 = %scan3A_246#10, %scan3A_396 = %scan3A_246#11, %scan3A_397 = %scan3A_246#12, %scan3A_398 = %scan3A_246#13, %scan3A_399 = %scan3A_246#14, %scan3A_400 = %scan3A_246#15) -> (vector<16xf32>, vector<16xf32>, vector<16xf32>, vector<16xf32>, vector<16xf32>, vector<16xf32>, vector<16xf32>, vector<16xf32>, vector<16xf32>, vector<16xf32>, vector<16xf32>, vector<16xf32>, vector<16xf32>, vector<16xf32>, vector<16xf32>, vector<16xf32>)  : i32 {
        %mul3A_401 = arith.constant 4 : i32
        %mul3A_402 = arith.muli %mul3A_401, %scan3A_384 : i32
        %add3A_403 = arith.constant 0 : i32
        %add3A_404 = arith.addi %mul3A_402, %add3A_403 : i32
        %get3A = arith.index_cast %add3A_404 : i32 to index
        %get3A_405 = arith.constant 0 : index
        %get3A_406 = tpu.vector_load %arg11[%get3A, %get3A_405] {strides = array<i32>} : memref<32x128xi32, #tpu.memory_space<vmem>>, vector<1x16xi32>,
        %get3A_407 = vector.shape_cast %get3A_406 : vector<1x16xi32> to vector<16xi32>
        %add3A_408 = arith.constant 1 : i32
        %add3A_409 = arith.addi %mul3A_402, %add3A_408 : i32
        %get3A_410 = arith.index_cast %add3A_409 : i32 to index
        %get3A_411 = arith.constant 0 : index
        %get3A_412 = tpu.vector_load %arg11[%get3A_410, %get3A_411] {strides = array<i32>} : memref<32x128xi32, #tpu.memory_space<vmem>>, vector<1x16xi32>,
        %get3A_413 = vector.shape_cast %get3A_412 : vector<1x16xi32> to vector<16xi32>
        %add3A_414 = arith.constant 2 : i32
        %add3A_415 = arith.addi %mul3A_402, %add3A_414 : i32
        %get3A_416 = arith.index_cast %add3A_415 : i32 to index
        %get3A_417 = arith.constant 0 : index
        %get3A_418 = tpu.vector_load %arg11[%get3A_416, %get3A_417] {strides = array<i32>} : memref<32x128xi32, #tpu.memory_space<vmem>>, vector<1x16xi32>,
        %get3A_419 = vector.shape_cast %get3A_418 : vector<1x16xi32> to vector<16xi32>
        %add3A_420 = arith.constant 3 : i32
        %add3A_421 = arith.addi %mul3A_402, %add3A_420 : i32
        %get3A_422 = arith.index_cast %add3A_421 : i32 to index
        %get3A_423 = arith.constant 0 : index
        %get3A_424 = tpu.vector_load %arg11[%get3A_422, %get3A_423] {strides = array<i32>} : memref<32x128xi32, #tpu.memory_space<vmem>>, vector<1x16xi32>,
        %get3A_425 = vector.shape_cast %get3A_424 : vector<1x16xi32> to vector<16xi32>
        %shift_left3A = arith.constant 16 : i32
        %shift_left3A_426 = vector.broadcast %shift_left3A : i32 to vector<16xi32>
        %shift_left3A_427 = arith.shli %get3A_407, %shift_left3A_426 : vector<16xi32>
        %bitcast_convert_type3A = tpu.bitcast %shift_left3A_427 : vector<16xi32> -> vector<16xf32>
        %shift_left3A_428 = arith.constant 16 : i32
        %shift_left3A_429 = vector.broadcast %shift_left3A_428 : i32 to vector<16xi32>
        %shift_left3A_430 = arith.shli %get3A_413, %shift_left3A_429 : vector<16xi32>
        %bitcast_convert_type3A_431 = tpu.bitcast %shift_left3A_430 : vector<16xi32> -> vector<16xf32>
        %shift_left3A_432 = arith.constant 16 : i32
        %shift_left3A_433 = vector.broadcast %shift_left3A_432 : i32 to vector<16xi32>
        %shift_left3A_434 = arith.shli %get3A_419, %shift_left3A_433 : vector<16xi32>
        %bitcast_convert_type3A_435 = tpu.bitcast %shift_left3A_434 : vector<16xi32> -> vector<16xf32>
        %shift_left3A_436 = arith.constant 16 : i32
        %shift_left3A_437 = vector.broadcast %shift_left3A_436 : i32 to vector<16xi32>
        %shift_left3A_438 = arith.shli %get3A_425, %shift_left3A_437 : vector<16xi32>
        %bitcast_convert_type3A_439 = tpu.bitcast %shift_left3A_438 : vector<16xi32> -> vector<16xf32>
        %bitcast_convert_type3A_440 = tpu.bitcast %get3A_407 : vector<16xi32> -> vector<16xf32>
        %bitcast_convert_type3A_441 = tpu.bitcast %get3A_413 : vector<16xi32> -> vector<16xf32>
        %bitcast_convert_type3A_442 = tpu.bitcast %get3A_419 : vector<16xi32> -> vector<16xf32>
        %bitcast_convert_type3A_443 = tpu.bitcast %get3A_425 : vector<16xi32> -> vector<16xf32>
        %add3A_444 = arith.addf %bitcast_convert_type3A, %bitcast_convert_type3A_431 : vector<16xf32>
        %add3A_445 = arith.addf %bitcast_convert_type3A_435, %bitcast_convert_type3A_439 : vector<16xf32>
        %add3A_446 = arith.addf %add3A_444, %add3A_445 : vector<16xf32>
        %add3A_447 = arith.addf %scan3A_385, %add3A_446 : vector<16xf32>
        %add3A_448 = arith.addf %bitcast_convert_type3A_440, %bitcast_convert_type3A_441 : vector<16xf32>
        %add3A_449 = arith.addf %bitcast_convert_type3A_442, %bitcast_convert_type3A_443 : vector<16xf32>
        %add3A_450 = arith.addf %add3A_448, %add3A_449 : vector<16xf32>
        %add3A_451 = arith.addf %scan3A_393, %add3A_450 : vector<16xf32>
        %add3A_452 = arith.constant 0 : i32
        %add3A_453 = arith.addi %mul3A_402, %add3A_452 : i32
        %get3A_454 = arith.index_cast %add3A_453 : i32 to index
        %get3A_455 = arith.constant 16 : index
        %get3A_456 = tpu.vector_load %arg11[%get3A_454, %get3A_455] {strides = array<i32>} : memref<32x128xi32, #tpu.memory_space<vmem>>, vector<1x16xi32>,
        %get3A_457 = vector.shape_cast %get3A_456 : vector<1x16xi32> to vector<16xi32>
        %add3A_458 = arith.constant 1 : i32
        %add3A_459 = arith.addi %mul3A_402, %add3A_458 : i32
        %get3A_460 = arith.index_cast %add3A_459 : i32 to index
        %get3A_461 = arith.constant 16 : index
        %get3A_462 = tpu.vector_load %arg11[%get3A_460, %get3A_461] {strides = array<i32>} : memref<32x128xi32, #tpu.memory_space<vmem>>, vector<1x16xi32>,
        %get3A_463 = vector.shape_cast %get3A_462 : vector<1x16xi32> to vector<16xi32>
        %add3A_464 = arith.constant 2 : i32
        %add3A_465 = arith.addi %mul3A_402, %add3A_464 : i32
        %get3A_466 = arith.index_cast %add3A_465 : i32 to index
        %get3A_467 = arith.constant 16 : index
        %get3A_468 = tpu.vector_load %arg11[%get3A_466, %get3A_467] {strides = array<i32>} : memref<32x128xi32, #tpu.memory_space<vmem>>, vector<1x16xi32>,
        %get3A_469 = vector.shape_cast %get3A_468 : vector<1x16xi32> to vector<16xi32>
        %add3A_470 = arith.constant 3 : i32
        %add3A_471 = arith.addi %mul3A_402, %add3A_470 : i32
        %get3A_472 = arith.index_cast %add3A_471 : i32 to index
        %get3A_473 = arith.constant 16 : index
        %get3A_474 = tpu.vector_load %arg11[%get3A_472, %get3A_473] {strides = array<i32>} : memref<32x128xi32, #tpu.memory_space<vmem>>, vector<1x16xi32>,
        %get3A_475 = vector.shape_cast %get3A_474 : vector<1x16xi32> to vector<16xi32>
        %shift_left3A_476 = arith.constant 16 : i32
        %shift_left3A_477 = vector.broadcast %shift_left3A_476 : i32 to vector<16xi32>
        %shift_left3A_478 = arith.shli %get3A_457, %shift_left3A_477 : vector<16xi32>
        %bitcast_convert_type3A_479 = tpu.bitcast %shift_left3A_478 : vector<16xi32> -> vector<16xf32>
        %shift_left3A_480 = arith.constant 16 : i32
        %shift_left3A_481 = vector.broadcast %shift_left3A_480 : i32 to vector<16xi32>
        %shift_left3A_482 = arith.shli %get3A_463, %shift_left3A_481 : vector<16xi32>
        %bitcast_convert_type3A_483 = tpu.bitcast %shift_left3A_482 : vector<16xi32> -> vector<16xf32>
        %shift_left3A_484 = arith.constant 16 : i32
        %shift_left3A_485 = vector.broadcast %shift_left3A_484 : i32 to vector<16xi32>
        %shift_left3A_486 = arith.shli %get3A_469, %shift_left3A_485 : vector<16xi32>
        %bitcast_convert_type3A_487 = tpu.bitcast %shift_left3A_486 : vector<16xi32> -> vector<16xf32>
        %shift_left3A_488 = arith.constant 16 : i32
        %shift_left3A_489 = vector.broadcast %shift_left3A_488 : i32 to vector<16xi32>
        %shift_left3A_490 = arith.shli %get3A_475, %shift_left3A_489 : vector<16xi32>
        %bitcast_convert_type3A_491 = tpu.bitcast %shift_left3A_490 : vector<16xi32> -> vector<16xf32>
        %bitcast_convert_type3A_492 = tpu.bitcast %get3A_457 : vector<16xi32> -> vector<16xf32>
        %bitcast_convert_type3A_493 = tpu.bitcast %get3A_463 : vector<16xi32> -> vector<16xf32>
        %bitcast_convert_type3A_494 = tpu.bitcast %get3A_469 : vector<16xi32> -> vector<16xf32>
        %bitcast_convert_type3A_495 = tpu.bitcast %get3A_475 : vector<16xi32> -> vector<16xf32>
        %add3A_496 = arith.addf %bitcast_convert_type3A_479, %bitcast_convert_type3A_483 : vector<16xf32>
        %add3A_497 = arith.addf %bitcast_convert_type3A_487, %bitcast_convert_type3A_491 : vector<16xf32>
        %add3A_498 = arith.addf %add3A_496, %add3A_497 : vector<16xf32>
        %add3A_499 = arith.addf %scan3A_386, %add3A_498 : vector<16xf32>
        %add3A_500 = arith.addf %bitcast_convert_type3A_492, %bitcast_convert_type3A_493 : vector<16xf32>
        %add3A_501 = arith.addf %bitcast_convert_type3A_494, %bitcast_convert_type3A_495 : vector<16xf32>
        %add3A_502 = arith.addf %add3A_500, %add3A_501 : vector<16xf32>
        %add3A_503 = arith.addf %scan3A_394, %add3A_502 : vector<16xf32>
        %add3A_504 = arith.constant 0 : i32
        %add3A_505 = arith.addi %mul3A_402, %add3A_504 : i32
        %get3A_506 = arith.index_cast %add3A_505 : i32 to index
        %get3A_507 = arith.constant 32 : index
        %get3A_508 = tpu.vector_load %arg11[%get3A_506, %get3A_507] {strides = array<i32>} : memref<32x128xi32, #tpu.memory_space<vmem>>, vector<1x16xi32>,
        %get3A_509 = vector.shape_cast %get3A_508 : vector<1x16xi32> to vector<16xi32>
        %add3A_510 = arith.constant 1 : i32
        %add3A_511 = arith.addi %mul3A_402, %add3A_510 : i32
        %get3A_512 = arith.index_cast %add3A_511 : i32 to index
        %get3A_513 = arith.constant 32 : index
        %get3A_514 = tpu.vector_load %arg11[%get3A_512, %get3A_513] {strides = array<i32>} : memref<32x128xi32, #tpu.memory_space<vmem>>, vector<1x16xi32>,
        %get3A_515 = vector.shape_cast %get3A_514 : vector<1x16xi32> to vector<16xi32>
        %add3A_516 = arith.constant 2 : i32
        %add3A_517 = arith.addi %mul3A_402, %add3A_516 : i32
        %get3A_518 = arith.index_cast %add3A_517 : i32 to index
        %get3A_519 = arith.constant 32 : index
        %get3A_520 = tpu.vector_load %arg11[%get3A_518, %get3A_519] {strides = array<i32>} : memref<32x128xi32, #tpu.memory_space<vmem>>, vector<1x16xi32>,
        %get3A_521 = vector.shape_cast %get3A_520 : vector<1x16xi32> to vector<16xi32>
        %add3A_522 = arith.constant 3 : i32
        %add3A_523 = arith.addi %mul3A_402, %add3A_522 : i32
        %get3A_524 = arith.index_cast %add3A_523 : i32 to index
        %get3A_525 = arith.constant 32 : index
        %get3A_526 = tpu.vector_load %arg11[%get3A_524, %get3A_525] {strides = array<i32>} : memref<32x128xi32, #tpu.memory_space<vmem>>, vector<1x16xi32>,
        %get3A_527 = vector.shape_cast %get3A_526 : vector<1x16xi32> to vector<16xi32>
        %shift_left3A_528 = arith.constant 16 : i32
        %shift_left3A_529 = vector.broadcast %shift_left3A_528 : i32 to vector<16xi32>
        %shift_left3A_530 = arith.shli %get3A_509, %shift_left3A_529 : vector<16xi32>
        %bitcast_convert_type3A_531 = tpu.bitcast %shift_left3A_530 : vector<16xi32> -> vector<16xf32>
        %shift_left3A_532 = arith.constant 16 : i32
        %shift_left3A_533 = vector.broadcast %shift_left3A_532 : i32 to vector<16xi32>
        %shift_left3A_534 = arith.shli %get3A_515, %shift_left3A_533 : vector<16xi32>
        %bitcast_convert_type3A_535 = tpu.bitcast %shift_left3A_534 : vector<16xi32> -> vector<16xf32>
        %shift_left3A_536 = arith.constant 16 : i32
        %shift_left3A_537 = vector.broadcast %shift_left3A_536 : i32 to vector<16xi32>
        %shift_left3A_538 = arith.shli %get3A_521, %shift_left3A_537 : vector<16xi32>
        %bitcast_convert_type3A_539 = tpu.bitcast %shift_left3A_538 : vector<16xi32> -> vector<16xf32>
        %shift_left3A_540 = arith.constant 16 : i32
        %shift_left3A_541 = vector.broadcast %shift_left3A_540 : i32 to vector<16xi32>
        %shift_left3A_542 = arith.shli %get3A_527, %shift_left3A_541 : vector<16xi32>
        %bitcast_convert_type3A_543 = tpu.bitcast %shift_left3A_542 : vector<16xi32> -> vector<16xf32>
        %bitcast_convert_type3A_544 = tpu.bitcast %get3A_509 : vector<16xi32> -> vector<16xf32>
        %bitcast_convert_type3A_545 = tpu.bitcast %get3A_515 : vector<16xi32> -> vector<16xf32>
        %bitcast_convert_type3A_546 = tpu.bitcast %get3A_521 : vector<16xi32> -> vector<16xf32>
        %bitcast_convert_type3A_547 = tpu.bitcast %get3A_527 : vector<16xi32> -> vector<16xf32>
        %add3A_548 = arith.addf %bitcast_convert_type3A_531, %bitcast_convert_type3A_535 : vector<16xf32>
        %add3A_549 = arith.addf %bitcast_convert_type3A_539, %bitcast_convert_type3A_543 : vector<16xf32>
        %add3A_550 = arith.addf %add3A_548, %add3A_549 : vector<16xf32>
        %add3A_551 = arith.addf %scan3A_387, %add3A_550 : vector<16xf32>
        %add3A_552 = arith.addf %bitcast_convert_type3A_544, %bitcast_convert_type3A_545 : vector<16xf32>
        %add3A_553 = arith.addf %bitcast_convert_type3A_546, %bitcast_convert_type3A_547 : vector<16xf32>
        %add3A_554 = arith.addf %add3A_552, %add3A_553 : vector<16xf32>
        %add3A_555 = arith.addf %scan3A_395, %add3A_554 : vector<16xf32>
        %add3A_556 = arith.constant 0 : i32
        %add3A_557 = arith.addi %mul3A_402, %add3A_556 : i32
        %get3A_558 = arith.index_cast %add3A_557 : i32 to index
        %get3A_559 = arith.constant 48 : index
        %get3A_560 = tpu.vector_load %arg11[%get3A_558, %get3A_559] {strides = array<i32>} : memref<32x128xi32, #tpu.memory_space<vmem>>, vector<1x16xi32>,
        %get3A_561 = vector.shape_cast %get3A_560 : vector<1x16xi32> to vector<16xi32>
        %add3A_562 = arith.constant 1 : i32
        %add3A_563 = arith.addi %mul3A_402, %add3A_562 : i32
        %get3A_564 = arith.index_cast %add3A_563 : i32 to index
        %get3A_565 = arith.constant 48 : index
        %get3A_566 = tpu.vector_load %arg11[%get3A_564, %get3A_565] {strides = array<i32>} : memref<32x128xi32, #tpu.memory_space<vmem>>, vector<1x16xi32>,
        %get3A_567 = vector.shape_cast %get3A_566 : vector<1x16xi32> to vector<16xi32>
        %add3A_568 = arith.constant 2 : i32
        %add3A_569 = arith.addi %mul3A_402, %add3A_568 : i32
        %get3A_570 = arith.index_cast %add3A_569 : i32 to index
        %get3A_571 = arith.constant 48 : index
        %get3A_572 = tpu.vector_load %arg11[%get3A_570, %get3A_571] {strides = array<i32>} : memref<32x128xi32, #tpu.memory_space<vmem>>, vector<1x16xi32>,
        %get3A_573 = vector.shape_cast %get3A_572 : vector<1x16xi32> to vector<16xi32>
        %add3A_574 = arith.constant 3 : i32
        %add3A_575 = arith.addi %mul3A_402, %add3A_574 : i32
        %get3A_576 = arith.index_cast %add3A_575 : i32 to index
        %get3A_577 = arith.constant 48 : index
        %get3A_578 = tpu.vector_load %arg11[%get3A_576, %get3A_577] {strides = array<i32>} : memref<32x128xi32, #tpu.memory_space<vmem>>, vector<1x16xi32>,
        %get3A_579 = vector.shape_cast %get3A_578 : vector<1x16xi32> to vector<16xi32>
        %shift_left3A_580 = arith.constant 16 : i32
        %shift_left3A_581 = vector.broadcast %shift_left3A_580 : i32 to vector<16xi32>
        %shift_left3A_582 = arith.shli %get3A_561, %shift_left3A_581 : vector<16xi32>
        %bitcast_convert_type3A_583 = tpu.bitcast %shift_left3A_582 : vector<16xi32> -> vector<16xf32>
        %shift_left3A_584 = arith.constant 16 : i32
        %shift_left3A_585 = vector.broadcast %shift_left3A_584 : i32 to vector<16xi32>
        %shift_left3A_586 = arith.shli %get3A_567, %shift_left3A_585 : vector<16xi32>
        %bitcast_convert_type3A_587 = tpu.bitcast %shift_left3A_586 : vector<16xi32> -> vector<16xf32>
        %shift_left3A_588 = arith.constant 16 : i32
        %shift_left3A_589 = vector.broadcast %shift_left3A_588 : i32 to vector<16xi32>
        %shift_left3A_590 = arith.shli %get3A_573, %shift_left3A_589 : vector<16xi32>
        %bitcast_convert_type3A_591 = tpu.bitcast %shift_left3A_590 : vector<16xi32> -> vector<16xf32>
        %shift_left3A_592 = arith.constant 16 : i32
        %shift_left3A_593 = vector.broadcast %shift_left3A_592 : i32 to vector<16xi32>
        %shift_left3A_594 = arith.shli %get3A_579, %shift_left3A_593 : vector<16xi32>
        %bitcast_convert_type3A_595 = tpu.bitcast %shift_left3A_594 : vector<16xi32> -> vector<16xf32>
        %bitcast_convert_type3A_596 = tpu.bitcast %get3A_561 : vector<16xi32> -> vector<16xf32>
        %bitcast_convert_type3A_597 = tpu.bitcast %get3A_567 : vector<16xi32> -> vector<16xf32>
        %bitcast_convert_type3A_598 = tpu.bitcast %get3A_573 : vector<16xi32> -> vector<16xf32>
        %bitcast_convert_type3A_599 = tpu.bitcast %get3A_579 : vector<16xi32> -> vector<16xf32>
        %add3A_600 = arith.addf %bitcast_convert_type3A_583, %bitcast_convert_type3A_587 : vector<16xf32>
        %add3A_601 = arith.addf %bitcast_convert_type3A_591, %bitcast_convert_type3A_595 : vector<16xf32>
        %add3A_602 = arith.addf %add3A_600, %add3A_601 : vector<16xf32>
        %add3A_603 = arith.addf %scan3A_388, %add3A_602 : vector<16xf32>
        %add3A_604 = arith.addf %bitcast_convert_type3A_596, %bitcast_convert_type3A_597 : vector<16xf32>
        %add3A_605 = arith.addf %bitcast_convert_type3A_598, %bitcast_convert_type3A_599 : vector<16xf32>
        %add3A_606 = arith.addf %add3A_604, %add3A_605 : vector<16xf32>
        %add3A_607 = arith.addf %scan3A_396, %add3A_606 : vector<16xf32>
        %add3A_608 = arith.constant 0 : i32
        %add3A_609 = arith.addi %mul3A_402, %add3A_608 : i32
        %get3A_610 = arith.index_cast %add3A_609 : i32 to index
        %get3A_611 = arith.constant 64 : index
        %get3A_612 = tpu.vector_load %arg11[%get3A_610, %get3A_611] {strides = array<i32>} : memref<32x128xi32, #tpu.memory_space<vmem>>, vector<1x16xi32>,
        %get3A_613 = vector.shape_cast %get3A_612 : vector<1x16xi32> to vector<16xi32>
        %add3A_614 = arith.constant 1 : i32
        %add3A_615 = arith.addi %mul3A_402, %add3A_614 : i32
        %get3A_616 = arith.index_cast %add3A_615 : i32 to index
        %get3A_617 = arith.constant 64 : index
        %get3A_618 = tpu.vector_load %arg11[%get3A_616, %get3A_617] {strides = array<i32>} : memref<32x128xi32, #tpu.memory_space<vmem>>, vector<1x16xi32>,
        %get3A_619 = vector.shape_cast %get3A_618 : vector<1x16xi32> to vector<16xi32>
        %add3A_620 = arith.constant 2 : i32
        %add3A_621 = arith.addi %mul3A_402, %add3A_620 : i32
        %get3A_622 = arith.index_cast %add3A_621 : i32 to index
        %get3A_623 = arith.constant 64 : index
        %get3A_624 = tpu.vector_load %arg11[%get3A_622, %get3A_623] {strides = array<i32>} : memref<32x128xi32, #tpu.memory_space<vmem>>, vector<1x16xi32>,
        %get3A_625 = vector.shape_cast %get3A_624 : vector<1x16xi32> to vector<16xi32>
        %add3A_626 = arith.constant 3 : i32
        %add3A_627 = arith.addi %mul3A_402, %add3A_626 : i32
        %get3A_628 = arith.index_cast %add3A_627 : i32 to index
        %get3A_629 = arith.constant 64 : index
        %get3A_630 = tpu.vector_load %arg11[%get3A_628, %get3A_629] {strides = array<i32>} : memref<32x128xi32, #tpu.memory_space<vmem>>, vector<1x16xi32>,
        %get3A_631 = vector.shape_cast %get3A_630 : vector<1x16xi32> to vector<16xi32>
        %shift_left3A_632 = arith.constant 16 : i32
        %shift_left3A_633 = vector.broadcast %shift_left3A_632 : i32 to vector<16xi32>
        %shift_left3A_634 = arith.shli %get3A_613, %shift_left3A_633 : vector<16xi32>
        %bitcast_convert_type3A_635 = tpu.bitcast %shift_left3A_634 : vector<16xi32> -> vector<16xf32>
        %shift_left3A_636 = arith.constant 16 : i32
        %shift_left3A_637 = vector.broadcast %shift_left3A_636 : i32 to vector<16xi32>
        %shift_left3A_638 = arith.shli %get3A_619, %shift_left3A_637 : vector<16xi32>
        %bitcast_convert_type3A_639 = tpu.bitcast %shift_left3A_638 : vector<16xi32> -> vector<16xf32>
        %shift_left3A_640 = arith.constant 16 : i32
        %shift_left3A_641 = vector.broadcast %shift_left3A_640 : i32 to vector<16xi32>
        %shift_left3A_642 = arith.shli %get3A_625, %shift_left3A_641 : vector<16xi32>
        %bitcast_convert_type3A_643 = tpu.bitcast %shift_left3A_642 : vector<16xi32> -> vector<16xf32>
        %shift_left3A_644 = arith.constant 16 : i32
        %shift_left3A_645 = vector.broadcast %shift_left3A_644 : i32 to vector<16xi32>
        %shift_left3A_646 = arith.shli %get3A_631, %shift_left3A_645 : vector<16xi32>
        %bitcast_convert_type3A_647 = tpu.bitcast %shift_left3A_646 : vector<16xi32> -> vector<16xf32>
        %bitcast_convert_type3A_648 = tpu.bitcast %get3A_613 : vector<16xi32> -> vector<16xf32>
        %bitcast_convert_type3A_649 = tpu.bitcast %get3A_619 : vector<16xi32> -> vector<16xf32>
        %bitcast_convert_type3A_650 = tpu.bitcast %get3A_625 : vector<16xi32> -> vector<16xf32>
        %bitcast_convert_type3A_651 = tpu.bitcast %get3A_631 : vector<16xi32> -> vector<16xf32>
        %add3A_652 = arith.addf %bitcast_convert_type3A_635, %bitcast_convert_type3A_639 : vector<16xf32>
        %add3A_653 = arith.addf %bitcast_convert_type3A_643, %bitcast_convert_type3A_647 : vector<16xf32>
        %add3A_654 = arith.addf %add3A_652, %add3A_653 : vector<16xf32>
        %add3A_655 = arith.addf %scan3A_389, %add3A_654 : vector<16xf32>
        %add3A_656 = arith.addf %bitcast_convert_type3A_648, %bitcast_convert_type3A_649 : vector<16xf32>
        %add3A_657 = arith.addf %bitcast_convert_type3A_650, %bitcast_convert_type3A_651 : vector<16xf32>
        %add3A_658 = arith.addf %add3A_656, %add3A_657 : vector<16xf32>
        %add3A_659 = arith.addf %scan3A_397, %add3A_658 : vector<16xf32>
        %add3A_660 = arith.constant 0 : i32
        %add3A_661 = arith.addi %mul3A_402, %add3A_660 : i32
        %get3A_662 = arith.index_cast %add3A_661 : i32 to index
        %get3A_663 = arith.constant 80 : index
        %get3A_664 = tpu.vector_load %arg11[%get3A_662, %get3A_663] {strides = array<i32>} : memref<32x128xi32, #tpu.memory_space<vmem>>, vector<1x16xi32>,
        %get3A_665 = vector.shape_cast %get3A_664 : vector<1x16xi32> to vector<16xi32>
        %add3A_666 = arith.constant 1 : i32
        %add3A_667 = arith.addi %mul3A_402, %add3A_666 : i32
        %get3A_668 = arith.index_cast %add3A_667 : i32 to index
        %get3A_669 = arith.constant 80 : index
        %get3A_670 = tpu.vector_load %arg11[%get3A_668, %get3A_669] {strides = array<i32>} : memref<32x128xi32, #tpu.memory_space<vmem>>, vector<1x16xi32>,
        %get3A_671 = vector.shape_cast %get3A_670 : vector<1x16xi32> to vector<16xi32>
        %add3A_672 = arith.constant 2 : i32
        %add3A_673 = arith.addi %mul3A_402, %add3A_672 : i32
        %get3A_674 = arith.index_cast %add3A_673 : i32 to index
        %get3A_675 = arith.constant 80 : index
        %get3A_676 = tpu.vector_load %arg11[%get3A_674, %get3A_675] {strides = array<i32>} : memref<32x128xi32, #tpu.memory_space<vmem>>, vector<1x16xi32>,
        %get3A_677 = vector.shape_cast %get3A_676 : vector<1x16xi32> to vector<16xi32>
        %add3A_678 = arith.constant 3 : i32
        %add3A_679 = arith.addi %mul3A_402, %add3A_678 : i32
        %get3A_680 = arith.index_cast %add3A_679 : i32 to index
        %get3A_681 = arith.constant 80 : index
        %get3A_682 = tpu.vector_load %arg11[%get3A_680, %get3A_681] {strides = array<i32>} : memref<32x128xi32, #tpu.memory_space<vmem>>, vector<1x16xi32>,
        %get3A_683 = vector.shape_cast %get3A_682 : vector<1x16xi32> to vector<16xi32>
        %shift_left3A_684 = arith.constant 16 : i32
        %shift_left3A_685 = vector.broadcast %shift_left3A_684 : i32 to vector<16xi32>
        %shift_left3A_686 = arith.shli %get3A_665, %shift_left3A_685 : vector<16xi32>
        %bitcast_convert_type3A_687 = tpu.bitcast %shift_left3A_686 : vector<16xi32> -> vector<16xf32>
        %shift_left3A_688 = arith.constant 16 : i32
        %shift_left3A_689 = vector.broadcast %shift_left3A_688 : i32 to vector<16xi32>
        %shift_left3A_690 = arith.shli %get3A_671, %shift_left3A_689 : vector<16xi32>
        %bitcast_convert_type3A_691 = tpu.bitcast %shift_left3A_690 : vector<16xi32> -> vector<16xf32>
        %shift_left3A_692 = arith.constant 16 : i32
        %shift_left3A_693 = vector.broadcast %shift_left3A_692 : i32 to vector<16xi32>
        %shift_left3A_694 = arith.shli %get3A_677, %shift_left3A_693 : vector<16xi32>
        %bitcast_convert_type3A_695 = tpu.bitcast %shift_left3A_694 : vector<16xi32> -> vector<16xf32>
        %shift_left3A_696 = arith.constant 16 : i32
        %shift_left3A_697 = vector.broadcast %shift_left3A_696 : i32 to vector<16xi32>
        %shift_left3A_698 = arith.shli %get3A_683, %shift_left3A_697 : vector<16xi32>
        %bitcast_convert_type3A_699 = tpu.bitcast %shift_left3A_698 : vector<16xi32> -> vector<16xf32>
        %bitcast_convert_type3A_700 = tpu.bitcast %get3A_665 : vector<16xi32> -> vector<16xf32>
        %bitcast_convert_type3A_701 = tpu.bitcast %get3A_671 : vector<16xi32> -> vector<16xf32>
        %bitcast_convert_type3A_702 = tpu.bitcast %get3A_677 : vector<16xi32> -> vector<16xf32>
        %bitcast_convert_type3A_703 = tpu.bitcast %get3A_683 : vector<16xi32> -> vector<16xf32>
        %add3A_704 = arith.addf %bitcast_convert_type3A_687, %bitcast_convert_type3A_691 : vector<16xf32>
        %add3A_705 = arith.addf %bitcast_convert_type3A_695, %bitcast_convert_type3A_699 : vector<16xf32>
        %add3A_706 = arith.addf %add3A_704, %add3A_705 : vector<16xf32>
        %add3A_707 = arith.addf %scan3A_390, %add3A_706 : vector<16xf32>
        %add3A_708 = arith.addf %bitcast_convert_type3A_700, %bitcast_convert_type3A_701 : vector<16xf32>
        %add3A_709 = arith.addf %bitcast_convert_type3A_702, %bitcast_convert_type3A_703 : vector<16xf32>
        %add3A_710 = arith.addf %add3A_708, %add3A_709 : vector<16xf32>
        %add3A_711 = arith.addf %scan3A_398, %add3A_710 : vector<16xf32>
        %add3A_712 = arith.constant 0 : i32
        %add3A_713 = arith.addi %mul3A_402, %add3A_712 : i32
        %get3A_714 = arith.index_cast %add3A_713 : i32 to index
        %get3A_715 = arith.constant 96 : index
        %get3A_716 = tpu.vector_load %arg11[%get3A_714, %get3A_715] {strides = array<i32>} : memref<32x128xi32, #tpu.memory_space<vmem>>, vector<1x16xi32>,
        %get3A_717 = vector.shape_cast %get3A_716 : vector<1x16xi32> to vector<16xi32>
        %add3A_718 = arith.constant 1 : i32
        %add3A_719 = arith.addi %mul3A_402, %add3A_718 : i32
        %get3A_720 = arith.index_cast %add3A_719 : i32 to index
        %get3A_721 = arith.constant 96 : index
        %get3A_722 = tpu.vector_load %arg11[%get3A_720, %get3A_721] {strides = array<i32>} : memref<32x128xi32, #tpu.memory_space<vmem>>, vector<1x16xi32>,
        %get3A_723 = vector.shape_cast %get3A_722 : vector<1x16xi32> to vector<16xi32>
        %add3A_724 = arith.constant 2 : i32
        %add3A_725 = arith.addi %mul3A_402, %add3A_724 : i32
        %get3A_726 = arith.index_cast %add3A_725 : i32 to index
        %get3A_727 = arith.constant 96 : index
        %get3A_728 = tpu.vector_load %arg11[%get3A_726, %get3A_727] {strides = array<i32>} : memref<32x128xi32, #tpu.memory_space<vmem>>, vector<1x16xi32>,
        %get3A_729 = vector.shape_cast %get3A_728 : vector<1x16xi32> to vector<16xi32>
        %add3A_730 = arith.constant 3 : i32
        %add3A_731 = arith.addi %mul3A_402, %add3A_730 : i32
        %get3A_732 = arith.index_cast %add3A_731 : i32 to index
        %get3A_733 = arith.constant 96 : index
        %get3A_734 = tpu.vector_load %arg11[%get3A_732, %get3A_733] {strides = array<i32>} : memref<32x128xi32, #tpu.memory_space<vmem>>, vector<1x16xi32>,
        %get3A_735 = vector.shape_cast %get3A_734 : vector<1x16xi32> to vector<16xi32>
        %shift_left3A_736 = arith.constant 16 : i32
        %shift_left3A_737 = vector.broadcast %shift_left3A_736 : i32 to vector<16xi32>
        %shift_left3A_738 = arith.shli %get3A_717, %shift_left3A_737 : vector<16xi32>
        %bitcast_convert_type3A_739 = tpu.bitcast %shift_left3A_738 : vector<16xi32> -> vector<16xf32>
        %shift_left3A_740 = arith.constant 16 : i32
        %shift_left3A_741 = vector.broadcast %shift_left3A_740 : i32 to vector<16xi32>
        %shift_left3A_742 = arith.shli %get3A_723, %shift_left3A_741 : vector<16xi32>
        %bitcast_convert_type3A_743 = tpu.bitcast %shift_left3A_742 : vector<16xi32> -> vector<16xf32>
        %shift_left3A_744 = arith.constant 16 : i32
        %shift_left3A_745 = vector.broadcast %shift_left3A_744 : i32 to vector<16xi32>
        %shift_left3A_746 = arith.shli %get3A_729, %shift_left3A_745 : vector<16xi32>
        %bitcast_convert_type3A_747 = tpu.bitcast %shift_left3A_746 : vector<16xi32> -> vector<16xf32>
        %shift_left3A_748 = arith.constant 16 : i32
        %shift_left3A_749 = vector.broadcast %shift_left3A_748 : i32 to vector<16xi32>
        %shift_left3A_750 = arith.shli %get3A_735, %shift_left3A_749 : vector<16xi32>
        %bitcast_convert_type3A_751 = tpu.bitcast %shift_left3A_750 : vector<16xi32> -> vector<16xf32>
        %bitcast_convert_type3A_752 = tpu.bitcast %get3A_717 : vector<16xi32> -> vector<16xf32>
        %bitcast_convert_type3A_753 = tpu.bitcast %get3A_723 : vector<16xi32> -> vector<16xf32>
        %bitcast_convert_type3A_754 = tpu.bitcast %get3A_729 : vector<16xi32> -> vector<16xf32>
        %bitcast_convert_type3A_755 = tpu.bitcast %get3A_735 : vector<16xi32> -> vector<16xf32>
        %add3A_756 = arith.addf %bitcast_convert_type3A_739, %bitcast_convert_type3A_743 : vector<16xf32>
        %add3A_757 = arith.addf %bitcast_convert_type3A_747, %bitcast_convert_type3A_751 : vector<16xf32>
        %add3A_758 = arith.addf %add3A_756, %add3A_757 : vector<16xf32>
        %add3A_759 = arith.addf %scan3A_391, %add3A_758 : vector<16xf32>
        %add3A_760 = arith.addf %bitcast_convert_type3A_752, %bitcast_convert_type3A_753 : vector<16xf32>
        %add3A_761 = arith.addf %bitcast_convert_type3A_754, %bitcast_convert_type3A_755 : vector<16xf32>
        %add3A_762 = arith.addf %add3A_760, %add3A_761 : vector<16xf32>
        %add3A_763 = arith.addf %scan3A_399, %add3A_762 : vector<16xf32>
        %add3A_764 = arith.constant 0 : i32
        %add3A_765 = arith.addi %mul3A_402, %add3A_764 : i32
        %get3A_766 = arith.index_cast %add3A_765 : i32 to index
        %get3A_767 = arith.constant 112 : index
        %get3A_768 = tpu.vector_load %arg11[%get3A_766, %get3A_767] {strides = array<i32>} : memref<32x128xi32, #tpu.memory_space<vmem>>, vector<1x16xi32>,
        %get3A_769 = vector.shape_cast %get3A_768 : vector<1x16xi32> to vector<16xi32>
        %add3A_770 = arith.constant 1 : i32
        %add3A_771 = arith.addi %mul3A_402, %add3A_770 : i32
        %get3A_772 = arith.index_cast %add3A_771 : i32 to index
        %get3A_773 = arith.constant 112 : index
        %get3A_774 = tpu.vector_load %arg11[%get3A_772, %get3A_773] {strides = array<i32>} : memref<32x128xi32, #tpu.memory_space<vmem>>, vector<1x16xi32>,
        %get3A_775 = vector.shape_cast %get3A_774 : vector<1x16xi32> to vector<16xi32>
        %add3A_776 = arith.constant 2 : i32
        %add3A_777 = arith.addi %mul3A_402, %add3A_776 : i32
        %get3A_778 = arith.index_cast %add3A_777 : i32 to index
        %get3A_779 = arith.constant 112 : index
        %get3A_780 = tpu.vector_load %arg11[%get3A_778, %get3A_779] {strides = array<i32>} : memref<32x128xi32, #tpu.memory_space<vmem>>, vector<1x16xi32>,
        %get3A_781 = vector.shape_cast %get3A_780 : vector<1x16xi32> to vector<16xi32>
        %add3A_782 = arith.constant 3 : i32
        %add3A_783 = arith.addi %mul3A_402, %add3A_782 : i32
        %get3A_784 = arith.index_cast %add3A_783 : i32 to index
        %get3A_785 = arith.constant 112 : index
        %get3A_786 = tpu.vector_load %arg11[%get3A_784, %get3A_785] {strides = array<i32>} : memref<32x128xi32, #tpu.memory_space<vmem>>, vector<1x16xi32>,
        %get3A_787 = vector.shape_cast %get3A_786 : vector<1x16xi32> to vector<16xi32>
        %shift_left3A_788 = arith.constant 16 : i32
        %shift_left3A_789 = vector.broadcast %shift_left3A_788 : i32 to vector<16xi32>
        %shift_left3A_790 = arith.shli %get3A_769, %shift_left3A_789 : vector<16xi32>
        %bitcast_convert_type3A_791 = tpu.bitcast %shift_left3A_790 : vector<16xi32> -> vector<16xf32>
        %shift_left3A_792 = arith.constant 16 : i32
        %shift_left3A_793 = vector.broadcast %shift_left3A_792 : i32 to vector<16xi32>
        %shift_left3A_794 = arith.shli %get3A_775, %shift_left3A_793 : vector<16xi32>
        %bitcast_convert_type3A_795 = tpu.bitcast %shift_left3A_794 : vector<16xi32> -> vector<16xf32>
        %shift_left3A_796 = arith.constant 16 : i32
        %shift_left3A_797 = vector.broadcast %shift_left3A_796 : i32 to vector<16xi32>
        %shift_left3A_798 = arith.shli %get3A_781, %shift_left3A_797 : vector<16xi32>
        %bitcast_convert_type3A_799 = tpu.bitcast %shift_left3A_798 : vector<16xi32> -> vector<16xf32>
        %shift_left3A_800 = arith.constant 16 : i32
        %shift_left3A_801 = vector.broadcast %shift_left3A_800 : i32 to vector<16xi32>
        %shift_left3A_802 = arith.shli %get3A_787, %shift_left3A_801 : vector<16xi32>
        %bitcast_convert_type3A_803 = tpu.bitcast %shift_left3A_802 : vector<16xi32> -> vector<16xf32>
        %bitcast_convert_type3A_804 = tpu.bitcast %get3A_769 : vector<16xi32> -> vector<16xf32>
        %bitcast_convert_type3A_805 = tpu.bitcast %get3A_775 : vector<16xi32> -> vector<16xf32>
        %bitcast_convert_type3A_806 = tpu.bitcast %get3A_781 : vector<16xi32> -> vector<16xf32>
        %bitcast_convert_type3A_807 = tpu.bitcast %get3A_787 : vector<16xi32> -> vector<16xf32>
        %add3A_808 = arith.addf %bitcast_convert_type3A_791, %bitcast_convert_type3A_795 : vector<16xf32>
        %add3A_809 = arith.addf %bitcast_convert_type3A_799, %bitcast_convert_type3A_803 : vector<16xf32>
        %add3A_810 = arith.addf %add3A_808, %add3A_809 : vector<16xf32>
        %add3A_811 = arith.addf %scan3A_392, %add3A_810 : vector<16xf32>
        %add3A_812 = arith.addf %bitcast_convert_type3A_804, %bitcast_convert_type3A_805 : vector<16xf32>
        %add3A_813 = arith.addf %bitcast_convert_type3A_806, %bitcast_convert_type3A_807 : vector<16xf32>
        %add3A_814 = arith.addf %add3A_812, %add3A_813 : vector<16xf32>
        %add3A_815 = arith.addf %scan3A_400, %add3A_814 : vector<16xf32>
        scf.yield %add3A_447, %add3A_499, %add3A_551, %add3A_603, %add3A_655, %add3A_707, %add3A_759, %add3A_811, %add3A_451, %add3A_503, %add3A_555, %add3A_607, %add3A_659, %add3A_711, %add3A_763, %add3A_815 : vector<16xf32>, vector<16xf32>, vector<16xf32>, vector<16xf32>, vector<16xf32>, vector<16xf32>, vector<16xf32>, vector<16xf32>, vector<16xf32>, vector<16xf32>, vector<16xf32>, vector<16xf32>, vector<16xf32>, vector<16xf32>, vector<16xf32>, vector<16xf32>
      }
      %scan3A_264 = arith.constant 8 : i32
      %convert_element_type3A_265 = arith.extui %lt3A_97 : i1 to i32
      %cond3A_266 = arith.constant 0 : i32
      %cond3A_267 = arith.cmpi ne, %convert_element_type3A_265, %cond3A_266 : i32
      scf.if %cond3A_267 {
        %add3A_384 = arith.constant 3 : i32
        %add3A_385 = arith.addi %mul3A_96, %add3A_384 : i32
        %dma_start3A_386 = arith.constant 32 : i32
        %dma_start3A_387 = tpu.memref_slice %arg5[%add3A_385, %dma_start3A_386] : memref<128x128xi32, #tpu.memory_space<vmem>> -> memref<1x32xi32, #tpu.memory_space<vmem>>
        %dma_start3A_388 = tpu.memref_squeeze %dma_start3A_387 : memref<1x32xi32, #tpu.memory_space<vmem>> -> memref<32xi32, #tpu.memory_space<vmem>>
        %dma_start3A_389 = arith.constant 0 : i32
        %dma_start3A_390 = arith.constant 0 : i32
        %dma_start3A_391 = tpu.memref_slice %arg3[%dma_start3A_389, %dma_start3A_390] : memref<100000x128xi32, #tpu.memory_space<hbm>> -> memref<100000x128xi32, #tpu.memory_space<hbm>>
        tpu.enqueue_indirect_dma source(%dma_start3A_391 : memref<100000x128xi32, #tpu.memory_space<hbm>>) target(%arg11 : memref<32x128xi32, #tpu.memory_space<vmem>>) offsets(%dma_start3A_388 : memref<32xi32, #tpu.memory_space<vmem>>) semaphore(%arg20 : memref<!tpu.dma_semaphore, #tpu.memory_space<semaphore_mem>>)
      } else {
      }
      %add3A_268 = arith.constant 1 : i32
      %add3A_269 = arith.addi %mul3A_96, %add3A_268 : i32
      %dma_wait3A_270 = arith.constant 64 : i32
      %dma_wait3A_271 = tpu.memref_slice %arg5[%add3A_269, %dma_wait3A_270] : memref<128x128xi32, #tpu.memory_space<vmem>> -> memref<1x32xi32, #tpu.memory_space<vmem>>
      %dma_wait3A_272 = tpu.memref_squeeze %dma_wait3A_271 : memref<1x32xi32, #tpu.memory_space<vmem>> -> memref<32xi32, #tpu.memory_space<vmem>>
      %dma_wait3A_273 = arith.constant 0 : i32
      %dma_wait3A_274 = arith.constant 0 : i32
      %dma_wait3A_275 = tpu.memref_slice %arg3[%dma_wait3A_273, %dma_wait3A_274] : memref<100000x128xi32, #tpu.memory_space<hbm>> -> memref<100000x128xi32, #tpu.memory_space<hbm>>
      tpu.wait_indirect_dma semaphore(%arg21 : memref<!tpu.dma_semaphore, #tpu.memory_space<semaphore_mem>>) src(%dma_wait3A_275 : memref<100000x128xi32, #tpu.memory_space<hbm>>) dst(%arg12 : memref<32x128xi32, #tpu.memory_space<vmem>>)
      %scan3A_276 = arith.constant 0 : i32
      %scan3A_277 = arith.constant 8 : i32
      %scan3A_278 = arith.addi %scan3A_276, %scan3A_277 : i32
      %scan3A_279 = arith.constant 1 : i32
      %scan3A_280:16 = scf.for %scan3A_384 = %scan3A_276 to %scan3A_278 step %scan3A_279 iter_args(%scan3A_385 = %scan3A_263#0, %scan3A_386 = %scan3A_263#1, %scan3A_387 = %scan3A_263#2, %scan3A_388 = %scan3A_263#3, %scan3A_389 = %scan3A_263#4, %scan3A_390 = %scan3A_263#5, %scan3A_391 = %scan3A_263#6, %scan3A_392 = %scan3A_263#7, %scan3A_393 = %scan3A_263#8, %scan3A_394 = %scan3A_263#9, %scan3A_395 = %scan3A_263#10, %scan3A_396 = %scan3A_263#11, %scan3A_397 = %scan3A_263#12, %scan3A_398 = %scan3A_263#13, %scan3A_399 = %scan3A_263#14, %scan3A_400 = %scan3A_263#15) -> (vector<16xf32>, vector<16xf32>, vector<16xf32>, vector<16xf32>, vector<16xf32>, vector<16xf32>, vector<16xf32>, vector<16xf32>, vector<16xf32>, vector<16xf32>, vector<16xf32>, vector<16xf32>, vector<16xf32>, vector<16xf32>, vector<16xf32>, vector<16xf32>)  : i32 {
        %mul3A_401 = arith.constant 4 : i32
        %mul3A_402 = arith.muli %mul3A_401, %scan3A_384 : i32
        %add3A_403 = arith.constant 0 : i32
        %add3A_404 = arith.addi %mul3A_402, %add3A_403 : i32
        %get3A = arith.index_cast %add3A_404 : i32 to index
        %get3A_405 = arith.constant 0 : index
        %get3A_406 = tpu.vector_load %arg12[%get3A, %get3A_405] {strides = array<i32>} : memref<32x128xi32, #tpu.memory_space<vmem>>, vector<1x16xi32>,
        %get3A_407 = vector.shape_cast %get3A_406 : vector<1x16xi32> to vector<16xi32>
        %add3A_408 = arith.constant 1 : i32
        %add3A_409 = arith.addi %mul3A_402, %add3A_408 : i32
        %get3A_410 = arith.index_cast %add3A_409 : i32 to index
        %get3A_411 = arith.constant 0 : index
        %get3A_412 = tpu.vector_load %arg12[%get3A_410, %get3A_411] {strides = array<i32>} : memref<32x128xi32, #tpu.memory_space<vmem>>, vector<1x16xi32>,
        %get3A_413 = vector.shape_cast %get3A_412 : vector<1x16xi32> to vector<16xi32>
        %add3A_414 = arith.constant 2 : i32
        %add3A_415 = arith.addi %mul3A_402, %add3A_414 : i32
        %get3A_416 = arith.index_cast %add3A_415 : i32 to index
        %get3A_417 = arith.constant 0 : index
        %get3A_418 = tpu.vector_load %arg12[%get3A_416, %get3A_417] {strides = array<i32>} : memref<32x128xi32, #tpu.memory_space<vmem>>, vector<1x16xi32>,
        %get3A_419 = vector.shape_cast %get3A_418 : vector<1x16xi32> to vector<16xi32>
        %add3A_420 = arith.constant 3 : i32
        %add3A_421 = arith.addi %mul3A_402, %add3A_420 : i32
        %get3A_422 = arith.index_cast %add3A_421 : i32 to index
        %get3A_423 = arith.constant 0 : index
        %get3A_424 = tpu.vector_load %arg12[%get3A_422, %get3A_423] {strides = array<i32>} : memref<32x128xi32, #tpu.memory_space<vmem>>, vector<1x16xi32>,
        %get3A_425 = vector.shape_cast %get3A_424 : vector<1x16xi32> to vector<16xi32>
        %shift_left3A = arith.constant 16 : i32
        %shift_left3A_426 = vector.broadcast %shift_left3A : i32 to vector<16xi32>
        %shift_left3A_427 = arith.shli %get3A_407, %shift_left3A_426 : vector<16xi32>
        %bitcast_convert_type3A = tpu.bitcast %shift_left3A_427 : vector<16xi32> -> vector<16xf32>
        %shift_left3A_428 = arith.constant 16 : i32
        %shift_left3A_429 = vector.broadcast %shift_left3A_428 : i32 to vector<16xi32>
        %shift_left3A_430 = arith.shli %get3A_413, %shift_left3A_429 : vector<16xi32>
        %bitcast_convert_type3A_431 = tpu.bitcast %shift_left3A_430 : vector<16xi32> -> vector<16xf32>
        %shift_left3A_432 = arith.constant 16 : i32
        %shift_left3A_433 = vector.broadcast %shift_left3A_432 : i32 to vector<16xi32>
        %shift_left3A_434 = arith.shli %get3A_419, %shift_left3A_433 : vector<16xi32>
        %bitcast_convert_type3A_435 = tpu.bitcast %shift_left3A_434 : vector<16xi32> -> vector<16xf32>
        %shift_left3A_436 = arith.constant 16 : i32
        %shift_left3A_437 = vector.broadcast %shift_left3A_436 : i32 to vector<16xi32>
        %shift_left3A_438 = arith.shli %get3A_425, %shift_left3A_437 : vector<16xi32>
        %bitcast_convert_type3A_439 = tpu.bitcast %shift_left3A_438 : vector<16xi32> -> vector<16xf32>
        %bitcast_convert_type3A_440 = tpu.bitcast %get3A_407 : vector<16xi32> -> vector<16xf32>
        %bitcast_convert_type3A_441 = tpu.bitcast %get3A_413 : vector<16xi32> -> vector<16xf32>
        %bitcast_convert_type3A_442 = tpu.bitcast %get3A_419 : vector<16xi32> -> vector<16xf32>
        %bitcast_convert_type3A_443 = tpu.bitcast %get3A_425 : vector<16xi32> -> vector<16xf32>
        %add3A_444 = arith.addf %bitcast_convert_type3A, %bitcast_convert_type3A_431 : vector<16xf32>
        %add3A_445 = arith.addf %bitcast_convert_type3A_435, %bitcast_convert_type3A_439 : vector<16xf32>
        %add3A_446 = arith.addf %add3A_444, %add3A_445 : vector<16xf32>
        %add3A_447 = arith.addf %scan3A_385, %add3A_446 : vector<16xf32>
        %add3A_448 = arith.addf %bitcast_convert_type3A_440, %bitcast_convert_type3A_441 : vector<16xf32>
        %add3A_449 = arith.addf %bitcast_convert_type3A_442, %bitcast_convert_type3A_443 : vector<16xf32>
        %add3A_450 = arith.addf %add3A_448, %add3A_449 : vector<16xf32>
        %add3A_451 = arith.addf %scan3A_393, %add3A_450 : vector<16xf32>
        %add3A_452 = arith.constant 0 : i32
        %add3A_453 = arith.addi %mul3A_402, %add3A_452 : i32
        %get3A_454 = arith.index_cast %add3A_453 : i32 to index
        %get3A_455 = arith.constant 16 : index
        %get3A_456 = tpu.vector_load %arg12[%get3A_454, %get3A_455] {strides = array<i32>} : memref<32x128xi32, #tpu.memory_space<vmem>>, vector<1x16xi32>,
        %get3A_457 = vector.shape_cast %get3A_456 : vector<1x16xi32> to vector<16xi32>
        %add3A_458 = arith.constant 1 : i32
        %add3A_459 = arith.addi %mul3A_402, %add3A_458 : i32
        %get3A_460 = arith.index_cast %add3A_459 : i32 to index
        %get3A_461 = arith.constant 16 : index
        %get3A_462 = tpu.vector_load %arg12[%get3A_460, %get3A_461] {strides = array<i32>} : memref<32x128xi32, #tpu.memory_space<vmem>>, vector<1x16xi32>,
        %get3A_463 = vector.shape_cast %get3A_462 : vector<1x16xi32> to vector<16xi32>
        %add3A_464 = arith.constant 2 : i32
        %add3A_465 = arith.addi %mul3A_402, %add3A_464 : i32
        %get3A_466 = arith.index_cast %add3A_465 : i32 to index
        %get3A_467 = arith.constant 16 : index
        %get3A_468 = tpu.vector_load %arg12[%get3A_466, %get3A_467] {strides = array<i32>} : memref<32x128xi32, #tpu.memory_space<vmem>>, vector<1x16xi32>,
        %get3A_469 = vector.shape_cast %get3A_468 : vector<1x16xi32> to vector<16xi32>
        %add3A_470 = arith.constant 3 : i32
        %add3A_471 = arith.addi %mul3A_402, %add3A_470 : i32
        %get3A_472 = arith.index_cast %add3A_471 : i32 to index
        %get3A_473 = arith.constant 16 : index
        %get3A_474 = tpu.vector_load %arg12[%get3A_472, %get3A_473] {strides = array<i32>} : memref<32x128xi32, #tpu.memory_space<vmem>>, vector<1x16xi32>,
        %get3A_475 = vector.shape_cast %get3A_474 : vector<1x16xi32> to vector<16xi32>
        %shift_left3A_476 = arith.constant 16 : i32
        %shift_left3A_477 = vector.broadcast %shift_left3A_476 : i32 to vector<16xi32>
        %shift_left3A_478 = arith.shli %get3A_457, %shift_left3A_477 : vector<16xi32>
        %bitcast_convert_type3A_479 = tpu.bitcast %shift_left3A_478 : vector<16xi32> -> vector<16xf32>
        %shift_left3A_480 = arith.constant 16 : i32
        %shift_left3A_481 = vector.broadcast %shift_left3A_480 : i32 to vector<16xi32>
        %shift_left3A_482 = arith.shli %get3A_463, %shift_left3A_481 : vector<16xi32>
        %bitcast_convert_type3A_483 = tpu.bitcast %shift_left3A_482 : vector<16xi32> -> vector<16xf32>
        %shift_left3A_484 = arith.constant 16 : i32
        %shift_left3A_485 = vector.broadcast %shift_left3A_484 : i32 to vector<16xi32>
        %shift_left3A_486 = arith.shli %get3A_469, %shift_left3A_485 : vector<16xi32>
        %bitcast_convert_type3A_487 = tpu.bitcast %shift_left3A_486 : vector<16xi32> -> vector<16xf32>
        %shift_left3A_488 = arith.constant 16 : i32
        %shift_left3A_489 = vector.broadcast %shift_left3A_488 : i32 to vector<16xi32>
        %shift_left3A_490 = arith.shli %get3A_475, %shift_left3A_489 : vector<16xi32>
        %bitcast_convert_type3A_491 = tpu.bitcast %shift_left3A_490 : vector<16xi32> -> vector<16xf32>
        %bitcast_convert_type3A_492 = tpu.bitcast %get3A_457 : vector<16xi32> -> vector<16xf32>
        %bitcast_convert_type3A_493 = tpu.bitcast %get3A_463 : vector<16xi32> -> vector<16xf32>
        %bitcast_convert_type3A_494 = tpu.bitcast %get3A_469 : vector<16xi32> -> vector<16xf32>
        %bitcast_convert_type3A_495 = tpu.bitcast %get3A_475 : vector<16xi32> -> vector<16xf32>
        %add3A_496 = arith.addf %bitcast_convert_type3A_479, %bitcast_convert_type3A_483 : vector<16xf32>
        %add3A_497 = arith.addf %bitcast_convert_type3A_487, %bitcast_convert_type3A_491 : vector<16xf32>
        %add3A_498 = arith.addf %add3A_496, %add3A_497 : vector<16xf32>
        %add3A_499 = arith.addf %scan3A_386, %add3A_498 : vector<16xf32>
        %add3A_500 = arith.addf %bitcast_convert_type3A_492, %bitcast_convert_type3A_493 : vector<16xf32>
        %add3A_501 = arith.addf %bitcast_convert_type3A_494, %bitcast_convert_type3A_495 : vector<16xf32>
        %add3A_502 = arith.addf %add3A_500, %add3A_501 : vector<16xf32>
        %add3A_503 = arith.addf %scan3A_394, %add3A_502 : vector<16xf32>
        %add3A_504 = arith.constant 0 : i32
        %add3A_505 = arith.addi %mul3A_402, %add3A_504 : i32
        %get3A_506 = arith.index_cast %add3A_505 : i32 to index
        %get3A_507 = arith.constant 32 : index
        %get3A_508 = tpu.vector_load %arg12[%get3A_506, %get3A_507] {strides = array<i32>} : memref<32x128xi32, #tpu.memory_space<vmem>>, vector<1x16xi32>,
        %get3A_509 = vector.shape_cast %get3A_508 : vector<1x16xi32> to vector<16xi32>
        %add3A_510 = arith.constant 1 : i32
        %add3A_511 = arith.addi %mul3A_402, %add3A_510 : i32
        %get3A_512 = arith.index_cast %add3A_511 : i32 to index
        %get3A_513 = arith.constant 32 : index
        %get3A_514 = tpu.vector_load %arg12[%get3A_512, %get3A_513] {strides = array<i32>} : memref<32x128xi32, #tpu.memory_space<vmem>>, vector<1x16xi32>,
        %get3A_515 = vector.shape_cast %get3A_514 : vector<1x16xi32> to vector<16xi32>
        %add3A_516 = arith.constant 2 : i32
        %add3A_517 = arith.addi %mul3A_402, %add3A_516 : i32
        %get3A_518 = arith.index_cast %add3A_517 : i32 to index
        %get3A_519 = arith.constant 32 : index
        %get3A_520 = tpu.vector_load %arg12[%get3A_518, %get3A_519] {strides = array<i32>} : memref<32x128xi32, #tpu.memory_space<vmem>>, vector<1x16xi32>,
        %get3A_521 = vector.shape_cast %get3A_520 : vector<1x16xi32> to vector<16xi32>
        %add3A_522 = arith.constant 3 : i32
        %add3A_523 = arith.addi %mul3A_402, %add3A_522 : i32
        %get3A_524 = arith.index_cast %add3A_523 : i32 to index
        %get3A_525 = arith.constant 32 : index
        %get3A_526 = tpu.vector_load %arg12[%get3A_524, %get3A_525] {strides = array<i32>} : memref<32x128xi32, #tpu.memory_space<vmem>>, vector<1x16xi32>,
        %get3A_527 = vector.shape_cast %get3A_526 : vector<1x16xi32> to vector<16xi32>
        %shift_left3A_528 = arith.constant 16 : i32
        %shift_left3A_529 = vector.broadcast %shift_left3A_528 : i32 to vector<16xi32>
        %shift_left3A_530 = arith.shli %get3A_509, %shift_left3A_529 : vector<16xi32>
        %bitcast_convert_type3A_531 = tpu.bitcast %shift_left3A_530 : vector<16xi32> -> vector<16xf32>
        %shift_left3A_532 = arith.constant 16 : i32
        %shift_left3A_533 = vector.broadcast %shift_left3A_532 : i32 to vector<16xi32>
        %shift_left3A_534 = arith.shli %get3A_515, %shift_left3A_533 : vector<16xi32>
        %bitcast_convert_type3A_535 = tpu.bitcast %shift_left3A_534 : vector<16xi32> -> vector<16xf32>
        %shift_left3A_536 = arith.constant 16 : i32
        %shift_left3A_537 = vector.broadcast %shift_left3A_536 : i32 to vector<16xi32>
        %shift_left3A_538 = arith.shli %get3A_521, %shift_left3A_537 : vector<16xi32>
        %bitcast_convert_type3A_539 = tpu.bitcast %shift_left3A_538 : vector<16xi32> -> vector<16xf32>
        %shift_left3A_540 = arith.constant 16 : i32
        %shift_left3A_541 = vector.broadcast %shift_left3A_540 : i32 to vector<16xi32>
        %shift_left3A_542 = arith.shli %get3A_527, %shift_left3A_541 : vector<16xi32>
        %bitcast_convert_type3A_543 = tpu.bitcast %shift_left3A_542 : vector<16xi32> -> vector<16xf32>
        %bitcast_convert_type3A_544 = tpu.bitcast %get3A_509 : vector<16xi32> -> vector<16xf32>
        %bitcast_convert_type3A_545 = tpu.bitcast %get3A_515 : vector<16xi32> -> vector<16xf32>
        %bitcast_convert_type3A_546 = tpu.bitcast %get3A_521 : vector<16xi32> -> vector<16xf32>
        %bitcast_convert_type3A_547 = tpu.bitcast %get3A_527 : vector<16xi32> -> vector<16xf32>
        %add3A_548 = arith.addf %bitcast_convert_type3A_531, %bitcast_convert_type3A_535 : vector<16xf32>
        %add3A_549 = arith.addf %bitcast_convert_type3A_539, %bitcast_convert_type3A_543 : vector<16xf32>
        %add3A_550 = arith.addf %add3A_548, %add3A_549 : vector<16xf32>
        %add3A_551 = arith.addf %scan3A_387, %add3A_550 : vector<16xf32>
        %add3A_552 = arith.addf %bitcast_convert_type3A_544, %bitcast_convert_type3A_545 : vector<16xf32>
        %add3A_553 = arith.addf %bitcast_convert_type3A_546, %bitcast_convert_type3A_547 : vector<16xf32>
        %add3A_554 = arith.addf %add3A_552, %add3A_553 : vector<16xf32>
        %add3A_555 = arith.addf %scan3A_395, %add3A_554 : vector<16xf32>
        %add3A_556 = arith.constant 0 : i32
        %add3A_557 = arith.addi %mul3A_402, %add3A_556 : i32
        %get3A_558 = arith.index_cast %add3A_557 : i32 to index
        %get3A_559 = arith.constant 48 : index
        %get3A_560 = tpu.vector_load %arg12[%get3A_558, %get3A_559] {strides = array<i32>} : memref<32x128xi32, #tpu.memory_space<vmem>>, vector<1x16xi32>,
        %get3A_561 = vector.shape_cast %get3A_560 : vector<1x16xi32> to vector<16xi32>
        %add3A_562 = arith.constant 1 : i32
        %add3A_563 = arith.addi %mul3A_402, %add3A_562 : i32
        %get3A_564 = arith.index_cast %add3A_563 : i32 to index
        %get3A_565 = arith.constant 48 : index
        %get3A_566 = tpu.vector_load %arg12[%get3A_564, %get3A_565] {strides = array<i32>} : memref<32x128xi32, #tpu.memory_space<vmem>>, vector<1x16xi32>,
        %get3A_567 = vector.shape_cast %get3A_566 : vector<1x16xi32> to vector<16xi32>
        %add3A_568 = arith.constant 2 : i32
        %add3A_569 = arith.addi %mul3A_402, %add3A_568 : i32
        %get3A_570 = arith.index_cast %add3A_569 : i32 to index
        %get3A_571 = arith.constant 48 : index
        %get3A_572 = tpu.vector_load %arg12[%get3A_570, %get3A_571] {strides = array<i32>} : memref<32x128xi32, #tpu.memory_space<vmem>>, vector<1x16xi32>,
        %get3A_573 = vector.shape_cast %get3A_572 : vector<1x16xi32> to vector<16xi32>
        %add3A_574 = arith.constant 3 : i32
        %add3A_575 = arith.addi %mul3A_402, %add3A_574 : i32
        %get3A_576 = arith.index_cast %add3A_575 : i32 to index
        %get3A_577 = arith.constant 48 : index
        %get3A_578 = tpu.vector_load %arg12[%get3A_576, %get3A_577] {strides = array<i32>} : memref<32x128xi32, #tpu.memory_space<vmem>>, vector<1x16xi32>,
        %get3A_579 = vector.shape_cast %get3A_578 : vector<1x16xi32> to vector<16xi32>
        %shift_left3A_580 = arith.constant 16 : i32
        %shift_left3A_581 = vector.broadcast %shift_left3A_580 : i32 to vector<16xi32>
        %shift_left3A_582 = arith.shli %get3A_561, %shift_left3A_581 : vector<16xi32>
        %bitcast_convert_type3A_583 = tpu.bitcast %shift_left3A_582 : vector<16xi32> -> vector<16xf32>
        %shift_left3A_584 = arith.constant 16 : i32
        %shift_left3A_585 = vector.broadcast %shift_left3A_584 : i32 to vector<16xi32>
        %shift_left3A_586 = arith.shli %get3A_567, %shift_left3A_585 : vector<16xi32>
        %bitcast_convert_type3A_587 = tpu.bitcast %shift_left3A_586 : vector<16xi32> -> vector<16xf32>
        %shift_left3A_588 = arith.constant 16 : i32
        %shift_left3A_589 = vector.broadcast %shift_left3A_588 : i32 to vector<16xi32>
        %shift_left3A_590 = arith.shli %get3A_573, %shift_left3A_589 : vector<16xi32>
        %bitcast_convert_type3A_591 = tpu.bitcast %shift_left3A_590 : vector<16xi32> -> vector<16xf32>
        %shift_left3A_592 = arith.constant 16 : i32
        %shift_left3A_593 = vector.broadcast %shift_left3A_592 : i32 to vector<16xi32>
        %shift_left3A_594 = arith.shli %get3A_579, %shift_left3A_593 : vector<16xi32>
        %bitcast_convert_type3A_595 = tpu.bitcast %shift_left3A_594 : vector<16xi32> -> vector<16xf32>
        %bitcast_convert_type3A_596 = tpu.bitcast %get3A_561 : vector<16xi32> -> vector<16xf32>
        %bitcast_convert_type3A_597 = tpu.bitcast %get3A_567 : vector<16xi32> -> vector<16xf32>
        %bitcast_convert_type3A_598 = tpu.bitcast %get3A_573 : vector<16xi32> -> vector<16xf32>
        %bitcast_convert_type3A_599 = tpu.bitcast %get3A_579 : vector<16xi32> -> vector<16xf32>
        %add3A_600 = arith.addf %bitcast_convert_type3A_583, %bitcast_convert_type3A_587 : vector<16xf32>
        %add3A_601 = arith.addf %bitcast_convert_type3A_591, %bitcast_convert_type3A_595 : vector<16xf32>
        %add3A_602 = arith.addf %add3A_600, %add3A_601 : vector<16xf32>
        %add3A_603 = arith.addf %scan3A_388, %add3A_602 : vector<16xf32>
        %add3A_604 = arith.addf %bitcast_convert_type3A_596, %bitcast_convert_type3A_597 : vector<16xf32>
        %add3A_605 = arith.addf %bitcast_convert_type3A_598, %bitcast_convert_type3A_599 : vector<16xf32>
        %add3A_606 = arith.addf %add3A_604, %add3A_605 : vector<16xf32>
        %add3A_607 = arith.addf %scan3A_396, %add3A_606 : vector<16xf32>
        %add3A_608 = arith.constant 0 : i32
        %add3A_609 = arith.addi %mul3A_402, %add3A_608 : i32
        %get3A_610 = arith.index_cast %add3A_609 : i32 to index
        %get3A_611 = arith.constant 64 : index
        %get3A_612 = tpu.vector_load %arg12[%get3A_610, %get3A_611] {strides = array<i32>} : memref<32x128xi32, #tpu.memory_space<vmem>>, vector<1x16xi32>,
        %get3A_613 = vector.shape_cast %get3A_612 : vector<1x16xi32> to vector<16xi32>
        %add3A_614 = arith.constant 1 : i32
        %add3A_615 = arith.addi %mul3A_402, %add3A_614 : i32
        %get3A_616 = arith.index_cast %add3A_615 : i32 to index
        %get3A_617 = arith.constant 64 : index
        %get3A_618 = tpu.vector_load %arg12[%get3A_616, %get3A_617] {strides = array<i32>} : memref<32x128xi32, #tpu.memory_space<vmem>>, vector<1x16xi32>,
        %get3A_619 = vector.shape_cast %get3A_618 : vector<1x16xi32> to vector<16xi32>
        %add3A_620 = arith.constant 2 : i32
        %add3A_621 = arith.addi %mul3A_402, %add3A_620 : i32
        %get3A_622 = arith.index_cast %add3A_621 : i32 to index
        %get3A_623 = arith.constant 64 : index
        %get3A_624 = tpu.vector_load %arg12[%get3A_622, %get3A_623] {strides = array<i32>} : memref<32x128xi32, #tpu.memory_space<vmem>>, vector<1x16xi32>,
        %get3A_625 = vector.shape_cast %get3A_624 : vector<1x16xi32> to vector<16xi32>
        %add3A_626 = arith.constant 3 : i32
        %add3A_627 = arith.addi %mul3A_402, %add3A_626 : i32
        %get3A_628 = arith.index_cast %add3A_627 : i32 to index
        %get3A_629 = arith.constant 64 : index
        %get3A_630 = tpu.vector_load %arg12[%get3A_628, %get3A_629] {strides = array<i32>} : memref<32x128xi32, #tpu.memory_space<vmem>>, vector<1x16xi32>,
        %get3A_631 = vector.shape_cast %get3A_630 : vector<1x16xi32> to vector<16xi32>
        %shift_left3A_632 = arith.constant 16 : i32
        %shift_left3A_633 = vector.broadcast %shift_left3A_632 : i32 to vector<16xi32>
        %shift_left3A_634 = arith.shli %get3A_613, %shift_left3A_633 : vector<16xi32>
        %bitcast_convert_type3A_635 = tpu.bitcast %shift_left3A_634 : vector<16xi32> -> vector<16xf32>
        %shift_left3A_636 = arith.constant 16 : i32
        %shift_left3A_637 = vector.broadcast %shift_left3A_636 : i32 to vector<16xi32>
        %shift_left3A_638 = arith.shli %get3A_619, %shift_left3A_637 : vector<16xi32>
        %bitcast_convert_type3A_639 = tpu.bitcast %shift_left3A_638 : vector<16xi32> -> vector<16xf32>
        %shift_left3A_640 = arith.constant 16 : i32
        %shift_left3A_641 = vector.broadcast %shift_left3A_640 : i32 to vector<16xi32>
        %shift_left3A_642 = arith.shli %get3A_625, %shift_left3A_641 : vector<16xi32>
        %bitcast_convert_type3A_643 = tpu.bitcast %shift_left3A_642 : vector<16xi32> -> vector<16xf32>
        %shift_left3A_644 = arith.constant 16 : i32
        %shift_left3A_645 = vector.broadcast %shift_left3A_644 : i32 to vector<16xi32>
        %shift_left3A_646 = arith.shli %get3A_631, %shift_left3A_645 : vector<16xi32>
        %bitcast_convert_type3A_647 = tpu.bitcast %shift_left3A_646 : vector<16xi32> -> vector<16xf32>
        %bitcast_convert_type3A_648 = tpu.bitcast %get3A_613 : vector<16xi32> -> vector<16xf32>
        %bitcast_convert_type3A_649 = tpu.bitcast %get3A_619 : vector<16xi32> -> vector<16xf32>
        %bitcast_convert_type3A_650 = tpu.bitcast %get3A_625 : vector<16xi32> -> vector<16xf32>
        %bitcast_convert_type3A_651 = tpu.bitcast %get3A_631 : vector<16xi32> -> vector<16xf32>
        %add3A_652 = arith.addf %bitcast_convert_type3A_635, %bitcast_convert_type3A_639 : vector<16xf32>
        %add3A_653 = arith.addf %bitcast_convert_type3A_643, %bitcast_convert_type3A_647 : vector<16xf32>
        %add3A_654 = arith.addf %add3A_652, %add3A_653 : vector<16xf32>
        %add3A_655 = arith.addf %scan3A_389, %add3A_654 : vector<16xf32>
        %add3A_656 = arith.addf %bitcast_convert_type3A_648, %bitcast_convert_type3A_649 : vector<16xf32>
        %add3A_657 = arith.addf %bitcast_convert_type3A_650, %bitcast_convert_type3A_651 : vector<16xf32>
        %add3A_658 = arith.addf %add3A_656, %add3A_657 : vector<16xf32>
        %add3A_659 = arith.addf %scan3A_397, %add3A_658 : vector<16xf32>
        %add3A_660 = arith.constant 0 : i32
        %add3A_661 = arith.addi %mul3A_402, %add3A_660 : i32
        %get3A_662 = arith.index_cast %add3A_661 : i32 to index
        %get3A_663 = arith.constant 80 : index
        %get3A_664 = tpu.vector_load %arg12[%get3A_662, %get3A_663] {strides = array<i32>} : memref<32x128xi32, #tpu.memory_space<vmem>>, vector<1x16xi32>,
        %get3A_665 = vector.shape_cast %get3A_664 : vector<1x16xi32> to vector<16xi32>
        %add3A_666 = arith.constant 1 : i32
        %add3A_667 = arith.addi %mul3A_402, %add3A_666 : i32
        %get3A_668 = arith.index_cast %add3A_667 : i32 to index
        %get3A_669 = arith.constant 80 : index
        %get3A_670 = tpu.vector_load %arg12[%get3A_668, %get3A_669] {strides = array<i32>} : memref<32x128xi32, #tpu.memory_space<vmem>>, vector<1x16xi32>,
        %get3A_671 = vector.shape_cast %get3A_670 : vector<1x16xi32> to vector<16xi32>
        %add3A_672 = arith.constant 2 : i32
        %add3A_673 = arith.addi %mul3A_402, %add3A_672 : i32
        %get3A_674 = arith.index_cast %add3A_673 : i32 to index
        %get3A_675 = arith.constant 80 : index
        %get3A_676 = tpu.vector_load %arg12[%get3A_674, %get3A_675] {strides = array<i32>} : memref<32x128xi32, #tpu.memory_space<vmem>>, vector<1x16xi32>,
        %get3A_677 = vector.shape_cast %get3A_676 : vector<1x16xi32> to vector<16xi32>
        %add3A_678 = arith.constant 3 : i32
        %add3A_679 = arith.addi %mul3A_402, %add3A_678 : i32
        %get3A_680 = arith.index_cast %add3A_679 : i32 to index
        %get3A_681 = arith.constant 80 : index
        %get3A_682 = tpu.vector_load %arg12[%get3A_680, %get3A_681] {strides = array<i32>} : memref<32x128xi32, #tpu.memory_space<vmem>>, vector<1x16xi32>,
        %get3A_683 = vector.shape_cast %get3A_682 : vector<1x16xi32> to vector<16xi32>
        %shift_left3A_684 = arith.constant 16 : i32
        %shift_left3A_685 = vector.broadcast %shift_left3A_684 : i32 to vector<16xi32>
        %shift_left3A_686 = arith.shli %get3A_665, %shift_left3A_685 : vector<16xi32>
        %bitcast_convert_type3A_687 = tpu.bitcast %shift_left3A_686 : vector<16xi32> -> vector<16xf32>
        %shift_left3A_688 = arith.constant 16 : i32
        %shift_left3A_689 = vector.broadcast %shift_left3A_688 : i32 to vector<16xi32>
        %shift_left3A_690 = arith.shli %get3A_671, %shift_left3A_689 : vector<16xi32>
        %bitcast_convert_type3A_691 = tpu.bitcast %shift_left3A_690 : vector<16xi32> -> vector<16xf32>
        %shift_left3A_692 = arith.constant 16 : i32
        %shift_left3A_693 = vector.broadcast %shift_left3A_692 : i32 to vector<16xi32>
        %shift_left3A_694 = arith.shli %get3A_677, %shift_left3A_693 : vector<16xi32>
        %bitcast_convert_type3A_695 = tpu.bitcast %shift_left3A_694 : vector<16xi32> -> vector<16xf32>
        %shift_left3A_696 = arith.constant 16 : i32
        %shift_left3A_697 = vector.broadcast %shift_left3A_696 : i32 to vector<16xi32>
        %shift_left3A_698 = arith.shli %get3A_683, %shift_left3A_697 : vector<16xi32>
        %bitcast_convert_type3A_699 = tpu.bitcast %shift_left3A_698 : vector<16xi32> -> vector<16xf32>
        %bitcast_convert_type3A_700 = tpu.bitcast %get3A_665 : vector<16xi32> -> vector<16xf32>
        %bitcast_convert_type3A_701 = tpu.bitcast %get3A_671 : vector<16xi32> -> vector<16xf32>
        %bitcast_convert_type3A_702 = tpu.bitcast %get3A_677 : vector<16xi32> -> vector<16xf32>
        %bitcast_convert_type3A_703 = tpu.bitcast %get3A_683 : vector<16xi32> -> vector<16xf32>
        %add3A_704 = arith.addf %bitcast_convert_type3A_687, %bitcast_convert_type3A_691 : vector<16xf32>
        %add3A_705 = arith.addf %bitcast_convert_type3A_695, %bitcast_convert_type3A_699 : vector<16xf32>
        %add3A_706 = arith.addf %add3A_704, %add3A_705 : vector<16xf32>
        %add3A_707 = arith.addf %scan3A_390, %add3A_706 : vector<16xf32>
        %add3A_708 = arith.addf %bitcast_convert_type3A_700, %bitcast_convert_type3A_701 : vector<16xf32>
        %add3A_709 = arith.addf %bitcast_convert_type3A_702, %bitcast_convert_type3A_703 : vector<16xf32>
        %add3A_710 = arith.addf %add3A_708, %add3A_709 : vector<16xf32>
        %add3A_711 = arith.addf %scan3A_398, %add3A_710 : vector<16xf32>
        %add3A_712 = arith.constant 0 : i32
        %add3A_713 = arith.addi %mul3A_402, %add3A_712 : i32
        %get3A_714 = arith.index_cast %add3A_713 : i32 to index
        %get3A_715 = arith.constant 96 : index
        %get3A_716 = tpu.vector_load %arg12[%get3A_714, %get3A_715] {strides = array<i32>} : memref<32x128xi32, #tpu.memory_space<vmem>>, vector<1x16xi32>,
        %get3A_717 = vector.shape_cast %get3A_716 : vector<1x16xi32> to vector<16xi32>
        %add3A_718 = arith.constant 1 : i32
        %add3A_719 = arith.addi %mul3A_402, %add3A_718 : i32
        %get3A_720 = arith.index_cast %add3A_719 : i32 to index
        %get3A_721 = arith.constant 96 : index
        %get3A_722 = tpu.vector_load %arg12[%get3A_720, %get3A_721] {strides = array<i32>} : memref<32x128xi32, #tpu.memory_space<vmem>>, vector<1x16xi32>,
        %get3A_723 = vector.shape_cast %get3A_722 : vector<1x16xi32> to vector<16xi32>
        %add3A_724 = arith.constant 2 : i32
        %add3A_725 = arith.addi %mul3A_402, %add3A_724 : i32
        %get3A_726 = arith.index_cast %add3A_725 : i32 to index
        %get3A_727 = arith.constant 96 : index
        %get3A_728 = tpu.vector_load %arg12[%get3A_726, %get3A_727] {strides = array<i32>} : memref<32x128xi32, #tpu.memory_space<vmem>>, vector<1x16xi32>,
        %get3A_729 = vector.shape_cast %get3A_728 : vector<1x16xi32> to vector<16xi32>
        %add3A_730 = arith.constant 3 : i32
        %add3A_731 = arith.addi %mul3A_402, %add3A_730 : i32
        %get3A_732 = arith.index_cast %add3A_731 : i32 to index
        %get3A_733 = arith.constant 96 : index
        %get3A_734 = tpu.vector_load %arg12[%get3A_732, %get3A_733] {strides = array<i32>} : memref<32x128xi32, #tpu.memory_space<vmem>>, vector<1x16xi32>,
        %get3A_735 = vector.shape_cast %get3A_734 : vector<1x16xi32> to vector<16xi32>
        %shift_left3A_736 = arith.constant 16 : i32
        %shift_left3A_737 = vector.broadcast %shift_left3A_736 : i32 to vector<16xi32>
        %shift_left3A_738 = arith.shli %get3A_717, %shift_left3A_737 : vector<16xi32>
        %bitcast_convert_type3A_739 = tpu.bitcast %shift_left3A_738 : vector<16xi32> -> vector<16xf32>
        %shift_left3A_740 = arith.constant 16 : i32
        %shift_left3A_741 = vector.broadcast %shift_left3A_740 : i32 to vector<16xi32>
        %shift_left3A_742 = arith.shli %get3A_723, %shift_left3A_741 : vector<16xi32>
        %bitcast_convert_type3A_743 = tpu.bitcast %shift_left3A_742 : vector<16xi32> -> vector<16xf32>
        %shift_left3A_744 = arith.constant 16 : i32
        %shift_left3A_745 = vector.broadcast %shift_left3A_744 : i32 to vector<16xi32>
        %shift_left3A_746 = arith.shli %get3A_729, %shift_left3A_745 : vector<16xi32>
        %bitcast_convert_type3A_747 = tpu.bitcast %shift_left3A_746 : vector<16xi32> -> vector<16xf32>
        %shift_left3A_748 = arith.constant 16 : i32
        %shift_left3A_749 = vector.broadcast %shift_left3A_748 : i32 to vector<16xi32>
        %shift_left3A_750 = arith.shli %get3A_735, %shift_left3A_749 : vector<16xi32>
        %bitcast_convert_type3A_751 = tpu.bitcast %shift_left3A_750 : vector<16xi32> -> vector<16xf32>
        %bitcast_convert_type3A_752 = tpu.bitcast %get3A_717 : vector<16xi32> -> vector<16xf32>
        %bitcast_convert_type3A_753 = tpu.bitcast %get3A_723 : vector<16xi32> -> vector<16xf32>
        %bitcast_convert_type3A_754 = tpu.bitcast %get3A_729 : vector<16xi32> -> vector<16xf32>
        %bitcast_convert_type3A_755 = tpu.bitcast %get3A_735 : vector<16xi32> -> vector<16xf32>
        %add3A_756 = arith.addf %bitcast_convert_type3A_739, %bitcast_convert_type3A_743 : vector<16xf32>
        %add3A_757 = arith.addf %bitcast_convert_type3A_747, %bitcast_convert_type3A_751 : vector<16xf32>
        %add3A_758 = arith.addf %add3A_756, %add3A_757 : vector<16xf32>
        %add3A_759 = arith.addf %scan3A_391, %add3A_758 : vector<16xf32>
        %add3A_760 = arith.addf %bitcast_convert_type3A_752, %bitcast_convert_type3A_753 : vector<16xf32>
        %add3A_761 = arith.addf %bitcast_convert_type3A_754, %bitcast_convert_type3A_755 : vector<16xf32>
        %add3A_762 = arith.addf %add3A_760, %add3A_761 : vector<16xf32>
        %add3A_763 = arith.addf %scan3A_399, %add3A_762 : vector<16xf32>
        %add3A_764 = arith.constant 0 : i32
        %add3A_765 = arith.addi %mul3A_402, %add3A_764 : i32
        %get3A_766 = arith.index_cast %add3A_765 : i32 to index
        %get3A_767 = arith.constant 112 : index
        %get3A_768 = tpu.vector_load %arg12[%get3A_766, %get3A_767] {strides = array<i32>} : memref<32x128xi32, #tpu.memory_space<vmem>>, vector<1x16xi32>,
        %get3A_769 = vector.shape_cast %get3A_768 : vector<1x16xi32> to vector<16xi32>
        %add3A_770 = arith.constant 1 : i32
        %add3A_771 = arith.addi %mul3A_402, %add3A_770 : i32
        %get3A_772 = arith.index_cast %add3A_771 : i32 to index
        %get3A_773 = arith.constant 112 : index
        %get3A_774 = tpu.vector_load %arg12[%get3A_772, %get3A_773] {strides = array<i32>} : memref<32x128xi32, #tpu.memory_space<vmem>>, vector<1x16xi32>,
        %get3A_775 = vector.shape_cast %get3A_774 : vector<1x16xi32> to vector<16xi32>
        %add3A_776 = arith.constant 2 : i32
        %add3A_777 = arith.addi %mul3A_402, %add3A_776 : i32
        %get3A_778 = arith.index_cast %add3A_777 : i32 to index
        %get3A_779 = arith.constant 112 : index
        %get3A_780 = tpu.vector_load %arg12[%get3A_778, %get3A_779] {strides = array<i32>} : memref<32x128xi32, #tpu.memory_space<vmem>>, vector<1x16xi32>,
        %get3A_781 = vector.shape_cast %get3A_780 : vector<1x16xi32> to vector<16xi32>
        %add3A_782 = arith.constant 3 : i32
        %add3A_783 = arith.addi %mul3A_402, %add3A_782 : i32
        %get3A_784 = arith.index_cast %add3A_783 : i32 to index
        %get3A_785 = arith.constant 112 : index
        %get3A_786 = tpu.vector_load %arg12[%get3A_784, %get3A_785] {strides = array<i32>} : memref<32x128xi32, #tpu.memory_space<vmem>>, vector<1x16xi32>,
        %get3A_787 = vector.shape_cast %get3A_786 : vector<1x16xi32> to vector<16xi32>
        %shift_left3A_788 = arith.constant 16 : i32
        %shift_left3A_789 = vector.broadcast %shift_left3A_788 : i32 to vector<16xi32>
        %shift_left3A_790 = arith.shli %get3A_769, %shift_left3A_789 : vector<16xi32>
        %bitcast_convert_type3A_791 = tpu.bitcast %shift_left3A_790 : vector<16xi32> -> vector<16xf32>
        %shift_left3A_792 = arith.constant 16 : i32
        %shift_left3A_793 = vector.broadcast %shift_left3A_792 : i32 to vector<16xi32>
        %shift_left3A_794 = arith.shli %get3A_775, %shift_left3A_793 : vector<16xi32>
        %bitcast_convert_type3A_795 = tpu.bitcast %shift_left3A_794 : vector<16xi32> -> vector<16xf32>
        %shift_left3A_796 = arith.constant 16 : i32
        %shift_left3A_797 = vector.broadcast %shift_left3A_796 : i32 to vector<16xi32>
        %shift_left3A_798 = arith.shli %get3A_781, %shift_left3A_797 : vector<16xi32>
        %bitcast_convert_type3A_799 = tpu.bitcast %shift_left3A_798 : vector<16xi32> -> vector<16xf32>
        %shift_left3A_800 = arith.constant 16 : i32
        %shift_left3A_801 = vector.broadcast %shift_left3A_800 : i32 to vector<16xi32>
        %shift_left3A_802 = arith.shli %get3A_787, %shift_left3A_801 : vector<16xi32>
        %bitcast_convert_type3A_803 = tpu.bitcast %shift_left3A_802 : vector<16xi32> -> vector<16xf32>
        %bitcast_convert_type3A_804 = tpu.bitcast %get3A_769 : vector<16xi32> -> vector<16xf32>
        %bitcast_convert_type3A_805 = tpu.bitcast %get3A_775 : vector<16xi32> -> vector<16xf32>
        %bitcast_convert_type3A_806 = tpu.bitcast %get3A_781 : vector<16xi32> -> vector<16xf32>
        %bitcast_convert_type3A_807 = tpu.bitcast %get3A_787 : vector<16xi32> -> vector<16xf32>
        %add3A_808 = arith.addf %bitcast_convert_type3A_791, %bitcast_convert_type3A_795 : vector<16xf32>
        %add3A_809 = arith.addf %bitcast_convert_type3A_799, %bitcast_convert_type3A_803 : vector<16xf32>
        %add3A_810 = arith.addf %add3A_808, %add3A_809 : vector<16xf32>
        %add3A_811 = arith.addf %scan3A_392, %add3A_810 : vector<16xf32>
        %add3A_812 = arith.addf %bitcast_convert_type3A_804, %bitcast_convert_type3A_805 : vector<16xf32>
        %add3A_813 = arith.addf %bitcast_convert_type3A_806, %bitcast_convert_type3A_807 : vector<16xf32>
        %add3A_814 = arith.addf %add3A_812, %add3A_813 : vector<16xf32>
        %add3A_815 = arith.addf %scan3A_400, %add3A_814 : vector<16xf32>
        scf.yield %add3A_447, %add3A_499, %add3A_551, %add3A_603, %add3A_655, %add3A_707, %add3A_759, %add3A_811, %add3A_451, %add3A_503, %add3A_555, %add3A_607, %add3A_659, %add3A_711, %add3A_763, %add3A_815 : vector<16xf32>, vector<16xf32>, vector<16xf32>, vector<16xf32>, vector<16xf32>, vector<16xf32>, vector<16xf32>, vector<16xf32>, vector<16xf32>, vector<16xf32>, vector<16xf32>, vector<16xf32>, vector<16xf32>, vector<16xf32>, vector<16xf32>, vector<16xf32>
      }
      %scan3A_281 = arith.constant 8 : i32
      %convert_element_type3A_282 = arith.extui %lt3A_97 : i1 to i32
      %cond3A_283 = arith.constant 0 : i32
      %cond3A_284 = arith.cmpi ne, %convert_element_type3A_282, %cond3A_283 : i32
      scf.if %cond3A_284 {
        %add3A_384 = arith.constant 3 : i32
        %add3A_385 = arith.addi %mul3A_96, %add3A_384 : i32
        %dma_start3A_386 = arith.constant 64 : i32
        %dma_start3A_387 = tpu.memref_slice %arg5[%add3A_385, %dma_start3A_386] : memref<128x128xi32, #tpu.memory_space<vmem>> -> memref<1x32xi32, #tpu.memory_space<vmem>>
        %dma_start3A_388 = tpu.memref_squeeze %dma_start3A_387 : memref<1x32xi32, #tpu.memory_space<vmem>> -> memref<32xi32, #tpu.memory_space<vmem>>
        %dma_start3A_389 = arith.constant 0 : i32
        %dma_start3A_390 = arith.constant 0 : i32
        %dma_start3A_391 = tpu.memref_slice %arg3[%dma_start3A_389, %dma_start3A_390] : memref<100000x128xi32, #tpu.memory_space<hbm>> -> memref<100000x128xi32, #tpu.memory_space<hbm>>
        tpu.enqueue_indirect_dma source(%dma_start3A_391 : memref<100000x128xi32, #tpu.memory_space<hbm>>) target(%arg12 : memref<32x128xi32, #tpu.memory_space<vmem>>) offsets(%dma_start3A_388 : memref<32xi32, #tpu.memory_space<vmem>>) semaphore(%arg21 : memref<!tpu.dma_semaphore, #tpu.memory_space<semaphore_mem>>)
      } else {
      }
      %add3A_285 = arith.constant 1 : i32
      %add3A_286 = arith.addi %mul3A_96, %add3A_285 : i32
      %dma_wait3A_287 = arith.constant 96 : i32
      %dma_wait3A_288 = tpu.memref_slice %arg5[%add3A_286, %dma_wait3A_287] : memref<128x128xi32, #tpu.memory_space<vmem>> -> memref<1x32xi32, #tpu.memory_space<vmem>>
      %dma_wait3A_289 = tpu.memref_squeeze %dma_wait3A_288 : memref<1x32xi32, #tpu.memory_space<vmem>> -> memref<32xi32, #tpu.memory_space<vmem>>
      %dma_wait3A_290 = arith.constant 0 : i32
      %dma_wait3A_291 = arith.constant 0 : i32
      %dma_wait3A_292 = tpu.memref_slice %arg3[%dma_wait3A_290, %dma_wait3A_291] : memref<100000x128xi32, #tpu.memory_space<hbm>> -> memref<100000x128xi32, #tpu.memory_space<hbm>>
      tpu.wait_indirect_dma semaphore(%arg22 : memref<!tpu.dma_semaphore, #tpu.memory_space<semaphore_mem>>) src(%dma_wait3A_292 : memref<100000x128xi32, #tpu.memory_space<hbm>>) dst(%arg13 : memref<32x128xi32, #tpu.memory_space<vmem>>)
      %scan3A_293 = arith.constant 0 : i32
      %scan3A_294 = arith.constant 8 : i32
      %scan3A_295 = arith.addi %scan3A_293, %scan3A_294 : i32
      %scan3A_296 = arith.constant 1 : i32
      %scan3A_297:16 = scf.for %scan3A_384 = %scan3A_293 to %scan3A_295 step %scan3A_296 iter_args(%scan3A_385 = %scan3A_280#0, %scan3A_386 = %scan3A_280#1, %scan3A_387 = %scan3A_280#2, %scan3A_388 = %scan3A_280#3, %scan3A_389 = %scan3A_280#4, %scan3A_390 = %scan3A_280#5, %scan3A_391 = %scan3A_280#6, %scan3A_392 = %scan3A_280#7, %scan3A_393 = %scan3A_280#8, %scan3A_394 = %scan3A_280#9, %scan3A_395 = %scan3A_280#10, %scan3A_396 = %scan3A_280#11, %scan3A_397 = %scan3A_280#12, %scan3A_398 = %scan3A_280#13, %scan3A_399 = %scan3A_280#14, %scan3A_400 = %scan3A_280#15) -> (vector<16xf32>, vector<16xf32>, vector<16xf32>, vector<16xf32>, vector<16xf32>, vector<16xf32>, vector<16xf32>, vector<16xf32>, vector<16xf32>, vector<16xf32>, vector<16xf32>, vector<16xf32>, vector<16xf32>, vector<16xf32>, vector<16xf32>, vector<16xf32>)  : i32 {
        %mul3A_401 = arith.constant 4 : i32
        %mul3A_402 = arith.muli %mul3A_401, %scan3A_384 : i32
        %add3A_403 = arith.constant 0 : i32
        %add3A_404 = arith.addi %mul3A_402, %add3A_403 : i32
        %get3A = arith.index_cast %add3A_404 : i32 to index
        %get3A_405 = arith.constant 0 : index
        %get3A_406 = tpu.vector_load %arg13[%get3A, %get3A_405] {strides = array<i32>} : memref<32x128xi32, #tpu.memory_space<vmem>>, vector<1x16xi32>,
        %get3A_407 = vector.shape_cast %get3A_406 : vector<1x16xi32> to vector<16xi32>
        %add3A_408 = arith.constant 1 : i32
        %add3A_409 = arith.addi %mul3A_402, %add3A_408 : i32
        %get3A_410 = arith.index_cast %add3A_409 : i32 to index
        %get3A_411 = arith.constant 0 : index
        %get3A_412 = tpu.vector_load %arg13[%get3A_410, %get3A_411] {strides = array<i32>} : memref<32x128xi32, #tpu.memory_space<vmem>>, vector<1x16xi32>,
        %get3A_413 = vector.shape_cast %get3A_412 : vector<1x16xi32> to vector<16xi32>
        %add3A_414 = arith.constant 2 : i32
        %add3A_415 = arith.addi %mul3A_402, %add3A_414 : i32
        %get3A_416 = arith.index_cast %add3A_415 : i32 to index
        %get3A_417 = arith.constant 0 : index
        %get3A_418 = tpu.vector_load %arg13[%get3A_416, %get3A_417] {strides = array<i32>} : memref<32x128xi32, #tpu.memory_space<vmem>>, vector<1x16xi32>,
        %get3A_419 = vector.shape_cast %get3A_418 : vector<1x16xi32> to vector<16xi32>
        %add3A_420 = arith.constant 3 : i32
        %add3A_421 = arith.addi %mul3A_402, %add3A_420 : i32
        %get3A_422 = arith.index_cast %add3A_421 : i32 to index
        %get3A_423 = arith.constant 0 : index
        %get3A_424 = tpu.vector_load %arg13[%get3A_422, %get3A_423] {strides = array<i32>} : memref<32x128xi32, #tpu.memory_space<vmem>>, vector<1x16xi32>,
        %get3A_425 = vector.shape_cast %get3A_424 : vector<1x16xi32> to vector<16xi32>
        %shift_left3A = arith.constant 16 : i32
        %shift_left3A_426 = vector.broadcast %shift_left3A : i32 to vector<16xi32>
        %shift_left3A_427 = arith.shli %get3A_407, %shift_left3A_426 : vector<16xi32>
        %bitcast_convert_type3A = tpu.bitcast %shift_left3A_427 : vector<16xi32> -> vector<16xf32>
        %shift_left3A_428 = arith.constant 16 : i32
        %shift_left3A_429 = vector.broadcast %shift_left3A_428 : i32 to vector<16xi32>
        %shift_left3A_430 = arith.shli %get3A_413, %shift_left3A_429 : vector<16xi32>
        %bitcast_convert_type3A_431 = tpu.bitcast %shift_left3A_430 : vector<16xi32> -> vector<16xf32>
        %shift_left3A_432 = arith.constant 16 : i32
        %shift_left3A_433 = vector.broadcast %shift_left3A_432 : i32 to vector<16xi32>
        %shift_left3A_434 = arith.shli %get3A_419, %shift_left3A_433 : vector<16xi32>
        %bitcast_convert_type3A_435 = tpu.bitcast %shift_left3A_434 : vector<16xi32> -> vector<16xf32>
        %shift_left3A_436 = arith.constant 16 : i32
        %shift_left3A_437 = vector.broadcast %shift_left3A_436 : i32 to vector<16xi32>
        %shift_left3A_438 = arith.shli %get3A_425, %shift_left3A_437 : vector<16xi32>
        %bitcast_convert_type3A_439 = tpu.bitcast %shift_left3A_438 : vector<16xi32> -> vector<16xf32>
        %bitcast_convert_type3A_440 = tpu.bitcast %get3A_407 : vector<16xi32> -> vector<16xf32>
        %bitcast_convert_type3A_441 = tpu.bitcast %get3A_413 : vector<16xi32> -> vector<16xf32>
        %bitcast_convert_type3A_442 = tpu.bitcast %get3A_419 : vector<16xi32> -> vector<16xf32>
        %bitcast_convert_type3A_443 = tpu.bitcast %get3A_425 : vector<16xi32> -> vector<16xf32>
        %add3A_444 = arith.addf %bitcast_convert_type3A, %bitcast_convert_type3A_431 : vector<16xf32>
        %add3A_445 = arith.addf %bitcast_convert_type3A_435, %bitcast_convert_type3A_439 : vector<16xf32>
        %add3A_446 = arith.addf %add3A_444, %add3A_445 : vector<16xf32>
        %add3A_447 = arith.addf %scan3A_385, %add3A_446 : vector<16xf32>
        %add3A_448 = arith.addf %bitcast_convert_type3A_440, %bitcast_convert_type3A_441 : vector<16xf32>
        %add3A_449 = arith.addf %bitcast_convert_type3A_442, %bitcast_convert_type3A_443 : vector<16xf32>
        %add3A_450 = arith.addf %add3A_448, %add3A_449 : vector<16xf32>
        %add3A_451 = arith.addf %scan3A_393, %add3A_450 : vector<16xf32>
        %add3A_452 = arith.constant 0 : i32
        %add3A_453 = arith.addi %mul3A_402, %add3A_452 : i32
        %get3A_454 = arith.index_cast %add3A_453 : i32 to index
        %get3A_455 = arith.constant 16 : index
        %get3A_456 = tpu.vector_load %arg13[%get3A_454, %get3A_455] {strides = array<i32>} : memref<32x128xi32, #tpu.memory_space<vmem>>, vector<1x16xi32>,
        %get3A_457 = vector.shape_cast %get3A_456 : vector<1x16xi32> to vector<16xi32>
        %add3A_458 = arith.constant 1 : i32
        %add3A_459 = arith.addi %mul3A_402, %add3A_458 : i32
        %get3A_460 = arith.index_cast %add3A_459 : i32 to index
        %get3A_461 = arith.constant 16 : index
        %get3A_462 = tpu.vector_load %arg13[%get3A_460, %get3A_461] {strides = array<i32>} : memref<32x128xi32, #tpu.memory_space<vmem>>, vector<1x16xi32>,
        %get3A_463 = vector.shape_cast %get3A_462 : vector<1x16xi32> to vector<16xi32>
        %add3A_464 = arith.constant 2 : i32
        %add3A_465 = arith.addi %mul3A_402, %add3A_464 : i32
        %get3A_466 = arith.index_cast %add3A_465 : i32 to index
        %get3A_467 = arith.constant 16 : index
        %get3A_468 = tpu.vector_load %arg13[%get3A_466, %get3A_467] {strides = array<i32>} : memref<32x128xi32, #tpu.memory_space<vmem>>, vector<1x16xi32>,
        %get3A_469 = vector.shape_cast %get3A_468 : vector<1x16xi32> to vector<16xi32>
        %add3A_470 = arith.constant 3 : i32
        %add3A_471 = arith.addi %mul3A_402, %add3A_470 : i32
        %get3A_472 = arith.index_cast %add3A_471 : i32 to index
        %get3A_473 = arith.constant 16 : index
        %get3A_474 = tpu.vector_load %arg13[%get3A_472, %get3A_473] {strides = array<i32>} : memref<32x128xi32, #tpu.memory_space<vmem>>, vector<1x16xi32>,
        %get3A_475 = vector.shape_cast %get3A_474 : vector<1x16xi32> to vector<16xi32>
        %shift_left3A_476 = arith.constant 16 : i32
        %shift_left3A_477 = vector.broadcast %shift_left3A_476 : i32 to vector<16xi32>
        %shift_left3A_478 = arith.shli %get3A_457, %shift_left3A_477 : vector<16xi32>
        %bitcast_convert_type3A_479 = tpu.bitcast %shift_left3A_478 : vector<16xi32> -> vector<16xf32>
        %shift_left3A_480 = arith.constant 16 : i32
        %shift_left3A_481 = vector.broadcast %shift_left3A_480 : i32 to vector<16xi32>
        %shift_left3A_482 = arith.shli %get3A_463, %shift_left3A_481 : vector<16xi32>
        %bitcast_convert_type3A_483 = tpu.bitcast %shift_left3A_482 : vector<16xi32> -> vector<16xf32>
        %shift_left3A_484 = arith.constant 16 : i32
        %shift_left3A_485 = vector.broadcast %shift_left3A_484 : i32 to vector<16xi32>
        %shift_left3A_486 = arith.shli %get3A_469, %shift_left3A_485 : vector<16xi32>
        %bitcast_convert_type3A_487 = tpu.bitcast %shift_left3A_486 : vector<16xi32> -> vector<16xf32>
        %shift_left3A_488 = arith.constant 16 : i32
        %shift_left3A_489 = vector.broadcast %shift_left3A_488 : i32 to vector<16xi32>
        %shift_left3A_490 = arith.shli %get3A_475, %shift_left3A_489 : vector<16xi32>
        %bitcast_convert_type3A_491 = tpu.bitcast %shift_left3A_490 : vector<16xi32> -> vector<16xf32>
        %bitcast_convert_type3A_492 = tpu.bitcast %get3A_457 : vector<16xi32> -> vector<16xf32>
        %bitcast_convert_type3A_493 = tpu.bitcast %get3A_463 : vector<16xi32> -> vector<16xf32>
        %bitcast_convert_type3A_494 = tpu.bitcast %get3A_469 : vector<16xi32> -> vector<16xf32>
        %bitcast_convert_type3A_495 = tpu.bitcast %get3A_475 : vector<16xi32> -> vector<16xf32>
        %add3A_496 = arith.addf %bitcast_convert_type3A_479, %bitcast_convert_type3A_483 : vector<16xf32>
        %add3A_497 = arith.addf %bitcast_convert_type3A_487, %bitcast_convert_type3A_491 : vector<16xf32>
        %add3A_498 = arith.addf %add3A_496, %add3A_497 : vector<16xf32>
        %add3A_499 = arith.addf %scan3A_386, %add3A_498 : vector<16xf32>
        %add3A_500 = arith.addf %bitcast_convert_type3A_492, %bitcast_convert_type3A_493 : vector<16xf32>
        %add3A_501 = arith.addf %bitcast_convert_type3A_494, %bitcast_convert_type3A_495 : vector<16xf32>
        %add3A_502 = arith.addf %add3A_500, %add3A_501 : vector<16xf32>
        %add3A_503 = arith.addf %scan3A_394, %add3A_502 : vector<16xf32>
        %add3A_504 = arith.constant 0 : i32
        %add3A_505 = arith.addi %mul3A_402, %add3A_504 : i32
        %get3A_506 = arith.index_cast %add3A_505 : i32 to index
        %get3A_507 = arith.constant 32 : index
        %get3A_508 = tpu.vector_load %arg13[%get3A_506, %get3A_507] {strides = array<i32>} : memref<32x128xi32, #tpu.memory_space<vmem>>, vector<1x16xi32>,
        %get3A_509 = vector.shape_cast %get3A_508 : vector<1x16xi32> to vector<16xi32>
        %add3A_510 = arith.constant 1 : i32
        %add3A_511 = arith.addi %mul3A_402, %add3A_510 : i32
        %get3A_512 = arith.index_cast %add3A_511 : i32 to index
        %get3A_513 = arith.constant 32 : index
        %get3A_514 = tpu.vector_load %arg13[%get3A_512, %get3A_513] {strides = array<i32>} : memref<32x128xi32, #tpu.memory_space<vmem>>, vector<1x16xi32>,
        %get3A_515 = vector.shape_cast %get3A_514 : vector<1x16xi32> to vector<16xi32>
        %add3A_516 = arith.constant 2 : i32
        %add3A_517 = arith.addi %mul3A_402, %add3A_516 : i32
        %get3A_518 = arith.index_cast %add3A_517 : i32 to index
        %get3A_519 = arith.constant 32 : index
        %get3A_520 = tpu.vector_load %arg13[%get3A_518, %get3A_519] {strides = array<i32>} : memref<32x128xi32, #tpu.memory_space<vmem>>, vector<1x16xi32>,
        %get3A_521 = vector.shape_cast %get3A_520 : vector<1x16xi32> to vector<16xi32>
        %add3A_522 = arith.constant 3 : i32
        %add3A_523 = arith.addi %mul3A_402, %add3A_522 : i32
        %get3A_524 = arith.index_cast %add3A_523 : i32 to index
        %get3A_525 = arith.constant 32 : index
        %get3A_526 = tpu.vector_load %arg13[%get3A_524, %get3A_525] {strides = array<i32>} : memref<32x128xi32, #tpu.memory_space<vmem>>, vector<1x16xi32>,
        %get3A_527 = vector.shape_cast %get3A_526 : vector<1x16xi32> to vector<16xi32>
        %shift_left3A_528 = arith.constant 16 : i32
        %shift_left3A_529 = vector.broadcast %shift_left3A_528 : i32 to vector<16xi32>
        %shift_left3A_530 = arith.shli %get3A_509, %shift_left3A_529 : vector<16xi32>
        %bitcast_convert_type3A_531 = tpu.bitcast %shift_left3A_530 : vector<16xi32> -> vector<16xf32>
        %shift_left3A_532 = arith.constant 16 : i32
        %shift_left3A_533 = vector.broadcast %shift_left3A_532 : i32 to vector<16xi32>
        %shift_left3A_534 = arith.shli %get3A_515, %shift_left3A_533 : vector<16xi32>
        %bitcast_convert_type3A_535 = tpu.bitcast %shift_left3A_534 : vector<16xi32> -> vector<16xf32>
        %shift_left3A_536 = arith.constant 16 : i32
        %shift_left3A_537 = vector.broadcast %shift_left3A_536 : i32 to vector<16xi32>
        %shift_left3A_538 = arith.shli %get3A_521, %shift_left3A_537 : vector<16xi32>
        %bitcast_convert_type3A_539 = tpu.bitcast %shift_left3A_538 : vector<16xi32> -> vector<16xf32>
        %shift_left3A_540 = arith.constant 16 : i32
        %shift_left3A_541 = vector.broadcast %shift_left3A_540 : i32 to vector<16xi32>
        %shift_left3A_542 = arith.shli %get3A_527, %shift_left3A_541 : vector<16xi32>
        %bitcast_convert_type3A_543 = tpu.bitcast %shift_left3A_542 : vector<16xi32> -> vector<16xf32>
        %bitcast_convert_type3A_544 = tpu.bitcast %get3A_509 : vector<16xi32> -> vector<16xf32>
        %bitcast_convert_type3A_545 = tpu.bitcast %get3A_515 : vector<16xi32> -> vector<16xf32>
        %bitcast_convert_type3A_546 = tpu.bitcast %get3A_521 : vector<16xi32> -> vector<16xf32>
        %bitcast_convert_type3A_547 = tpu.bitcast %get3A_527 : vector<16xi32> -> vector<16xf32>
        %add3A_548 = arith.addf %bitcast_convert_type3A_531, %bitcast_convert_type3A_535 : vector<16xf32>
        %add3A_549 = arith.addf %bitcast_convert_type3A_539, %bitcast_convert_type3A_543 : vector<16xf32>
        %add3A_550 = arith.addf %add3A_548, %add3A_549 : vector<16xf32>
        %add3A_551 = arith.addf %scan3A_387, %add3A_550 : vector<16xf32>
        %add3A_552 = arith.addf %bitcast_convert_type3A_544, %bitcast_convert_type3A_545 : vector<16xf32>
        %add3A_553 = arith.addf %bitcast_convert_type3A_546, %bitcast_convert_type3A_547 : vector<16xf32>
        %add3A_554 = arith.addf %add3A_552, %add3A_553 : vector<16xf32>
        %add3A_555 = arith.addf %scan3A_395, %add3A_554 : vector<16xf32>
        %add3A_556 = arith.constant 0 : i32
        %add3A_557 = arith.addi %mul3A_402, %add3A_556 : i32
        %get3A_558 = arith.index_cast %add3A_557 : i32 to index
        %get3A_559 = arith.constant 48 : index
        %get3A_560 = tpu.vector_load %arg13[%get3A_558, %get3A_559] {strides = array<i32>} : memref<32x128xi32, #tpu.memory_space<vmem>>, vector<1x16xi32>,
        %get3A_561 = vector.shape_cast %get3A_560 : vector<1x16xi32> to vector<16xi32>
        %add3A_562 = arith.constant 1 : i32
        %add3A_563 = arith.addi %mul3A_402, %add3A_562 : i32
        %get3A_564 = arith.index_cast %add3A_563 : i32 to index
        %get3A_565 = arith.constant 48 : index
        %get3A_566 = tpu.vector_load %arg13[%get3A_564, %get3A_565] {strides = array<i32>} : memref<32x128xi32, #tpu.memory_space<vmem>>, vector<1x16xi32>,
        %get3A_567 = vector.shape_cast %get3A_566 : vector<1x16xi32> to vector<16xi32>
        %add3A_568 = arith.constant 2 : i32
        %add3A_569 = arith.addi %mul3A_402, %add3A_568 : i32
        %get3A_570 = arith.index_cast %add3A_569 : i32 to index
        %get3A_571 = arith.constant 48 : index
        %get3A_572 = tpu.vector_load %arg13[%get3A_570, %get3A_571] {strides = array<i32>} : memref<32x128xi32, #tpu.memory_space<vmem>>, vector<1x16xi32>,
        %get3A_573 = vector.shape_cast %get3A_572 : vector<1x16xi32> to vector<16xi32>
        %add3A_574 = arith.constant 3 : i32
        %add3A_575 = arith.addi %mul3A_402, %add3A_574 : i32
        %get3A_576 = arith.index_cast %add3A_575 : i32 to index
        %get3A_577 = arith.constant 48 : index
        %get3A_578 = tpu.vector_load %arg13[%get3A_576, %get3A_577] {strides = array<i32>} : memref<32x128xi32, #tpu.memory_space<vmem>>, vector<1x16xi32>,
        %get3A_579 = vector.shape_cast %get3A_578 : vector<1x16xi32> to vector<16xi32>
        %shift_left3A_580 = arith.constant 16 : i32
        %shift_left3A_581 = vector.broadcast %shift_left3A_580 : i32 to vector<16xi32>
        %shift_left3A_582 = arith.shli %get3A_561, %shift_left3A_581 : vector<16xi32>
        %bitcast_convert_type3A_583 = tpu.bitcast %shift_left3A_582 : vector<16xi32> -> vector<16xf32>
        %shift_left3A_584 = arith.constant 16 : i32
        %shift_left3A_585 = vector.broadcast %shift_left3A_584 : i32 to vector<16xi32>
        %shift_left3A_586 = arith.shli %get3A_567, %shift_left3A_585 : vector<16xi32>
        %bitcast_convert_type3A_587 = tpu.bitcast %shift_left3A_586 : vector<16xi32> -> vector<16xf32>
        %shift_left3A_588 = arith.constant 16 : i32
        %shift_left3A_589 = vector.broadcast %shift_left3A_588 : i32 to vector<16xi32>
        %shift_left3A_590 = arith.shli %get3A_573, %shift_left3A_589 : vector<16xi32>
        %bitcast_convert_type3A_591 = tpu.bitcast %shift_left3A_590 : vector<16xi32> -> vector<16xf32>
        %shift_left3A_592 = arith.constant 16 : i32
        %shift_left3A_593 = vector.broadcast %shift_left3A_592 : i32 to vector<16xi32>
        %shift_left3A_594 = arith.shli %get3A_579, %shift_left3A_593 : vector<16xi32>
        %bitcast_convert_type3A_595 = tpu.bitcast %shift_left3A_594 : vector<16xi32> -> vector<16xf32>
        %bitcast_convert_type3A_596 = tpu.bitcast %get3A_561 : vector<16xi32> -> vector<16xf32>
        %bitcast_convert_type3A_597 = tpu.bitcast %get3A_567 : vector<16xi32> -> vector<16xf32>
        %bitcast_convert_type3A_598 = tpu.bitcast %get3A_573 : vector<16xi32> -> vector<16xf32>
        %bitcast_convert_type3A_599 = tpu.bitcast %get3A_579 : vector<16xi32> -> vector<16xf32>
        %add3A_600 = arith.addf %bitcast_convert_type3A_583, %bitcast_convert_type3A_587 : vector<16xf32>
        %add3A_601 = arith.addf %bitcast_convert_type3A_591, %bitcast_convert_type3A_595 : vector<16xf32>
        %add3A_602 = arith.addf %add3A_600, %add3A_601 : vector<16xf32>
        %add3A_603 = arith.addf %scan3A_388, %add3A_602 : vector<16xf32>
        %add3A_604 = arith.addf %bitcast_convert_type3A_596, %bitcast_convert_type3A_597 : vector<16xf32>
        %add3A_605 = arith.addf %bitcast_convert_type3A_598, %bitcast_convert_type3A_599 : vector<16xf32>
        %add3A_606 = arith.addf %add3A_604, %add3A_605 : vector<16xf32>
        %add3A_607 = arith.addf %scan3A_396, %add3A_606 : vector<16xf32>
        %add3A_608 = arith.constant 0 : i32
        %add3A_609 = arith.addi %mul3A_402, %add3A_608 : i32
        %get3A_610 = arith.index_cast %add3A_609 : i32 to index
        %get3A_611 = arith.constant 64 : index
        %get3A_612 = tpu.vector_load %arg13[%get3A_610, %get3A_611] {strides = array<i32>} : memref<32x128xi32, #tpu.memory_space<vmem>>, vector<1x16xi32>,
        %get3A_613 = vector.shape_cast %get3A_612 : vector<1x16xi32> to vector<16xi32>
        %add3A_614 = arith.constant 1 : i32
        %add3A_615 = arith.addi %mul3A_402, %add3A_614 : i32
        %get3A_616 = arith.index_cast %add3A_615 : i32 to index
        %get3A_617 = arith.constant 64 : index
        %get3A_618 = tpu.vector_load %arg13[%get3A_616, %get3A_617] {strides = array<i32>} : memref<32x128xi32, #tpu.memory_space<vmem>>, vector<1x16xi32>,
        %get3A_619 = vector.shape_cast %get3A_618 : vector<1x16xi32> to vector<16xi32>
        %add3A_620 = arith.constant 2 : i32
        %add3A_621 = arith.addi %mul3A_402, %add3A_620 : i32
        %get3A_622 = arith.index_cast %add3A_621 : i32 to index
        %get3A_623 = arith.constant 64 : index
        %get3A_624 = tpu.vector_load %arg13[%get3A_622, %get3A_623] {strides = array<i32>} : memref<32x128xi32, #tpu.memory_space<vmem>>, vector<1x16xi32>,
        %get3A_625 = vector.shape_cast %get3A_624 : vector<1x16xi32> to vector<16xi32>
        %add3A_626 = arith.constant 3 : i32
        %add3A_627 = arith.addi %mul3A_402, %add3A_626 : i32
        %get3A_628 = arith.index_cast %add3A_627 : i32 to index
        %get3A_629 = arith.constant 64 : index
        %get3A_630 = tpu.vector_load %arg13[%get3A_628, %get3A_629] {strides = array<i32>} : memref<32x128xi32, #tpu.memory_space<vmem>>, vector<1x16xi32>,
        %get3A_631 = vector.shape_cast %get3A_630 : vector<1x16xi32> to vector<16xi32>
        %shift_left3A_632 = arith.constant 16 : i32
        %shift_left3A_633 = vector.broadcast %shift_left3A_632 : i32 to vector<16xi32>
        %shift_left3A_634 = arith.shli %get3A_613, %shift_left3A_633 : vector<16xi32>
        %bitcast_convert_type3A_635 = tpu.bitcast %shift_left3A_634 : vector<16xi32> -> vector<16xf32>
        %shift_left3A_636 = arith.constant 16 : i32
        %shift_left3A_637 = vector.broadcast %shift_left3A_636 : i32 to vector<16xi32>
        %shift_left3A_638 = arith.shli %get3A_619, %shift_left3A_637 : vector<16xi32>
        %bitcast_convert_type3A_639 = tpu.bitcast %shift_left3A_638 : vector<16xi32> -> vector<16xf32>
        %shift_left3A_640 = arith.constant 16 : i32
        %shift_left3A_641 = vector.broadcast %shift_left3A_640 : i32 to vector<16xi32>
        %shift_left3A_642 = arith.shli %get3A_625, %shift_left3A_641 : vector<16xi32>
        %bitcast_convert_type3A_643 = tpu.bitcast %shift_left3A_642 : vector<16xi32> -> vector<16xf32>
        %shift_left3A_644 = arith.constant 16 : i32
        %shift_left3A_645 = vector.broadcast %shift_left3A_644 : i32 to vector<16xi32>
        %shift_left3A_646 = arith.shli %get3A_631, %shift_left3A_645 : vector<16xi32>
        %bitcast_convert_type3A_647 = tpu.bitcast %shift_left3A_646 : vector<16xi32> -> vector<16xf32>
        %bitcast_convert_type3A_648 = tpu.bitcast %get3A_613 : vector<16xi32> -> vector<16xf32>
        %bitcast_convert_type3A_649 = tpu.bitcast %get3A_619 : vector<16xi32> -> vector<16xf32>
        %bitcast_convert_type3A_650 = tpu.bitcast %get3A_625 : vector<16xi32> -> vector<16xf32>
        %bitcast_convert_type3A_651 = tpu.bitcast %get3A_631 : vector<16xi32> -> vector<16xf32>
        %add3A_652 = arith.addf %bitcast_convert_type3A_635, %bitcast_convert_type3A_639 : vector<16xf32>
        %add3A_653 = arith.addf %bitcast_convert_type3A_643, %bitcast_convert_type3A_647 : vector<16xf32>
        %add3A_654 = arith.addf %add3A_652, %add3A_653 : vector<16xf32>
        %add3A_655 = arith.addf %scan3A_389, %add3A_654 : vector<16xf32>
        %add3A_656 = arith.addf %bitcast_convert_type3A_648, %bitcast_convert_type3A_649 : vector<16xf32>
        %add3A_657 = arith.addf %bitcast_convert_type3A_650, %bitcast_convert_type3A_651 : vector<16xf32>
        %add3A_658 = arith.addf %add3A_656, %add3A_657 : vector<16xf32>
        %add3A_659 = arith.addf %scan3A_397, %add3A_658 : vector<16xf32>
        %add3A_660 = arith.constant 0 : i32
        %add3A_661 = arith.addi %mul3A_402, %add3A_660 : i32
        %get3A_662 = arith.index_cast %add3A_661 : i32 to index
        %get3A_663 = arith.constant 80 : index
        %get3A_664 = tpu.vector_load %arg13[%get3A_662, %get3A_663] {strides = array<i32>} : memref<32x128xi32, #tpu.memory_space<vmem>>, vector<1x16xi32>,
        %get3A_665 = vector.shape_cast %get3A_664 : vector<1x16xi32> to vector<16xi32>
        %add3A_666 = arith.constant 1 : i32
        %add3A_667 = arith.addi %mul3A_402, %add3A_666 : i32
        %get3A_668 = arith.index_cast %add3A_667 : i32 to index
        %get3A_669 = arith.constant 80 : index
        %get3A_670 = tpu.vector_load %arg13[%get3A_668, %get3A_669] {strides = array<i32>} : memref<32x128xi32, #tpu.memory_space<vmem>>, vector<1x16xi32>,
        %get3A_671 = vector.shape_cast %get3A_670 : vector<1x16xi32> to vector<16xi32>
        %add3A_672 = arith.constant 2 : i32
        %add3A_673 = arith.addi %mul3A_402, %add3A_672 : i32
        %get3A_674 = arith.index_cast %add3A_673 : i32 to index
        %get3A_675 = arith.constant 80 : index
        %get3A_676 = tpu.vector_load %arg13[%get3A_674, %get3A_675] {strides = array<i32>} : memref<32x128xi32, #tpu.memory_space<vmem>>, vector<1x16xi32>,
        %get3A_677 = vector.shape_cast %get3A_676 : vector<1x16xi32> to vector<16xi32>
        %add3A_678 = arith.constant 3 : i32
        %add3A_679 = arith.addi %mul3A_402, %add3A_678 : i32
        %get3A_680 = arith.index_cast %add3A_679 : i32 to index
        %get3A_681 = arith.constant 80 : index
        %get3A_682 = tpu.vector_load %arg13[%get3A_680, %get3A_681] {strides = array<i32>} : memref<32x128xi32, #tpu.memory_space<vmem>>, vector<1x16xi32>,
        %get3A_683 = vector.shape_cast %get3A_682 : vector<1x16xi32> to vector<16xi32>
        %shift_left3A_684 = arith.constant 16 : i32
        %shift_left3A_685 = vector.broadcast %shift_left3A_684 : i32 to vector<16xi32>
        %shift_left3A_686 = arith.shli %get3A_665, %shift_left3A_685 : vector<16xi32>
        %bitcast_convert_type3A_687 = tpu.bitcast %shift_left3A_686 : vector<16xi32> -> vector<16xf32>
        %shift_left3A_688 = arith.constant 16 : i32
        %shift_left3A_689 = vector.broadcast %shift_left3A_688 : i32 to vector<16xi32>
        %shift_left3A_690 = arith.shli %get3A_671, %shift_left3A_689 : vector<16xi32>
        %bitcast_convert_type3A_691 = tpu.bitcast %shift_left3A_690 : vector<16xi32> -> vector<16xf32>
        %shift_left3A_692 = arith.constant 16 : i32
        %shift_left3A_693 = vector.broadcast %shift_left3A_692 : i32 to vector<16xi32>
        %shift_left3A_694 = arith.shli %get3A_677, %shift_left3A_693 : vector<16xi32>
        %bitcast_convert_type3A_695 = tpu.bitcast %shift_left3A_694 : vector<16xi32> -> vector<16xf32>
        %shift_left3A_696 = arith.constant 16 : i32
        %shift_left3A_697 = vector.broadcast %shift_left3A_696 : i32 to vector<16xi32>
        %shift_left3A_698 = arith.shli %get3A_683, %shift_left3A_697 : vector<16xi32>
        %bitcast_convert_type3A_699 = tpu.bitcast %shift_left3A_698 : vector<16xi32> -> vector<16xf32>
        %bitcast_convert_type3A_700 = tpu.bitcast %get3A_665 : vector<16xi32> -> vector<16xf32>
        %bitcast_convert_type3A_701 = tpu.bitcast %get3A_671 : vector<16xi32> -> vector<16xf32>
        %bitcast_convert_type3A_702 = tpu.bitcast %get3A_677 : vector<16xi32> -> vector<16xf32>
        %bitcast_convert_type3A_703 = tpu.bitcast %get3A_683 : vector<16xi32> -> vector<16xf32>
        %add3A_704 = arith.addf %bitcast_convert_type3A_687, %bitcast_convert_type3A_691 : vector<16xf32>
        %add3A_705 = arith.addf %bitcast_convert_type3A_695, %bitcast_convert_type3A_699 : vector<16xf32>
        %add3A_706 = arith.addf %add3A_704, %add3A_705 : vector<16xf32>
        %add3A_707 = arith.addf %scan3A_390, %add3A_706 : vector<16xf32>
        %add3A_708 = arith.addf %bitcast_convert_type3A_700, %bitcast_convert_type3A_701 : vector<16xf32>
        %add3A_709 = arith.addf %bitcast_convert_type3A_702, %bitcast_convert_type3A_703 : vector<16xf32>
        %add3A_710 = arith.addf %add3A_708, %add3A_709 : vector<16xf32>
        %add3A_711 = arith.addf %scan3A_398, %add3A_710 : vector<16xf32>
        %add3A_712 = arith.constant 0 : i32
        %add3A_713 = arith.addi %mul3A_402, %add3A_712 : i32
        %get3A_714 = arith.index_cast %add3A_713 : i32 to index
        %get3A_715 = arith.constant 96 : index
        %get3A_716 = tpu.vector_load %arg13[%get3A_714, %get3A_715] {strides = array<i32>} : memref<32x128xi32, #tpu.memory_space<vmem>>, vector<1x16xi32>,
        %get3A_717 = vector.shape_cast %get3A_716 : vector<1x16xi32> to vector<16xi32>
        %add3A_718 = arith.constant 1 : i32
        %add3A_719 = arith.addi %mul3A_402, %add3A_718 : i32
        %get3A_720 = arith.index_cast %add3A_719 : i32 to index
        %get3A_721 = arith.constant 96 : index
        %get3A_722 = tpu.vector_load %arg13[%get3A_720, %get3A_721] {strides = array<i32>} : memref<32x128xi32, #tpu.memory_space<vmem>>, vector<1x16xi32>,
        %get3A_723 = vector.shape_cast %get3A_722 : vector<1x16xi32> to vector<16xi32>
        %add3A_724 = arith.constant 2 : i32
        %add3A_725 = arith.addi %mul3A_402, %add3A_724 : i32
        %get3A_726 = arith.index_cast %add3A_725 : i32 to index
        %get3A_727 = arith.constant 96 : index
        %get3A_728 = tpu.vector_load %arg13[%get3A_726, %get3A_727] {strides = array<i32>} : memref<32x128xi32, #tpu.memory_space<vmem>>, vector<1x16xi32>,
        %get3A_729 = vector.shape_cast %get3A_728 : vector<1x16xi32> to vector<16xi32>
        %add3A_730 = arith.constant 3 : i32
        %add3A_731 = arith.addi %mul3A_402, %add3A_730 : i32
        %get3A_732 = arith.index_cast %add3A_731 : i32 to index
        %get3A_733 = arith.constant 96 : index
        %get3A_734 = tpu.vector_load %arg13[%get3A_732, %get3A_733] {strides = array<i32>} : memref<32x128xi32, #tpu.memory_space<vmem>>, vector<1x16xi32>,
        %get3A_735 = vector.shape_cast %get3A_734 : vector<1x16xi32> to vector<16xi32>
        %shift_left3A_736 = arith.constant 16 : i32
        %shift_left3A_737 = vector.broadcast %shift_left3A_736 : i32 to vector<16xi32>
        %shift_left3A_738 = arith.shli %get3A_717, %shift_left3A_737 : vector<16xi32>
        %bitcast_convert_type3A_739 = tpu.bitcast %shift_left3A_738 : vector<16xi32> -> vector<16xf32>
        %shift_left3A_740 = arith.constant 16 : i32
        %shift_left3A_741 = vector.broadcast %shift_left3A_740 : i32 to vector<16xi32>
        %shift_left3A_742 = arith.shli %get3A_723, %shift_left3A_741 : vector<16xi32>
        %bitcast_convert_type3A_743 = tpu.bitcast %shift_left3A_742 : vector<16xi32> -> vector<16xf32>
        %shift_left3A_744 = arith.constant 16 : i32
        %shift_left3A_745 = vector.broadcast %shift_left3A_744 : i32 to vector<16xi32>
        %shift_left3A_746 = arith.shli %get3A_729, %shift_left3A_745 : vector<16xi32>
        %bitcast_convert_type3A_747 = tpu.bitcast %shift_left3A_746 : vector<16xi32> -> vector<16xf32>
        %shift_left3A_748 = arith.constant 16 : i32
        %shift_left3A_749 = vector.broadcast %shift_left3A_748 : i32 to vector<16xi32>
        %shift_left3A_750 = arith.shli %get3A_735, %shift_left3A_749 : vector<16xi32>
        %bitcast_convert_type3A_751 = tpu.bitcast %shift_left3A_750 : vector<16xi32> -> vector<16xf32>
        %bitcast_convert_type3A_752 = tpu.bitcast %get3A_717 : vector<16xi32> -> vector<16xf32>
        %bitcast_convert_type3A_753 = tpu.bitcast %get3A_723 : vector<16xi32> -> vector<16xf32>
        %bitcast_convert_type3A_754 = tpu.bitcast %get3A_729 : vector<16xi32> -> vector<16xf32>
        %bitcast_convert_type3A_755 = tpu.bitcast %get3A_735 : vector<16xi32> -> vector<16xf32>
        %add3A_756 = arith.addf %bitcast_convert_type3A_739, %bitcast_convert_type3A_743 : vector<16xf32>
        %add3A_757 = arith.addf %bitcast_convert_type3A_747, %bitcast_convert_type3A_751 : vector<16xf32>
        %add3A_758 = arith.addf %add3A_756, %add3A_757 : vector<16xf32>
        %add3A_759 = arith.addf %scan3A_391, %add3A_758 : vector<16xf32>
        %add3A_760 = arith.addf %bitcast_convert_type3A_752, %bitcast_convert_type3A_753 : vector<16xf32>
        %add3A_761 = arith.addf %bitcast_convert_type3A_754, %bitcast_convert_type3A_755 : vector<16xf32>
        %add3A_762 = arith.addf %add3A_760, %add3A_761 : vector<16xf32>
        %add3A_763 = arith.addf %scan3A_399, %add3A_762 : vector<16xf32>
        %add3A_764 = arith.constant 0 : i32
        %add3A_765 = arith.addi %mul3A_402, %add3A_764 : i32
        %get3A_766 = arith.index_cast %add3A_765 : i32 to index
        %get3A_767 = arith.constant 112 : index
        %get3A_768 = tpu.vector_load %arg13[%get3A_766, %get3A_767] {strides = array<i32>} : memref<32x128xi32, #tpu.memory_space<vmem>>, vector<1x16xi32>,
        %get3A_769 = vector.shape_cast %get3A_768 : vector<1x16xi32> to vector<16xi32>
        %add3A_770 = arith.constant 1 : i32
        %add3A_771 = arith.addi %mul3A_402, %add3A_770 : i32
        %get3A_772 = arith.index_cast %add3A_771 : i32 to index
        %get3A_773 = arith.constant 112 : index
        %get3A_774 = tpu.vector_load %arg13[%get3A_772, %get3A_773] {strides = array<i32>} : memref<32x128xi32, #tpu.memory_space<vmem>>, vector<1x16xi32>,
        %get3A_775 = vector.shape_cast %get3A_774 : vector<1x16xi32> to vector<16xi32>
        %add3A_776 = arith.constant 2 : i32
        %add3A_777 = arith.addi %mul3A_402, %add3A_776 : i32
        %get3A_778 = arith.index_cast %add3A_777 : i32 to index
        %get3A_779 = arith.constant 112 : index
        %get3A_780 = tpu.vector_load %arg13[%get3A_778, %get3A_779] {strides = array<i32>} : memref<32x128xi32, #tpu.memory_space<vmem>>, vector<1x16xi32>,
        %get3A_781 = vector.shape_cast %get3A_780 : vector<1x16xi32> to vector<16xi32>
        %add3A_782 = arith.constant 3 : i32
        %add3A_783 = arith.addi %mul3A_402, %add3A_782 : i32
        %get3A_784 = arith.index_cast %add3A_783 : i32 to index
        %get3A_785 = arith.constant 112 : index
        %get3A_786 = tpu.vector_load %arg13[%get3A_784, %get3A_785] {strides = array<i32>} : memref<32x128xi32, #tpu.memory_space<vmem>>, vector<1x16xi32>,
        %get3A_787 = vector.shape_cast %get3A_786 : vector<1x16xi32> to vector<16xi32>
        %shift_left3A_788 = arith.constant 16 : i32
        %shift_left3A_789 = vector.broadcast %shift_left3A_788 : i32 to vector<16xi32>
        %shift_left3A_790 = arith.shli %get3A_769, %shift_left3A_789 : vector<16xi32>
        %bitcast_convert_type3A_791 = tpu.bitcast %shift_left3A_790 : vector<16xi32> -> vector<16xf32>
        %shift_left3A_792 = arith.constant 16 : i32
        %shift_left3A_793 = vector.broadcast %shift_left3A_792 : i32 to vector<16xi32>
        %shift_left3A_794 = arith.shli %get3A_775, %shift_left3A_793 : vector<16xi32>
        %bitcast_convert_type3A_795 = tpu.bitcast %shift_left3A_794 : vector<16xi32> -> vector<16xf32>
        %shift_left3A_796 = arith.constant 16 : i32
        %shift_left3A_797 = vector.broadcast %shift_left3A_796 : i32 to vector<16xi32>
        %shift_left3A_798 = arith.shli %get3A_781, %shift_left3A_797 : vector<16xi32>
        %bitcast_convert_type3A_799 = tpu.bitcast %shift_left3A_798 : vector<16xi32> -> vector<16xf32>
        %shift_left3A_800 = arith.constant 16 : i32
        %shift_left3A_801 = vector.broadcast %shift_left3A_800 : i32 to vector<16xi32>
        %shift_left3A_802 = arith.shli %get3A_787, %shift_left3A_801 : vector<16xi32>
        %bitcast_convert_type3A_803 = tpu.bitcast %shift_left3A_802 : vector<16xi32> -> vector<16xf32>
        %bitcast_convert_type3A_804 = tpu.bitcast %get3A_769 : vector<16xi32> -> vector<16xf32>
        %bitcast_convert_type3A_805 = tpu.bitcast %get3A_775 : vector<16xi32> -> vector<16xf32>
        %bitcast_convert_type3A_806 = tpu.bitcast %get3A_781 : vector<16xi32> -> vector<16xf32>
        %bitcast_convert_type3A_807 = tpu.bitcast %get3A_787 : vector<16xi32> -> vector<16xf32>
        %add3A_808 = arith.addf %bitcast_convert_type3A_791, %bitcast_convert_type3A_795 : vector<16xf32>
        %add3A_809 = arith.addf %bitcast_convert_type3A_799, %bitcast_convert_type3A_803 : vector<16xf32>
        %add3A_810 = arith.addf %add3A_808, %add3A_809 : vector<16xf32>
        %add3A_811 = arith.addf %scan3A_392, %add3A_810 : vector<16xf32>
        %add3A_812 = arith.addf %bitcast_convert_type3A_804, %bitcast_convert_type3A_805 : vector<16xf32>
        %add3A_813 = arith.addf %bitcast_convert_type3A_806, %bitcast_convert_type3A_807 : vector<16xf32>
        %add3A_814 = arith.addf %add3A_812, %add3A_813 : vector<16xf32>
        %add3A_815 = arith.addf %scan3A_400, %add3A_814 : vector<16xf32>
        scf.yield %add3A_447, %add3A_499, %add3A_551, %add3A_603, %add3A_655, %add3A_707, %add3A_759, %add3A_811, %add3A_451, %add3A_503, %add3A_555, %add3A_607, %add3A_659, %add3A_711, %add3A_763, %add3A_815 : vector<16xf32>, vector<16xf32>, vector<16xf32>, vector<16xf32>, vector<16xf32>, vector<16xf32>, vector<16xf32>, vector<16xf32>, vector<16xf32>, vector<16xf32>, vector<16xf32>, vector<16xf32>, vector<16xf32>, vector<16xf32>, vector<16xf32>, vector<16xf32>
      }
      %scan3A_298 = arith.constant 8 : i32
      %convert_element_type3A_299 = arith.extui %lt3A_97 : i1 to i32
      %cond3A_300 = arith.constant 0 : i32
      %cond3A_301 = arith.cmpi ne, %convert_element_type3A_299, %cond3A_300 : i32
      scf.if %cond3A_301 {
        %add3A_384 = arith.constant 3 : i32
        %add3A_385 = arith.addi %mul3A_96, %add3A_384 : i32
        %dma_start3A_386 = arith.constant 96 : i32
        %dma_start3A_387 = tpu.memref_slice %arg5[%add3A_385, %dma_start3A_386] : memref<128x128xi32, #tpu.memory_space<vmem>> -> memref<1x32xi32, #tpu.memory_space<vmem>>
        %dma_start3A_388 = tpu.memref_squeeze %dma_start3A_387 : memref<1x32xi32, #tpu.memory_space<vmem>> -> memref<32xi32, #tpu.memory_space<vmem>>
        %dma_start3A_389 = arith.constant 0 : i32
        %dma_start3A_390 = arith.constant 0 : i32
        %dma_start3A_391 = tpu.memref_slice %arg3[%dma_start3A_389, %dma_start3A_390] : memref<100000x128xi32, #tpu.memory_space<hbm>> -> memref<100000x128xi32, #tpu.memory_space<hbm>>
        tpu.enqueue_indirect_dma source(%dma_start3A_391 : memref<100000x128xi32, #tpu.memory_space<hbm>>) target(%arg13 : memref<32x128xi32, #tpu.memory_space<vmem>>) offsets(%dma_start3A_388 : memref<32xi32, #tpu.memory_space<vmem>>) semaphore(%arg22 : memref<!tpu.dma_semaphore, #tpu.memory_space<semaphore_mem>>)
      } else {
      }
      %add3A_302 = arith.constant 1 : i32
      %add3A_303 = arith.addi %mul3A_96, %add3A_302 : i32
      %swap3A_304 = arith.index_cast %add3A_303 : i32 to index
      %swap3A_305 = arith.constant 0 : index
      %swap3A_306 = tpu.vector_load %arg14[%swap3A_304, %swap3A_305] {strides = array<i32>} : memref<128x256xf32, #tpu.memory_space<vmem>>, vector<1x16xf32>,
      %swap3A_307 = vector.shape_cast %swap3A_306 : vector<1x16xf32> to vector<16xf32>
      %swap3A_308 = vector.shape_cast %scan3A_297#0 : vector<16xf32> to vector<1x16xf32>
      tpu.vector_store %arg14[%swap3A_304, %swap3A_305], %swap3A_308 {strides = array<i32>} : memref<128x256xf32, #tpu.memory_space<vmem>>, vector<1x16xf32>,
      %swap3A_309 = arith.index_cast %add3A_303 : i32 to index
      %swap3A_310 = arith.constant 16 : index
      %swap3A_311 = tpu.vector_load %arg14[%swap3A_309, %swap3A_310] {strides = array<i32>} : memref<128x256xf32, #tpu.memory_space<vmem>>, vector<1x16xf32>,
      %swap3A_312 = vector.shape_cast %swap3A_311 : vector<1x16xf32> to vector<16xf32>
      %swap3A_313 = vector.shape_cast %scan3A_297#1 : vector<16xf32> to vector<1x16xf32>
      tpu.vector_store %arg14[%swap3A_309, %swap3A_310], %swap3A_313 {strides = array<i32>} : memref<128x256xf32, #tpu.memory_space<vmem>>, vector<1x16xf32>,
      %swap3A_314 = arith.index_cast %add3A_303 : i32 to index
      %swap3A_315 = arith.constant 32 : index
      %swap3A_316 = tpu.vector_load %arg14[%swap3A_314, %swap3A_315] {strides = array<i32>} : memref<128x256xf32, #tpu.memory_space<vmem>>, vector<1x16xf32>,
      %swap3A_317 = vector.shape_cast %swap3A_316 : vector<1x16xf32> to vector<16xf32>
      %swap3A_318 = vector.shape_cast %scan3A_297#2 : vector<16xf32> to vector<1x16xf32>
      tpu.vector_store %arg14[%swap3A_314, %swap3A_315], %swap3A_318 {strides = array<i32>} : memref<128x256xf32, #tpu.memory_space<vmem>>, vector<1x16xf32>,
      %swap3A_319 = arith.index_cast %add3A_303 : i32 to index
      %swap3A_320 = arith.constant 48 : index
      %swap3A_321 = tpu.vector_load %arg14[%swap3A_319, %swap3A_320] {strides = array<i32>} : memref<128x256xf32, #tpu.memory_space<vmem>>, vector<1x16xf32>,
      %swap3A_322 = vector.shape_cast %swap3A_321 : vector<1x16xf32> to vector<16xf32>
      %swap3A_323 = vector.shape_cast %scan3A_297#3 : vector<16xf32> to vector<1x16xf32>
      tpu.vector_store %arg14[%swap3A_319, %swap3A_320], %swap3A_323 {strides = array<i32>} : memref<128x256xf32, #tpu.memory_space<vmem>>, vector<1x16xf32>,
      %swap3A_324 = arith.index_cast %add3A_303 : i32 to index
      %swap3A_325 = arith.constant 64 : index
      %swap3A_326 = tpu.vector_load %arg14[%swap3A_324, %swap3A_325] {strides = array<i32>} : memref<128x256xf32, #tpu.memory_space<vmem>>, vector<1x16xf32>,
      %swap3A_327 = vector.shape_cast %swap3A_326 : vector<1x16xf32> to vector<16xf32>
      %swap3A_328 = vector.shape_cast %scan3A_297#4 : vector<16xf32> to vector<1x16xf32>
      tpu.vector_store %arg14[%swap3A_324, %swap3A_325], %swap3A_328 {strides = array<i32>} : memref<128x256xf32, #tpu.memory_space<vmem>>, vector<1x16xf32>,
      %swap3A_329 = arith.index_cast %add3A_303 : i32 to index
      %swap3A_330 = arith.constant 80 : index
      %swap3A_331 = tpu.vector_load %arg14[%swap3A_329, %swap3A_330] {strides = array<i32>} : memref<128x256xf32, #tpu.memory_space<vmem>>, vector<1x16xf32>,
      %swap3A_332 = vector.shape_cast %swap3A_331 : vector<1x16xf32> to vector<16xf32>
      %swap3A_333 = vector.shape_cast %scan3A_297#5 : vector<16xf32> to vector<1x16xf32>
      tpu.vector_store %arg14[%swap3A_329, %swap3A_330], %swap3A_333 {strides = array<i32>} : memref<128x256xf32, #tpu.memory_space<vmem>>, vector<1x16xf32>,
      %swap3A_334 = arith.index_cast %add3A_303 : i32 to index
      %swap3A_335 = arith.constant 96 : index
      %swap3A_336 = tpu.vector_load %arg14[%swap3A_334, %swap3A_335] {strides = array<i32>} : memref<128x256xf32, #tpu.memory_space<vmem>>, vector<1x16xf32>,
      %swap3A_337 = vector.shape_cast %swap3A_336 : vector<1x16xf32> to vector<16xf32>
      %swap3A_338 = vector.shape_cast %scan3A_297#6 : vector<16xf32> to vector<1x16xf32>
      tpu.vector_store %arg14[%swap3A_334, %swap3A_335], %swap3A_338 {strides = array<i32>} : memref<128x256xf32, #tpu.memory_space<vmem>>, vector<1x16xf32>,
      %swap3A_339 = arith.index_cast %add3A_303 : i32 to index
      %swap3A_340 = arith.constant 112 : index
      %swap3A_341 = tpu.vector_load %arg14[%swap3A_339, %swap3A_340] {strides = array<i32>} : memref<128x256xf32, #tpu.memory_space<vmem>>, vector<1x16xf32>,
      %swap3A_342 = vector.shape_cast %swap3A_341 : vector<1x16xf32> to vector<16xf32>
      %swap3A_343 = vector.shape_cast %scan3A_297#7 : vector<16xf32> to vector<1x16xf32>
      tpu.vector_store %arg14[%swap3A_339, %swap3A_340], %swap3A_343 {strides = array<i32>} : memref<128x256xf32, #tpu.memory_space<vmem>>, vector<1x16xf32>,
      %swap3A_344 = arith.index_cast %add3A_303 : i32 to index
      %swap3A_345 = arith.constant 128 : index
      %swap3A_346 = tpu.vector_load %arg14[%swap3A_344, %swap3A_345] {strides = array<i32>} : memref<128x256xf32, #tpu.memory_space<vmem>>, vector<1x16xf32>,
      %swap3A_347 = vector.shape_cast %swap3A_346 : vector<1x16xf32> to vector<16xf32>
      %swap3A_348 = vector.shape_cast %scan3A_297#8 : vector<16xf32> to vector<1x16xf32>
      tpu.vector_store %arg14[%swap3A_344, %swap3A_345], %swap3A_348 {strides = array<i32>} : memref<128x256xf32, #tpu.memory_space<vmem>>, vector<1x16xf32>,
      %swap3A_349 = arith.index_cast %add3A_303 : i32 to index
      %swap3A_350 = arith.constant 144 : index
      %swap3A_351 = tpu.vector_load %arg14[%swap3A_349, %swap3A_350] {strides = array<i32>} : memref<128x256xf32, #tpu.memory_space<vmem>>, vector<1x16xf32>,
      %swap3A_352 = vector.shape_cast %swap3A_351 : vector<1x16xf32> to vector<16xf32>
      %swap3A_353 = vector.shape_cast %scan3A_297#9 : vector<16xf32> to vector<1x16xf32>
      tpu.vector_store %arg14[%swap3A_349, %swap3A_350], %swap3A_353 {strides = array<i32>} : memref<128x256xf32, #tpu.memory_space<vmem>>, vector<1x16xf32>,
      %swap3A_354 = arith.index_cast %add3A_303 : i32 to index
      %swap3A_355 = arith.constant 160 : index
      %swap3A_356 = tpu.vector_load %arg14[%swap3A_354, %swap3A_355] {strides = array<i32>} : memref<128x256xf32, #tpu.memory_space<vmem>>, vector<1x16xf32>,
      %swap3A_357 = vector.shape_cast %swap3A_356 : vector<1x16xf32> to vector<16xf32>
      %swap3A_358 = vector.shape_cast %scan3A_297#10 : vector<16xf32> to vector<1x16xf32>
      tpu.vector_store %arg14[%swap3A_354, %swap3A_355], %swap3A_358 {strides = array<i32>} : memref<128x256xf32, #tpu.memory_space<vmem>>, vector<1x16xf32>,
      %swap3A_359 = arith.index_cast %add3A_303 : i32 to index
      %swap3A_360 = arith.constant 176 : index
      %swap3A_361 = tpu.vector_load %arg14[%swap3A_359, %swap3A_360] {strides = array<i32>} : memref<128x256xf32, #tpu.memory_space<vmem>>, vector<1x16xf32>,
      %swap3A_362 = vector.shape_cast %swap3A_361 : vector<1x16xf32> to vector<16xf32>
      %swap3A_363 = vector.shape_cast %scan3A_297#11 : vector<16xf32> to vector<1x16xf32>
      tpu.vector_store %arg14[%swap3A_359, %swap3A_360], %swap3A_363 {strides = array<i32>} : memref<128x256xf32, #tpu.memory_space<vmem>>, vector<1x16xf32>,
      %swap3A_364 = arith.index_cast %add3A_303 : i32 to index
      %swap3A_365 = arith.constant 192 : index
      %swap3A_366 = tpu.vector_load %arg14[%swap3A_364, %swap3A_365] {strides = array<i32>} : memref<128x256xf32, #tpu.memory_space<vmem>>, vector<1x16xf32>,
      %swap3A_367 = vector.shape_cast %swap3A_366 : vector<1x16xf32> to vector<16xf32>
      %swap3A_368 = vector.shape_cast %scan3A_297#12 : vector<16xf32> to vector<1x16xf32>
      tpu.vector_store %arg14[%swap3A_364, %swap3A_365], %swap3A_368 {strides = array<i32>} : memref<128x256xf32, #tpu.memory_space<vmem>>, vector<1x16xf32>,
      %swap3A_369 = arith.index_cast %add3A_303 : i32 to index
      %swap3A_370 = arith.constant 208 : index
      %swap3A_371 = tpu.vector_load %arg14[%swap3A_369, %swap3A_370] {strides = array<i32>} : memref<128x256xf32, #tpu.memory_space<vmem>>, vector<1x16xf32>,
      %swap3A_372 = vector.shape_cast %swap3A_371 : vector<1x16xf32> to vector<16xf32>
      %swap3A_373 = vector.shape_cast %scan3A_297#13 : vector<16xf32> to vector<1x16xf32>
      tpu.vector_store %arg14[%swap3A_369, %swap3A_370], %swap3A_373 {strides = array<i32>} : memref<128x256xf32, #tpu.memory_space<vmem>>, vector<1x16xf32>,
      %swap3A_374 = arith.index_cast %add3A_303 : i32 to index
      %swap3A_375 = arith.constant 224 : index
      %swap3A_376 = tpu.vector_load %arg14[%swap3A_374, %swap3A_375] {strides = array<i32>} : memref<128x256xf32, #tpu.memory_space<vmem>>, vector<1x16xf32>,
      %swap3A_377 = vector.shape_cast %swap3A_376 : vector<1x16xf32> to vector<16xf32>
      %swap3A_378 = vector.shape_cast %scan3A_297#14 : vector<16xf32> to vector<1x16xf32>
      tpu.vector_store %arg14[%swap3A_374, %swap3A_375], %swap3A_378 {strides = array<i32>} : memref<128x256xf32, #tpu.memory_space<vmem>>, vector<1x16xf32>,
      %swap3A_379 = arith.index_cast %add3A_303 : i32 to index
      %swap3A_380 = arith.constant 240 : index
      %swap3A_381 = tpu.vector_load %arg14[%swap3A_379, %swap3A_380] {strides = array<i32>} : memref<128x256xf32, #tpu.memory_space<vmem>>, vector<1x16xf32>,
      %swap3A_382 = vector.shape_cast %swap3A_381 : vector<1x16xf32> to vector<16xf32>
      %swap3A_383 = vector.shape_cast %scan3A_297#15 : vector<16xf32> to vector<1x16xf32>
      tpu.vector_store %arg14[%swap3A_379, %swap3A_380], %swap3A_383 {strides = array<i32>} : memref<128x256xf32, #tpu.memory_space<vmem>>, vector<1x16xf32>,
    }
    %scan3A_93 = arith.constant 64 : i32
    "tpu.region"() ({
      %run_scoped3A = tpu.sem_alloc : memref<!tpu.dma_semaphore, #tpu.memory_space<semaphore_mem>>
      %dma_start3A_94 = arith.constant 0 : i32
      %dma_start3A_95 = tpu.memref_slice %arg4[%mul3A_2, %dma_start3A_94] : memref<4096x256xf32, #tpu.memory_space<hbm>> -> memref<128x256xf32, #tpu.memory_space<hbm>>
      %dma_start3A_96 = arith.constant 0 : i32
      %dma_start3A_97 = tpu.memref_slice %arg4[%mul3A_2, %dma_start3A_96] : memref<4096x256xf32, #tpu.memory_space<hbm>> -> memref<128x256xf32, #tpu.memory_space<hbm>>
      tpu.enqueue_dma source(%arg14 : memref<128x256xf32, #tpu.memory_space<vmem>>) target(%dma_start3A_97 : memref<128x256xf32, #tpu.memory_space<hbm>>) target_semaphore(%run_scoped3A : memref<!tpu.dma_semaphore, #tpu.memory_space<semaphore_mem>>)
      %dma_wait3A = arith.constant 0 : i32
      %dma_wait3A_98 = tpu.memref_slice %arg4[%mul3A_2, %dma_wait3A] : memref<4096x256xf32, #tpu.memory_space<hbm>> -> memref<128x256xf32, #tpu.memory_space<hbm>>
      %dma_wait3A_99 = arith.constant 0 : i32
      %dma_wait3A_100 = tpu.memref_slice %arg4[%mul3A_2, %dma_wait3A_99] : memref<4096x256xf32, #tpu.memory_space<hbm>> -> memref<128x256xf32, #tpu.memory_space<hbm>>
      tpu.wait_dma2 semaphore(%run_scoped3A : memref<!tpu.dma_semaphore, #tpu.memory_space<semaphore_mem>>) src(%arg14 : memref<128x256xf32, #tpu.memory_space<vmem>>) dst(%dma_wait3A_100 : memref<128x256xf32, #tpu.memory_space<hbm>>)
      tpu.yield
    }) : () -> ()
    return
  }
}

module attributes {stable_mosaic.version = 14 : i64} {
  func.func @mlp_kernel(%arg0: i32, %arg1: memref<4096x256xf32, #tpu.memory_space<vmem>>, %arg2: memref<128x256xf32, #tpu.memory_space<vmem>>, %arg3: memref<256x256xf32, #tpu.memory_space<vmem>>, %arg4: memref<1x256xf32, #tpu.memory_space<vmem>>, %arg5: memref<256x256xf32, #tpu.memory_space<vmem>>, %arg6: memref<1x256xf32, #tpu.memory_space<vmem>>, %arg7: memref<4096x256xf32, #tpu.memory_space<vmem>>) attributes {dimension_semantics = [#tpu.dimension_semantics<arbitrary>], iteration_bounds = array<i64: 1>, scalar_prefetch = 0 : i64, scratch_operands = 0 : i64, tpu.core_type = #tpu.core_type<tc>, window_params = [{transform_indices = @transform_0, window_bounds = array<i64: 4096, 256>}, {pipeline_mode = #tpu.pipeline_mode<synchronous>, transform_indices = @transform_1, window_bounds = array<i64: 128, 256>}, {pipeline_mode = #tpu.pipeline_mode<synchronous>, transform_indices = @transform_2, window_bounds = array<i64: 256, 256>}, {pipeline_mode = #tpu.pipeline_mode<synchronous>, transform_indices = @transform_3, window_bounds = array<i64: 1, 256>}, {pipeline_mode = #tpu.pipeline_mode<synchronous>, transform_indices = @transform_4, window_bounds = array<i64: 256, 256>}, {pipeline_mode = #tpu.pipeline_mode<synchronous>, transform_indices = @transform_5, window_bounds = array<i64: 1, 256>}, {transform_indices = @transform_6, window_bounds = array<i64: 4096, 256>}]} {
    %get3A = arith.constant 0 : index
    %get3A_0 = arith.constant 0 : index
    %get3A_1 = vector.load %arg2[%get3A, %get3A_0] : memref<128x256xf32, #tpu.memory_space<vmem>>, vector<128x256xf32>
    %reduce_sum3A = arith.constant dense<0.000000e+00> : vector<256xf32>
    %reduce_sum3A_2 = vector.multi_reduction <add>, %get3A_1, %reduce_sum3A [0] : vector<128x256xf32> to vector<256xf32>
    %broadcast_in_dim3A = vector.shape_cast %reduce_sum3A_2 : vector<256xf32> to vector<1x256xf32>
    %div3A = arith.constant 1.280000e+02 : f32
    %div3A_3 = vector.broadcast %div3A : f32 to vector<1x256xf32>
    %div3A_4 = arith.divf %broadcast_in_dim3A, %div3A_3 : vector<1x256xf32>
    %get3A_5 = arith.constant 0 : index
    %get3A_6 = arith.constant 0 : index
    %get3A_7 = vector.load %arg1[%get3A_5, %get3A_6] : memref<4096x256xf32, #tpu.memory_space<vmem>>, vector<4096x256xf32>
    %mul3A = arith.constant 7.812500e-03 : f32
    %mul3A_8 = vector.broadcast %mul3A : f32 to vector<4096x256xf32>
    %mul3A_9 = arith.mulf %get3A_7, %mul3A_8 : vector<4096x256xf32>
    %add3A = vector.broadcast %div3A_4 : vector<1x256xf32> to vector<4096x256xf32>
    %add3A_10 = arith.addf %mul3A_9, %add3A : vector<4096x256xf32>
    %get3A_11 = arith.constant 0 : index
    %get3A_12 = arith.constant 0 : index
    %get3A_13 = vector.load %arg3[%get3A_11, %get3A_12] : memref<256x256xf32, #tpu.memory_space<vmem>>, vector<256x256xf32>
    %dot_general3A = arith.constant dense<0.000000e+00> : vector<4096x256xf32>
    %dot_general3A_14 = tpu.matmul %add3A_10, %get3A_13, %dot_general3A {dimension_numbers = #tpu.dot_dimension_numbers<[1], [1], [0], [0], [0, 0, 1, 0], [], []>, transpose_lhs_hint = false} : vector<4096x256xf32>, vector<256x256xf32>, vector<4096x256xf32> -> vector<4096x256xf32>
    %get3A_15 = arith.constant 0 : index
    %get3A_16 = arith.constant 0 : index
    %get3A_17 = vector.load %arg4[%get3A_15, %get3A_16] : memref<1x256xf32, #tpu.memory_space<vmem>>, vector<1x256xf32>
    %add3A_18 = vector.broadcast %get3A_17 : vector<1x256xf32> to vector<4096x256xf32>
    %add3A_19 = arith.addf %dot_general3A_14, %add3A_18 : vector<4096x256xf32>
    %max3A = arith.constant 0.000000e+00 : f32
    %max3A_20 = vector.broadcast %max3A : f32 to vector<4096x256xf32>
    %max3A_21 = arith.maximumf %add3A_19, %max3A_20 : vector<4096x256xf32>
    %get3A_22 = arith.constant 0 : index
    %get3A_23 = arith.constant 0 : index
    %get3A_24 = vector.load %arg5[%get3A_22, %get3A_23] : memref<256x256xf32, #tpu.memory_space<vmem>>, vector<256x256xf32>
    %dot_general3A_25 = arith.constant dense<0.000000e+00> : vector<4096x256xf32>
    %dot_general3A_26 = tpu.matmul %max3A_21, %get3A_24, %dot_general3A_25 {dimension_numbers = #tpu.dot_dimension_numbers<[1], [1], [0], [0], [0, 0, 1, 0], [], []>, transpose_lhs_hint = false} : vector<4096x256xf32>, vector<256x256xf32>, vector<4096x256xf32> -> vector<4096x256xf32>
    %get3A_27 = arith.constant 0 : index
    %get3A_28 = arith.constant 0 : index
    %get3A_29 = vector.load %arg6[%get3A_27, %get3A_28] : memref<1x256xf32, #tpu.memory_space<vmem>>, vector<1x256xf32>
    %add3A_30 = vector.broadcast %get3A_29 : vector<1x256xf32> to vector<4096x256xf32>
    %add3A_31 = arith.addf %dot_general3A_26, %add3A_30 : vector<4096x256xf32>
    %swap3A = arith.constant 0 : index
    %swap3A_32 = arith.constant 0 : index
    %swap3A_33 = vector.load %arg7[%swap3A, %swap3A_32] : memref<4096x256xf32, #tpu.memory_space<vmem>>, vector<4096x256xf32>
    tpu.vector_store %arg7[%swap3A, %swap3A_32], %add3A_31 {strides = array<i32>} : memref<4096x256xf32, #tpu.memory_space<vmem>>, vector<4096x256xf32>,
    return
  }
  func.func @transform_0(%arg0: i32) -> (i32, i32) {
    %c0_i32 = arith.constant 0 : i32
    %c0_i32_0 = arith.constant 0 : i32
    return %arg0, %c0_i32 : i32, i32
  }
  func.func @transform_1(%arg0: i32) -> (i32, i32) {
    %c0_i32 = arith.constant 0 : i32
    %c0_i32_0 = arith.constant 0 : i32
    %c0_i32_1 = arith.constant 0 : i32
    return %c0_i32, %c0_i32_0 : i32, i32
  }
  func.func @transform_2(%arg0: i32) -> (i32, i32) {
    %c0_i32 = arith.constant 0 : i32
    %c0_i32_0 = arith.constant 0 : i32
    %c0_i32_1 = arith.constant 0 : i32
    return %c0_i32, %c0_i32_0 : i32, i32
  }
  func.func @transform_3(%arg0: i32) -> (i32, i32) {
    %c0_i32 = arith.constant 0 : i32
    %c0_i32_0 = arith.constant 0 : i32
    %c0_i32_1 = arith.constant 0 : i32
    return %c0_i32, %c0_i32_0 : i32, i32
  }
  func.func @transform_4(%arg0: i32) -> (i32, i32) {
    %c0_i32 = arith.constant 0 : i32
    %c0_i32_0 = arith.constant 0 : i32
    %c0_i32_1 = arith.constant 0 : i32
    return %c0_i32, %c0_i32_0 : i32, i32
  }
  func.func @transform_5(%arg0: i32) -> (i32, i32) {
    %c0_i32 = arith.constant 0 : i32
    %c0_i32_0 = arith.constant 0 : i32
    %c0_i32_1 = arith.constant 0 : i32
    return %c0_i32, %c0_i32_0 : i32, i32
  }
  func.func @transform_6(%arg0: i32) -> (i32, i32) {
    %c0_i32 = arith.constant 0 : i32
    %c0_i32_0 = arith.constant 0 : i32
    return %arg0, %c0_i32 : i32, i32
  }
}

module attributes {stable_mosaic.version = 14 : i64} {
  func.func @pack_kernel(%arg0: i32, %arg1: memref<2000x256xf32, #tpu.memory_space<vmem>>, %arg2: memref<2000x128xi32, #tpu.memory_space<vmem>>) attributes {dimension_semantics = [#tpu.dimension_semantics<arbitrary>], iteration_bounds = array<i64: 50>, scalar_prefetch = 0 : i64, scratch_operands = 0 : i64, tpu.core_type = #tpu.core_type<tc>, window_params = [{transform_indices = @transform_0, window_bounds = array<i64: 2000, 256>}, {transform_indices = @transform_1, window_bounds = array<i64: 2000, 128>}]} {
    %get3A = arith.constant 0 : index
    %get3A_0 = arith.constant 0 : index
    %get3A_1 = vector.load %arg1[%get3A, %get3A_0] : memref<2000x256xf32, #tpu.memory_space<vmem>>, vector<2000x256xf32>
    %slice3A = vector.extract_strided_slice %get3A_1 {offsets = [0, 0], sizes = [2000, 128], strides = [1, 1]} : vector<2000x256xf32> to vector<2000x128xf32>
    %convert_element_type3A = arith.truncf %slice3A : vector<2000x128xf32> to vector<2000x128xbf16>
    %bitcast_convert_type3A = tpu.bitcast %convert_element_type3A : vector<2000x128xbf16> -> vector<2000x128xi16>
    %convert_element_type3A_2 = arith.extui %bitcast_convert_type3A : vector<2000x128xi16> to vector<2000x128xi32>
    %slice3A_3 = vector.extract_strided_slice %get3A_1 {offsets = [0, 128], sizes = [2000, 128], strides = [1, 1]} : vector<2000x256xf32> to vector<2000x128xf32>
    %convert_element_type3A_4 = arith.truncf %slice3A_3 : vector<2000x128xf32> to vector<2000x128xbf16>
    %bitcast_convert_type3A_5 = tpu.bitcast %convert_element_type3A_4 : vector<2000x128xbf16> -> vector<2000x128xi16>
    %convert_element_type3A_6 = arith.extui %bitcast_convert_type3A_5 : vector<2000x128xi16> to vector<2000x128xi32>
    %shift_left3A = arith.constant 16 : i32
    %shift_left3A_7 = vector.broadcast %shift_left3A : i32 to vector<2000x128xi32>
    %shift_left3A_8 = arith.shli %convert_element_type3A_6, %shift_left3A_7 : vector<2000x128xi32>
    %or3A = arith.ori %convert_element_type3A_2, %shift_left3A_8 : vector<2000x128xi32>
    %swap3A = arith.constant 0 : index
    %swap3A_9 = arith.constant 0 : index
    %swap3A_10 = vector.load %arg2[%swap3A, %swap3A_9] : memref<2000x128xi32, #tpu.memory_space<vmem>>, vector<2000x128xi32>
    tpu.vector_store %arg2[%swap3A, %swap3A_9], %or3A {strides = array<i32>} : memref<2000x128xi32, #tpu.memory_space<vmem>>, vector<2000x128xi32>,
    return
  }
  func.func @transform_0(%arg0: i32) -> (i32, i32) {
    %c0_i32 = arith.constant 0 : i32
    %c0_i32_0 = arith.constant 0 : i32
    return %arg0, %c0_i32 : i32, i32
  }
  func.func @transform_1(%arg0: i32) -> (i32, i32) {
    %c0_i32 = arith.constant 0 : i32
    %c0_i32_0 = arith.constant 0 : i32
    return %arg0, %c0_i32 : i32, i32
  }
}

</mosaic_0001>

<sc_bundles>
// kernel: kernel.5.cloned.1.call-start
scs
__scs_entry_jumppad:
0x0: {  	(pc) =	sbr.rel $0x88, $3  }
0x1: {  	(tag) =	ssettag $0x0;
	lr =	simm.s32 $0x1  }
0x2: {  	[smem:$0x3F9A] =	sst lr;
	_ =	strace $0xD0000000  }
0x3: {  	_ = 	snop  }
0x4: {  	_ = 	snop  }
0x5: {  	_ = 	snop  }
0x6: {  	_ = 	snop  }
0x7: {  	_ = 	snop  }
__scs_overlays_trampoline_lowered:
0x8: {  	[smem:$0x3FA9] =	sst s0  }
0x9: {  	[smem:$0x3FAA] =	sst s1  }
0xa: {  	[smem:$0x3FAB] =	sst s2  }
0xb: {  	[smem:$0x3FAC] =	sst s3  }
0xc: {  	[smem:$0x3FAD] =	sst s4  }
0xd: {  	[smem:$0x3FAE] =	sst s5  }
0xe: {  	[smem:$0x3FAF] =	sst s6  }
0xf: {  	[smem:$0x3FB0] =	sst s7  }
0x10: {  	[smem:$0x3FB1] =	sst s8  }
0x11: {  	[smem:$0x3FB2] =	sst s9;
	s0 =	simm.s32 @!p0 $0x0  }
0x12: {  	s1 =	sld [smem:$0x3F98];
	s0 =	simm.s32 @p0 $0x1  }
0x13: {  	[smem:$0x3FB3] =	sst s0;
	s0 =	simm.s32 @!p1 $0x0  }
0x14: {  	s2 =	sld [smem:$0x3F97];
	s0 =	simm.s32 @p1 $0x1  }
0x15: {  	[smem:$0x3FB4] =	sst s0;
	s0 =	simm.s32 @!p2 $0x0  }
0x16: {  	s3 =	sld [smem:$0x3FDB];
	s0 =	simm.s32 @p2 $0x1  }
0x17: {  	s4 =	simm.s32 $0x1BF5;
	[smem:$0x3FB6] =	sst s0  }
0x18: {  	s0 =	sld [smem:$0x3F99];
	_ =	swait.ge [sflag:s4], $0x0  }
0x19: {  	s7 =	sld [smem:$0x3F9A]  }
0x1a: {  	s8 =	sadd.s32 $0xFFFFE003, lr  }
0x1b: {  	s9 =	sadd.s32 $0xFFFFFEF7, lr;
	s5 =	simm.s32 $0xFFFFFFFF;
	p2 =	slt.u32 s8, $0xFFFFF086  }
0x1c: {  	p1 =	slt.u32 s9, $0xF7A;
	s5 =	simm.s32 @!p2 $0x0  }
0x1d: {  	s5 =	simm.s32 @p1 $0x1;
	p0 =	seq.s32 s7, s2  }
0x1e: {  	s7 =	smul.u32 @!p0 $0xF7A, s2;
	p2 =	seq.s32 @!p0 s5, $0x0  }
0x1f: {  	s9 =	smul.u32 $0xF7A, s1;
	s8 =	simm.s32 @!p0 $0x1BF5;
	p2 =	por !p2, p0  }
0x20: {  	[sflag:s8] =	ssyncset.s32 @!p0 $0xFFFFF086;
	s6 =	sadd.s32 @!p0 s3, s7;
	s7 =	simm.s32 @!p0 $0x108  }
0x21: {  	s3 =	sadd.s32 s3, s9;
	s6 =	sadd.s32 @!p0 $0x88, s6;
	s7 =	simm.s32 @p2 $0x1082  }
0x22: {  	[simem:s7], [sflag:s8] =	dma.local @!p0 [hbm:s6], $0xF7A  }
0x23: {  	s9 =	sor.u32 $0xD0000000, s2;
	s6 =	simm.s32 $0x108;
	_ =	swait.ge @!p0 [sflag:s8], $0x0  }
0x24: {  	s3 =	sadd.s32 $0x88, s3;
	s6 =	simm.s32 @!p1 $0x1082;
	[sflag:s4] =	ssyncset.s32 $0xFFFFF086  }
0x25: {  	[simem:s6], [sflag:s4] =	dma.local [hbm:s3], $0xF7A  }
0x26: {  	[smem:$0x3F9A] =	sst s1;
	(tag) =	ssettag s2;
	_ =	strace s9  }
0x27: {  	s1 =	sld [smem:$0x3FAA]  }
0x28: {  	s2 =	sld [smem:$0x3FAB]  }
0x29: {  	s4 =	sld [smem:$0x3FAD]  }
0x2a: {  	p0 =	seq.s32 s5, $0x0;
	s5 =	sld [smem:$0x3FAE]  }
0x2b: {  	s6 =	sld [smem:$0x3FAF]  }
0x2c: {  	s7 =	sld [smem:$0x3FB0]  }
0x2d: {  	s3 =	simm.s32 $0x108;
	s8 =	sld [smem:$0x3FB1]  }
0x2e: {  	s3 =	simm.s32 @!p0 $0x1082;
	s9 =	sld [smem:$0x3FB2]  }
0x2f: {  	lr =	sadd.s32 s0, s3;
	s0 =	sld [smem:$0x3FA9]  }
0x30: {  	s3 =	sld [smem:$0x3FAC]  }
0x31: {  	[smem:$0x3FB5] =	sst s10  }
0x32: {  	s10 =	sld [smem:$0x3FB3];
	_ =	sdelay $0x3  }
0x33: {  	p0 =	seq.s32 s10, $0x1;
	s10 =	sld [smem:$0x3FB5];
	_ =	sdelay $0x3  }
0x34: {  	[smem:$0x3FB5] =	sst s10  }
0x35: {  	s10 =	sld [smem:$0x3FB4];
	_ =	sdelay $0x3  }
0x36: {  	p1 =	seq.s32 s10, $0x1;
	s10 =	sld [smem:$0x3FB5];
	_ =	sdelay $0x3  }
0x37: {  	[smem:$0x3FB5] =	sst s10  }
0x38: {  	s10 =	sld [smem:$0x3FB6]  }
0x39: {  	_ = 	snop;
	(pc) =	sbr.ind lr, $3  }
0x3a: {  	_ = 	snop  }
0x3b: {  	_ = 	snop  }
0x3c: {  	p2 =	seq.s32 s10, $0x1;
	s10 =	sld [smem:$0x3FB5]  }
0x3d: {  	_ =	shalt  }
0x3e: {  	_ =	shalt  }
0x3f: {  	_ =	shalt  }
0x40: {  	_ =	shalt  }
0x41: {  	_ =	shalt  }
0x42: {  	_ =	shalt  }
0x43: {  	_ =	shalt  }
0x44: {  	_ =	shalt  }
0x45: {  	_ =	shalt  }
0x46: {  	_ =	shalt  }
0x47: {  	_ =	shalt  }
0x48: {  	_ =	shalt  }
0x49: {  	_ =	shalt  }
0x4a: {  	_ =	shalt  }
0x4b: {  	_ =	shalt  }
0x4c: {  	_ =	shalt  }
0x4d: {  	_ =	shalt  }
0x4e: {  	_ =	shalt  }
0x4f: {  	_ =	shalt  }
0x50: {  	_ =	shalt  }
0x51: {  	_ =	shalt  }
0x52: {  	_ =	shalt  }
0x53: {  	_ =	shalt  }
0x54: {  	_ =	shalt  }
0x55: {  	_ =	shalt  }
0x56: {  	_ =	shalt  }
0x57: {  	_ =	shalt  }
0x58: {  	_ =	shalt  }
0x59: {  	_ =	shalt  }
0x5a: {  	_ =	shalt  }
0x5b: {  	_ =	shalt  }
0x5c: {  	_ =	shalt  }
0x5d: {  	_ =	shalt  }
0x5e: {  	_ =	shalt  }
0x5f: {  	_ =	shalt  }
0x60: {  	_ =	shalt  }
0x61: {  	_ =	shalt  }
0x62: {  	_ =	shalt  }
0x63: {  	_ =	shalt  }
0x64: {  	_ =	shalt  }
0x65: {  	_ =	shalt  }
0x66: {  	_ =	shalt  }
0x67: {  	_ =	shalt  }
0x68: {  	_ =	shalt  }
0x69: {  	_ =	shalt  }
0x6a: {  	_ =	shalt  }
0x6b: {  	_ =	shalt  }
0x6c: {  	_ =	shalt  }
0x6d: {  	_ =	shalt  }
0x6e: {  	_ =	shalt  }
0x6f: {  	_ =	shalt  }
0x70: {  	_ =	shalt  }
0x71: {  	_ =	shalt  }
0x72: {  	_ =	shalt  }
0x73: {  	_ =	shalt  }
0x74: {  	_ =	shalt  }
0x75: {  	_ =	shalt  }
0x76: {  	_ =	shalt  }
0x77: {  	_ =	shalt  }
0x78: {  	_ =	shalt  }
0x79: {  	_ =	shalt  }
0x7a: {  	_ =	shalt  }
0x7b: {  	_ =	shalt  }
0x7c: {  	_ =	shalt  }
0x7d: {  	_ =	shalt  }
0x7e: {  	_ =	shalt  }
0x7f: {  	_ =	shalt  }
0x80: {  	_ =	shalt  }
0x81: {  	_ =	shalt  }
0x82: {  	_ =	shalt  }
0x83: {  	_ =	shalt  }
0x84: {  	_ =	shalt  }
0x85: {  	_ =	shalt  }
0x86: {  	_ =	shalt  }
0x87: {  	_ =	shalt  }
.Lfunc_end0:
.L_simem_size_0:
called_computation_lowered:
.L_overlay_start_0:
0x88: {  	s2 =	sld [smem:$0x3FD9]  }
0x89: {  	s3 =	sld [smem:$0x3FFE];
	_ =	sdelay $0x1  }
0x8a: {  	s1 =	srdreg.scid  }
0x8b: {  	s0 =	sand.u32 $0x1, s1  }
0x8c: {  	s17 =	sshll.u32 s0, $0xA;
	s2 =	sadd.s32 s3, s2  }
0x8d: {  	s2 =	sadd.s32 s2, s17  }
0x8e: {  	[smem:$0x3FC1] =	sst s2  }
0x8f: {  	_ = 	snop  }
0x90: {  	s2 =	sld [smem:$0x3FC9]  }
0x91: {  	s18 =	sld [smem:$0x3FD0];
	(tm) =	ssettm $0x1  }
0x92: {  	s4 =	sld [smem:$0x3FFB];
	_ =	sdelay $0x3  }
0x93: {  	_ =	strace s4  }
0x94: {  	s4 =	sld [smem:$0x3FFC];
	_ =	sdelay $0x3  }
0x95: {  	_ =	strace s4  }
0x96: {  	s4 =	sld [smem:$0x3FFD];
	_ =	sdelay $0x3  }
0x97: {  	_ =	strace s4  }
0x98: {  	_ =	strace $0x8FFFFFFF  }
0x99: {  	s19 =	sld [smem:$0x3FDB];
	_ =	sdelay $0x1  }
0x9a: {  	s5 =	simm.s32 $_scs_section_size  }
0x9b: {  	s6 =	simm.s32 $_size__tile_overlayer_lowered;
	s7 =	simm.s32 $_tile_overlayer_lowered  }
0x9c: {  	s22 =	simm.s32 $0x1BFF;
	s21 =	sshll.u32 s7, $0x1;
	s4 =	sadd.s32 s5, s19  }
0x9d: {  	s8 =	simm.s32 $0x0;
	s20 =	sshll.u32 s6, $0x1;
	s6 =	sadd.s32 s21, s4  }
0x9e: {  	[timem:s8], [sflag:s22] =	dma.local [hbm:s6], s20  }
0x9f: {  	_ =	swait.ge [sflag:s22], s20  }
0xa0: {  	s5 =	ssub.s32 $0x0, s20;
	[sflag:s22] =	ssyncset.done $0x0  }
0xa1: {  	[sflag:s22] =	ssyncadd.s32 s5;
	_ =	sdelay $0x1  }
0xa2: {  	s23 =	simm.s32 $0x1B8B  }
0xa3: {  	_ =	swait.ge [sflag:s23], $0x1  }
0xa4: {  	[sflag:s23] =	ssyncset.done $0x0  }
0xa5: {  	s25 =	simm.s32 $0x1B8E;
	s24 =	sld [smem:$0x3FFE];
	[sflag:s23] =	ssyncadd.s32 $0xFFFFFFFF  }
0xa6: {  	s26 =	simm.s32 $execute0_lowered;
	[smem:$0x3FD2] =	sst s25  }
0xa7: {  	s6 =	sshll.u32 s26, $0x1;
	_ =	strace $0x80000046;
	[dreg:$0x1] =	wrdreg $0xFFFFFFFF  }
0xa8: {  	s28 =	simm.s32 $_size_execute0_lowered;
	s4 =	sadd.s32 s4, s6;
	[dreg:$0x0] =	wrdreg $0x0  }
0xa9: {  	s6 =	sshll.u32 s28, $0x1;
	[dreg:$0x2] =	wrdreg s4  }
0xaa: {  	[dreg:$0x3] =	wrdreg s6  }
0xab: {  	[dreg:$0x4] =	wrdreg $0xC0  }
0xac: {  	_ =	task [dreg:s8], $0x5FFFF  }
0xad: {  	[dreg:$0x1] =	wrdreg $0xFFFFFFFF  }
0xae: {  	[dreg:$0x0] =	wrdreg $0x60  }
0xaf: {  	[dreg:$0x2] =	wrdreg s2  }
0xb0: {  	[dreg:$0x3] =	wrdreg s24  }
0xb1: {  	[dreg:$0x4] =	wrdreg s18  }
0xb2: {  	[dreg:$0x5] =	wrdreg $0x9  }
0xb3: {  	_ =	task.clear_ibuf [dreg:s8], $0x6FFFF;
	_ =	strace $0x90000046  }
0xb4: {  	s29 =	simm.s32 $0x9;
	_ =	strace $0x80000048  }
0xb5: {  	_ =	swait.ge [sflag:s29], $0x1  }
0xb6: {  	[sflag:s29] =	ssyncadd.s32 $0xFFFFFFFF  }
0xb7: {  	_ =	strace $0x90000048  }
0xb8: {  	_ =	sfence  }
0xb9: {  	s30 =	sld [smem:$0x0];
	_ =	sdelay $0x2  }
0xba: {  	s31 =	sshll.u32 s1, $0xD;
	s1 =	sshrl.u32 s1, $0x2  }
0xbb: {  	s3 =	sand.u32 $0x4000, s31;
	s1 =	sadd.s32 s1, s30  }
0xbc: {  	s0 =	sor.u32 s3, s0;
	s1 =	sshll.u32 s1, $0x11  }
0xbd: {  	s0 =	sor.u32 s1, s0  }
0xbe: {  	s0 =	sadd.s32 $0x8F2B, s0  }
0xbf: {  	[sflag:s0] =	ssyncadd.remote.s32 $0x1  }
0xc0: {  	_ =	sfence.sel $0xFFFF  }
0xc1: {  	[dreg:$0x0] =	wrdreg $0xFFFFFFFF;
	(pc) =	sbr.abs _section_cstart, $3  }
0xc2: {  	[dreg:$0x1] =	wrdreg $0xFFFFFFFF  }
0xc3: {  	_ =	task.clear_ibuf [dreg:s8], $0x2FFFF;
	_ =	strace $0x9FFFFFFF  }
0xc4: {  	(tm) =	ssettm $0x7FFFFFFF  }
0xc5: {  	_ =	shalt  }
tec
execute0_lowered:
.L_overlay_start_1:
0x0: {  	(tag) =	ssettag $0x1  }
0x1: {  	s0 =	rddreg [dreg:$0x0]  }
0x2: {  	s1 =	rddreg [dreg:$0x1]  }
0x3: {  	s5 =	rddreg [dreg:$0x2];
	s2 =	simm.s32 $0x0;
	s3 =	srdreg.scid  }
0x4: {  	s6 =	stileid.u32;
	s15 =	simm.s32 $0x40;
	s16 =	simm.s32 $0x6000  }
0x5: {  	s17 =	simm.s32 $0xC0;
	s18 =	simm.s32 $0xA000;
	s19 =	simm.s32 $0x60  }
0x6: {  	s20 =	simm.s32 $0x7000;
	s21 =	simm.s32 $0xE0;
	s22 =	simm.s32 $0xB000  }
0x7: {  	s23 =	simm.s32 $0x1;
	s28 =	simm.s32 $0x5;
	s29 =	simm.s32 $0x6  }
0x8: {  	s30 =	simm.s32 $0x7;
	s31 =	simm.s32 $0x8;
	s4 =	sand.u32 $0x1, s3  }
0x9: {  	[smem:$0x7FF] =	sst s2;
	s6 =	sshll.u32 s6, $0x8;
	s7 =	sshll.u32 s4, $0x7  }
0xa: {  	s3 =	sadd.s32 $0x1000, s1;
	s24 =	ssub.s32 $0x2, s4;
	s25 =	sor.u32 s7, s6  }
0xb: {  	_ =	strace $0x80000047;
	s26 =	sshrl.u32 s24, $0x1;
	s7 =	sshll.u32 s25, $0x4  }
0xc: {  	s8 =	sshll.u32 s25, $0x5;
	s1 =	ssub.s32 s24, s26;
	s24 =	simm.s32 $0x2  }
0xd: {  	s25 =	simm.s32 $0x3;
	s26 =	simm.s32 $0x4;
	s4 =	sadd.s32 s0, s7  }
0xe: {  	s5 =	sadd.s32 s5, s8;
	s6 =	smax.u32 s1, $0x1;
	s7 =	simm.s32 $0x9  }
0xf: {  	s8 =	simm.s32 $0x20;
	s0 =	simm.s32 $0xC000;
	s1 =	simm.s32 $0x0  }
.LBB2_1:
0x10: {  	[tilespmem:s2], [sflag:$0x9] =	stream.linear.gather [hbm4b:s4+s2], $0x4000, $0x38;
	[tilespmem:$0x14000] =	vst v63  }
0x11: {  	_ =	swait.ge [sflag:s7], $0x4000  }
0x12: {  	[sflag:s7] =	ssyncset.done $0x0  }
0x13: {  	s9 =	simm.s32 $0x4000;
	[sflag:s7] =	ssyncadd.s32 $0xFFFFC000  }
0x14: {  	[tilespmem:s9], [sflag:$0x1] =	stream.indirect.gather [hbm4b:s3+s8], $0x80, s2, s8, $0xb8;
	[tilespmem:$0x14000] =	vst v63  }
0x15: {  	s11 =	simm.s32 $0x80;
	s10 =	simm.s32 $0x8000  }
0x16: {  	[tilespmem:s10], [sflag:$0x5] =	stream.indirect.gather [hbm4b:s3+s8], $0x80, s11, s8, $0xb8;
	[tilespmem:$0x14000] =	vst v63  }
0x17: {  	s12 =	simm.s32 $0x5000  }
0x18: {  	[tilespmem:s12], [sflag:$0x2] =	stream.indirect.gather [hbm4b:s3+s8], $0x80, s8, s8, $0xb8;
	[tilespmem:$0x14000] =	vst v63  }
0x19: {  	s13 =	simm.s32 $0xA0;
	s14 =	simm.s32 $0x9000  }
0x1a: {  	[tilespmem:s14], [sflag:$0x6] =	stream.indirect.gather [hbm4b:s3+s8], $0x80, s13, s8, $0xb8;
	[tilespmem:$0x14000] =	vst v63  }
0x1b: {  	_ = 	snop  }
0x1c: {  	[tilespmem:s16], [sflag:$0x3] =	stream.indirect.gather [hbm4b:s3+s8], $0x80, s15, s8, $0xb8;
	[tilespmem:$0x14000] =	vst v63  }
0x1d: {  	_ = 	snop  }
0x1e: {  	[tilespmem:s18], [sflag:$0x7] =	stream.indirect.gather [hbm4b:s3+s8], $0x80, s17, s8, $0xb8;
	[tilespmem:$0x14000] =	vst v63  }
0x1f: {  	_ = 	snop  }
0x20: {  	[tilespmem:s20], [sflag:$0x4] =	stream.indirect.gather [hbm4b:s3+s8], $0x80, s19, s8, $0xb8;
	[tilespmem:$0x14000] =	vst v63  }
0x21: {  	s9 =	simm.s32 $0x0  }
0x22: {  	[tilespmem:s22], [sflag:$0x8] =	stream.indirect.gather [hbm4b:s3+s8], $0x80, s21, s8, $0xb8;
	[tilespmem:$0x14000] =	vst v63  }
.LBB2_2:
0x23: {  	_ =	swait.ge [sflag:s23], $0x1000  }
0x24: {  	[sflag:s23] =	ssyncset.done $0x0  }
0x25: {  	s10 =	simm.s32 $0x0;
	[sflag:s23] =	ssyncadd.s32 $0xFFFFF000  }
0x26: {  	v0 =	vld [tilespmem:s10+$0x4070]  }
0x27: {  	v1 =	vld [tilespmem:s10+$0x40F0]  }
0x28: {  	v2 =	vld [tilespmem:s10+$0x4170]  }
0x29: {  	v3 =	vld [tilespmem:s10+$0x41F0]  }
0x2a: {  	v4 =	vld [tilespmem:s10+$0x4000]  }
0x2b: {  	v5 =	vld [tilespmem:s10+$0x4080]  }
0x2c: {  	v6 =	vld [tilespmem:s10+$0x4100]  }
0x2d: {  	v8 =	vld [tilespmem:s10+$0x4180]  }
0x2e: {  	v12 =	vld [tilespmem:s10+$0x4010];
	v7 =	vadd.f32 v1, v0;
	v0 =	vshll.u32 v0, $0x10  }
0x2f: {  	v14 =	vld [tilespmem:s10+$0x4090];
	v1 =	vshll.u32 v1, $0x10;
	v9 =	vshll.u32 v2, $0x10;
	v11 =	vshll.u32 v3, $0x10  }
0x30: {  	v13 =	vshll.u32 v4, $0x10;
	v4 =	vadd.f32 v5, v4;
	v2 =	vadd.f32 v3, v2  }
0x31: {  	v15 =	vld [tilespmem:s10+$0x4190];
	v0 =	vadd.f32 v1, v0;
	v1 =	vadd.f32 v11, v9;
	v9 =	vshll.u32 v5, $0x10  }
0x32: {  	v3 =	vshll.u32 v6, $0x10;
	v6 =	vadd.f32 v8, v6;
	v5 =	vld [tilespmem:s10+$0x4110];
	v13 =	vadd.f32 v9, v13  }
0x33: {  	v11 =	vadd.f32 v2, v7;
	v0 =	vadd.f32 v1, v0;
	v1 =	vshll.u32 v8, $0x10  }
0x34: {  	v10 =	vimm.f32 $0.0e+00;
	v7 =	vadd.f32 v14, v12;
	v8 =	vld [tilespmem:s10+$0x4020];
	v1 =	vadd.f32 v1, v3  }
0x35: {  	v2 =	vshll.u32 v12, $0x10;
	v3 =	vld [tilespmem:s10+$0x40A0];
	v9 =	vadd.f32 v0, v10;
	v0 =	vadd.f32 v6, v4  }
0x36: {  	v4 =	vshll.u32 v14, $0x10;
	v6 =	vld [tilespmem:s10+$0x4120];
	v14 =	vshll.u32 v15, $0x10;
	v1 =	vadd.f32 v1, v13  }
0x37: {  	v12 =	vshll.u32 v5, $0x10;
	v13 =	vld [tilespmem:s10+$0x41A0];
	v2 =	vadd.f32 v4, v2;
	v5 =	vadd.f32 v15, v5  }
0x38: {  	v15 =	vld [tilespmem:s10+$0x4030];
	v4 =	vadd.f32 v1, v10;
	v1 =	vadd.f32 v14, v12  }
0x39: {  	v12 =	vshll.u32 v8, $0x10;
	v14 =	vld [tilespmem:s10+$0x40B0];
	v7 =	vadd.f32 v5, v7  }
0x3a: {  	v16 =	vld [tilespmem:s10+$0x41B0];
	v5 =	vshll.u32 v3, $0x10;
	v3 =	vadd.f32 v3, v8;
	v1 =	vadd.f32 v1, v2  }
0x3b: {  	v8 =	vld [tilespmem:s10+$0x4130];
	v2 =	vshll.u32 v6, $0x10;
	v12 =	vadd.f32 v5, v12;
	v5 =	vadd.f32 v0, v10  }
0x3c: {  	v17 =	vld [tilespmem:s10+$0x4040];
	v7 =	vadd.f32 v7, v10;
	v0 =	vshll.u32 v13, $0x10;
	v13 =	vadd.f32 v13, v6  }
0x3d: {  	v6 =	vadd.f32 v1, v10;
	v0 =	vadd.f32 v0, v2;
	v1 =	vshll.u32 v15, $0x10;
	v2 =	vld [tilespmem:s10+$0x40C0]  }
0x3e: {  	v3 =	vadd.f32 v13, v3;
	v13 =	vshll.u32 v14, $0x10;
	v14 =	vadd.f32 v14, v15;
	v15 =	vld [tilespmem:s10+$0x4140]  }
0x3f: {  	v18 =	vshll.u32 v16, $0x10;
	v0 =	vadd.f32 v0, v12;
	v1 =	vadd.f32 v13, v1;
	v13 =	vld [tilespmem:s10+$0x41C0]  }
0x40: {  	v19 =	vld [tilespmem:s10+$0x4050];
	v12 =	vshll.u32 v8, $0x10;
	v16 =	vadd.f32 v16, v8;
	v3 =	vadd.f32 v3, v10  }
0x41: {  	v20 =	vld [tilespmem:s10+$0x40D0];
	v8 =	vadd.f32 v0, v10;
	v0 =	vadd.f32 v18, v12;
	v12 =	vshll.u32 v17, $0x10  }
0x42: {  	v21 =	vld [tilespmem:s10+$0x4150];
	v14 =	vadd.f32 v16, v14;
	v16 =	vshll.u32 v2, $0x10;
	v17 =	vadd.f32 v2, v17  }
0x43: {  	v0 =	vadd.f32 v0, v1;
	v12 =	vadd.f32 v16, v12;
	v16 =	vld [tilespmem:s10+$0x41D0]  }
0x44: {  	v22 =	vld [tilespmem:s10+$0x40E0];
	v1 =	vshll.u32 v15, $0x10;
	v18 =	vshll.u32 v13, $0x10;
	v13 =	vadd.f32 v13, v15  }
0x45: {  	v15 =	vld [tilespmem:s10+$0x4060];
	v2 =	vadd.f32 v0, v10;
	v0 =	vadd.f32 v18, v1;
	v1 =	vshll.u32 v19, $0x10  }
0x46: {  	v18 =	vadd.f32 v13, v17;
	v13 =	vshll.u32 v20, $0x10;
	v17 =	vadd.f32 v20, v19  }
0x47: {  	v19 =	vld [tilespmem:s10+$0x4160];
	v0 =	vadd.f32 v0, v12;
	v12 =	vshll.u32 v21, $0x10;
	v13 =	vadd.f32 v13, v1  }
0x48: {  	v1 =	vadd.f32 v14, v10;
	v14 =	vshll.u32 v16, $0x10;
	v16 =	vadd.f32 v16, v21  }
0x49: {  	v21 =	vld [tilespmem:s10+$0x41E0];
	v0 =	vadd.f32 v0, v10;
	v12 =	vadd.f32 v14, v12  }
0x4a: {  	s11 =	simm.s32 $0x200;
	v14 =	vshll.u32 v15, $0x10;
	v24 =	vadd.f32 v22, v15;
	v15 =	vimm.f32 $0.0e+00  }
0x4b: {  	v20 =	vld [tilespmem:s11+$0x4070];
	v23 =	vadd.f32 v16, v17;
	v16 =	vshll.u32 v22, $0x10;
	v26 =	vadd.f32 v12, v13  }
0x4c: {  	v22 =	vld [tilespmem:s11+$0x40F0];
	v27 =	vshll.u32 v19, $0x10;
	v25 =	vadd.f32 v16, v14;
	v16 =	vimm.f32 $0.0e+00  }
0x4d: {  	s10 =	simm.s32 $0x1000;
	v17 =	vld [tilespmem:s11+$0x4170];
	v13 =	vimm.f32 $0.0e+00;
	v14 =	vimm.f32 $0.0e+00;
	v12 =	vimm.f32 $0.0e+00  }
.LBB2_3:
0x4e: {  	p0 =	sne.s32 s10, $0x3800;
	v28 =	vld [tilespmem:s11+$0x41F0];
	v10 =	vadd.f32 v18, v10;
	v18 =	vshll.u32 v21, $0x10;
	v19 =	vadd.f32 v21, v19  }
0x4f: {  	v21 =	vld [tilespmem:s11+$0x4000];
	v16 =	vadd.f32 v26, v16;
	v18 =	vadd.f32 v18, v27  }
0x50: {  	v15 =	vadd.f32 v23, v15;
	v26 =	vld [tilespmem:s11+$0x4080];
	v19 =	vadd.f32 v19, v24  }
0x51: {  	v23 =	vld [tilespmem:s11+$0x4100];
	v24 =	vadd.f32 v22, v20;
	v18 =	vadd.f32 v18, v25  }
0x52: {  	v14 =	vadd.f32 v11, v14;
	v20 =	vshll.u32 v20, $0x10;
	v25 =	vld [tilespmem:s11+$0x4180];
	v13 =	vadd.f32 v19, v13  }
0x53: {  	v11 =	vshll.u32 v22, $0x10;
	v22 =	vshll.u32 v17, $0x10;
	v19 =	vld [tilespmem:s11+$0x4010];
	v27 =	vshll.u32 v28, $0x10  }
0x54: {  	v11 =	vadd.f32 v11, v20;
	v29 =	vshll.u32 v21, $0x10;
	v30 =	vld [tilespmem:s11+$0x4090];
	v20 =	vadd.f32 v27, v22  }
0x55: {  	v17 =	vadd.f32 v28, v17;
	v22 =	vshll.u32 v26, $0x10;
	v21 =	vadd.f32 v26, v21;
	v26 =	vld [tilespmem:s11+$0x4110]  }
0x56: {  	v27 =	vshll.u32 v23, $0x10;
	v22 =	vadd.f32 v22, v29;
	v28 =	vld [tilespmem:s11+$0x4190];
	v20 =	vadd.f32 v20, v11  }
0x57: {  	v11 =	vadd.f32 v17, v24;
	v29 =	vshll.u32 v25, $0x10;
	v23 =	vadd.f32 v25, v23;
	v25 =	vld [tilespmem:s11+$0x4020]  }
0x58: {  	v17 =	vadd.f32 v29, v27;
	v24 =	vshll.u32 v19, $0x10;
	v27 =	vld [tilespmem:s11+$0x40A0];
	v9 =	vadd.f32 v20, v9  }
0x59: {  	v20 =	vadd.f32 v23, v21;
	v21 =	vshll.u32 v30, $0x10;
	v19 =	vadd.f32 v30, v19;
	v23 =	vld [tilespmem:s11+$0x4120]  }
0x5a: {  	v17 =	vadd.f32 v17, v22;
	v22 =	vshll.u32 v26, $0x10;
	v21 =	vadd.f32 v21, v24;
	v24 =	vld [tilespmem:s11+$0x41A0]  }
0x5b: {  	v12 =	vadd.f32 v18, v12;
	v29 =	vshll.u32 v28, $0x10;
	v26 =	vadd.f32 v28, v26;
	v28 =	vld [tilespmem:s11+$0x4030]  }
0x5c: {  	v4 =	vadd.f32 v17, v4;
	v17 =	vadd.f32 v29, v22;
	v18 =	vshll.u32 v25, $0x10;
	v22 =	vld [tilespmem:s11+$0x40B0]  }
0x5d: {  	v19 =	vadd.f32 v26, v19;
	v26 =	vshll.u32 v27, $0x10;
	v25 =	vadd.f32 v27, v25;
	v27 =	vld [tilespmem:s11+$0x4130]  }
0x5e: {  	v17 =	vadd.f32 v17, v21;
	v21 =	vshll.u32 v23, $0x10;
	v18 =	vadd.f32 v26, v18;
	v26 =	vld [tilespmem:s11+$0x41B0]  }
0x5f: {  	v5 =	vadd.f32 v20, v5;
	v20 =	vshll.u32 v24, $0x10;
	v23 =	vadd.f32 v24, v23;
	v24 =	vld [tilespmem:s11+$0x4040]  }
0x60: {  	v6 =	vadd.f32 v17, v6;
	v17 =	vadd.f32 v20, v21;
	v20 =	vshll.u32 v28, $0x10;
	v21 =	vld [tilespmem:s11+$0x40C0]  }
0x61: {  	v23 =	vadd.f32 v23, v25;
	v25 =	vshll.u32 v22, $0x10;
	v22 =	vadd.f32 v22, v28;
	v28 =	vld [tilespmem:s11+$0x4140]  }
0x62: {  	v17 =	vadd.f32 v17, v18;
	v18 =	vshll.u32 v27, $0x10;
	v20 =	vadd.f32 v25, v20;
	v25 =	vld [tilespmem:s11+$0x41C0]  }
0x63: {  	v7 =	vadd.f32 v19, v7;
	v19 =	vshll.u32 v26, $0x10;
	v26 =	vadd.f32 v26, v27;
	v27 =	vld [tilespmem:s11+$0x4050]  }
0x64: {  	v8 =	vadd.f32 v17, v8;
	v17 =	vadd.f32 v19, v18;
	v18 =	vshll.u32 v24, $0x10;
	v19 =	vld [tilespmem:s11+$0x40D0]  }
0x65: {  	v22 =	vadd.f32 v26, v22;
	v26 =	vshll.u32 v21, $0x10;
	v21 =	vadd.f32 v21, v24;
	v24 =	vld [tilespmem:s11+$0x4150]  }
0x66: {  	v17 =	vadd.f32 v17, v20;
	v20 =	vshll.u32 v28, $0x10;
	v26 =	vadd.f32 v26, v18;
	v29 =	vld [tilespmem:s11+$0x41D0]  }
0x67: {  	v3 =	vadd.f32 v23, v3;
	v18 =	vshll.u32 v25, $0x10;
	v23 =	vadd.f32 v25, v28;
	v25 =	vld [tilespmem:s11+$0x4060]  }
0x68: {  	v2 =	vadd.f32 v17, v2;
	v17 =	vadd.f32 v18, v20;
	v20 =	vshll.u32 v27, $0x10;
	v28 =	vld [tilespmem:s11+$0x40E0]  }
0x69: {  	v18 =	vadd.f32 v23, v21;
	v21 =	vshll.u32 v19, $0x10;
	v23 =	vadd.f32 v19, v27;
	v19 =	vld [tilespmem:s11+$0x4160]  }
.Ltmp0:
0x6a: {  	v17 =	vadd.f32 v17, v26;
	v26 =	vshll.u32 v24, $0x10;
	v27 =	vadd.f32 v21, v20;
	v21 =	vld [tilespmem:s11+$0x41E0];
	(pc) =	sbr.rel @p0 .LBB2_3-.Ltmp0, $4  }
0x6b: {  	v1 =	vadd.f32 v22, v1;
	s11 =	sshra.s32 s10, $0x2;
	v22 =	vshll.u32 v29, $0x10;
	v24 =	vadd.f32 v29, v24  }
0x6c: {  	v20 =	vld [tilespmem:s11+$0x4070];
	v0 =	vadd.f32 v17, v0;
	v26 =	vadd.f32 v22, v26;
	v29 =	vshll.u32 v25, $0x10  }
0x6d: {  	v22 =	vld [tilespmem:s11+$0x40F0];
	v23 =	vadd.f32 v24, v23;
	v30 =	vshll.u32 v28, $0x10;
	v24 =	vadd.f32 v28, v25  }
0x6e: {  	s10 =	sadd.s32 $0x800, s10;
	v17 =	vld [tilespmem:s11+$0x4170];
	v26 =	vadd.f32 v26, v27;
	v27 =	vshll.u32 v19, $0x10;
	v25 =	vadd.f32 v30, v29  }
0x6f: {  	v28 =	vld [tilespmem:s11+$0x41F0]  }
0x70: {  	v29 =	vld [tilespmem:s11+$0x4000];
	v10 =	vadd.f32 v18, v10;
	v19 =	vadd.f32 v21, v19  }
0x71: {  	v18 =	vshll.u32 v21, $0x10;
	v30 =	vld [tilespmem:s11+$0x4080];
	v15 =	vadd.f32 v23, v15;
	v21 =	vadd.f32 v11, v14  }
0x72: {  	v23 =	vld [tilespmem:s11+$0x4180];
	v18 =	vadd.f32 v18, v27;
	v19 =	vadd.f32 v19, v24  }
0x73: {  	v16 =	vadd.f32 v26, v16;
	v26 =	vld [tilespmem:s11+$0x4100];
	v24 =	vadd.f32 v22, v20  }
0x74: {  	v11 =	vld [tilespmem:s11+$0x4090];
	v27 =	vshll.u32 v20, $0x10;
	v18 =	vadd.f32 v18, v25;
	v20 =	vadd.f32 v19, v13  }
0x75: {  	v25 =	vld [tilespmem:s11+$0x4010];
	v13 =	vshll.u32 v22, $0x10;
	v14 =	vshll.u32 v17, $0x10;
	v19 =	vshll.u32 v28, $0x10  }
0x76: {  	v22 =	vld [tilespmem:s11+$0x4110];
	v13 =	vadd.f32 v13, v27;
	v27 =	vshll.u32 v29, $0x10;
	v29 =	vadd.f32 v30, v29  }
0x77: {  	v30 =	vshll.u32 v30, $0x10;
	v17 =	vadd.f32 v28, v17;
	v28 =	vld [tilespmem:s11+$0x4020];
	v59 =	vadd.f32 v18, v12  }
0x78: {  	v14 =	vadd.f32 v19, v14;
	v19 =	vld [tilespmem:s11+$0x4190];
	v27 =	vadd.f32 v30, v27;
	v58 =	vshll.u32 v26, $0x10  }
0x79: {  	v12 =	vld [tilespmem:s11+$0x4130];
	v26 =	vadd.f32 v23, v26;
	v23 =	vshll.u32 v23, $0x10;
	v31 =	vadd.f32 v17, v24  }
0x7a: {  	v17 =	vld [tilespmem:s11+$0x4120];
	v23 =	vadd.f32 v23, v58;
	v13 =	vadd.f32 v14, v13  }
0x7b: {  	v14 =	vld [tilespmem:s11+$0x40A0];
	v24 =	vshll.u32 v25, $0x10;
	v26 =	vadd.f32 v26, v29;
	v29 =	vshll.u32 v11, $0x10  }
0x7c: {  	v11 =	vadd.f32 v11, v25;
	v25 =	vld [tilespmem:s11+$0x4030];
	v23 =	vadd.f32 v23, v27;
	v27 =	vshll.u32 v22, $0x10  }
0x7d: {  	v9 =	vadd.f32 v13, v9;
	v13 =	vld [tilespmem:s11+$0x41A0];
	v22 =	vadd.f32 v19, v22;
	v19 =	vshll.u32 v19, $0x10  }
0x7e: {  	v24 =	vadd.f32 v29, v24;
	v29 =	vld [tilespmem:s11+$0x40B0];
	v18 =	vadd.f32 v19, v27  }
0x7f: {  	v4 =	vadd.f32 v23, v4;
	v23 =	vld [tilespmem:s11+$0x41B0];
	v19 =	vshll.u32 v28, $0x10;
	v22 =	vadd.f32 v22, v11  }
0x80: {  	v33 =	vld [tilespmem:s11+$0x4150];
	v11 =	vshll.u32 v14, $0x10;
	v14 =	vadd.f32 v14, v28;
	v18 =	vadd.f32 v18, v24  }
0x81: {  	v27 =	vld [tilespmem:s11+$0x4040];
	v24 =	vshll.u32 v17, $0x10;
	v19 =	vadd.f32 v11, v19;
	v11 =	vadd.f32 v26, v5  }
0x82: {  	v28 =	vld [tilespmem:s11+$0x40C0];
	v5 =	vshll.u32 v13, $0x10;
	v13 =	vadd.f32 v13, v17;
	v17 =	vadd.f32 v18, v6  }
0x83: {  	v26 =	vld [tilespmem:s11+$0x4140];
	v5 =	vadd.f32 v5, v24;
	v6 =	vshll.u32 v25, $0x10;
	v25 =	vadd.f32 v29, v25  }
0x84: {  	v32 =	vshll.u32 v12, $0x10;
	v24 =	vld [tilespmem:s11+$0x41C0];
	v18 =	vadd.f32 v22, v7;
	v12 =	vadd.f32 v23, v12  }
0x85: {  	v13 =	vadd.f32 v13, v14;
	v14 =	vshll.u32 v29, $0x10;
	v29 =	vld [tilespmem:s11+$0x4050];
	v5 =	vadd.f32 v5, v19  }
0x86: {  	v7 =	vshll.u32 v23, $0x10;
	v6 =	vadd.f32 v14, v6;
	v14 =	vld [tilespmem:s11+$0x40D0];
	v12 =	vadd.f32 v12, v25  }
0x87: {  	v22 =	vshll.u32 v28, $0x10;
	v25 =	vld [tilespmem:s11+$0x4060];
	v19 =	vadd.f32 v5, v8;
	v5 =	vadd.f32 v7, v32  }
0x88: {  	p0 =	seq.s32 s9, $0x3F;
	v23 =	vadd.f32 v28, v27;
	v3 =	vadd.f32 v13, v3;
	v7 =	vshll.u32 v27, $0x10;
	v8 =	vld [tilespmem:s11+$0x41D0]  }
0x89: {  	s10 =	sshll.u32 @!p0 s9, $0x8;
	v27 =	vld [tilespmem:s11+$0x40E0];
	v7 =	vadd.f32 v22, v7;
	v5 =	vadd.f32 v5, v6  }
0x8a: {  	s10 =	sand.u32 @!p0 $0x3FFFFF00, s10;
	v13 =	vshll.u32 v24, $0x10;
	v24 =	vadd.f32 v24, v26;
	v6 =	vshll.u32 v26, $0x10;
	v26 =	vld [tilespmem:s11+$0x4160]  }
0x8b: {  	s12 =	simm.s32 @!p0 $0x20;
	s13 =	simm.s32 @!p0 $0x4000;
	v22 =	vadd.f32 v5, v2;
	v2 =	vadd.f32 v13, v6;
	v5 =	vshll.u32 v29, $0x10;
	v6 =	vld [tilespmem:s11+$0x41E0];
	s11 =	sadd.s32 @!p0 $0x100, s10  }
0x8c: {  	v13 =	vadd.f32 v24, v23;
	v23 =	vshll.u32 v14, $0x10;
	v14 =	vadd.f32 v14, v29;
	[tilespmem:s13], [sflag:$0x1] =	stream.indirect.gather @!p0 [hbm4b:s3+s12], $0x80, s11, s12, $0xb8;
	[tilespmem:$0x14000] =	vst v63  }
0x8d: {  	v5 =	vadd.f32 v23, v5;
	v2 =	vadd.f32 v2, v7;
	_ =	swait.ge [sflag:s24], $0x1000  }
0x8e: {  	v23 =	vadd.f32 v12, v1;
	v1 =	vshll.u32 v8, $0x10;
	v8 =	vadd.f32 v8, v33;
	[sflag:s24] =	ssyncset.done $0x0  }
0x8f: {  	s14 =	simm.s32 $0x0;
	v7 =	vshll.u32 v33, $0x10;
	v24 =	vadd.f32 v2, v0;
	[sflag:s24] =	ssyncadd.s32 $0xFFFFF000  }
0x90: {  	v0 =	vadd.f32 v1, v7;
	v2 =	vadd.f32 v8, v14;
	v8 =	vld [tilespmem:s14+$0x5070]  }
0x91: {  	v1 =	vshll.u32 v25, $0x10;
	v7 =	vshll.u32 v27, $0x10;
	v25 =	vadd.f32 v27, v25;
	v27 =	vld [tilespmem:s14+$0x50F0]  }
0x92: {  	v14 =	vadd.f32 v13, v10;
	v1 =	vadd.f32 v7, v1;
	v7 =	vshll.u32 v6, $0x10;
	v10 =	vld [tilespmem:s14+$0x5080]  }
0x93: {  	v6 =	vadd.f32 v6, v26;
	v0 =	vadd.f32 v0, v5;
	v5 =	vshll.u32 v26, $0x10;
	v26 =	vld [tilespmem:s14+$0x5170]  }
0x94: {  	v5 =	vadd.f32 v7, v5;
	v7 =	vld [tilespmem:s14+$0x51F0]  }
0x95: {  	v12 =	vadd.f32 v0, v16;
	v0 =	vadd.f32 v6, v25;
	v6 =	vld [tilespmem:s14+$0x5000]  }
0x96: {  	v13 =	vadd.f32 v2, v15;
	v15 =	vld [tilespmem:s14+$0x5100];
	v5 =	vadd.f32 v5, v1  }
0x97: {  	v2 =	vadd.f32 v31, v21;
	v16 =	vld [tilespmem:s14+$0x5180];
	v1 =	vadd.f32 v0, v20  }
0x98: {  	v29 =	vld [tilespmem:s14+$0x5090];
	v21 =	vshll.u32 v27, $0x10;
	v0 =	vadd.f32 v5, v59;
	v5 =	vadd.f32 v27, v8  }
0x99: {  	v20 =	vld [tilespmem:s14+$0x5010];
	v8 =	vshll.u32 v8, $0x10;
	v25 =	vshll.u32 v26, $0x10;
	v27 =	vshll.u32 v7, $0x10  }
0x9a: {  	v8 =	vadd.f32 v21, v8;
	v7 =	vadd.f32 v7, v26;
	v28 =	vshll.u32 v6, $0x10  }
0x9b: {  	v21 =	vadd.f32 v27, v25;
	v25 =	vshll.u32 v10, $0x10;
	v6 =	vadd.f32 v10, v6;
	v10 =	vld [tilespmem:s14+$0x5110]  }
0x9c: {  	v26 =	vshll.u32 v15, $0x10;
	v27 =	vld [tilespmem:s14+$0x5190];
	v25 =	vadd.f32 v25, v28;
	v28 =	vadd.f32 v16, v15  }
0x9d: {  	v60 =	vld [tilespmem:s14+$0x5020];
	v8 =	vadd.f32 v21, v8;
	v21 =	vshll.u32 v16, $0x10;
	v16 =	vadd.f32 v7, v5  }
0x9e: {  	v7 =	vshll.u32 v20, $0x10;
	v20 =	vadd.f32 v29, v20;
	v5 =	vadd.f32 v21, v26;
	v21 =	vld [tilespmem:s14+$0x50A0]  }
0x9f: {  	v6 =	vadd.f32 v28, v6;
	v26 =	vld [tilespmem:s14+$0x51A0];
	v15 =	vadd.f32 v8, v9;
	v8 =	vshll.u32 v29, $0x10  }
0xa0: {  	v9 =	vld [tilespmem:s14+$0x5120];
	v5 =	vadd.f32 v5, v25;
	v25 =	vshll.u32 v10, $0x10;
	v7 =	vadd.f32 v8, v7  }
0xa1: {  	v8 =	vshll.u32 v27, $0x10;
	v10 =	vadd.f32 v27, v10;
	v27 =	vld [tilespmem:s14+$0x5030];
	v6 =	vadd.f32 v6, v11  }
0xa2: {  	v5 =	vadd.f32 v5, v4;
	v4 =	vadd.f32 v8, v25;
	v8 =	vshll.u32 v60, $0x10;
	v25 =	vld [tilespmem:s14+$0x50B0]  }
0xa3: {  	v28 =	vld [tilespmem:s14+$0x5130];
	v10 =	vadd.f32 v10, v20;
	v20 =	vshll.u32 v21, $0x10;
	v21 =	vadd.f32 v21, v60  }
0xa4: {  	v4 =	vadd.f32 v4, v7;
	v8 =	vadd.f32 v20, v8;
	v20 =	vld [tilespmem:s14+$0x51B0]  }
0xa5: {  	v11 =	vshll.u32 v26, $0x10;
	v29 =	vshll.u32 v9, $0x10;
	v9 =	vadd.f32 v26, v9;
	v26 =	vld [tilespmem:s14+$0x5040]  }
0xa6: {  	v7 =	vadd.f32 v4, v17;
	v4 =	vadd.f32 v11, v29;
	v11 =	vshll.u32 v27, $0x10;
	v17 =	vld [tilespmem:s14+$0x50C0]  }
0xa7: {  	v21 =	vadd.f32 v9, v21;
	v9 =	vshll.u32 v25, $0x10;
	v25 =	vadd.f32 v25, v27;
	v27 =	vld [tilespmem:s14+$0x5140]  }
0xa8: {  	v61 =	vld [tilespmem:s14+$0x51C0];
	v29 =	vshll.u32 v28, $0x10;
	v4 =	vadd.f32 v4, v8;
	v11 =	vadd.f32 v9, v11  }
0xa9: {  	v8 =	vadd.f32 v10, v18;
	v10 =	vshll.u32 v20, $0x10;
	v18 =	vadd.f32 v20, v28;
	v28 =	vld [tilespmem:s14+$0x5050]  }
0xaa: {  	v9 =	vadd.f32 v4, v19;
	v4 =	vadd.f32 v10, v29;
	v10 =	vshll.u32 v26, $0x10;
	v19 =	vld [tilespmem:s14+$0x50D0]  }
0xab: {  	v18 =	vadd.f32 v18, v25;
	v20 =	vshll.u32 v17, $0x10;
	v17 =	vadd.f32 v17, v26;
	v25 =	vld [tilespmem:s14+$0x5150]  }
0xac: {  	v62 =	vld [tilespmem:s14+$0x51D0];
	v4 =	vadd.f32 v4, v11;
	v26 =	vshll.u32 v27, $0x10;
	v29 =	vadd.f32 v20, v10  }
0xad: {  	v10 =	vadd.f32 v21, v3;
	v3 =	vshll.u32 v61, $0x10;
	v20 =	vadd.f32 v61, v27;
	v27 =	vld [tilespmem:s14+$0x5060]  }
0xae: {  	v3 =	vadd.f32 v3, v26;
	v26 =	vld [tilespmem:s14+$0x50E0];
	v11 =	vadd.f32 v4, v22;
	v4 =	vshll.u32 v28, $0x10  }
0xaf: {  	v21 =	vld [tilespmem:s14+$0x5160];
	v20 =	vadd.f32 v20, v17;
	v17 =	vshll.u32 v19, $0x10;
	v28 =	vadd.f32 v19, v28  }
0xb0: {  	v22 =	vld [tilespmem:s14+$0x51E0];
	v19 =	vadd.f32 v3, v29;
	v3 =	vadd.f32 v18, v23;
	v29 =	vshll.u32 v25, $0x10  }
0xb1: {  	s12 =	simm.s32 $0x200;
	v63 =	vadd.f32 v17, v4;
	v17 =	vshll.u32 v62, $0x10;
	v23 =	vadd.f32 v62, v25  }
0xb2: {  	v18 =	vld [tilespmem:s12+$0x5070];
	v4 =	vadd.f32 v19, v24;
	v25 =	vadd.f32 v17, v29;
	v29 =	vshll.u32 v27, $0x10  }
0xb3: {  	v19 =	vld [tilespmem:s12+$0x50F0];
	v23 =	vadd.f32 v23, v28;
	v28 =	vshll.u32 v26, $0x10;
	v24 =	vadd.f32 v26, v27  }
0xb4: {  	s11 =	sshll.u32 s9, $0x8;
	s13 =	simm.s32 $0x1000;
	v17 =	vld [tilespmem:s12+$0x5170];
	v27 =	vshll.u32 v21, $0x10;
	v26 =	vadd.f32 v25, v63;
	v25 =	vadd.f32 v28, v29  }
.LBB2_5:
0xb5: {  	p1 =	sne.s32 s13, $0x3800;
	v28 =	vld [tilespmem:s12+$0x51F0];
	v14 =	vadd.f32 v20, v14;
	v20 =	vshll.u32 v22, $0x10;
	v21 =	vadd.f32 v22, v21  }
0xb6: {  	v22 =	vld [tilespmem:s12+$0x5000];
	v12 =	vadd.f32 v26, v12;
	v20 =	vadd.f32 v20, v27  }
0xb7: {  	v13 =	vadd.f32 v23, v13;
	v26 =	vld [tilespmem:s12+$0x5080];
	v21 =	vadd.f32 v21, v24  }
0xb8: {  	v23 =	vld [tilespmem:s12+$0x5100];
	v24 =	vadd.f32 v19, v18;
	v20 =	vadd.f32 v20, v25  }
0xb9: {  	v2 =	vadd.f32 v16, v2;
	v18 =	vshll.u32 v18, $0x10;
	v25 =	vld [tilespmem:s12+$0x5180];
	v1 =	vadd.f32 v21, v1  }
0xba: {  	v16 =	vshll.u32 v19, $0x10;
	v19 =	vshll.u32 v17, $0x10;
	v21 =	vld [tilespmem:s12+$0x5010];
	v27 =	vshll.u32 v28, $0x10  }
0xbb: {  	v16 =	vadd.f32 v16, v18;
	v29 =	vshll.u32 v22, $0x10;
	v30 =	vld [tilespmem:s12+$0x5090];
	v18 =	vadd.f32 v27, v19  }
0xbc: {  	v17 =	vadd.f32 v28, v17;
	v19 =	vshll.u32 v26, $0x10;
	v22 =	vadd.f32 v26, v22;
	v26 =	vld [tilespmem:s12+$0x5110]  }
0xbd: {  	v27 =	vshll.u32 v23, $0x10;
	v19 =	vadd.f32 v19, v29;
	v28 =	vld [tilespmem:s12+$0x5190];
	v18 =	vadd.f32 v18, v16  }
0xbe: {  	v16 =	vadd.f32 v17, v24;
	v29 =	vshll.u32 v25, $0x10;
	v23 =	vadd.f32 v25, v23;
	v25 =	vld [tilespmem:s12+$0x5020]  }
0xbf: {  	v17 =	vadd.f32 v29, v27;
	v24 =	vshll.u32 v21, $0x10;
	v27 =	vld [tilespmem:s12+$0x50A0];
	v15 =	vadd.f32 v18, v15  }
0xc0: {  	v18 =	vadd.f32 v23, v22;
	v22 =	vshll.u32 v30, $0x10;
	v21 =	vadd.f32 v30, v21;
	v23 =	vld [tilespmem:s12+$0x5120]  }
0xc1: {  	v17 =	vadd.f32 v17, v19;
	v19 =	vshll.u32 v26, $0x10;
	v22 =	vadd.f32 v22, v24;
	v24 =	vld [tilespmem:s12+$0x51A0]  }
0xc2: {  	v0 =	vadd.f32 v20, v0;
	v29 =	vshll.u32 v28, $0x10;
	v26 =	vadd.f32 v28, v26;
	v28 =	vld [tilespmem:s12+$0x5030]  }
0xc3: {  	v5 =	vadd.f32 v17, v5;
	v17 =	vadd.f32 v29, v19;
	v19 =	vshll.u32 v25, $0x10;
	v20 =	vld [tilespmem:s12+$0x50B0]  }
0xc4: {  	v21 =	vadd.f32 v26, v21;
	v26 =	vshll.u32 v27, $0x10;
	v25 =	vadd.f32 v27, v25;
	v27 =	vld [tilespmem:s12+$0x5130]  }
0xc5: {  	v17 =	vadd.f32 v17, v22;
	v22 =	vshll.u32 v23, $0x10;
	v19 =	vadd.f32 v26, v19;
	v26 =	vld [tilespmem:s12+$0x51B0]  }
0xc6: {  	v6 =	vadd.f32 v18, v6;
	v18 =	vshll.u32 v24, $0x10;
	v23 =	vadd.f32 v24, v23;
	v24 =	vld [tilespmem:s12+$0x5040]  }
0xc7: {  	v7 =	vadd.f32 v17, v7;
	v17 =	vadd.f32 v18, v22;
	v18 =	vshll.u32 v28, $0x10;
	v22 =	vld [tilespmem:s12+$0x50C0]  }
0xc8: {  	v23 =	vadd.f32 v23, v25;
	v25 =	vshll.u32 v20, $0x10;
	v20 =	vadd.f32 v20, v28;
	v28 =	vld [tilespmem:s12+$0x5140]  }
0xc9: {  	v17 =	vadd.f32 v17, v19;
	v19 =	vshll.u32 v27, $0x10;
	v18 =	vadd.f32 v25, v18;
	v25 =	vld [tilespmem:s12+$0x51C0]  }
0xca: {  	v8 =	vadd.f32 v21, v8;
	v21 =	vshll.u32 v26, $0x10;
	v26 =	vadd.f32 v26, v27;
	v27 =	vld [tilespmem:s12+$0x5050]  }
0xcb: {  	v9 =	vadd.f32 v17, v9;
	v17 =	vadd.f32 v21, v19;
	v19 =	vshll.u32 v24, $0x10;
	v21 =	vld [tilespmem:s12+$0x50D0]  }
0xcc: {  	v26 =	vadd.f32 v26, v20;
	v20 =	vshll.u32 v22, $0x10;
	v22 =	vadd.f32 v22, v24;
	v24 =	vld [tilespmem:s12+$0x5150]  }
0xcd: {  	v17 =	vadd.f32 v17, v18;
	v18 =	vshll.u32 v28, $0x10;
	v19 =	vadd.f32 v20, v19;
	v29 =	vld [tilespmem:s12+$0x51D0]  }
0xce: {  	v10 =	vadd.f32 v23, v10;
	v20 =	vshll.u32 v25, $0x10;
	v23 =	vadd.f32 v25, v28;
	v25 =	vld [tilespmem:s12+$0x5060]  }
0xcf: {  	v11 =	vadd.f32 v17, v11;
	v17 =	vadd.f32 v20, v18;
	v18 =	vshll.u32 v27, $0x10;
	v28 =	vld [tilespmem:s12+$0x50E0]  }
0xd0: {  	v20 =	vadd.f32 v23, v22;
	v22 =	vshll.u32 v21, $0x10;
	v23 =	vadd.f32 v21, v27;
	v21 =	vld [tilespmem:s12+$0x5160]  }
.Ltmp1:
0xd1: {  	v17 =	vadd.f32 v17, v19;
	v19 =	vshll.u32 v24, $0x10;
	v27 =	vadd.f32 v22, v18;
	v22 =	vld [tilespmem:s12+$0x51E0];
	(pc) =	sbr.rel @p1 .LBB2_5-.Ltmp1, $4  }
0xd2: {  	v3 =	vadd.f32 v26, v3;
	s12 =	sshra.s32 s13, $0x2;
	v26 =	vshll.u32 v29, $0x10;
	v24 =	vadd.f32 v29, v24  }
0xd3: {  	v18 =	vld [tilespmem:s12+$0x5070];
	v4 =	vadd.f32 v17, v4;
	v26 =	vadd.f32 v26, v19;
	v29 =	vshll.u32 v25, $0x10  }
0xd4: {  	v19 =	vld [tilespmem:s12+$0x50F0];
	v23 =	vadd.f32 v24, v23;
	v30 =	vshll.u32 v28, $0x10;
	v24 =	vadd.f32 v28, v25  }
0xd5: {  	s13 =	sadd.s32 $0x800, s13;
	v17 =	vld [tilespmem:s12+$0x5170];
	v26 =	vadd.f32 v26, v27;
	v27 =	vshll.u32 v21, $0x10;
	v25 =	vadd.f32 v30, v29  }
0xd6: {  	v28 =	vld [tilespmem:s12+$0x51F0]  }
0xd7: {  	v29 =	vld [tilespmem:s12+$0x5000];
	v14 =	vadd.f32 v20, v14;
	v21 =	vadd.f32 v22, v21  }
0xd8: {  	v20 =	vshll.u32 v22, $0x10;
	v22 =	vld [tilespmem:s12+$0x5080];
	v13 =	vadd.f32 v23, v13;
	v2 =	vadd.f32 v16, v2  }
0xd9: {  	v23 =	vld [tilespmem:s12+$0x5180];
	v12 =	vadd.f32 v26, v12;
	v20 =	vadd.f32 v20, v27  }
0xda: {  	v26 =	vld [tilespmem:s12+$0x5100];
	v21 =	vadd.f32 v21, v24;
	v24 =	vadd.f32 v19, v18  }
0xdb: {  	v16 =	vld [tilespmem:s12+$0x5090];
	v20 =	vadd.f32 v20, v25;
	v18 =	vshll.u32 v18, $0x10;
	v19 =	vshll.u32 v19, $0x10  }
0xdc: {  	v25 =	vld [tilespmem:s12+$0x5010];
	v1 =	vadd.f32 v21, v1;
	v21 =	vshll.u32 v17, $0x10;
	v18 =	vadd.f32 v19, v18  }
0xdd: {  	v30 =	vld [tilespmem:s12+$0x5110];
	v27 =	vshll.u32 v28, $0x10;
	v19 =	vshll.u32 v29, $0x10;
	v29 =	vadd.f32 v22, v29  }
0xde: {  	v61 =	vld [tilespmem:s12+$0x50C0];
	v22 =	vshll.u32 v22, $0x10;
	v17 =	vadd.f32 v28, v17;
	v0 =	vadd.f32 v20, v0  }
0xdf: {  	v21 =	vadd.f32 v27, v21;
	v27 =	vld [tilespmem:s12+$0x5190];
	v19 =	vadd.f32 v22, v19;
	v22 =	vshll.u32 v26, $0x10  }
0xe0: {  	v28 =	vld [tilespmem:s12+$0x5020];
	v26 =	vadd.f32 v23, v26;
	v23 =	vshll.u32 v23, $0x10;
	v17 =	vadd.f32 v17, v24  }
0xe1: {  	v24 =	vld [tilespmem:s12+$0x5120];
	v22 =	vadd.f32 v23, v22;
	v18 =	vadd.f32 v21, v18;
	v23 =	vshll.u32 v25, $0x10  }
0xe2: {  	v21 =	vld [tilespmem:s12+$0x50A0];
	v26 =	vadd.f32 v26, v29;
	v29 =	vshll.u32 v16, $0x10;
	v16 =	vadd.f32 v16, v25  }
0xe3: {  	v19 =	vadd.f32 v22, v19;
	v22 =	vshll.u32 v30, $0x10;
	v15 =	vadd.f32 v18, v15;
	v18 =	vld [tilespmem:s12+$0x51A0]  }
0xe4: {  	v25 =	vld [tilespmem:s12+$0x5030];
	v23 =	vadd.f32 v29, v23;
	v30 =	vadd.f32 v27, v30;
	v27 =	vshll.u32 v27, $0x10  }
0xe5: {  	v29 =	vld [tilespmem:s12+$0x50B0];
	v5 =	vadd.f32 v19, v5;
	v19 =	vadd.f32 v27, v22  }
0xe6: {  	v6 =	vadd.f32 v26, v6;
	v22 =	vshll.u32 v28, $0x10;
	v27 =	vld [tilespmem:s12+$0x51B0];
	v16 =	vadd.f32 v30, v16  }
0xe7: {  	v20 =	vld [tilespmem:s12+$0x5130];
	v60 =	vshll.u32 v21, $0x10;
	v21 =	vadd.f32 v21, v28;
	v19 =	vadd.f32 v19, v23  }
0xe8: {  	v62 =	vld [tilespmem:s12+$0x5060];
	v22 =	vadd.f32 v60, v22;
	v26 =	vshll.u32 v18, $0x10;
	v18 =	vadd.f32 v18, v24  }
0xe9: {  	v28 =	vld [tilespmem:s12+$0x5040];
	v23 =	vshll.u32 v24, $0x10;
	v8 =	vadd.f32 v16, v8;
	v7 =	vadd.f32 v19, v7  }
0xea: {  	v24 =	vld [tilespmem:s12+$0x5140];
	v19 =	vadd.f32 v26, v23;
	v23 =	vshll.u32 v25, $0x10;
	v25 =	vadd.f32 v29, v25  }
0xeb: {  	v26 =	vld [tilespmem:s12+$0x51C0];
	v18 =	vadd.f32 v18, v21;
	v21 =	vshll.u32 v29, $0x10;
	v16 =	vshll.u32 v27, $0x10  }
0xec: {  	v29 =	vld [tilespmem:s12+$0x5050];
	v19 =	vadd.f32 v19, v22;
	v22 =	vshll.u32 v20, $0x10;
	v21 =	vadd.f32 v21, v23  }
0xed: {  	v23 =	vld [tilespmem:s12+$0x50D0];
	v20 =	vadd.f32 v27, v20;
	v16 =	vadd.f32 v16, v22  }
0xee: {  	v27 =	vld [tilespmem:s12+$0x5150];
	v10 =	vadd.f32 v18, v10;
	v9 =	vadd.f32 v19, v9;
	v19 =	vshll.u32 v28, $0x10  }
0xef: {  	v22 =	vld [tilespmem:s12+$0x51D0];
	v20 =	vadd.f32 v20, v25;
	v25 =	vshll.u32 v61, $0x10;
	v28 =	vadd.f32 v61, v28  }
0xf0: {  	v16 =	vadd.f32 v16, v21;
	v19 =	vadd.f32 v25, v19;
	v25 =	vld [tilespmem:s12+$0x50E0]  }
0xf1: {  	v21 =	vshll.u32 v24, $0x10;
	v18 =	vshll.u32 v26, $0x10;
	v24 =	vadd.f32 v26, v24;
	v26 =	vld [tilespmem:s12+$0x5160]  }
0xf2: {  	s13 =	simm.s32 @!p0 $0x20;
	s14 =	simm.s32 @!p0 $0x5000;
	v11 =	vadd.f32 v16, v11;
	v16 =	vadd.f32 v18, v21;
	v21 =	vld [tilespmem:s12+$0x51E0];
	s12 =	sadd.s32 @!p0 $0x120, s10  }
0xf3: {  	v3 =	vadd.f32 v20, v3;
	[tilespmem:s14], [sflag:$0x2] =	stream.indirect.gather @!p0 [hbm4b:s3+s13], $0x80, s12, s13, $0xb8;
	[tilespmem:$0x14000] =	vst v63  }
0xf4: {  	v24 =	vadd.f32 v24, v28;
	v28 =	vshll.u32 v23, $0x10;
	v16 =	vadd.f32 v16, v19;
	_ =	swait.ge [sflag:s25], $0x1000  }
0xf5: {  	v23 =	vadd.f32 v23, v29;
	v20 =	vshll.u32 v22, $0x10;
	v22 =	vadd.f32 v22, v27;
	[sflag:s25] =	ssyncset.done $0x0  }
0xf6: {  	v2 =	vadd.f32 v17, v2;
	s14 =	simm.s32 $0x0;
	v19 =	vshll.u32 v27, $0x10;
	v4 =	vadd.f32 v16, v4;
	[sflag:s25] =	ssyncadd.s32 $0xFFFFF000  }
0xf7: {  	v18 =	vshll.u32 v29, $0x10;
	v16 =	vadd.f32 v20, v19;
	v20 =	vadd.f32 v22, v23;
	v23 =	vld [tilespmem:s14+$0x6070]  }
0xf8: {  	v18 =	vadd.f32 v28, v18;
	v19 =	vshll.u32 v62, $0x10;
	v22 =	vshll.u32 v25, $0x10;
	v27 =	vld [tilespmem:s14+$0x60F0]  }
0xf9: {  	v25 =	vadd.f32 v25, v62;
	v19 =	vadd.f32 v22, v19;
	v22 =	vshll.u32 v21, $0x10;
	v29 =	vld [tilespmem:s14+$0x6090]  }
0xfa: {  	v21 =	vadd.f32 v21, v26;
	v16 =	vadd.f32 v16, v18;
	v18 =	vshll.u32 v26, $0x10;
	v26 =	vld [tilespmem:s14+$0x6170]  }
0xfb: {  	v14 =	vadd.f32 v24, v14;
	v18 =	vadd.f32 v22, v18;
	v22 =	vld [tilespmem:s14+$0x61F0]  }
0xfc: {  	v12 =	vadd.f32 v16, v12;
	v16 =	vadd.f32 v21, v25;
	v21 =	vld [tilespmem:s14+$0x6000]  }
0xfd: {  	v13 =	vadd.f32 v20, v13;
	v18 =	vadd.f32 v18, v19;
	v19 =	vld [tilespmem:s14+$0x6080]  }
0xfe: {  	v1 =	vadd.f32 v16, v1;
	v16 =	vld [tilespmem:s14+$0x6100];
	v17 =	vadd.f32 v27, v23  }
0xff: {  	v20 =	vshll.u32 v23, $0x10;
	v24 =	vshll.u32 v27, $0x10;
	v0 =	vadd.f32 v18, v0;
	v18 =	vld [tilespmem:s14+$0x6180]  }
0x100: {  	v23 =	vld [tilespmem:s14+$0x6010];
	v25 =	vshll.u32 v26, $0x10;
	v20 =	vadd.f32 v24, v20;
	v27 =	vshll.u32 v22, $0x10  }
0x101: {  	v22 =	vadd.f32 v22, v26;
	v24 =	vadd.f32 v27, v25  }
0x102: {  	v28 =	vshll.u32 v21, $0x10;
	v25 =	vshll.u32 v19, $0x10;
	v19 =	vadd.f32 v19, v21;
	v21 =	vld [tilespmem:s14+$0x6110]  }
0x103: {  	v27 =	vld [tilespmem:s14+$0x6190];
	v26 =	vshll.u32 v16, $0x10;
	v25 =	vadd.f32 v25, v28;
	v20 =	vadd.f32 v24, v20  }
0x104: {  	v28 =	vld [tilespmem:s14+$0x6020];
	v24 =	vshll.u32 v18, $0x10;
	v18 =	vadd.f32 v18, v16;
	v16 =	vadd.f32 v22, v17  }
0x105: {  	v22 =	vshll.u32 v23, $0x10;
	v23 =	vadd.f32 v29, v23;
	v17 =	vadd.f32 v24, v26;
	v24 =	vld [tilespmem:s14+$0x60A0]  }
0x106: {  	v15 =	vadd.f32 v20, v15;
	v26 =	vld [tilespmem:s14+$0x61A0];
	v18 =	vadd.f32 v18, v19;
	v19 =	vshll.u32 v29, $0x10  }
0x107: {  	v20 =	vld [tilespmem:s14+$0x6120];
	v17 =	vadd.f32 v17, v25;
	v25 =	vshll.u32 v21, $0x10;
	v19 =	vadd.f32 v19, v22  }
0x108: {  	v22 =	vshll.u32 v27, $0x10;
	v21 =	vadd.f32 v27, v21;
	v27 =	vld [tilespmem:s14+$0x6030];
	v6 =	vadd.f32 v18, v6  }
0x109: {  	v5 =	vadd.f32 v17, v5;
	v17 =	vadd.f32 v22, v25;
	v22 =	vshll.u32 v28, $0x10;
	v25 =	vld [tilespmem:s14+$0x60B0]  }
0x10a: {  	v21 =	vadd.f32 v21, v23;
	v23 =	vshll.u32 v24, $0x10;
	v24 =	vadd.f32 v24, v28;
	v28 =	vld [tilespmem:s14+$0x6130]  }
0x10b: {  	v18 =	vshll.u32 v26, $0x10;
	v17 =	vadd.f32 v17, v19;
	v22 =	vadd.f32 v23, v22;
	v23 =	vld [tilespmem:s14+$0x61B0]  }
0x10c: {  	v19 =	vshll.u32 v20, $0x10;
	v20 =	vadd.f32 v26, v20;
	v26 =	vld [tilespmem:s14+$0x6040];
	v8 =	vadd.f32 v21, v8  }
0x10d: {  	v7 =	vadd.f32 v17, v7;
	v17 =	vadd.f32 v18, v19;
	v18 =	vshll.u32 v27, $0x10;
	v19 =	vld [tilespmem:s14+$0x60C0]  }
0x10e: {  	v20 =	vadd.f32 v20, v24;
	v24 =	vshll.u32 v25, $0x10;
	v25 =	vadd.f32 v25, v27;
	v27 =	vld [tilespmem:s14+$0x6140]  }
0x10f: {  	v17 =	vadd.f32 v17, v22;
	v22 =	vshll.u32 v28, $0x10;
	v18 =	vadd.f32 v24, v18;
	v24 =	vld [tilespmem:s14+$0x61C0]  }
0x110: {  	v10 =	vadd.f32 v20, v10;
	v21 =	vshll.u32 v23, $0x10;
	v23 =	vadd.f32 v23, v28;
	v28 =	vld [tilespmem:s14+$0x6050]  }
0x111: {  	v9 =	vadd.f32 v17, v9;
	v17 =	vadd.f32 v21, v22;
	v21 =	vshll.u32 v26, $0x10;
	v22 =	vld [tilespmem:s14+$0x60D0]  }
0x112: {  	v23 =	vadd.f32 v23, v25;
	v25 =	vshll.u32 v19, $0x10;
	v19 =	vadd.f32 v19, v26;
	v26 =	vld [tilespmem:s14+$0x6150]  }
0x113: {  	v29 =	vld [tilespmem:s14+$0x61D0];
	v17 =	vadd.f32 v17, v18;
	v18 =	vshll.u32 v27, $0x10;
	v25 =	vadd.f32 v25, v21  }
0x114: {  	v20 =	vshll.u32 v24, $0x10;
	v21 =	vadd.f32 v24, v27;
	v24 =	vld [tilespmem:s14+$0x6060];
	v3 =	vadd.f32 v23, v3  }
0x115: {  	v27 =	vld [tilespmem:s14+$0x60E0];
	v11 =	vadd.f32 v17, v11;
	v18 =	vadd.f32 v20, v18  }
0x116: {  	v20 =	vshll.u32 v28, $0x10;
	v17 =	vadd.f32 v21, v19;
	v19 =	vshll.u32 v22, $0x10;
	v21 =	vld [tilespmem:s14+$0x6160]  }
0x117: {  	v28 =	vadd.f32 v22, v28;
	v22 =	vld [tilespmem:s14+$0x61E0];
	v18 =	vadd.f32 v18, v25;
	v25 =	vshll.u32 v26, $0x10  }
0x118: {  	s12 =	simm.s32 $0x200;
	v63 =	vadd.f32 v19, v20;
	v20 =	vshll.u32 v29, $0x10;
	v23 =	vadd.f32 v29, v26  }
0x119: {  	v19 =	vld [tilespmem:s12+$0x6070];
	v25 =	vadd.f32 v20, v25;
	v4 =	vadd.f32 v18, v4;
	v29 =	vshll.u32 v24, $0x10  }
0x11a: {  	v20 =	vld [tilespmem:s12+$0x60F0];
	v23 =	vadd.f32 v23, v28;
	v28 =	vshll.u32 v27, $0x10;
	v24 =	vadd.f32 v27, v24  }
0x11b: {  	s13 =	simm.s32 $0x1000;
	v18 =	vld [tilespmem:s12+$0x6170];
	v26 =	vadd.f32 v25, v63;
	v25 =	vadd.f32 v28, v29;
	v27 =	vshll.u32 v21, $0x10  }
.LBB2_7:
0x11c: {  	p1 =	sne.s32 s13, $0x3800;
	v28 =	vld [tilespmem:s12+$0x61F0];
	v14 =	vadd.f32 v17, v14;
	v17 =	vshll.u32 v22, $0x10;
	v21 =	vadd.f32 v22, v21  }
0x11d: {  	v22 =	vld [tilespmem:s12+$0x6000];
	v12 =	vadd.f32 v26, v12;
	v17 =	vadd.f32 v17, v27  }
0x11e: {  	v13 =	vadd.f32 v23, v13;
	v26 =	vld [tilespmem:s12+$0x6080];
	v21 =	vadd.f32 v21, v24  }
0x11f: {  	v23 =	vld [tilespmem:s12+$0x6100];
	v24 =	vadd.f32 v20, v19;
	v17 =	vadd.f32 v17, v25  }
0x120: {  	v2 =	vadd.f32 v16, v2;
	v19 =	vshll.u32 v19, $0x10;
	v25 =	vld [tilespmem:s12+$0x6180];
	v1 =	vadd.f32 v21, v1  }
0x121: {  	v16 =	vshll.u32 v20, $0x10;
	v20 =	vshll.u32 v18, $0x10;
	v21 =	vld [tilespmem:s12+$0x6010];
	v27 =	vshll.u32 v28, $0x10  }
0x122: {  	v16 =	vadd.f32 v16, v19;
	v29 =	vshll.u32 v22, $0x10;
	v30 =	vld [tilespmem:s12+$0x6090];
	v19 =	vadd.f32 v27, v20  }
0x123: {  	v18 =	vadd.f32 v28, v18;
	v20 =	vshll.u32 v26, $0x10;
	v22 =	vadd.f32 v26, v22;
	v26 =	vld [tilespmem:s12+$0x6110]  }
0x124: {  	v27 =	vshll.u32 v23, $0x10;
	v20 =	vadd.f32 v20, v29;
	v28 =	vld [tilespmem:s12+$0x6190];
	v19 =	vadd.f32 v19, v16  }
0x125: {  	v16 =	vadd.f32 v18, v24;
	v29 =	vshll.u32 v25, $0x10;
	v23 =	vadd.f32 v25, v23;
	v25 =	vld [tilespmem:s12+$0x6020]  }
0x126: {  	v18 =	vadd.f32 v29, v27;
	v24 =	vshll.u32 v21, $0x10;
	v27 =	vld [tilespmem:s12+$0x60A0];
	v15 =	vadd.f32 v19, v15  }
0x127: {  	v19 =	vadd.f32 v23, v22;
	v22 =	vshll.u32 v30, $0x10;
	v21 =	vadd.f32 v30, v21;
	v23 =	vld [tilespmem:s12+$0x6120]  }
0x128: {  	v18 =	vadd.f32 v18, v20;
	v20 =	vshll.u32 v26, $0x10;
	v22 =	vadd.f32 v22, v24;
	v24 =	vld [tilespmem:s12+$0x61A0]  }
0x129: {  	v0 =	vadd.f32 v17, v0;
	v29 =	vshll.u32 v28, $0x10;
	v26 =	vadd.f32 v28, v26;
	v28 =	vld [tilespmem:s12+$0x6030]  }
0x12a: {  	v5 =	vadd.f32 v18, v5;
	v17 =	vadd.f32 v29, v20;
	v18 =	vshll.u32 v25, $0x10;
	v20 =	vld [tilespmem:s12+$0x60B0]  }
0x12b: {  	v21 =	vadd.f32 v26, v21;
	v26 =	vshll.u32 v27, $0x10;
	v25 =	vadd.f32 v27, v25;
	v27 =	vld [tilespmem:s12+$0x6130]  }
0x12c: {  	v17 =	vadd.f32 v17, v22;
	v22 =	vshll.u32 v23, $0x10;
	v18 =	vadd.f32 v26, v18;
	v26 =	vld [tilespmem:s12+$0x61B0]  }
0x12d: {  	v6 =	vadd.f32 v19, v6;
	v19 =	vshll.u32 v24, $0x10;
	v23 =	vadd.f32 v24, v23;
	v24 =	vld [tilespmem:s12+$0x6040]  }
0x12e: {  	v7 =	vadd.f32 v17, v7;
	v17 =	vadd.f32 v19, v22;
	v19 =	vshll.u32 v28, $0x10;
	v22 =	vld [tilespmem:s12+$0x60C0]  }
0x12f: {  	v23 =	vadd.f32 v23, v25;
	v25 =	vshll.u32 v20, $0x10;
	v20 =	vadd.f32 v20, v28;
	v28 =	vld [tilespmem:s12+$0x6140]  }
0x130: {  	v17 =	vadd.f32 v17, v18;
	v18 =	vshll.u32 v27, $0x10;
	v19 =	vadd.f32 v25, v19;
	v25 =	vld [tilespmem:s12+$0x61C0]  }
0x131: {  	v8 =	vadd.f32 v21, v8;
	v21 =	vshll.u32 v26, $0x10;
	v26 =	vadd.f32 v26, v27;
	v27 =	vld [tilespmem:s12+$0x6050]  }
0x132: {  	v9 =	vadd.f32 v17, v9;
	v17 =	vadd.f32 v21, v18;
	v18 =	vshll.u32 v24, $0x10;
	v21 =	vld [tilespmem:s12+$0x60D0]  }
0x133: {  	v20 =	vadd.f32 v26, v20;
	v26 =	vshll.u32 v22, $0x10;
	v22 =	vadd.f32 v22, v24;
	v24 =	vld [tilespmem:s12+$0x6150]  }
0x134: {  	v17 =	vadd.f32 v17, v19;
	v19 =	vshll.u32 v28, $0x10;
	v18 =	vadd.f32 v26, v18;
	v26 =	vld [tilespmem:s12+$0x61D0]  }
0x135: {  	v10 =	vadd.f32 v23, v10;
	v23 =	vshll.u32 v25, $0x10;
	v25 =	vadd.f32 v25, v28;
	v28 =	vld [tilespmem:s12+$0x6060]  }
0x136: {  	v11 =	vadd.f32 v17, v11;
	v19 =	vadd.f32 v23, v19;
	v23 =	vshll.u32 v27, $0x10;
	v29 =	vld [tilespmem:s12+$0x60E0]  }
0x137: {  	v17 =	vadd.f32 v25, v22;
	v22 =	vshll.u32 v21, $0x10;
	v25 =	vadd.f32 v21, v27;
	v21 =	vld [tilespmem:s12+$0x6160]  }
.Ltmp2:
0x138: {  	v18 =	vadd.f32 v19, v18;
	v27 =	vshll.u32 v24, $0x10;
	v30 =	vadd.f32 v22, v23;
	v22 =	vld [tilespmem:s12+$0x61E0];
	(pc) =	sbr.rel @p1 .LBB2_7-.Ltmp2, $4  }
0x139: {  	v3 =	vadd.f32 v20, v3;
	s12 =	sshra.s32 s13, $0x2;
	v20 =	vshll.u32 v26, $0x10;
	v23 =	vadd.f32 v26, v24  }
0x13a: {  	v19 =	vld [tilespmem:s12+$0x6070];
	v4 =	vadd.f32 v18, v4;
	v26 =	vadd.f32 v20, v27;
	v31 =	vshll.u32 v28, $0x10  }
0x13b: {  	v20 =	vld [tilespmem:s12+$0x60F0];
	v23 =	vadd.f32 v23, v25;
	v25 =	vshll.u32 v29, $0x10;
	v24 =	vadd.f32 v29, v28  }
0x13c: {  	s13 =	sadd.s32 $0x800, s13;
	v18 =	vld [tilespmem:s12+$0x6170];
	v26 =	vadd.f32 v26, v30;
	v27 =	vshll.u32 v21, $0x10;
	v25 =	vadd.f32 v25, v31  }
0x13d: {  	v28 =	vld [tilespmem:s12+$0x61F0]  }
0x13e: {  	v29 =	vld [tilespmem:s12+$0x6000];
	v14 =	vadd.f32 v17, v14;
	v21 =	vadd.f32 v22, v21  }
0x13f: {  	v17 =	vshll.u32 v22, $0x10;
	v22 =	vld [tilespmem:s12+$0x6080];
	v16 =	vadd.f32 v16, v2;
	v12 =	vadd.f32 v26, v12  }
0x140: {  	v30 =	vld [tilespmem:s12+$0x6110];
	v26 =	vadd.f32 v17, v27;
	v17 =	vadd.f32 v23, v13  }
0x141: {  	v27 =	vld [tilespmem:s12+$0x6100];
	v13 =	vadd.f32 v21, v24;
	v23 =	vadd.f32 v20, v19  }
0x142: {  	v21 =	vld [tilespmem:s12+$0x6180];
	v24 =	vadd.f32 v26, v25;
	v19 =	vshll.u32 v19, $0x10;
	v2 =	vshll.u32 v20, $0x10  }
0x143: {  	v25 =	vld [tilespmem:s12+$0x6010];
	v1 =	vadd.f32 v13, v1;
	v20 =	vshll.u32 v18, $0x10;
	v2 =	vadd.f32 v2, v19  }
0x144: {  	v13 =	vld [tilespmem:s12+$0x6090];
	v26 =	vshll.u32 v28, $0x10;
	v19 =	vshll.u32 v29, $0x10;
	v29 =	vadd.f32 v22, v29  }
0x145: {  	v58 =	vld [tilespmem:s12+$0x6130];
	v22 =	vshll.u32 v22, $0x10;
	v18 =	vadd.f32 v28, v18;
	v24 =	vadd.f32 v24, v0  }
0x146: {  	v20 =	vadd.f32 v26, v20;
	v26 =	vld [tilespmem:s12+$0x6190];
	v19 =	vadd.f32 v22, v19;
	v22 =	vshll.u32 v27, $0x10  }
0x147: {  	v28 =	vld [tilespmem:s12+$0x6020];
	v27 =	vadd.f32 v21, v27;
	v21 =	vshll.u32 v21, $0x10;
	v31 =	vadd.f32 v18, v23  }
0x148: {  	v2 =	vadd.f32 v20, v2;
	v20 =	vld [tilespmem:s12+$0x60A0];
	v18 =	vadd.f32 v21, v22;
	v21 =	vshll.u32 v25, $0x10  }
0x149: {  	v23 =	vld [tilespmem:s12+$0x6120];
	v22 =	vadd.f32 v27, v29;
	v27 =	vshll.u32 v13, $0x10;
	v13 =	vadd.f32 v13, v25  }
0x14a: {  	v2 =	vadd.f32 v2, v15;
	v15 =	vld [tilespmem:s12+$0x61A0];
	v18 =	vadd.f32 v18, v19;
	v19 =	vshll.u32 v30, $0x10  }
0x14b: {  	v25 =	vld [tilespmem:s12+$0x6030];
	v21 =	vadd.f32 v27, v21;
	v29 =	vadd.f32 v26, v30;
	v26 =	vshll.u32 v26, $0x10  }
0x14c: {  	v27 =	vld [tilespmem:s12+$0x60B0];
	v0 =	vadd.f32 v18, v5;
	v5 =	vadd.f32 v26, v19;
	v18 =	vshll.u32 v28, $0x10  }
0x14d: {  	v32 =	vld [tilespmem:s12+$0x60D0];
	v13 =	vadd.f32 v29, v13;
	v19 =	vshll.u32 v20, $0x10;
	v20 =	vadd.f32 v20, v28  }
0x14e: {  	v26 =	vld [tilespmem:s12+$0x61B0];
	v5 =	vadd.f32 v5, v21;
	v21 =	vshll.u32 v23, $0x10;
	v19 =	vadd.f32 v19, v18  }
0x14f: {  	v28 =	vld [tilespmem:s12+$0x6040];
	v18 =	vadd.f32 v22, v6;
	v6 =	vshll.u32 v15, $0x10;
	v15 =	vadd.f32 v15, v23  }
0x150: {  	v29 =	vld [tilespmem:s12+$0x60C0];
	v7 =	vadd.f32 v5, v7;
	v5 =	vadd.f32 v6, v21;
	v6 =	vshll.u32 v25, $0x10  }
0x151: {  	v59 =	vld [tilespmem:s12+$0x6160];
	v21 =	vadd.f32 v27, v25;
	v15 =	vadd.f32 v15, v20;
	v20 =	vshll.u32 v27, $0x10  }
0x152: {  	v22 =	vld [tilespmem:s12+$0x6140];
	v27 =	vshll.u32 v58, $0x10;
	v5 =	vadd.f32 v5, v19;
	v6 =	vadd.f32 v20, v6  }
0x153: {  	v23 =	vld [tilespmem:s12+$0x61C0];
	v19 =	vadd.f32 v13, v8;
	v8 =	vshll.u32 v26, $0x10;
	v13 =	vadd.f32 v26, v58  }
0x154: {  	v25 =	vld [tilespmem:s12+$0x6050];
	v20 =	vadd.f32 v5, v9;
	v5 =	vadd.f32 v8, v27  }
0x155: {  	v26 =	vld [tilespmem:s12+$0x6150];
	v8 =	vshll.u32 v28, $0x10;
	v13 =	vadd.f32 v13, v21;
	v21 =	vshll.u32 v29, $0x10  }
0x156: {  	v9 =	vld [tilespmem:s12+$0x61D0];
	v27 =	vadd.f32 v29, v28;
	v8 =	vadd.f32 v21, v8  }
0x157: {  	v28 =	vld [tilespmem:s12+$0x6060];
	v21 =	vadd.f32 v15, v10;
	v5 =	vadd.f32 v5, v6  }
0x158: {  	v29 =	vld [tilespmem:s12+$0x60E0];
	v10 =	vshll.u32 v23, $0x10;
	v15 =	vadd.f32 v23, v22;
	v6 =	vshll.u32 v22, $0x10  }
0x159: {  	s13 =	simm.s32 @!p0 $0x20;
	s14 =	simm.s32 @!p0 $0x6000;
	v22 =	vadd.f32 v5, v11;
	v5 =	vadd.f32 v10, v6;
	v10 =	vld [tilespmem:s12+$0x61E0];
	s12 =	sadd.s32 @!p0 $0x140, s10  }
0x15a: {  	v3 =	vadd.f32 v13, v3;
	v6 =	vshll.u32 v25, $0x10;
	[tilespmem:s14], [sflag:$0x3] =	stream.indirect.gather @!p0 [hbm4b:s3+s13], $0x80, s12, s13, $0xb8;
	[tilespmem:$0x14000] =	vst v63  }
0x15b: {  	v25 =	vadd.f32 v32, v25;
	v13 =	vshll.u32 v9, $0x10;
	v9 =	vadd.f32 v9, v26;
	_ =	swait.ge [sflag:s26], $0x1000  }
0x15c: {  	v11 =	vadd.f32 v15, v27;
	v15 =	vshll.u32 v32, $0x10;
	v5 =	vadd.f32 v5, v8;
	[sflag:s26] =	ssyncset.done $0x0  }
0x15d: {  	v6 =	vadd.f32 v15, v6;
	s14 =	simm.s32 $0x0;
	v9 =	vadd.f32 v9, v25;
	[sflag:s26] =	ssyncadd.s32 $0xFFFFF000  }
0x15e: {  	v8 =	vshll.u32 v26, $0x10;
	v25 =	vadd.f32 v29, v28;
	v23 =	vadd.f32 v5, v4;
	v15 =	vld [tilespmem:s14+$0x7070]  }
0x15f: {  	v4 =	vadd.f32 v13, v8;
	v5 =	vshll.u32 v28, $0x10;
	v8 =	vshll.u32 v29, $0x10;
	v26 =	vld [tilespmem:s14+$0x70F0]  }
0x160: {  	v13 =	vadd.f32 v11, v14;
	v5 =	vadd.f32 v8, v5;
	v8 =	vshll.u32 v10, $0x10;
	v27 =	vld [tilespmem:s14+$0x7170]  }
0x161: {  	v10 =	vadd.f32 v10, v59;
	v11 =	vld [tilespmem:s14+$0x71F0];
	v4 =	vadd.f32 v4, v6;
	v6 =	vshll.u32 v59, $0x10  }
0x162: {  	v9 =	vadd.f32 v9, v17;
	v14 =	vld [tilespmem:s14+$0x7080];
	v6 =	vadd.f32 v8, v6  }
0x163: {  	v17 =	vld [tilespmem:s14+$0x7010];
	v8 =	vadd.f32 v4, v12;
	v4 =	vadd.f32 v10, v25  }
0x164: {  	v10 =	vld [tilespmem:s14+$0x7000];
	v12 =	vadd.f32 v6, v5  }
0x165: {  	v6 =	vadd.f32 v31, v16;
	v16 =	vld [tilespmem:s14+$0x7180];
	v5 =	vadd.f32 v4, v1;
	v25 =	vshll.u32 v27, $0x10  }
0x166: {  	v4 =	vld [tilespmem:s14+$0x7100];
	v1 =	vadd.f32 v12, v24;
	v12 =	vadd.f32 v26, v15;
	v15 =	vshll.u32 v15, $0x10  }
0x167: {  	v29 =	vld [tilespmem:s14+$0x7090];
	v24 =	vshll.u32 v26, $0x10;
	v26 =	vshll.u32 v11, $0x10;
	v11 =	vadd.f32 v11, v27  }
0x168: {  	v15 =	vadd.f32 v24, v15;
	v24 =	vadd.f32 v26, v25  }
0x169: {  	v25 =	vshll.u32 v14, $0x10;
	v28 =	vshll.u32 v10, $0x10;
	v10 =	vadd.f32 v14, v10;
	v14 =	vld [tilespmem:s14+$0x7110]  }
0x16a: {  	v27 =	vld [tilespmem:s14+$0x7190];
	v25 =	vadd.f32 v25, v28;
	v15 =	vadd.f32 v24, v15;
	v24 =	vshll.u32 v16, $0x10  }
0x16b: {  	v28 =	vld [tilespmem:s14+$0x7020];
	v26 =	vshll.u32 v4, $0x10;
	v4 =	vadd.f32 v16, v4;
	v16 =	vadd.f32 v11, v12  }
0x16c: {  	v12 =	vshll.u32 v17, $0x10;
	v17 =	vadd.f32 v29, v17;
	v11 =	vadd.f32 v24, v26;
	v24 =	vld [tilespmem:s14+$0x70A0]  }
0x16d: {  	v15 =	vadd.f32 v15, v2;
	v26 =	vld [tilespmem:s14+$0x7120];
	v2 =	vadd.f32 v4, v10  }
0x16e: {  	v4 =	vshll.u32 v29, $0x10;
	v10 =	vadd.f32 v11, v25;
	v11 =	vshll.u32 v14, $0x10;
	v25 =	vld [tilespmem:s14+$0x71A0]  }
0x16f: {  	v4 =	vadd.f32 v4, v12;
	v12 =	vshll.u32 v27, $0x10;
	v14 =	vadd.f32 v27, v14;
	v27 =	vld [tilespmem:s14+$0x7030]  }
0x170: {  	v29 =	vld [tilespmem:s14+$0x70B0];
	v10 =	vadd.f32 v10, v0;
	v0 =	vadd.f32 v12, v11;
	v11 =	vshll.u32 v28, $0x10  }
0x171: {  	v14 =	vadd.f32 v14, v17;
	v12 =	vshll.u32 v24, $0x10;
	v17 =	vadd.f32 v24, v28;
	v24 =	vld [tilespmem:s14+$0x7130]  }
0x172: {  	v60 =	vld [tilespmem:s14+$0x71B0];
	v0 =	vadd.f32 v0, v4;
	v4 =	vshll.u32 v26, $0x10;
	v28 =	vadd.f32 v12, v11  }
0x173: {  	v11 =	vadd.f32 v2, v18;
	v2 =	vshll.u32 v25, $0x10;
	v18 =	vadd.f32 v25, v26;
	v25 =	vld [tilespmem:s14+$0x7040]  }
0x174: {  	v12 =	vadd.f32 v0, v7;
	v0 =	vadd.f32 v2, v4;
	v2 =	vshll.u32 v27, $0x10;
	v4 =	vld [tilespmem:s14+$0x70C0]  }
0x175: {  	v26 =	vld [tilespmem:s14+$0x7140];
	v7 =	vadd.f32 v18, v17;
	v17 =	vshll.u32 v29, $0x10;
	v18 =	vadd.f32 v29, v27  }
0x176: {  	v27 =	vadd.f32 v0, v28;
	v28 =	vshll.u32 v24, $0x10;
	v2 =	vadd.f32 v17, v2;
	v17 =	vld [tilespmem:s14+$0x71C0]  }
0x177: {  	v61 =	vld [tilespmem:s14+$0x71D0];
	v0 =	vadd.f32 v14, v19;
	v19 =	vshll.u32 v60, $0x10;
	v24 =	vadd.f32 v60, v24  }
0x178: {  	v29 =	vld [tilespmem:s14+$0x7050];
	v19 =	vadd.f32 v19, v28;
	v14 =	vadd.f32 v27, v20;
	v20 =	vshll.u32 v25, $0x10  }
0x179: {  	v27 =	vld [tilespmem:s14+$0x70D0];
	v18 =	vadd.f32 v24, v18;
	v24 =	vshll.u32 v4, $0x10;
	v25 =	vadd.f32 v4, v25  }
0x17a: {  	v28 =	vld [tilespmem:s14+$0x7150];
	v4 =	vadd.f32 v19, v2;
	v19 =	vshll.u32 v26, $0x10;
	v2 =	vadd.f32 v7, v21  }
0x17b: {  	v24 =	vadd.f32 v24, v20;
	v7 =	vshll.u32 v17, $0x10;
	v17 =	vadd.f32 v17, v26;
	v26 =	vld [tilespmem:s14+$0x7060]  }
0x17c: {  	v62 =	vld [tilespmem:s14+$0x70E0];
	v3 =	vadd.f32 v18, v3;
	v18 =	vshll.u32 v61, $0x10;
	v7 =	vadd.f32 v7, v19  }
0x17d: {  	v21 =	vld [tilespmem:s14+$0x7160];
	v4 =	vadd.f32 v4, v22;
	v19 =	vshll.u32 v29, $0x10;
	v20 =	vadd.f32 v17, v25  }
0x17e: {  	v22 =	vld [tilespmem:s14+$0x71E0];
	v17 =	vshll.u32 v27, $0x10;
	v25 =	vadd.f32 v27, v29;
	v7 =	vadd.f32 v7, v24  }
0x17f: {  	s12 =	simm.s32 $0x200;
	v24 =	vshll.u32 v28, $0x10;
	v27 =	vadd.f32 v17, v19;
	v28 =	vadd.f32 v61, v28  }
0x180: {  	v17 =	vld [tilespmem:s12+$0x7070];
	v29 =	vadd.f32 v18, v24;
	v7 =	vadd.f32 v7, v23;
	v63 =	vshll.u32 v26, $0x10  }
0x181: {  	v19 =	vld [tilespmem:s12+$0x70F0];
	v23 =	vadd.f32 v28, v25;
	v25 =	vshll.u32 v62, $0x10;
	v24 =	vadd.f32 v62, v26  }
0x182: {  	s13 =	simm.s32 $0x1000;
	v18 =	vld [tilespmem:s12+$0x7170];
	v26 =	vadd.f32 v29, v27;
	v27 =	vshll.u32 v21, $0x10;
	v25 =	vadd.f32 v25, v63  }
.LBB2_9:
0x183: {  	p1 =	sne.s32 s13, $0x3800;
	v28 =	vld [tilespmem:s12+$0x71F0];
	v13 =	vadd.f32 v20, v13;
	v20 =	vshll.u32 v22, $0x10;
	v21 =	vadd.f32 v22, v21  }
0x184: {  	v22 =	vld [tilespmem:s12+$0x7000];
	v8 =	vadd.f32 v26, v8;
	v20 =	vadd.f32 v20, v27  }
0x185: {  	v9 =	vadd.f32 v23, v9;
	v26 =	vld [tilespmem:s12+$0x7080];
	v21 =	vadd.f32 v21, v24  }
0x186: {  	v23 =	vld [tilespmem:s12+$0x7100];
	v24 =	vadd.f32 v19, v17;
	v20 =	vadd.f32 v20, v25  }
0x187: {  	v6 =	vadd.f32 v16, v6;
	v17 =	vshll.u32 v17, $0x10;
	v25 =	vld [tilespmem:s12+$0x7180];
	v5 =	vadd.f32 v21, v5  }
0x188: {  	v16 =	vshll.u32 v19, $0x10;
	v19 =	vshll.u32 v18, $0x10;
	v21 =	vld [tilespmem:s12+$0x7010];
	v27 =	vshll.u32 v28, $0x10  }
0x189: {  	v16 =	vadd.f32 v16, v17;
	v29 =	vshll.u32 v22, $0x10;
	v30 =	vld [tilespmem:s12+$0x7090];
	v17 =	vadd.f32 v27, v19  }
0x18a: {  	v18 =	vadd.f32 v28, v18;
	v19 =	vshll.u32 v26, $0x10;
	v22 =	vadd.f32 v26, v22;
	v26 =	vld [tilespmem:s12+$0x7110]  }
0x18b: {  	v27 =	vshll.u32 v23, $0x10;
	v19 =	vadd.f32 v19, v29;
	v28 =	vld [tilespmem:s12+$0x7190];
	v17 =	vadd.f32 v17, v16  }
0x18c: {  	v16 =	vadd.f32 v18, v24;
	v29 =	vshll.u32 v25, $0x10;
	v23 =	vadd.f32 v25, v23;
	v25 =	vld [tilespmem:s12+$0x7020]  }
0x18d: {  	v18 =	vadd.f32 v29, v27;
	v24 =	vshll.u32 v21, $0x10;
	v27 =	vld [tilespmem:s12+$0x70A0];
	v15 =	vadd.f32 v17, v15  }
0x18e: {  	v17 =	vadd.f32 v23, v22;
	v22 =	vshll.u32 v30, $0x10;
	v21 =	vadd.f32 v30, v21;
	v23 =	vld [tilespmem:s12+$0x7120]  }
0x18f: {  	v18 =	vadd.f32 v18, v19;
	v19 =	vshll.u32 v26, $0x10;
	v22 =	vadd.f32 v22, v24;
	v24 =	vld [tilespmem:s12+$0x71A0]  }
0x190: {  	v1 =	vadd.f32 v20, v1;
	v29 =	vshll.u32 v28, $0x10;
	v26 =	vadd.f32 v28, v26;
	v28 =	vld [tilespmem:s12+$0x7030]  }
0x191: {  	v10 =	vadd.f32 v18, v10;
	v18 =	vadd.f32 v29, v19;
	v19 =	vshll.u32 v25, $0x10;
	v20 =	vld [tilespmem:s12+$0x70B0]  }
0x192: {  	v21 =	vadd.f32 v26, v21;
	v26 =	vshll.u32 v27, $0x10;
	v25 =	vadd.f32 v27, v25;
	v27 =	vld [tilespmem:s12+$0x7130]  }
0x193: {  	v18 =	vadd.f32 v18, v22;
	v22 =	vshll.u32 v23, $0x10;
	v19 =	vadd.f32 v26, v19;
	v26 =	vld [tilespmem:s12+$0x71B0]  }
0x194: {  	v11 =	vadd.f32 v17, v11;
	v17 =	vshll.u32 v24, $0x10;
	v23 =	vadd.f32 v24, v23;
	v24 =	vld [tilespmem:s12+$0x7040]  }
0x195: {  	v12 =	vadd.f32 v18, v12;
	v17 =	vadd.f32 v17, v22;
	v18 =	vshll.u32 v28, $0x10;
	v22 =	vld [tilespmem:s12+$0x70C0]  }
0x196: {  	v23 =	vadd.f32 v23, v25;
	v25 =	vshll.u32 v20, $0x10;
	v20 =	vadd.f32 v20, v28;
	v28 =	vld [tilespmem:s12+$0x7140]  }
0x197: {  	v17 =	vadd.f32 v17, v19;
	v19 =	vshll.u32 v27, $0x10;
	v18 =	vadd.f32 v25, v18;
	v25 =	vld [tilespmem:s12+$0x71C0]  }
0x198: {  	v0 =	vadd.f32 v21, v0;
	v21 =	vshll.u32 v26, $0x10;
	v26 =	vadd.f32 v26, v27;
	v27 =	vld [tilespmem:s12+$0x7050]  }
0x199: {  	v14 =	vadd.f32 v17, v14;
	v17 =	vadd.f32 v21, v19;
	v19 =	vshll.u32 v24, $0x10;
	v21 =	vld [tilespmem:s12+$0x70D0]  }
0x19a: {  	v26 =	vadd.f32 v26, v20;
	v20 =	vshll.u32 v22, $0x10;
	v22 =	vadd.f32 v22, v24;
	v24 =	vld [tilespmem:s12+$0x7150]  }
0x19b: {  	v17 =	vadd.f32 v17, v18;
	v18 =	vshll.u32 v28, $0x10;
	v19 =	vadd.f32 v20, v19;
	v29 =	vld [tilespmem:s12+$0x71D0]  }
0x19c: {  	v2 =	vadd.f32 v23, v2;
	v20 =	vshll.u32 v25, $0x10;
	v23 =	vadd.f32 v25, v28;
	v25 =	vld [tilespmem:s12+$0x7060]  }
0x19d: {  	v4 =	vadd.f32 v17, v4;
	v17 =	vadd.f32 v20, v18;
	v18 =	vshll.u32 v27, $0x10;
	v28 =	vld [tilespmem:s12+$0x70E0]  }
0x19e: {  	v20 =	vadd.f32 v23, v22;
	v22 =	vshll.u32 v21, $0x10;
	v23 =	vadd.f32 v21, v27;
	v21 =	vld [tilespmem:s12+$0x7160]  }
.Ltmp3:
0x19f: {  	v19 =	vadd.f32 v17, v19;
	v27 =	vshll.u32 v24, $0x10;
	v30 =	vadd.f32 v22, v18;
	v22 =	vld [tilespmem:s12+$0x71E0];
	(pc) =	sbr.rel @p1 .LBB2_9-.Ltmp3, $4  }
0x1a0: {  	v3 =	vadd.f32 v26, v3;
	s12 =	sshra.s32 s13, $0x2;
	v18 =	vshll.u32 v29, $0x10;
	v24 =	vadd.f32 v29, v24  }
0x1a1: {  	v17 =	vld [tilespmem:s12+$0x7070];
	v7 =	vadd.f32 v19, v7;
	v26 =	vadd.f32 v18, v27;
	v29 =	vshll.u32 v25, $0x10  }
0x1a2: {  	v19 =	vld [tilespmem:s12+$0x70F0];
	v23 =	vadd.f32 v24, v23;
	v31 =	vshll.u32 v28, $0x10;
	v24 =	vadd.f32 v28, v25  }
0x1a3: {  	s13 =	sadd.s32 $0x800, s13;
	v18 =	vld [tilespmem:s12+$0x7170];
	v26 =	vadd.f32 v26, v30;
	v27 =	vshll.u32 v21, $0x10;
	v25 =	vadd.f32 v31, v29  }
0x1a4: {  	v28 =	vld [tilespmem:s12+$0x71F0]  }
0x1a5: {  	v29 =	vld [tilespmem:s12+$0x7000]  }
0x1a6: {  	v30 =	vld [tilespmem:s12+$0x7080]  }
0x1a7: {  	v31 =	vld [tilespmem:s12+$0x7100]  }
0x1a8: {  	v32 =	vld [tilespmem:s12+$0x7180]  }
0x1a9: {  	v13 =	vadd.f32 v20, v13;
	v20 =	vshll.u32 v22, $0x10;
	v21 =	vadd.f32 v22, v21;
	v22 =	vld [tilespmem:s12+$0x7010]  }
0x1aa: {  	v33 =	vld [tilespmem:s12+$0x70A0]  }
0x1ab: {  	v43 =	vld [tilespmem:s12+$0x71A0];
	v26 =	vadd.f32 v26, v8;
	v20 =	vadd.f32 v20, v27  }
0x1ac: {  	v49 =	vld [tilespmem:s12+$0x71C0];
	v8 =	vadd.f32 v23, v9;
	v21 =	vadd.f32 v21, v24  }
0x1ad: {  	v51 =	vld [tilespmem:s12+$0x70D0];
	v9 =	vadd.f32 v19, v17;
	v20 =	vadd.f32 v20, v25  }
0x1ae: {  	v56 =	vld [tilespmem:s12+$0x7160];
	v25 =	vshll.u32 v17, $0x10;
	v17 =	vadd.f32 v21, v5;
	v5 =	vadd.f32 v16, v6  }
0x1af: {  	v39 =	vld [tilespmem:s12+$0x71E0];
	v16 =	vshll.u32 v19, $0x10;
	v19 =	vshll.u32 v18, $0x10;
	v21 =	vshll.u32 v28, $0x10  }
0x1b0: {  	v27 =	vld [tilespmem:s12+$0x7090];
	v16 =	vadd.f32 v16, v25;
	v25 =	vshll.u32 v29, $0x10;
	v34 =	vshll.u32 v30, $0x10  }
0x1b1: {  	v45 =	vld [tilespmem:s12+$0x70B0];
	v29 =	vadd.f32 v30, v29;
	v18 =	vadd.f32 v28, v18;
	v28 =	vshll.u32 v31, $0x10  }
0x1b2: {  	v24 =	vld [tilespmem:s12+$0x7190];
	v44 =	vshll.u32 v32, $0x10;
	v31 =	vadd.f32 v32, v31;
	v46 =	vshll.u32 v22, $0x10  }
0x1b3: {  	v23 =	vld [tilespmem:s12+$0x7110];
	v1 =	vadd.f32 v20, v1;
	v38 =	vshll.u32 v49, $0x10;
	v58 =	vshll.u32 v51, $0x10  }
0x1b4: {  	v53 =	vld [tilespmem:s12+$0x71D0];
	v40 =	vshll.u32 v56, $0x10;
	v19 =	vadd.f32 v21, v19;
	v25 =	vadd.f32 v34, v25  }
0x1b5: {  	v6 =	vld [tilespmem:s12+$0x7020];
	v41 =	vshll.u32 v39, $0x10;
	v28 =	vadd.f32 v44, v28;
	v22 =	vadd.f32 v27, v22  }
0x1b6: {  	v48 =	vld [tilespmem:s12+$0x7040];
	v47 =	vshll.u32 v27, $0x10;
	v63 =	vadd.f32 v41, v40;
	v29 =	vadd.f32 v31, v29  }
0x1b7: {  	v54 =	vld [tilespmem:s12+$0x7060];
	v31 =	vadd.f32 v47, v46;
	v35 =	vshll.u32 v24, $0x10;
	v16 =	vadd.f32 v19, v16  }
0x1b8: {  	v21 =	vld [tilespmem:s12+$0x7120];
	v25 =	vadd.f32 v28, v25;
	v28 =	vshll.u32 v23, $0x10;
	v23 =	vadd.f32 v24, v23  }
0x1b9: {  	v60 =	vshll.u32 v53, $0x10;
	v27 =	vld [tilespmem:s12+$0x71B0];
	v24 =	vadd.f32 v35, v28;
	v11 =	vadd.f32 v29, v11  }
0x1ba: {  	v19 =	vld [tilespmem:s12+$0x7030];
	v15 =	vadd.f32 v16, v15;
	v10 =	vadd.f32 v25, v10;
	v25 =	vshll.u32 v6, $0x10  }
0x1bb: {  	v16 =	vld [tilespmem:s12+$0x7130];
	v22 =	vadd.f32 v23, v22;
	v23 =	vshll.u32 v33, $0x10;
	v6 =	vadd.f32 v33, v6  }
0x1bc: {  	v28 =	vld [tilespmem:s12+$0x7140];
	v29 =	vshll.u32 v43, $0x10;
	v24 =	vadd.f32 v24, v31;
	v23 =	vadd.f32 v23, v25  }
0x1bd: {  	v20 =	vld [tilespmem:s12+$0x70C0];
	v50 =	vshll.u32 v21, $0x10;
	v21 =	vadd.f32 v43, v21;
	v0 =	vadd.f32 v22, v0  }
0x1be: {  	v25 =	vld [tilespmem:s12+$0x7050];
	v55 =	vshll.u32 v27, $0x10;
	v12 =	vadd.f32 v24, v12;
	v24 =	vadd.f32 v29, v50  }
0x1bf: {  	v29 =	vld [tilespmem:s12+$0x7150];
	v52 =	vshll.u32 v19, $0x10;
	v6 =	vadd.f32 v21, v6;
	v21 =	vshll.u32 v45, $0x10  }
0x1c0: {  	s13 =	simm.s32 @!p0 $0x20;
	s14 =	simm.s32 @!p0 $0x7000;
	v23 =	vadd.f32 v24, v23;
	v24 =	vshll.u32 v16, $0x10;
	v16 =	vadd.f32 v27, v16;
	v27 =	vld [tilespmem:s12+$0x70E0];
	s12 =	sadd.s32 @!p0 $0x160, s10  }
0x1c1: {  	v19 =	vadd.f32 v45, v19;
	v21 =	vadd.f32 v21, v52;
	v37 =	vshll.u32 v28, $0x10;
	[tilespmem:s14], [sflag:$0x4] =	stream.indirect.gather @!p0 [hbm4b:s3+s13], $0x80, s12, s13, $0xb8;
	[tilespmem:$0x14000] =	vst v63  }
0x1c2: {  	v36 =	vshll.u32 v20, $0x10;
	v57 =	vadd.f32 v38, v37;
	v2 =	vadd.f32 v6, v2;
	s13 =	sshll.u32 s9, $0x9  }
0x1c3: {  	s11 =	sand.u32 $0x300, s11;
	v14 =	vadd.f32 v23, v14;
	v23 =	vadd.f32 v55, v24;
	v24 =	vshll.u32 v48, $0x10;
	s12 =	sand.u32 $0x7800, s13  }
0x1c4: {  	v24 =	vadd.f32 v36, v24;
	v59 =	vshll.u32 v29, $0x10;
	s11 =	sor.u32 s11, s12;
	v6 =	vadd.f32 v53, v29  }
0x1c5: {  	v61 =	vshll.u32 v54, $0x10;
	v21 =	vadd.f32 v23, v21;
	v36 =	vadd.f32 v60, v59;
	[tilespmem:s11+$0xC020] =	vst v14  }
0x1c6: {  	v23 =	vshll.u32 v25, $0x10;
	v14 =	vadd.f32 v20, v48;
	[tilespmem:s11+$0xC420] =	vst v2;
	v2 =	vadd.f32 v18, v9  }
0x1c7: {  	[tilespmem:s11+$0xC000] =	vst v10;
	v24 =	vadd.f32 v57, v24;
	v23 =	vadd.f32 v58, v23;
	v62 =	vshll.u32 v27, $0x10  }
0x1c8: {  	[tilespmem:s11+$0xC010] =	vst v12;
	v37 =	vadd.f32 v62, v61;
	v4 =	vadd.f32 v21, v4  }
0x1c9: {  	[tilespmem:s11+$0xC070] =	vst v15;
	v10 =	vadd.f32 v36, v23;
	v7 =	vadd.f32 v24, v7  }
0x1ca: {  	v12 =	vadd.f32 v63, v37;
	[tilespmem:s11+$0xC030] =	vst v4;
	v4 =	vadd.f32 v49, v28  }
0x1cb: {  	v10 =	vadd.f32 v10, v26;
	[tilespmem:s11+$0xC040] =	vst v7;
	v7 =	vadd.f32 v16, v19  }
0x1cc: {  	[tilespmem:s11+$0xC410] =	vst v0;
	v1 =	vadd.f32 v12, v1;
	v4 =	vadd.f32 v4, v14  }
0x1cd: {  	v12 =	vadd.f32 v39, v56;
	[tilespmem:s11+$0xC050] =	vst v10;
	v10 =	vadd.f32 v27, v54  }
0x1ce: {  	[tilespmem:s11+$0xC060] =	vst v1;
	v1 =	vadd.f32 v51, v25;
	v0 =	vadd.f32 v4, v13  }
0x1cf: {  	[tilespmem:s11+$0xC400] =	vst v11;
	v3 =	vadd.f32 v7, v3;
	v4 =	vadd.f32 v12, v10  }
0x1d0: {  	v1 =	vadd.f32 v6, v1;
	[tilespmem:s11+$0xC440] =	vst v0;
	v0 =	vadd.f32 v2, v5  }
0x1d1: {  	[tilespmem:s11+$0xC430] =	vst v3;
	v3 =	vadd.f32 v4, v17  }
0x1d2: {  	v1 =	vadd.f32 v1, v8;
	[tilespmem:s11+$0xC470] =	vst v0  }
0x1d3: {  	[tilespmem:s11+$0xC460] =	vst v3  }
0x1d4: {  	[tilespmem:s11+$0xC450] =	vst v1  }
0x1d5: {  	_ =	swait.ge [sflag:s28], $0x1000  }
0x1d6: {  	[sflag:s28] =	ssyncset.done $0x0  }
0x1d7: {  	s14 =	simm.s32 $0x0;
	[sflag:s28] =	ssyncadd.s32 $0xFFFFF000  }
0x1d8: {  	v0 =	vld [tilespmem:s14+$0x8070]  }
0x1d9: {  	v1 =	vld [tilespmem:s14+$0x80F0]  }
0x1da: {  	v2 =	vld [tilespmem:s14+$0x8170]  }
0x1db: {  	v3 =	vld [tilespmem:s14+$0x81F0]  }
0x1dc: {  	v4 =	vld [tilespmem:s14+$0x8000]  }
0x1dd: {  	v5 =	vld [tilespmem:s14+$0x8080]  }
0x1de: {  	v6 =	vld [tilespmem:s14+$0x8100]  }
0x1df: {  	v8 =	vld [tilespmem:s14+$0x8180]  }
0x1e0: {  	v7 =	vadd.f32 v1, v0;
	v0 =	vshll.u32 v0, $0x10  }
0x1e1: {  	v12 =	vld [tilespmem:s14+$0x8010];
	v1 =	vshll.u32 v1, $0x10;
	v9 =	vshll.u32 v2, $0x10;
	v11 =	vshll.u32 v3, $0x10  }
0x1e2: {  	v14 =	vld [tilespmem:s14+$0x8090];
	v13 =	vshll.u32 v4, $0x10;
	v4 =	vadd.f32 v5, v4;
	v2 =	vadd.f32 v3, v2  }
0x1e3: {  	v15 =	vld [tilespmem:s14+$0x8190];
	v0 =	vadd.f32 v1, v0;
	v1 =	vadd.f32 v11, v9  }
0x1e4: {  	v3 =	vshll.u32 v6, $0x10;
	v6 =	vadd.f32 v8, v6;
	v9 =	vshll.u32 v5, $0x10;
	v5 =	vld [tilespmem:s14+$0x8110]  }
0x1e5: {  	v13 =	vadd.f32 v9, v13;
	v0 =	vadd.f32 v1, v0;
	v1 =	vshll.u32 v8, $0x10  }
0x1e6: {  	v10 =	vimm.f32 $0.0e+00;
	v11 =	vadd.f32 v2, v7;
	v8 =	vld [tilespmem:s14+$0x8020];
	v1 =	vadd.f32 v1, v3  }
0x1e7: {  	v7 =	vadd.f32 v14, v12;
	v3 =	vld [tilespmem:s14+$0x80A0];
	v9 =	vadd.f32 v0, v10  }
0x1e8: {  	v2 =	vshll.u32 v12, $0x10;
	v0 =	vadd.f32 v6, v4;
	v6 =	vld [tilespmem:s14+$0x8120];
	v1 =	vadd.f32 v1, v13  }
0x1e9: {  	v4 =	vshll.u32 v14, $0x10;
	v12 =	vshll.u32 v5, $0x10;
	v13 =	vld [tilespmem:s14+$0x81A0];
	v5 =	vadd.f32 v15, v5  }
0x1ea: {  	v14 =	vshll.u32 v15, $0x10;
	v4 =	vadd.f32 v4, v2;
	v15 =	vld [tilespmem:s14+$0x8030];
	v2 =	vadd.f32 v1, v10  }
0x1eb: {  	v1 =	vadd.f32 v14, v12;
	v12 =	vshll.u32 v8, $0x10;
	v14 =	vld [tilespmem:s14+$0x80B0];
	v5 =	vadd.f32 v5, v7  }
0x1ec: {  	v16 =	vld [tilespmem:s14+$0x8130];
	v7 =	vshll.u32 v3, $0x10;
	v8 =	vadd.f32 v3, v8;
	v3 =	vadd.f32 v0, v10  }
0x1ed: {  	v1 =	vadd.f32 v1, v4;
	v7 =	vadd.f32 v7, v12;
	v12 =	vld [tilespmem:s14+$0x81B0]  }
0x1ee: {  	v17 =	vshll.u32 v6, $0x10;
	v0 =	vshll.u32 v13, $0x10;
	v6 =	vadd.f32 v13, v6;
	v13 =	vld [tilespmem:s14+$0x8040]  }
0x1ef: {  	v4 =	vadd.f32 v1, v10;
	v0 =	vadd.f32 v0, v17;
	v17 =	vld [tilespmem:s14+$0x80C0]  }
0x1f0: {  	v18 =	vld [tilespmem:s14+$0x81C0];
	v1 =	vshll.u32 v15, $0x10;
	v8 =	vadd.f32 v6, v8;
	v6 =	vshll.u32 v14, $0x10  }
0x1f1: {  	v14 =	vadd.f32 v14, v15;
	v15 =	vld [tilespmem:s14+$0x8140];
	v0 =	vadd.f32 v0, v7;
	v7 =	vshll.u32 v16, $0x10  }
0x1f2: {  	v1 =	vadd.f32 v6, v1;
	v19 =	vshll.u32 v12, $0x10;
	v12 =	vadd.f32 v12, v16;
	v16 =	vld [tilespmem:s14+$0x8050]  }
0x1f3: {  	v6 =	vadd.f32 v0, v10;
	v0 =	vadd.f32 v19, v7;
	v7 =	vshll.u32 v13, $0x10;
	v19 =	vld [tilespmem:s14+$0x80D0]  }
0x1f4: {  	v12 =	vadd.f32 v12, v14;
	v14 =	vshll.u32 v17, $0x10;
	v13 =	vadd.f32 v17, v13;
	v17 =	vld [tilespmem:s14+$0x8150]  }
0x1f5: {  	v20 =	vld [tilespmem:s14+$0x81D0];
	v21 =	vshll.u32 v18, $0x10;
	v0 =	vadd.f32 v0, v1;
	v14 =	vadd.f32 v14, v7  }
0x1f6: {  	v24 =	vld [tilespmem:s14+$0x8060];
	v1 =	vshll.u32 v15, $0x10;
	v7 =	vadd.f32 v8, v10;
	v15 =	vadd.f32 v18, v15  }
0x1f7: {  	v8 =	vadd.f32 v0, v10;
	v0 =	vadd.f32 v21, v1;
	v1 =	vshll.u32 v16, $0x10  }
0x1f8: {  	v21 =	vld [tilespmem:s14+$0x80E0];
	v18 =	vadd.f32 v15, v13;
	v13 =	vshll.u32 v19, $0x10;
	v15 =	vadd.f32 v19, v16  }
0x1f9: {  	v19 =	vld [tilespmem:s14+$0x8160];
	v0 =	vadd.f32 v0, v14;
	v14 =	vshll.u32 v17, $0x10;
	v13 =	vadd.f32 v13, v1  }
0x1fa: {  	v1 =	vadd.f32 v12, v10;
	v12 =	vshll.u32 v20, $0x10;
	v16 =	vadd.f32 v20, v17  }
0x1fb: {  	v22 =	vld [tilespmem:s14+$0x81E0];
	v5 =	vadd.f32 v5, v10;
	v12 =	vadd.f32 v12, v14;
	v14 =	vshll.u32 v24, $0x10  }
0x1fc: {  	s12 =	simm.s32 $0x200;
	v0 =	vadd.f32 v0, v10;
	v23 =	vadd.f32 v16, v15;
	v16 =	vimm.f32 $0.0e+00  }
0x1fd: {  	v20 =	vld [tilespmem:s12+$0x8070];
	v15 =	vshll.u32 v21, $0x10;
	v24 =	vadd.f32 v21, v24;
	v26 =	vadd.f32 v12, v13  }
0x1fe: {  	v21 =	vld [tilespmem:s12+$0x80F0];
	v13 =	vimm.f32 $0.0e+00;
	v12 =	vimm.f32 $0.0e+00;
	v27 =	vshll.u32 v19, $0x10  }
0x1ff: {  	s13 =	simm.s32 $0x1000;
	s11 =	sadd.s32 $0xC000, s11;
	v17 =	vld [tilespmem:s12+$0x8170];
	v25 =	vadd.f32 v15, v14;
	v15 =	vimm.f32 $0.0e+00;
	v14 =	vimm.f32 $0.0e+00  }
.LBB2_11:
0x200: {  	p1 =	sne.s32 s13, $0x3800;
	v28 =	vld [tilespmem:s12+$0x81F0];
	v10 =	vadd.f32 v18, v10;
	v18 =	vshll.u32 v22, $0x10;
	v19 =	vadd.f32 v22, v19  }
0x201: {  	v22 =	vld [tilespmem:s12+$0x8000];
	v16 =	vadd.f32 v26, v16;
	v18 =	vadd.f32 v18, v27  }
0x202: {  	v15 =	vadd.f32 v23, v15;
	v26 =	vld [tilespmem:s12+$0x8080];
	v19 =	vadd.f32 v19, v24  }
0x203: {  	v23 =	vld [tilespmem:s12+$0x8100];
	v24 =	vadd.f32 v21, v20;
	v18 =	vadd.f32 v18, v25  }
0x204: {  	v14 =	vadd.f32 v11, v14;
	v20 =	vshll.u32 v20, $0x10;
	v25 =	vld [tilespmem:s12+$0x8180];
	v13 =	vadd.f32 v19, v13  }
0x205: {  	v11 =	vshll.u32 v21, $0x10;
	v21 =	vshll.u32 v17, $0x10;
	v19 =	vld [tilespmem:s12+$0x8010];
	v27 =	vshll.u32 v28, $0x10  }
0x206: {  	v11 =	vadd.f32 v11, v20;
	v29 =	vshll.u32 v22, $0x10;
	v30 =	vld [tilespmem:s12+$0x8090];
	v20 =	vadd.f32 v27, v21  }
0x207: {  	v17 =	vadd.f32 v28, v17;
	v21 =	vshll.u32 v26, $0x10;
	v22 =	vadd.f32 v26, v22;
	v26 =	vld [tilespmem:s12+$0x8110]  }
0x208: {  	v27 =	vshll.u32 v23, $0x10;
	v21 =	vadd.f32 v21, v29;
	v28 =	vld [tilespmem:s12+$0x8190];
	v20 =	vadd.f32 v20, v11  }
0x209: {  	v11 =	vadd.f32 v17, v24;
	v29 =	vshll.u32 v25, $0x10;
	v23 =	vadd.f32 v25, v23;
	v25 =	vld [tilespmem:s12+$0x8020]  }
0x20a: {  	v17 =	vadd.f32 v29, v27;
	v24 =	vshll.u32 v19, $0x10;
	v27 =	vld [tilespmem:s12+$0x80A0];
	v9 =	vadd.f32 v20, v9  }
0x20b: {  	v20 =	vadd.f32 v23, v22;
	v22 =	vshll.u32 v30, $0x10;
	v19 =	vadd.f32 v30, v19;
	v23 =	vld [tilespmem:s12+$0x8120]  }
0x20c: {  	v17 =	vadd.f32 v17, v21;
	v21 =	vshll.u32 v26, $0x10;
	v22 =	vadd.f32 v22, v24;
	v24 =	vld [tilespmem:s12+$0x81A0]  }
0x20d: {  	v12 =	vadd.f32 v18, v12;
	v29 =	vshll.u32 v28, $0x10;
	v26 =	vadd.f32 v28, v26;
	v28 =	vld [tilespmem:s12+$0x8030]  }
0x20e: {  	v2 =	vadd.f32 v17, v2;
	v17 =	vadd.f32 v29, v21;
	v18 =	vshll.u32 v25, $0x10;
	v21 =	vld [tilespmem:s12+$0x80B0]  }
0x20f: {  	v19 =	vadd.f32 v26, v19;
	v26 =	vshll.u32 v27, $0x10;
	v25 =	vadd.f32 v27, v25;
	v27 =	vld [tilespmem:s12+$0x8130]  }
0x210: {  	v17 =	vadd.f32 v17, v22;
	v22 =	vshll.u32 v23, $0x10;
	v18 =	vadd.f32 v26, v18;
	v26 =	vld [tilespmem:s12+$0x81B0]  }
0x211: {  	v3 =	vadd.f32 v20, v3;
	v20 =	vshll.u32 v24, $0x10;
	v23 =	vadd.f32 v24, v23;
	v24 =	vld [tilespmem:s12+$0x8040]  }
0x212: {  	v4 =	vadd.f32 v17, v4;
	v17 =	vadd.f32 v20, v22;
	v20 =	vshll.u32 v28, $0x10;
	v22 =	vld [tilespmem:s12+$0x80C0]  }
0x213: {  	v23 =	vadd.f32 v23, v25;
	v25 =	vshll.u32 v21, $0x10;
	v21 =	vadd.f32 v21, v28;
	v28 =	vld [tilespmem:s12+$0x8140]  }
0x214: {  	v17 =	vadd.f32 v17, v18;
	v18 =	vshll.u32 v27, $0x10;
	v20 =	vadd.f32 v25, v20;
	v25 =	vld [tilespmem:s12+$0x81C0]  }
0x215: {  	v5 =	vadd.f32 v19, v5;
	v19 =	vshll.u32 v26, $0x10;
	v26 =	vadd.f32 v26, v27;
	v27 =	vld [tilespmem:s12+$0x8050]  }
0x216: {  	v6 =	vadd.f32 v17, v6;
	v17 =	vadd.f32 v19, v18;
	v18 =	vshll.u32 v24, $0x10;
	v19 =	vld [tilespmem:s12+$0x80D0]  }
0x217: {  	v21 =	vadd.f32 v26, v21;
	v26 =	vshll.u32 v22, $0x10;
	v22 =	vadd.f32 v22, v24;
	v24 =	vld [tilespmem:s12+$0x8150]  }
0x218: {  	v17 =	vadd.f32 v17, v20;
	v20 =	vshll.u32 v28, $0x10;
	v26 =	vadd.f32 v26, v18;
	v29 =	vld [tilespmem:s12+$0x81D0]  }
0x219: {  	v7 =	vadd.f32 v23, v7;
	v18 =	vshll.u32 v25, $0x10;
	v23 =	vadd.f32 v25, v28;
	v25 =	vld [tilespmem:s12+$0x8060]  }
0x21a: {  	v8 =	vadd.f32 v17, v8;
	v17 =	vadd.f32 v18, v20;
	v20 =	vshll.u32 v27, $0x10;
	v28 =	vld [tilespmem:s12+$0x80E0]  }
0x21b: {  	v18 =	vadd.f32 v23, v22;
	v22 =	vshll.u32 v19, $0x10;
	v23 =	vadd.f32 v19, v27;
	v19 =	vld [tilespmem:s12+$0x8160]  }
.Ltmp4:
0x21c: {  	v17 =	vadd.f32 v17, v26;
	v26 =	vshll.u32 v24, $0x10;
	v27 =	vadd.f32 v22, v20;
	v22 =	vld [tilespmem:s12+$0x81E0];
	(pc) =	sbr.rel @p1 .LBB2_11-.Ltmp4, $4  }
0x21d: {  	v1 =	vadd.f32 v21, v1;
	s12 =	sshra.s32 s13, $0x2;
	v21 =	vshll.u32 v29, $0x10;
	v24 =	vadd.f32 v29, v24  }
0x21e: {  	v20 =	vld [tilespmem:s12+$0x8070];
	v0 =	vadd.f32 v17, v0;
	v26 =	vadd.f32 v21, v26;
	v29 =	vshll.u32 v25, $0x10  }
0x21f: {  	v21 =	vld [tilespmem:s12+$0x80F0];
	v23 =	vadd.f32 v24, v23;
	v30 =	vshll.u32 v28, $0x10;
	v24 =	vadd.f32 v28, v25  }
0x220: {  	s13 =	sadd.s32 $0x800, s13;
	v17 =	vld [tilespmem:s12+$0x8170];
	v26 =	vadd.f32 v26, v27;
	v27 =	vshll.u32 v19, $0x10;
	v25 =	vadd.f32 v30, v29  }
0x221: {  	v28 =	vld [tilespmem:s12+$0x81F0];
	v10 =	vadd.f32 v18, v10  }
0x222: {  	v29 =	vld [tilespmem:s12+$0x8000];
	v18 =	vshll.u32 v22, $0x10;
	v19 =	vadd.f32 v22, v19;
	v15 =	vadd.f32 v23, v15  }
0x223: {  	v22 =	vld [tilespmem:s12+$0x8080];
	v16 =	vadd.f32 v26, v16;
	v18 =	vadd.f32 v18, v27  }
0x224: {  	v26 =	vld [tilespmem:s12+$0x8100];
	v19 =	vadd.f32 v19, v24;
	v24 =	vadd.f32 v11, v14  }
0x225: {  	v27 =	vld [tilespmem:s12+$0x8180];
	v30 =	vadd.f32 v21, v20;
	v18 =	vadd.f32 v18, v25;
	v20 =	vshll.u32 v20, $0x10  }
0x226: {  	v31 =	vld [tilespmem:s12+$0x8030];
	v23 =	vadd.f32 v19, v13;
	v13 =	vshll.u32 v21, $0x10;
	v14 =	vshll.u32 v17, $0x10  }
0x227: {  	v25 =	vld [tilespmem:s12+$0x8010];
	v19 =	vshll.u32 v28, $0x10;
	v13 =	vadd.f32 v13, v20;
	v20 =	vshll.u32 v29, $0x10  }
0x228: {  	v11 =	vld [tilespmem:s12+$0x8090];
	v29 =	vadd.f32 v22, v29;
	v22 =	vshll.u32 v22, $0x10;
	v17 =	vadd.f32 v28, v17  }
0x229: {  	v21 =	vld [tilespmem:s12+$0x8110];
	v14 =	vadd.f32 v19, v14;
	v20 =	vadd.f32 v22, v20  }
0x22a: {  	v19 =	vld [tilespmem:s12+$0x8190];
	v22 =	vshll.u32 v26, $0x10;
	v26 =	vadd.f32 v27, v26;
	v27 =	vshll.u32 v27, $0x10  }
0x22b: {  	v28 =	vld [tilespmem:s12+$0x8020];
	v30 =	vadd.f32 v17, v30;
	v22 =	vadd.f32 v27, v22  }
0x22c: {  	v13 =	vadd.f32 v14, v13;
	v14 =	vld [tilespmem:s12+$0x80A0];
	v27 =	vshll.u32 v25, $0x10;
	v26 =	vadd.f32 v26, v29  }
0x22d: {  	v17 =	vld [tilespmem:s12+$0x8120];
	v29 =	vshll.u32 v11, $0x10;
	v25 =	vadd.f32 v11, v25;
	v11 =	vadd.f32 v22, v20  }
0x22e: {  	v20 =	vshll.u32 v21, $0x10;
	v22 =	vadd.f32 v29, v27;
	v9 =	vadd.f32 v13, v9;
	v13 =	vld [tilespmem:s12+$0x81A0]  }
0x22f: {  	v29 =	vadd.f32 v18, v12;
	v12 =	vld [tilespmem:s12+$0x8130];
	v21 =	vadd.f32 v19, v21;
	v19 =	vshll.u32 v19, $0x10  }
0x230: {  	v27 =	vld [tilespmem:s12+$0x80B0];
	v18 =	vshll.u32 v28, $0x10;
	v11 =	vadd.f32 v11, v2;
	v2 =	vadd.f32 v19, v20  }
0x231: {  	v3 =	vadd.f32 v26, v3;
	v19 =	vld [tilespmem:s12+$0x81B0];
	v20 =	vadd.f32 v21, v25;
	v21 =	vshll.u32 v14, $0x10  }
0x232: {  	v32 =	vld [tilespmem:s12+$0x80D0];
	v14 =	vadd.f32 v14, v28;
	v2 =	vadd.f32 v2, v22;
	v22 =	vshll.u32 v17, $0x10  }
0x233: {  	v18 =	vadd.f32 v21, v18;
	v21 =	vld [tilespmem:s12+$0x80C0];
	v26 =	vshll.u32 v13, $0x10;
	v13 =	vadd.f32 v13, v17  }
0x234: {  	v25 =	vld [tilespmem:s12+$0x8040];
	v58 =	vshll.u32 v12, $0x10;
	v4 =	vadd.f32 v2, v4;
	v2 =	vadd.f32 v26, v22  }
0x235: {  	v33 =	vld [tilespmem:s12+$0x8150];
	v17 =	vshll.u32 v31, $0x10;
	v26 =	vadd.f32 v27, v31;
	v13 =	vadd.f32 v13, v14  }
0x236: {  	v28 =	vld [tilespmem:s12+$0x8140];
	v14 =	vshll.u32 v27, $0x10;
	v12 =	vadd.f32 v19, v12;
	v2 =	vadd.f32 v2, v18  }
0x237: {  	v22 =	vld [tilespmem:s12+$0x81C0];
	v14 =	vadd.f32 v14, v17;
	v17 =	vadd.f32 v20, v5  }
0x238: {  	v27 =	vld [tilespmem:s12+$0x8050];
	v5 =	vshll.u32 v19, $0x10;
	v12 =	vadd.f32 v12, v26;
	v19 =	vshll.u32 v21, $0x10  }
0x239: {  	v26 =	vld [tilespmem:s12+$0x80E0];
	v18 =	vadd.f32 v2, v6;
	v2 =	vadd.f32 v5, v58;
	v5 =	vshll.u32 v25, $0x10  }
0x23a: {  	v21 =	vadd.f32 v21, v25;
	v6 =	vld [tilespmem:s12+$0x81D0];
	v5 =	vadd.f32 v19, v5  }
0x23b: {  	v25 =	vld [tilespmem:s12+$0x8060];
	v19 =	vadd.f32 v13, v7;
	v2 =	vadd.f32 v2, v14  }
0x23c: {  	v7 =	vshll.u32 v22, $0x10;
	v13 =	vadd.f32 v22, v28;
	v14 =	vshll.u32 v28, $0x10;
	v28 =	vld [tilespmem:s12+$0x8160]  }
0x23d: {  	s13 =	simm.s32 @!p0 $0x20;
	s14 =	simm.s32 @!p0 $0x8000;
	v20 =	vadd.f32 v2, v8;
	v2 =	vadd.f32 v7, v14;
	v8 =	vld [tilespmem:s12+$0x81E0];
	s12 =	sadd.s32 @!p0 $0x180, s10  }
0x23e: {  	v13 =	vadd.f32 v13, v21;
	v21 =	vadd.f32 v12, v1;
	[tilespmem:s14], [sflag:$0x5] =	stream.indirect.gather @!p0 [hbm4b:s3+s13], $0x80, s12, s13, $0xb8;
	[tilespmem:$0x14000] =	vst v63  }
0x23f: {  	v7 =	vshll.u32 v27, $0x10;
	v14 =	vshll.u32 v32, $0x10;
	v2 =	vadd.f32 v2, v5;
	_ =	swait.ge [sflag:s29], $0x1000  }
0x240: {  	v27 =	vadd.f32 v32, v27;
	v1 =	vshll.u32 v6, $0x10;
	v6 =	vadd.f32 v6, v33;
	[sflag:s29] =	ssyncset.done $0x0  }
0x241: {  	v7 =	vadd.f32 v14, v7;
	s14 =	simm.s32 $0x0;
	v5 =	vshll.u32 v33, $0x10;
	v22 =	vadd.f32 v2, v0;
	[sflag:s29] =	ssyncadd.s32 $0xFFFFF000  }
0x242: {  	v0 =	vadd.f32 v1, v5;
	v2 =	vadd.f32 v6, v27;
	v6 =	vld [tilespmem:s14+$0x9070]  }
0x243: {  	v1 =	vshll.u32 v25, $0x10;
	v5 =	vshll.u32 v26, $0x10;
	v25 =	vadd.f32 v26, v25;
	v26 =	vld [tilespmem:s14+$0x90F0]  }
0x244: {  	v14 =	vadd.f32 v13, v10;
	v1 =	vadd.f32 v5, v1;
	v5 =	vshll.u32 v8, $0x10;
	v27 =	vld [tilespmem:s14+$0x9170]  }
0x245: {  	v8 =	vadd.f32 v8, v28;
	v10 =	vld [tilespmem:s14+$0x9080];
	v0 =	vadd.f32 v0, v7;
	v7 =	vshll.u32 v28, $0x10  }
0x246: {  	v13 =	vadd.f32 v2, v15;
	v5 =	vadd.f32 v5, v7;
	v7 =	vld [tilespmem:s14+$0x91F0]  }
0x247: {  	v12 =	vadd.f32 v0, v16;
	v0 =	vadd.f32 v8, v25;
	v8 =	vld [tilespmem:s14+$0x9000]  }
0x248: {  	v2 =	vadd.f32 v30, v24;
	v15 =	vld [tilespmem:s14+$0x9100];
	v5 =	vadd.f32 v5, v1  }
0x249: {  	v16 =	vld [tilespmem:s14+$0x9180];
	v1 =	vadd.f32 v0, v23;
	v24 =	vshll.u32 v26, $0x10;
	v25 =	vshll.u32 v27, $0x10  }
0x24a: {  	v23 =	vld [tilespmem:s14+$0x9010];
	v0 =	vadd.f32 v5, v29;
	v5 =	vadd.f32 v26, v6;
	v6 =	vshll.u32 v6, $0x10  }
0x24b: {  	v29 =	vld [tilespmem:s14+$0x9090];
	v26 =	vshll.u32 v7, $0x10;
	v6 =	vadd.f32 v24, v6;
	v7 =	vadd.f32 v7, v27  }
0x24c: {  	v27 =	vld [tilespmem:s14+$0x9190];
	v28 =	vshll.u32 v8, $0x10;
	v24 =	vadd.f32 v26, v25;
	v25 =	vshll.u32 v10, $0x10  }
0x24d: {  	v8 =	vadd.f32 v10, v8;
	v10 =	vld [tilespmem:s14+$0x9110];
	v26 =	vshll.u32 v15, $0x10;
	v25 =	vadd.f32 v25, v28  }
0x24e: {  	v28 =	vadd.f32 v16, v15;
	v6 =	vadd.f32 v24, v6;
	v24 =	vshll.u32 v16, $0x10  }
0x24f: {  	v59 =	vld [tilespmem:s14+$0x9020];
	v16 =	vadd.f32 v7, v5;
	v5 =	vadd.f32 v24, v26  }
0x250: {  	v7 =	vshll.u32 v23, $0x10;
	v24 =	vld [tilespmem:s14+$0x90A0];
	v23 =	vadd.f32 v29, v23;
	v15 =	vadd.f32 v6, v9  }
0x251: {  	v26 =	vld [tilespmem:s14+$0x91A0];
	v6 =	vadd.f32 v28, v8;
	v8 =	vshll.u32 v29, $0x10;
	v5 =	vadd.f32 v5, v25  }
0x252: {  	v9 =	vld [tilespmem:s14+$0x9120];
	v25 =	vshll.u32 v10, $0x10;
	v7 =	vadd.f32 v8, v7;
	v8 =	vshll.u32 v27, $0x10  }
0x253: {  	v10 =	vadd.f32 v27, v10;
	v27 =	vld [tilespmem:s14+$0x9030];
	v8 =	vadd.f32 v8, v25  }
0x254: {  	v25 =	vld [tilespmem:s14+$0x90B0];
	v6 =	vadd.f32 v6, v3;
	v5 =	vadd.f32 v5, v11;
	v11 =	vshll.u32 v59, $0x10  }
0x255: {  	v28 =	vld [tilespmem:s14+$0x9130];
	v10 =	vadd.f32 v10, v23;
	v23 =	vshll.u32 v24, $0x10;
	v24 =	vadd.f32 v24, v59  }
0x256: {  	v7 =	vadd.f32 v8, v7;
	v11 =	vadd.f32 v23, v11;
	v23 =	vld [tilespmem:s14+$0x91B0]  }
0x257: {  	v29 =	vld [tilespmem:s14+$0x90C0];
	v3 =	vshll.u32 v26, $0x10;
	v8 =	vshll.u32 v9, $0x10;
	v9 =	vadd.f32 v26, v9  }
0x258: {  	v26 =	vld [tilespmem:s14+$0x9040];
	v7 =	vadd.f32 v7, v4;
	v3 =	vadd.f32 v3, v8;
	v4 =	vshll.u32 v27, $0x10  }
0x259: {  	v24 =	vadd.f32 v9, v24;
	v8 =	vshll.u32 v25, $0x10;
	v25 =	vadd.f32 v25, v27  }
0x25a: {  	v60 =	vld [tilespmem:s14+$0x91C0];
	v3 =	vadd.f32 v3, v11;
	v11 =	vshll.u32 v28, $0x10;
	v4 =	vadd.f32 v8, v4  }
0x25b: {  	v27 =	vld [tilespmem:s14+$0x9140];
	v8 =	vadd.f32 v10, v17;
	v10 =	vshll.u32 v23, $0x10;
	v17 =	vadd.f32 v23, v28  }
0x25c: {  	v23 =	vld [tilespmem:s14+$0x9050];
	v9 =	vadd.f32 v3, v18;
	v3 =	vadd.f32 v10, v11  }
0x25d: {  	v18 =	vld [tilespmem:s14+$0x90D0];
	v10 =	vshll.u32 v26, $0x10;
	v11 =	vshll.u32 v29, $0x10;
	v17 =	vadd.f32 v17, v25  }
0x25e: {  	v25 =	vadd.f32 v29, v26;
	v26 =	vld [tilespmem:s14+$0x9150];
	v28 =	vadd.f32 v11, v10  }
0x25f: {  	v29 =	vld [tilespmem:s14+$0x91D0];
	v10 =	vadd.f32 v24, v19;
	v3 =	vadd.f32 v3, v4  }
0x260: {  	v19 =	vshll.u32 v60, $0x10;
	v24 =	vadd.f32 v60, v27;
	v4 =	vshll.u32 v27, $0x10;
	v27 =	vld [tilespmem:s14+$0x9060]  }
0x261: {  	v61 =	vld [tilespmem:s14+$0x90E0];
	v11 =	vadd.f32 v3, v20;
	v3 =	vadd.f32 v19, v4;
	v4 =	vshll.u32 v23, $0x10  }
0x262: {  	v20 =	vadd.f32 v24, v25;
	v19 =	vshll.u32 v18, $0x10;
	v25 =	vadd.f32 v18, v23;
	v23 =	vld [tilespmem:s14+$0x9160]  }
0x263: {  	v24 =	vld [tilespmem:s14+$0x91E0];
	v63 =	vadd.f32 v19, v4;
	v28 =	vadd.f32 v3, v28;
	v62 =	vshll.u32 v26, $0x10  }
0x264: {  	s12 =	simm.s32 $0x200;
	v3 =	vadd.f32 v17, v21;
	v17 =	vshll.u32 v29, $0x10;
	v21 =	vadd.f32 v29, v26  }
0x265: {  	v18 =	vld [tilespmem:s12+$0x9070];
	v26 =	vadd.f32 v17, v62;
	v4 =	vadd.f32 v28, v22;
	v28 =	vshll.u32 v27, $0x10  }
0x266: {  	v19 =	vld [tilespmem:s12+$0x90F0];
	v21 =	vadd.f32 v21, v25;
	v25 =	vshll.u32 v61, $0x10;
	v22 =	vadd.f32 v61, v27  }
0x267: {  	s13 =	simm.s32 $0x1000;
	v17 =	vld [tilespmem:s12+$0x9170];
	v26 =	vadd.f32 v26, v63;
	v27 =	vshll.u32 v23, $0x10;
	v25 =	vadd.f32 v25, v28  }
.LBB2_13:
0x268: {  	p1 =	sne.s32 s13, $0x3800;
	v28 =	vld [tilespmem:s12+$0x91F0];
	v14 =	vadd.f32 v20, v14;
	v20 =	vshll.u32 v24, $0x10;
	v23 =	vadd.f32 v24, v23  }
0x269: {  	v24 =	vld [tilespmem:s12+$0x9000];
	v12 =	vadd.f32 v26, v12;
	v20 =	vadd.f32 v20, v27  }
0x26a: {  	v13 =	vadd.f32 v21, v13;
	v26 =	vld [tilespmem:s12+$0x9080];
	v21 =	vadd.f32 v23, v22  }
0x26b: {  	v22 =	vld [tilespmem:s12+$0x9100];
	v23 =	vadd.f32 v19, v18;
	v20 =	vadd.f32 v20, v25  }
0x26c: {  	v2 =	vadd.f32 v16, v2;
	v18 =	vshll.u32 v18, $0x10;
	v25 =	vld [tilespmem:s12+$0x9180];
	v1 =	vadd.f32 v21, v1  }
0x26d: {  	v16 =	vshll.u32 v19, $0x10;
	v19 =	vshll.u32 v17, $0x10;
	v21 =	vld [tilespmem:s12+$0x9010];
	v27 =	vshll.u32 v28, $0x10  }
0x26e: {  	v16 =	vadd.f32 v16, v18;
	v29 =	vshll.u32 v24, $0x10;
	v30 =	vld [tilespmem:s12+$0x9090];
	v18 =	vadd.f32 v27, v19  }
0x26f: {  	v17 =	vadd.f32 v28, v17;
	v19 =	vshll.u32 v26, $0x10;
	v24 =	vadd.f32 v26, v24;
	v26 =	vld [tilespmem:s12+$0x9110]  }
0x270: {  	v27 =	vshll.u32 v22, $0x10;
	v19 =	vadd.f32 v19, v29;
	v28 =	vld [tilespmem:s12+$0x9190];
	v18 =	vadd.f32 v18, v16  }
0x271: {  	v16 =	vadd.f32 v17, v23;
	v29 =	vshll.u32 v25, $0x10;
	v22 =	vadd.f32 v25, v22;
	v25 =	vld [tilespmem:s12+$0x9020]  }
0x272: {  	v17 =	vadd.f32 v29, v27;
	v23 =	vshll.u32 v21, $0x10;
	v27 =	vld [tilespmem:s12+$0x90A0];
	v15 =	vadd.f32 v18, v15  }
0x273: {  	v18 =	vadd.f32 v22, v24;
	v22 =	vshll.u32 v30, $0x10;
	v21 =	vadd.f32 v30, v21;
	v24 =	vld [tilespmem:s12+$0x9120]  }
0x274: {  	v17 =	vadd.f32 v17, v19;
	v19 =	vshll.u32 v26, $0x10;
	v22 =	vadd.f32 v22, v23;
	v23 =	vld [tilespmem:s12+$0x91A0]  }
0x275: {  	v0 =	vadd.f32 v20, v0;
	v29 =	vshll.u32 v28, $0x10;
	v26 =	vadd.f32 v28, v26;
	v28 =	vld [tilespmem:s12+$0x9030]  }
0x276: {  	v5 =	vadd.f32 v17, v5;
	v17 =	vadd.f32 v29, v19;
	v19 =	vshll.u32 v25, $0x10;
	v20 =	vld [tilespmem:s12+$0x90B0]  }
0x277: {  	v21 =	vadd.f32 v26, v21;
	v26 =	vshll.u32 v27, $0x10;
	v25 =	vadd.f32 v27, v25;
	v27 =	vld [tilespmem:s12+$0x9130]  }
0x278: {  	v17 =	vadd.f32 v17, v22;
	v22 =	vshll.u32 v24, $0x10;
	v19 =	vadd.f32 v26, v19;
	v26 =	vld [tilespmem:s12+$0x91B0]  }
0x279: {  	v6 =	vadd.f32 v18, v6;
	v18 =	vshll.u32 v23, $0x10;
	v23 =	vadd.f32 v23, v24;
	v24 =	vld [tilespmem:s12+$0x9040]  }
0x27a: {  	v7 =	vadd.f32 v17, v7;
	v17 =	vadd.f32 v18, v22;
	v18 =	vshll.u32 v28, $0x10;
	v22 =	vld [tilespmem:s12+$0x90C0]  }
0x27b: {  	v23 =	vadd.f32 v23, v25;
	v25 =	vshll.u32 v20, $0x10;
	v20 =	vadd.f32 v20, v28;
	v28 =	vld [tilespmem:s12+$0x9140]  }
0x27c: {  	v17 =	vadd.f32 v17, v19;
	v19 =	vshll.u32 v27, $0x10;
	v18 =	vadd.f32 v25, v18;
	v25 =	vld [tilespmem:s12+$0x91C0]  }
0x27d: {  	v8 =	vadd.f32 v21, v8;
	v21 =	vshll.u32 v26, $0x10;
	v26 =	vadd.f32 v26, v27;
	v27 =	vld [tilespmem:s12+$0x9050]  }
0x27e: {  	v9 =	vadd.f32 v17, v9;
	v17 =	vadd.f32 v21, v19;
	v19 =	vshll.u32 v24, $0x10;
	v21 =	vld [tilespmem:s12+$0x90D0]  }
0x27f: {  	v26 =	vadd.f32 v26, v20;
	v20 =	vshll.u32 v22, $0x10;
	v22 =	vadd.f32 v22, v24;
	v29 =	vld [tilespmem:s12+$0x9150]  }
0x280: {  	v17 =	vadd.f32 v17, v18;
	v18 =	vshll.u32 v28, $0x10;
	v19 =	vadd.f32 v20, v19;
	v30 =	vld [tilespmem:s12+$0x91D0]  }
0x281: {  	v10 =	vadd.f32 v23, v10;
	v20 =	vshll.u32 v25, $0x10;
	v23 =	vadd.f32 v25, v28;
	v25 =	vld [tilespmem:s12+$0x9060]  }
0x282: {  	v11 =	vadd.f32 v17, v11;
	v17 =	vadd.f32 v20, v18;
	v18 =	vshll.u32 v27, $0x10;
	v28 =	vld [tilespmem:s12+$0x90E0]  }
0x283: {  	v20 =	vadd.f32 v23, v22;
	v22 =	vshll.u32 v21, $0x10;
	v21 =	vadd.f32 v21, v27;
	v23 =	vld [tilespmem:s12+$0x9160]  }
.Ltmp5:
0x284: {  	v17 =	vadd.f32 v17, v19;
	v19 =	vshll.u32 v29, $0x10;
	v27 =	vadd.f32 v22, v18;
	v24 =	vld [tilespmem:s12+$0x91E0];
	(pc) =	sbr.rel @p1 .LBB2_13-.Ltmp5, $4  }
0x285: {  	v3 =	vadd.f32 v26, v3;
	s12 =	sshra.s32 s13, $0x2;
	v22 =	vshll.u32 v30, $0x10;
	v26 =	vadd.f32 v30, v29  }
0x286: {  	v18 =	vld [tilespmem:s12+$0x9070];
	v4 =	vadd.f32 v17, v4;
	v29 =	vadd.f32 v22, v19;
	v30 =	vshll.u32 v25, $0x10  }
0x287: {  	v19 =	vld [tilespmem:s12+$0x90F0];
	v21 =	vadd.f32 v26, v21;
	v31 =	vshll.u32 v28, $0x10;
	v22 =	vadd.f32 v28, v25  }
0x288: {  	s13 =	sadd.s32 $0x800, s13;
	v17 =	vld [tilespmem:s12+$0x9170];
	v26 =	vadd.f32 v29, v27;
	v27 =	vshll.u32 v23, $0x10;
	v25 =	vadd.f32 v31, v30  }
0x289: {  	v28 =	vld [tilespmem:s12+$0x91F0]  }
0x28a: {  	v29 =	vld [tilespmem:s12+$0x9000];
	v14 =	vadd.f32 v20, v14;
	v23 =	vadd.f32 v24, v23  }
0x28b: {  	v20 =	vshll.u32 v24, $0x10;
	v24 =	vld [tilespmem:s12+$0x9080];
	v13 =	vadd.f32 v21, v13;
	v2 =	vadd.f32 v16, v2  }
0x28c: {  	v16 =	vld [tilespmem:s12+$0x9090];
	v12 =	vadd.f32 v26, v12;
	v20 =	vadd.f32 v20, v27  }
0x28d: {  	v26 =	vld [tilespmem:s12+$0x9100];
	v21 =	vadd.f32 v23, v22;
	v23 =	vadd.f32 v19, v18  }
0x28e: {  	v22 =	vld [tilespmem:s12+$0x9180];
	v20 =	vadd.f32 v20, v25;
	v18 =	vshll.u32 v18, $0x10;
	v19 =	vshll.u32 v19, $0x10  }
0x28f: {  	v25 =	vld [tilespmem:s12+$0x9010];
	v1 =	vadd.f32 v21, v1;
	v21 =	vshll.u32 v17, $0x10;
	v18 =	vadd.f32 v19, v18  }
0x290: {  	v30 =	vld [tilespmem:s12+$0x9110];
	v27 =	vshll.u32 v28, $0x10;
	v19 =	vshll.u32 v29, $0x10;
	v29 =	vadd.f32 v24, v29  }
0x291: {  	v61 =	vld [tilespmem:s12+$0x90C0];
	v24 =	vshll.u32 v24, $0x10;
	v17 =	vadd.f32 v28, v17;
	v0 =	vadd.f32 v20, v0  }
0x292: {  	v21 =	vadd.f32 v27, v21;
	v27 =	vld [tilespmem:s12+$0x9190];
	v19 =	vadd.f32 v24, v19;
	v24 =	vshll.u32 v26, $0x10  }
0x293: {  	v28 =	vld [tilespmem:s12+$0x9020];
	v26 =	vadd.f32 v22, v26;
	v22 =	vshll.u32 v22, $0x10;
	v17 =	vadd.f32 v17, v23  }
0x294: {  	v23 =	vld [tilespmem:s12+$0x9120];
	v18 =	vadd.f32 v21, v18;
	v22 =	vadd.f32 v22, v24;
	v24 =	vshll.u32 v25, $0x10  }
0x295: {  	v21 =	vld [tilespmem:s12+$0x90A0];
	v26 =	vadd.f32 v26, v29;
	v29 =	vshll.u32 v16, $0x10;
	v16 =	vadd.f32 v16, v25  }
0x296: {  	v15 =	vadd.f32 v18, v15;
	v18 =	vld [tilespmem:s12+$0x91A0];
	v19 =	vadd.f32 v22, v19;
	v22 =	vshll.u32 v30, $0x10  }
0x297: {  	v25 =	vld [tilespmem:s12+$0x9030];
	v24 =	vadd.f32 v29, v24;
	v30 =	vadd.f32 v27, v30;
	v27 =	vshll.u32 v27, $0x10  }
0x298: {  	v29 =	vld [tilespmem:s12+$0x90B0];
	v5 =	vadd.f32 v19, v5;
	v19 =	vadd.f32 v27, v22  }
0x299: {  	v6 =	vadd.f32 v26, v6;
	v22 =	vshll.u32 v28, $0x10;
	v27 =	vld [tilespmem:s12+$0x91B0];
	v16 =	vadd.f32 v30, v16  }
0x29a: {  	v20 =	vld [tilespmem:s12+$0x9130];
	v60 =	vshll.u32 v21, $0x10;
	v21 =	vadd.f32 v21, v28;
	v19 =	vadd.f32 v19, v24  }
0x29b: {  	v62 =	vld [tilespmem:s12+$0x9060];
	v22 =	vadd.f32 v60, v22;
	v26 =	vshll.u32 v18, $0x10;
	v18 =	vadd.f32 v18, v23  }
0x29c: {  	v28 =	vld [tilespmem:s12+$0x9040];
	v24 =	vshll.u32 v23, $0x10;
	v8 =	vadd.f32 v16, v8;
	v7 =	vadd.f32 v19, v7  }
0x29d: {  	v23 =	vld [tilespmem:s12+$0x9140];
	v19 =	vadd.f32 v26, v24;
	v24 =	vshll.u32 v25, $0x10;
	v25 =	vadd.f32 v29, v25  }
0x29e: {  	v26 =	vld [tilespmem:s12+$0x91C0];
	v18 =	vadd.f32 v18, v21;
	v21 =	vshll.u32 v29, $0x10;
	v16 =	vshll.u32 v27, $0x10  }
0x29f: {  	v29 =	vld [tilespmem:s12+$0x9050];
	v19 =	vadd.f32 v19, v22;
	v22 =	vshll.u32 v20, $0x10;
	v21 =	vadd.f32 v21, v24  }
0x2a0: {  	v24 =	vld [tilespmem:s12+$0x90D0];
	v20 =	vadd.f32 v27, v20;
	v16 =	vadd.f32 v16, v22  }
0x2a1: {  	v27 =	vld [tilespmem:s12+$0x9150];
	v10 =	vadd.f32 v18, v10;
	v9 =	vadd.f32 v19, v9;
	v19 =	vshll.u32 v28, $0x10  }
0x2a2: {  	v22 =	vld [tilespmem:s12+$0x91D0];
	v20 =	vadd.f32 v20, v25;
	v25 =	vshll.u32 v61, $0x10;
	v28 =	vadd.f32 v61, v28  }
0x2a3: {  	v16 =	vadd.f32 v16, v21;
	v19 =	vadd.f32 v25, v19;
	v25 =	vld [tilespmem:s12+$0x90E0]  }
0x2a4: {  	v21 =	vshll.u32 v23, $0x10;
	v18 =	vshll.u32 v26, $0x10;
	v23 =	vadd.f32 v26, v23;
	v26 =	vld [tilespmem:s12+$0x9160]  }
0x2a5: {  	s13 =	simm.s32 @!p0 $0x20;
	s14 =	simm.s32 @!p0 $0x9000;
	v11 =	vadd.f32 v16, v11;
	v16 =	vadd.f32 v18, v21;
	v21 =	vld [tilespmem:s12+$0x91E0];
	s12 =	sadd.s32 @!p0 $0x1A0, s10  }
0x2a6: {  	v3 =	vadd.f32 v20, v3;
	v18 =	vshll.u32 v29, $0x10;
	[tilespmem:s14], [sflag:$0x6] =	stream.indirect.gather @!p0 [hbm4b:s3+s13], $0x80, s12, s13, $0xb8;
	[tilespmem:$0x14000] =	vst v63  }
0x2a7: {  	v23 =	vadd.f32 v23, v28;
	v28 =	vshll.u32 v24, $0x10;
	v16 =	vadd.f32 v16, v19;
	_ =	swait.ge [sflag:s30], $0x1000  }
0x2a8: {  	v24 =	vadd.f32 v24, v29;
	v20 =	vshll.u32 v22, $0x10;
	v22 =	vadd.f32 v22, v27;
	[sflag:s30] =	ssyncset.done $0x0  }
0x2a9: {  	v18 =	vadd.f32 v28, v18;
	s14 =	simm.s32 $0x0;
	v19 =	vshll.u32 v27, $0x10;
	v4 =	vadd.f32 v16, v4;
	[sflag:s30] =	ssyncadd.s32 $0xFFFFF000  }
0x2aa: {  	v16 =	vadd.f32 v20, v19;
	v20 =	vadd.f32 v22, v24;
	v24 =	vld [tilespmem:s14+$0xA070]  }
0x2ab: {  	v14 =	vadd.f32 v23, v14;
	v19 =	vshll.u32 v62, $0x10;
	v22 =	vshll.u32 v25, $0x10;
	v27 =	vld [tilespmem:s14+$0xA0F0]  }
0x2ac: {  	v25 =	vadd.f32 v25, v62;
	v19 =	vadd.f32 v22, v19;
	v22 =	vshll.u32 v21, $0x10;
	v23 =	vld [tilespmem:s14+$0xA010]  }
0x2ad: {  	v21 =	vadd.f32 v21, v26;
	v16 =	vadd.f32 v16, v18;
	v18 =	vshll.u32 v26, $0x10;
	v26 =	vld [tilespmem:s14+$0xA170]  }
0x2ae: {  	v2 =	vadd.f32 v17, v2;
	v18 =	vadd.f32 v22, v18;
	v22 =	vld [tilespmem:s14+$0xA1F0]  }
0x2af: {  	v12 =	vadd.f32 v16, v12;
	v16 =	vadd.f32 v21, v25;
	v21 =	vld [tilespmem:s14+$0xA000]  }
0x2b0: {  	v13 =	vadd.f32 v20, v13;
	v18 =	vadd.f32 v18, v19;
	v19 =	vld [tilespmem:s14+$0xA080]  }
0x2b1: {  	v1 =	vadd.f32 v16, v1;
	v16 =	vld [tilespmem:s14+$0xA100];
	v17 =	vadd.f32 v27, v24  }
0x2b2: {  	v20 =	vshll.u32 v24, $0x10;
	v24 =	vshll.u32 v27, $0x10;
	v0 =	vadd.f32 v18, v0;
	v18 =	vld [tilespmem:s14+$0xA180]  }
0x2b3: {  	v29 =	vld [tilespmem:s14+$0xA090];
	v25 =	vshll.u32 v26, $0x10;
	v20 =	vadd.f32 v24, v20;
	v27 =	vshll.u32 v22, $0x10  }
0x2b4: {  	v22 =	vadd.f32 v22, v26;
	v24 =	vadd.f32 v27, v25  }
0x2b5: {  	v28 =	vshll.u32 v21, $0x10;
	v25 =	vshll.u32 v19, $0x10;
	v19 =	vadd.f32 v19, v21;
	v21 =	vld [tilespmem:s14+$0xA110]  }
0x2b6: {  	v27 =	vld [tilespmem:s14+$0xA190];
	v26 =	vshll.u32 v16, $0x10;
	v25 =	vadd.f32 v25, v28;
	v20 =	vadd.f32 v24, v20  }
0x2b7: {  	v28 =	vld [tilespmem:s14+$0xA020];
	v24 =	vshll.u32 v18, $0x10;
	v18 =	vadd.f32 v18, v16;
	v16 =	vadd.f32 v22, v17  }
0x2b8: {  	v22 =	vshll.u32 v23, $0x10;
	v23 =	vadd.f32 v29, v23;
	v17 =	vadd.f32 v24, v26;
	v24 =	vld [tilespmem:s14+$0xA0A0]  }
0x2b9: {  	v15 =	vadd.f32 v20, v15;
	v26 =	vld [tilespmem:s14+$0xA1A0];
	v18 =	vadd.f32 v18, v19;
	v19 =	vshll.u32 v29, $0x10  }
0x2ba: {  	v20 =	vld [tilespmem:s14+$0xA120];
	v17 =	vadd.f32 v17, v25;
	v25 =	vshll.u32 v21, $0x10;
	v19 =	vadd.f32 v19, v22  }
0x2bb: {  	v22 =	vshll.u32 v27, $0x10;
	v21 =	vadd.f32 v27, v21;
	v27 =	vld [tilespmem:s14+$0xA030];
	v6 =	vadd.f32 v18, v6  }
0x2bc: {  	v5 =	vadd.f32 v17, v5;
	v17 =	vadd.f32 v22, v25;
	v22 =	vshll.u32 v28, $0x10;
	v25 =	vld [tilespmem:s14+$0xA0B0]  }
0x2bd: {  	v21 =	vadd.f32 v21, v23;
	v23 =	vshll.u32 v24, $0x10;
	v24 =	vadd.f32 v24, v28;
	v28 =	vld [tilespmem:s14+$0xA130]  }
0x2be: {  	v18 =	vshll.u32 v26, $0x10;
	v17 =	vadd.f32 v17, v19;
	v22 =	vadd.f32 v23, v22;
	v23 =	vld [tilespmem:s14+$0xA1B0]  }
0x2bf: {  	v19 =	vshll.u32 v20, $0x10;
	v20 =	vadd.f32 v26, v20;
	v26 =	vld [tilespmem:s14+$0xA040];
	v8 =	vadd.f32 v21, v8  }
0x2c0: {  	v7 =	vadd.f32 v17, v7;
	v17 =	vadd.f32 v18, v19;
	v18 =	vshll.u32 v27, $0x10;
	v19 =	vld [tilespmem:s14+$0xA0C0]  }
0x2c1: {  	v20 =	vadd.f32 v20, v24;
	v24 =	vshll.u32 v25, $0x10;
	v25 =	vadd.f32 v25, v27;
	v27 =	vld [tilespmem:s14+$0xA140]  }
0x2c2: {  	v17 =	vadd.f32 v17, v22;
	v22 =	vshll.u32 v28, $0x10;
	v18 =	vadd.f32 v24, v18;
	v24 =	vld [tilespmem:s14+$0xA1C0]  }
0x2c3: {  	v10 =	vadd.f32 v20, v10;
	v21 =	vshll.u32 v23, $0x10;
	v23 =	vadd.f32 v23, v28;
	v28 =	vld [tilespmem:s14+$0xA050]  }
0x2c4: {  	v9 =	vadd.f32 v17, v9;
	v17 =	vadd.f32 v21, v22;
	v21 =	vshll.u32 v26, $0x10;
	v22 =	vld [tilespmem:s14+$0xA0D0]  }
0x2c5: {  	v23 =	vadd.f32 v23, v25;
	v25 =	vshll.u32 v19, $0x10;
	v19 =	vadd.f32 v19, v26;
	v26 =	vld [tilespmem:s14+$0xA150]  }
0x2c6: {  	v29 =	vld [tilespmem:s14+$0xA1D0];
	v17 =	vadd.f32 v17, v18;
	v18 =	vshll.u32 v27, $0x10;
	v25 =	vadd.f32 v25, v21  }
0x2c7: {  	v20 =	vshll.u32 v24, $0x10;
	v21 =	vadd.f32 v24, v27;
	v24 =	vld [tilespmem:s14+$0xA060];
	v3 =	vadd.f32 v23, v3  }
0x2c8: {  	v27 =	vld [tilespmem:s14+$0xA0E0];
	v11 =	vadd.f32 v17, v11;
	v18 =	vadd.f32 v20, v18  }
0x2c9: {  	v20 =	vshll.u32 v28, $0x10;
	v17 =	vadd.f32 v21, v19;
	v19 =	vshll.u32 v22, $0x10;
	v21 =	vld [tilespmem:s14+$0xA160]  }
0x2ca: {  	v28 =	vadd.f32 v22, v28;
	v22 =	vld [tilespmem:s14+$0xA1E0];
	v18 =	vadd.f32 v18, v25;
	v25 =	vshll.u32 v26, $0x10  }
0x2cb: {  	s12 =	simm.s32 $0x200;
	v63 =	vadd.f32 v19, v20;
	v20 =	vshll.u32 v29, $0x10;
	v23 =	vadd.f32 v29, v26  }
0x2cc: {  	v19 =	vld [tilespmem:s12+$0xA070];
	v25 =	vadd.f32 v20, v25;
	v4 =	vadd.f32 v18, v4;
	v29 =	vshll.u32 v24, $0x10  }
0x2cd: {  	v20 =	vld [tilespmem:s12+$0xA0F0];
	v23 =	vadd.f32 v23, v28;
	v28 =	vshll.u32 v27, $0x10;
	v24 =	vadd.f32 v27, v24  }
0x2ce: {  	s13 =	simm.s32 $0x1000;
	v18 =	vld [tilespmem:s12+$0xA170];
	v26 =	vadd.f32 v25, v63;
	v25 =	vadd.f32 v28, v29;
	v27 =	vshll.u32 v21, $0x10  }
.LBB2_15:
0x2cf: {  	p1 =	sne.s32 s13, $0x3800;
	v28 =	vld [tilespmem:s12+$0xA1F0];
	v14 =	vadd.f32 v17, v14;
	v17 =	vshll.u32 v22, $0x10;
	v21 =	vadd.f32 v22, v21  }
0x2d0: {  	v22 =	vld [tilespmem:s12+$0xA000];
	v12 =	vadd.f32 v26, v12;
	v17 =	vadd.f32 v17, v27  }
0x2d1: {  	v13 =	vadd.f32 v23, v13;
	v26 =	vld [tilespmem:s12+$0xA080];
	v21 =	vadd.f32 v21, v24  }
0x2d2: {  	v23 =	vld [tilespmem:s12+$0xA100];
	v24 =	vadd.f32 v20, v19;
	v17 =	vadd.f32 v17, v25  }
0x2d3: {  	v2 =	vadd.f32 v16, v2;
	v19 =	vshll.u32 v19, $0x10;
	v25 =	vld [tilespmem:s12+$0xA180];
	v1 =	vadd.f32 v21, v1  }
0x2d4: {  	v16 =	vshll.u32 v20, $0x10;
	v20 =	vshll.u32 v18, $0x10;
	v21 =	vld [tilespmem:s12+$0xA010];
	v27 =	vshll.u32 v28, $0x10  }
0x2d5: {  	v16 =	vadd.f32 v16, v19;
	v29 =	vshll.u32 v22, $0x10;
	v30 =	vld [tilespmem:s12+$0xA090];
	v19 =	vadd.f32 v27, v20  }
0x2d6: {  	v18 =	vadd.f32 v28, v18;
	v20 =	vshll.u32 v26, $0x10;
	v22 =	vadd.f32 v26, v22;
	v26 =	vld [tilespmem:s12+$0xA110]  }
0x2d7: {  	v27 =	vshll.u32 v23, $0x10;
	v20 =	vadd.f32 v20, v29;
	v28 =	vld [tilespmem:s12+$0xA190];
	v19 =	vadd.f32 v19, v16  }
0x2d8: {  	v16 =	vadd.f32 v18, v24;
	v29 =	vshll.u32 v25, $0x10;
	v23 =	vadd.f32 v25, v23;
	v25 =	vld [tilespmem:s12+$0xA020]  }
0x2d9: {  	v18 =	vadd.f32 v29, v27;
	v24 =	vshll.u32 v21, $0x10;
	v27 =	vld [tilespmem:s12+$0xA0A0];
	v15 =	vadd.f32 v19, v15  }
0x2da: {  	v19 =	vadd.f32 v23, v22;
	v22 =	vshll.u32 v30, $0x10;
	v21 =	vadd.f32 v30, v21;
	v23 =	vld [tilespmem:s12+$0xA120]  }
0x2db: {  	v18 =	vadd.f32 v18, v20;
	v20 =	vshll.u32 v26, $0x10;
	v22 =	vadd.f32 v22, v24;
	v24 =	vld [tilespmem:s12+$0xA1A0]  }
0x2dc: {  	v0 =	vadd.f32 v17, v0;
	v29 =	vshll.u32 v28, $0x10;
	v26 =	vadd.f32 v28, v26;
	v28 =	vld [tilespmem:s12+$0xA030]  }
0x2dd: {  	v5 =	vadd.f32 v18, v5;
	v17 =	vadd.f32 v29, v20;
	v18 =	vshll.u32 v25, $0x10;
	v20 =	vld [tilespmem:s12+$0xA0B0]  }
0x2de: {  	v21 =	vadd.f32 v26, v21;
	v26 =	vshll.u32 v27, $0x10;
	v25 =	vadd.f32 v27, v25;
	v27 =	vld [tilespmem:s12+$0xA130]  }
0x2df: {  	v17 =	vadd.f32 v17, v22;
	v22 =	vshll.u32 v23, $0x10;
	v18 =	vadd.f32 v26, v18;
	v26 =	vld [tilespmem:s12+$0xA1B0]  }
0x2e0: {  	v6 =	vadd.f32 v19, v6;
	v19 =	vshll.u32 v24, $0x10;
	v23 =	vadd.f32 v24, v23;
	v24 =	vld [tilespmem:s12+$0xA040]  }
0x2e1: {  	v7 =	vadd.f32 v17, v7;
	v17 =	vadd.f32 v19, v22;
	v19 =	vshll.u32 v28, $0x10;
	v22 =	vld [tilespmem:s12+$0xA0C0]  }
0x2e2: {  	v23 =	vadd.f32 v23, v25;
	v25 =	vshll.u32 v20, $0x10;
	v20 =	vadd.f32 v20, v28;
	v28 =	vld [tilespmem:s12+$0xA140]  }
0x2e3: {  	v17 =	vadd.f32 v17, v18;
	v18 =	vshll.u32 v27, $0x10;
	v19 =	vadd.f32 v25, v19;
	v25 =	vld [tilespmem:s12+$0xA1C0]  }
0x2e4: {  	v8 =	vadd.f32 v21, v8;
	v21 =	vshll.u32 v26, $0x10;
	v26 =	vadd.f32 v26, v27;
	v27 =	vld [tilespmem:s12+$0xA050]  }
0x2e5: {  	v9 =	vadd.f32 v17, v9;
	v17 =	vadd.f32 v21, v18;
	v18 =	vshll.u32 v24, $0x10;
	v21 =	vld [tilespmem:s12+$0xA0D0]  }
0x2e6: {  	v20 =	vadd.f32 v26, v20;
	v26 =	vshll.u32 v22, $0x10;
	v22 =	vadd.f32 v22, v24;
	v24 =	vld [tilespmem:s12+$0xA150]  }
0x2e7: {  	v17 =	vadd.f32 v17, v19;
	v19 =	vshll.u32 v28, $0x10;
	v18 =	vadd.f32 v26, v18;
	v26 =	vld [tilespmem:s12+$0xA1D0]  }
0x2e8: {  	v10 =	vadd.f32 v23, v10;
	v23 =	vshll.u32 v25, $0x10;
	v25 =	vadd.f32 v25, v28;
	v28 =	vld [tilespmem:s12+$0xA060]  }
0x2e9: {  	v11 =	vadd.f32 v17, v11;
	v19 =	vadd.f32 v23, v19;
	v23 =	vshll.u32 v27, $0x10;
	v29 =	vld [tilespmem:s12+$0xA0E0]  }
0x2ea: {  	v17 =	vadd.f32 v25, v22;
	v22 =	vshll.u32 v21, $0x10;
	v25 =	vadd.f32 v21, v27;
	v21 =	vld [tilespmem:s12+$0xA160]  }
.Ltmp6:
0x2eb: {  	v18 =	vadd.f32 v19, v18;
	v27 =	vshll.u32 v24, $0x10;
	v30 =	vadd.f32 v22, v23;
	v22 =	vld [tilespmem:s12+$0xA1E0];
	(pc) =	sbr.rel @p1 .LBB2_15-.Ltmp6, $4  }
0x2ec: {  	v3 =	vadd.f32 v20, v3;
	s12 =	sshra.s32 s13, $0x2;
	v20 =	vshll.u32 v26, $0x10;
	v23 =	vadd.f32 v26, v24  }
0x2ed: {  	v19 =	vld [tilespmem:s12+$0xA070];
	v4 =	vadd.f32 v18, v4;
	v26 =	vadd.f32 v20, v27;
	v31 =	vshll.u32 v28, $0x10  }
0x2ee: {  	v20 =	vld [tilespmem:s12+$0xA0F0];
	v23 =	vadd.f32 v23, v25;
	v25 =	vshll.u32 v29, $0x10;
	v24 =	vadd.f32 v29, v28  }
0x2ef: {  	s13 =	sadd.s32 $0x800, s13;
	v18 =	vld [tilespmem:s12+$0xA170];
	v26 =	vadd.f32 v26, v30;
	v27 =	vshll.u32 v21, $0x10;
	v25 =	vadd.f32 v25, v31  }
0x2f0: {  	v28 =	vld [tilespmem:s12+$0xA1F0];
	v14 =	vadd.f32 v17, v14  }
0x2f1: {  	v29 =	vld [tilespmem:s12+$0xA000];
	v30 =	vshll.u32 v22, $0x10;
	v21 =	vadd.f32 v22, v21;
	v13 =	vadd.f32 v23, v13  }
0x2f2: {  	v22 =	vld [tilespmem:s12+$0xA080];
	v17 =	vadd.f32 v26, v12;
	v12 =	vadd.f32 v30, v27  }
0x2f3: {  	v23 =	vld [tilespmem:s12+$0xA180];
	v16 =	vadd.f32 v16, v2;
	v21 =	vadd.f32 v21, v24  }
0x2f4: {  	v26 =	vld [tilespmem:s12+$0xA100];
	v24 =	vadd.f32 v20, v19;
	v12 =	vadd.f32 v12, v25;
	v19 =	vshll.u32 v19, $0x10  }
0x2f5: {  	v59 =	vld [tilespmem:s12+$0xA110];
	v2 =	vshll.u32 v20, $0x10;
	v1 =	vadd.f32 v21, v1;
	v20 =	vshll.u32 v18, $0x10  }
0x2f6: {  	v25 =	vld [tilespmem:s12+$0xA010];
	v2 =	vadd.f32 v2, v19;
	v27 =	vshll.u32 v28, $0x10;
	v19 =	vshll.u32 v29, $0x10  }
0x2f7: {  	v31 =	vld [tilespmem:s12+$0xA1A0];
	v29 =	vadd.f32 v22, v29;
	v22 =	vshll.u32 v22, $0x10;
	v18 =	vadd.f32 v28, v18  }
0x2f8: {  	v21 =	vld [tilespmem:s12+$0xA090];
	v20 =	vadd.f32 v27, v20;
	v19 =	vadd.f32 v22, v19  }
0x2f9: {  	v27 =	vld [tilespmem:s12+$0xA190];
	v22 =	vshll.u32 v26, $0x10;
	v26 =	vadd.f32 v23, v26;
	v23 =	vshll.u32 v23, $0x10  }
0x2fa: {  	v28 =	vld [tilespmem:s12+$0xA020];
	v22 =	vadd.f32 v23, v22;
	v2 =	vadd.f32 v20, v2  }
0x2fb: {  	v60 =	vadd.f32 v12, v0;
	v12 =	vld [tilespmem:s12+$0xA130];
	v24 =	vadd.f32 v18, v24;
	v23 =	vshll.u32 v25, $0x10  }
0x2fc: {  	v20 =	vld [tilespmem:s12+$0xA0A0];
	v19 =	vadd.f32 v22, v19;
	v22 =	vshll.u32 v59, $0x10;
	v2 =	vadd.f32 v2, v15  }
0x2fd: {  	v18 =	vld [tilespmem:s12+$0xA120];
	v15 =	vadd.f32 v26, v29;
	v26 =	vshll.u32 v21, $0x10;
	v21 =	vadd.f32 v21, v25  }
0x2fe: {  	v25 =	vld [tilespmem:s12+$0xA030];
	v23 =	vadd.f32 v26, v23;
	v29 =	vadd.f32 v27, v59;
	v27 =	vshll.u32 v27, $0x10  }
0x2ff: {  	v26 =	vld [tilespmem:s12+$0xA0B0];
	v0 =	vadd.f32 v19, v5;
	v19 =	vshll.u32 v28, $0x10;
	v5 =	vadd.f32 v27, v22  }
0x300: {  	v22 =	vld [tilespmem:s12+$0xA1B0];
	v15 =	vadd.f32 v15, v6;
	v6 =	vshll.u32 v31, $0x10;
	v21 =	vadd.f32 v29, v21  }
0x301: {  	v27 =	vshll.u32 v20, $0x10;
	v20 =	vadd.f32 v20, v28;
	v5 =	vadd.f32 v5, v23  }
0x302: {  	v29 =	vadd.f32 v31, v18;
	v23 =	vshll.u32 v18, $0x10;
	v19 =	vadd.f32 v27, v19;
	v27 =	vld [tilespmem:s12+$0xA0C0]  }
0x303: {  	v28 =	vld [tilespmem:s12+$0xA040];
	v18 =	vadd.f32 v5, v7;
	v5 =	vadd.f32 v6, v23;
	v6 =	vshll.u32 v25, $0x10  }
0x304: {  	v61 =	vld [tilespmem:s12+$0xA140];
	v23 =	vadd.f32 v29, v20;
	v20 =	vshll.u32 v26, $0x10;
	v25 =	vadd.f32 v26, v25  }
0x305: {  	v7 =	vld [tilespmem:s12+$0xA1C0];
	v29 =	vshll.u32 v12, $0x10;
	v6 =	vadd.f32 v20, v6;
	v12 =	vadd.f32 v22, v12  }
0x306: {  	v32 =	vld [tilespmem:s12+$0xA0D0];
	v5 =	vadd.f32 v5, v19;
	v19 =	vadd.f32 v21, v8  }
0x307: {  	v33 =	vld [tilespmem:s12+$0xA150];
	v8 =	vshll.u32 v22, $0x10;
	v12 =	vadd.f32 v12, v25;
	v21 =	vshll.u32 v27, $0x10  }
0x308: {  	v26 =	vld [tilespmem:s12+$0xA050];
	v20 =	vadd.f32 v5, v9;
	v5 =	vadd.f32 v8, v29;
	v8 =	vshll.u32 v28, $0x10  }
0x309: {  	v25 =	vadd.f32 v27, v28;
	v27 =	vld [tilespmem:s12+$0xA060];
	v8 =	vadd.f32 v21, v8  }
0x30a: {  	v9 =	vld [tilespmem:s12+$0xA1D0];
	v21 =	vadd.f32 v23, v10;
	v10 =	vshll.u32 v7, $0x10;
	v7 =	vadd.f32 v7, v61  }
0x30b: {  	v28 =	vld [tilespmem:s12+$0xA0E0];
	v5 =	vadd.f32 v5, v6  }
0x30c: {  	v29 =	vld [tilespmem:s12+$0xA160];
	v3 =	vadd.f32 v12, v3;
	v6 =	vshll.u32 v61, $0x10;
	v7 =	vadd.f32 v7, v25  }
0x30d: {  	s13 =	simm.s32 @!p0 $0x20;
	s14 =	simm.s32 @!p0 $0xA000;
	v22 =	vadd.f32 v5, v11;
	v5 =	vadd.f32 v10, v6;
	v10 =	vld [tilespmem:s12+$0xA1E0];
	s12 =	sadd.s32 @!p0 $0x1C0, s10  }
0x30e: {  	v25 =	vadd.f32 v32, v26;
	v6 =	vshll.u32 v26, $0x10;
	v11 =	vshll.u32 v32, $0x10;
	[tilespmem:s14], [sflag:$0x7] =	stream.indirect.gather @!p0 [hbm4b:s3+s13], $0x80, s12, s13, $0xb8;
	[tilespmem:$0x14000] =	vst v63  }
0x30f: {  	v6 =	vadd.f32 v11, v6;
	v5 =	vadd.f32 v5, v8;
	_ =	swait.ge [sflag:s31], $0x1000  }
0x310: {  	v11 =	vshll.u32 v9, $0x10;
	v9 =	vadd.f32 v9, v33;
	v8 =	vshll.u32 v33, $0x10;
	[sflag:s31] =	ssyncset.done $0x0  }
0x311: {  	s14 =	simm.s32 $0x0;
	v23 =	vadd.f32 v5, v4;
	v4 =	vadd.f32 v11, v8;
	[sflag:s31] =	ssyncadd.s32 $0xFFFFF000  }
0x312: {  	v5 =	vshll.u32 v27, $0x10;
	v8 =	vadd.f32 v9, v25;
	v9 =	vshll.u32 v28, $0x10;
	v11 =	vld [tilespmem:s14+$0xB070]  }
0x313: {  	v25 =	vadd.f32 v28, v27;
	v26 =	vld [tilespmem:s14+$0xB0F0];
	v5 =	vadd.f32 v9, v5;
	v9 =	vshll.u32 v10, $0x10  }
0x314: {  	v10 =	vadd.f32 v10, v29;
	v27 =	vld [tilespmem:s14+$0xB170];
	v4 =	vadd.f32 v4, v6;
	v6 =	vshll.u32 v29, $0x10  }
0x315: {  	v12 =	vadd.f32 v7, v14;
	v14 =	vld [tilespmem:s14+$0xB080];
	v6 =	vadd.f32 v9, v6  }
0x316: {  	v9 =	vld [tilespmem:s14+$0xB1F0];
	v7 =	vadd.f32 v4, v17;
	v4 =	vadd.f32 v10, v25  }
0x317: {  	v8 =	vadd.f32 v8, v13;
	v10 =	vld [tilespmem:s14+$0xB000]  }
0x318: {  	v13 =	vadd.f32 v6, v5;
	v5 =	vadd.f32 v4, v1;
	v4 =	vld [tilespmem:s14+$0xB100]  }
0x319: {  	v6 =	vadd.f32 v24, v16;
	v16 =	vld [tilespmem:s14+$0xB180];
	v24 =	vshll.u32 v26, $0x10;
	v25 =	vshll.u32 v27, $0x10  }
0x31a: {  	v17 =	vld [tilespmem:s14+$0xB010];
	v1 =	vadd.f32 v13, v60;
	v13 =	vadd.f32 v26, v11;
	v11 =	vshll.u32 v11, $0x10  }
0x31b: {  	v29 =	vld [tilespmem:s14+$0xB090];
	v26 =	vshll.u32 v9, $0x10;
	v11 =	vadd.f32 v24, v11;
	v9 =	vadd.f32 v9, v27  }
0x31c: {  	v28 =	vshll.u32 v10, $0x10;
	v24 =	vadd.f32 v26, v25;
	v25 =	vshll.u32 v14, $0x10;
	v26 =	vld [tilespmem:s14+$0xB110]  }
0x31d: {  	v27 =	vld [tilespmem:s14+$0xB190];
	v10 =	vadd.f32 v14, v10;
	v25 =	vadd.f32 v25, v28;
	v14 =	vshll.u32 v4, $0x10  }
0x31e: {  	v28 =	vld [tilespmem:s14+$0xB020];
	v11 =	vadd.f32 v24, v11;
	v24 =	vshll.u32 v16, $0x10;
	v4 =	vadd.f32 v16, v4  }
0x31f: {  	v16 =	vadd.f32 v9, v13;
	v13 =	vshll.u32 v17, $0x10;
	v9 =	vadd.f32 v24, v14;
	v24 =	vld [tilespmem:s14+$0xB0A0]  }
0x320: {  	v14 =	vadd.f32 v11, v2;
	v2 =	vadd.f32 v4, v10;
	v4 =	vshll.u32 v29, $0x10;
	v11 =	vld [tilespmem:s14+$0xB120]  }
0x321: {  	v10 =	vadd.f32 v29, v17;
	v9 =	vadd.f32 v9, v25;
	v17 =	vshll.u32 v26, $0x10;
	v25 =	vld [tilespmem:s14+$0xB1A0]  }
0x322: {  	v4 =	vadd.f32 v4, v13;
	v13 =	vshll.u32 v27, $0x10;
	v26 =	vadd.f32 v27, v26;
	v27 =	vld [tilespmem:s14+$0xB030]  }
0x323: {  	v9 =	vadd.f32 v9, v0;
	v0 =	vadd.f32 v13, v17;
	v13 =	vshll.u32 v28, $0x10;
	v17 =	vld [tilespmem:s14+$0xB0B0]  }
0x324: {  	v26 =	vadd.f32 v26, v10;
	v10 =	vshll.u32 v24, $0x10;
	v24 =	vadd.f32 v24, v28;
	v28 =	vld [tilespmem:s14+$0xB130]  }
0x325: {  	v29 =	vld [tilespmem:s14+$0xB1B0];
	v0 =	vadd.f32 v0, v4;
	v4 =	vshll.u32 v11, $0x10;
	v13 =	vadd.f32 v10, v13  }
0x326: {  	v62 =	vld [tilespmem:s14+$0xB1D0];
	v10 =	vadd.f32 v2, v15;
	v2 =	vshll.u32 v25, $0x10;
	v15 =	vadd.f32 v25, v11  }
0x327: {  	v25 =	vld [tilespmem:s14+$0xB040];
	v11 =	vadd.f32 v0, v18;
	v0 =	vadd.f32 v2, v4;
	v2 =	vshll.u32 v27, $0x10  }
0x328: {  	v4 =	vld [tilespmem:s14+$0xB0C0];
	v15 =	vadd.f32 v15, v24;
	v18 =	vshll.u32 v17, $0x10;
	v17 =	vadd.f32 v17, v27  }
0x329: {  	v24 =	vld [tilespmem:s14+$0xB140];
	v13 =	vadd.f32 v0, v13;
	v27 =	vshll.u32 v28, $0x10;
	v2 =	vadd.f32 v18, v2  }
0x32a: {  	v18 =	vld [tilespmem:s14+$0xB1C0];
	v0 =	vadd.f32 v26, v19;
	v19 =	vshll.u32 v29, $0x10;
	v26 =	vadd.f32 v29, v28  }
0x32b: {  	v28 =	vld [tilespmem:s14+$0xB050];
	v19 =	vadd.f32 v19, v27  }
0x32c: {  	v27 =	vld [tilespmem:s14+$0xB0D0];
	v13 =	vadd.f32 v13, v20;
	v20 =	vshll.u32 v25, $0x10;
	v17 =	vadd.f32 v26, v17  }
0x32d: {  	v29 =	vld [tilespmem:s14+$0xB150];
	v26 =	vshll.u32 v4, $0x10;
	v25 =	vadd.f32 v4, v25;
	v4 =	vadd.f32 v19, v2  }
0x32e: {  	v2 =	vadd.f32 v15, v21;
	v19 =	vshll.u32 v24, $0x10;
	v26 =	vadd.f32 v26, v20  }
0x32f: {  	v3 =	vadd.f32 v17, v3;
	v15 =	vshll.u32 v18, $0x10;
	v18 =	vadd.f32 v18, v24;
	v24 =	vld [tilespmem:s14+$0xB060]  }
0x330: {  	v63 =	vld [tilespmem:s14+$0xB0E0];
	v4 =	vadd.f32 v4, v22;
	v15 =	vadd.f32 v15, v19  }
0x331: {  	v21 =	vld [tilespmem:s14+$0xB160];
	v19 =	vshll.u32 v28, $0x10;
	v20 =	vadd.f32 v18, v25;
	v25 =	vadd.f32 v27, v28  }
0x332: {  	v22 =	vld [tilespmem:s14+$0xB1E0];
	v18 =	vshll.u32 v27, $0x10;
	v28 =	vadd.f32 v62, v29;
	v15 =	vadd.f32 v15, v26  }
0x333: {  	s12 =	simm.s32 $0x200;
	v26 =	vshll.u32 v29, $0x10;
	v27 =	vadd.f32 v18, v19;
	v18 =	vshll.u32 v62, $0x10  }
0x334: {  	v17 =	vld [tilespmem:s12+$0xB070];
	v26 =	vadd.f32 v18, v26;
	v15 =	vadd.f32 v15, v23;
	v29 =	vshll.u32 v24, $0x10  }
0x335: {  	v19 =	vld [tilespmem:s12+$0xB0F0];
	v23 =	vadd.f32 v28, v25;
	v25 =	vshll.u32 v63, $0x10;
	v24 =	vadd.f32 v63, v24  }
0x336: {  	s13 =	simm.s32 $0x1000;
	v18 =	vld [tilespmem:s12+$0xB170];
	v26 =	vadd.f32 v26, v27;
	v27 =	vshll.u32 v21, $0x10;
	v25 =	vadd.f32 v25, v29  }
.LBB2_17:
0x337: {  	p1 =	sne.s32 s13, $0x3800;
	v28 =	vld [tilespmem:s12+$0xB1F0];
	v12 =	vadd.f32 v20, v12;
	v20 =	vshll.u32 v22, $0x10;
	v21 =	vadd.f32 v22, v21  }
0x338: {  	v22 =	vld [tilespmem:s12+$0xB000];
	v7 =	vadd.f32 v26, v7;
	v20 =	vadd.f32 v20, v27  }
0x339: {  	v8 =	vadd.f32 v23, v8;
	v26 =	vld [tilespmem:s12+$0xB080];
	v21 =	vadd.f32 v21, v24  }
0x33a: {  	v23 =	vld [tilespmem:s12+$0xB100];
	v24 =	vadd.f32 v19, v17;
	v20 =	vadd.f32 v20, v25  }
0x33b: {  	v6 =	vadd.f32 v16, v6;
	v17 =	vshll.u32 v17, $0x10;
	v25 =	vld [tilespmem:s12+$0xB180];
	v5 =	vadd.f32 v21, v5  }
0x33c: {  	v16 =	vshll.u32 v19, $0x10;
	v19 =	vshll.u32 v18, $0x10;
	v21 =	vld [tilespmem:s12+$0xB010];
	v27 =	vshll.u32 v28, $0x10  }
0x33d: {  	v16 =	vadd.f32 v16, v17;
	v29 =	vshll.u32 v22, $0x10;
	v30 =	vld [tilespmem:s12+$0xB090];
	v17 =	vadd.f32 v27, v19  }
0x33e: {  	v18 =	vadd.f32 v28, v18;
	v19 =	vshll.u32 v26, $0x10;
	v22 =	vadd.f32 v26, v22;
	v26 =	vld [tilespmem:s12+$0xB110]  }
0x33f: {  	v27 =	vshll.u32 v23, $0x10;
	v19 =	vadd.f32 v19, v29;
	v28 =	vld [tilespmem:s12+$0xB190];
	v17 =	vadd.f32 v17, v16  }
0x340: {  	v16 =	vadd.f32 v18, v24;
	v29 =	vshll.u32 v25, $0x10;
	v23 =	vadd.f32 v25, v23;
	v25 =	vld [tilespmem:s12+$0xB020]  }
0x341: {  	v18 =	vadd.f32 v29, v27;
	v24 =	vshll.u32 v21, $0x10;
	v27 =	vld [tilespmem:s12+$0xB0A0];
	v14 =	vadd.f32 v17, v14  }
0x342: {  	v17 =	vadd.f32 v23, v22;
	v22 =	vshll.u32 v30, $0x10;
	v21 =	vadd.f32 v30, v21;
	v23 =	vld [tilespmem:s12+$0xB120]  }
0x343: {  	v18 =	vadd.f32 v18, v19;
	v19 =	vshll.u32 v26, $0x10;
	v22 =	vadd.f32 v22, v24;
	v24 =	vld [tilespmem:s12+$0xB1A0]  }
0x344: {  	v1 =	vadd.f32 v20, v1;
	v29 =	vshll.u32 v28, $0x10;
	v26 =	vadd.f32 v28, v26;
	v28 =	vld [tilespmem:s12+$0xB030]  }
0x345: {  	v9 =	vadd.f32 v18, v9;
	v18 =	vadd.f32 v29, v19;
	v19 =	vshll.u32 v25, $0x10;
	v20 =	vld [tilespmem:s12+$0xB0B0]  }
0x346: {  	v21 =	vadd.f32 v26, v21;
	v26 =	vshll.u32 v27, $0x10;
	v25 =	vadd.f32 v27, v25;
	v27 =	vld [tilespmem:s12+$0xB130]  }
0x347: {  	v18 =	vadd.f32 v18, v22;
	v22 =	vshll.u32 v23, $0x10;
	v19 =	vadd.f32 v26, v19;
	v26 =	vld [tilespmem:s12+$0xB1B0]  }
0x348: {  	v10 =	vadd.f32 v17, v10;
	v17 =	vshll.u32 v24, $0x10;
	v23 =	vadd.f32 v24, v23;
	v24 =	vld [tilespmem:s12+$0xB040]  }
0x349: {  	v11 =	vadd.f32 v18, v11;
	v17 =	vadd.f32 v17, v22;
	v18 =	vshll.u32 v28, $0x10;
	v22 =	vld [tilespmem:s12+$0xB0C0]  }
0x34a: {  	v23 =	vadd.f32 v23, v25;
	v25 =	vshll.u32 v20, $0x10;
	v20 =	vadd.f32 v20, v28;
	v28 =	vld [tilespmem:s12+$0xB140]  }
0x34b: {  	v17 =	vadd.f32 v17, v19;
	v19 =	vshll.u32 v27, $0x10;
	v18 =	vadd.f32 v25, v18;
	v25 =	vld [tilespmem:s12+$0xB1C0]  }
0x34c: {  	v0 =	vadd.f32 v21, v0;
	v21 =	vshll.u32 v26, $0x10;
	v26 =	vadd.f32 v26, v27;
	v27 =	vld [tilespmem:s12+$0xB050]  }
0x34d: {  	v13 =	vadd.f32 v17, v13;
	v17 =	vadd.f32 v21, v19;
	v19 =	vshll.u32 v24, $0x10;
	v21 =	vld [tilespmem:s12+$0xB0D0]  }
0x34e: {  	v26 =	vadd.f32 v26, v20;
	v20 =	vshll.u32 v22, $0x10;
	v22 =	vadd.f32 v22, v24;
	v24 =	vld [tilespmem:s12+$0xB150]  }
0x34f: {  	v17 =	vadd.f32 v17, v18;
	v18 =	vshll.u32 v28, $0x10;
	v19 =	vadd.f32 v20, v19;
	v29 =	vld [tilespmem:s12+$0xB1D0]  }
0x350: {  	v2 =	vadd.f32 v23, v2;
	v20 =	vshll.u32 v25, $0x10;
	v23 =	vadd.f32 v25, v28;
	v25 =	vld [tilespmem:s12+$0xB060]  }
0x351: {  	v4 =	vadd.f32 v17, v4;
	v17 =	vadd.f32 v20, v18;
	v18 =	vshll.u32 v27, $0x10;
	v28 =	vld [tilespmem:s12+$0xB0E0]  }
0x352: {  	v20 =	vadd.f32 v23, v22;
	v22 =	vshll.u32 v21, $0x10;
	v23 =	vadd.f32 v21, v27;
	v21 =	vld [tilespmem:s12+$0xB160]  }
.Ltmp7:
0x353: {  	v19 =	vadd.f32 v17, v19;
	v27 =	vshll.u32 v24, $0x10;
	v30 =	vadd.f32 v22, v18;
	v22 =	vld [tilespmem:s12+$0xB1E0];
	(pc) =	sbr.rel @p1 .LBB2_17-.Ltmp7, $4  }
0x354: {  	v3 =	vadd.f32 v26, v3;
	s12 =	sshra.s32 s13, $0x2;
	v18 =	vshll.u32 v29, $0x10;
	v24 =	vadd.f32 v29, v24  }
0x355: {  	v17 =	vld [tilespmem:s12+$0xB070];
	v15 =	vadd.f32 v19, v15;
	v26 =	vadd.f32 v18, v27;
	v29 =	vshll.u32 v25, $0x10  }
0x356: {  	v19 =	vld [tilespmem:s12+$0xB0F0];
	v23 =	vadd.f32 v24, v23;
	v31 =	vshll.u32 v28, $0x10;
	v24 =	vadd.f32 v28, v25  }
0x357: {  	s13 =	sadd.s32 $0x800, s13;
	v18 =	vld [tilespmem:s12+$0xB170];
	v26 =	vadd.f32 v26, v30;
	v27 =	vshll.u32 v21, $0x10;
	v25 =	vadd.f32 v31, v29  }
0x358: {  	v28 =	vld [tilespmem:s12+$0xB1F0]  }
0x359: {  	v29 =	vld [tilespmem:s12+$0xB000]  }
0x35a: {  	v30 =	vld [tilespmem:s12+$0xB080]  }
0x35b: {  	v31 =	vld [tilespmem:s12+$0xB100]  }
0x35c: {  	v32 =	vld [tilespmem:s12+$0xB180]  }
0x35d: {  	v55 =	vld [tilespmem:s12+$0xB010]  }
0x35e: {  	v12 =	vadd.f32 v20, v12;
	v54 =	vshll.u32 v22, $0x10;
	v21 =	vadd.f32 v22, v21;
	v56 =	vld [tilespmem:s12+$0xB090]  }
0x35f: {  	v57 =	vld [tilespmem:s12+$0xB110];
	v26 =	vadd.f32 v26, v7;
	v20 =	vadd.f32 v54, v27  }
0x360: {  	v58 =	vld [tilespmem:s12+$0xB190];
	v7 =	vadd.f32 v23, v8;
	v21 =	vadd.f32 v21, v24;
	v59 =	vshll.u32 v17, $0x10  }
0x361: {  	v60 =	vld [tilespmem:s12+$0xB020];
	v8 =	vadd.f32 v19, v17;
	v20 =	vadd.f32 v20, v25;
	v61 =	vshll.u32 v19, $0x10  }
0x362: {  	v33 =	vld [tilespmem:s12+$0xB0A0];
	v17 =	vadd.f32 v21, v5;
	v5 =	vadd.f32 v16, v6;
	v62 =	vshll.u32 v18, $0x10  }
0x363: {  	v36 =	vld [tilespmem:s12+$0xB120];
	v16 =	vadd.f32 v61, v59;
	v63 =	vshll.u32 v28, $0x10;
	v37 =	vshll.u32 v29, $0x10  }
0x364: {  	v38 =	vld [tilespmem:s12+$0xB1A0];
	v34 =	vshll.u32 v30, $0x10;
	v29 =	vadd.f32 v30, v29;
	v18 =	vadd.f32 v28, v18  }
0x365: {  	v44 =	vld [tilespmem:s12+$0xB130];
	v39 =	vshll.u32 v31, $0x10;
	v41 =	vshll.u32 v32, $0x10;
	v31 =	vadd.f32 v32, v31  }
0x366: {  	v46 =	vld [tilespmem:s12+$0xB1B0];
	v43 =	vshll.u32 v55, $0x10;
	v45 =	vshll.u32 v56, $0x10;
	v22 =	vadd.f32 v56, v55  }
0x367: {  	v47 =	vshll.u32 v57, $0x10;
	v35 =	vshll.u32 v58, $0x10;
	v23 =	vadd.f32 v58, v57  }
0x368: {  	v40 =	vld [tilespmem:s12+$0xB030];
	v1 =	vadd.f32 v20, v1;
	v49 =	vshll.u32 v60, $0x10;
	v6 =	vadd.f32 v33, v60  }
0x369: {  	v42 =	vld [tilespmem:s12+$0xB0B0];
	v51 =	vshll.u32 v36, $0x10;
	v52 =	vshll.u32 v38, $0x10;
	v21 =	vadd.f32 v38, v36  }
0x36a: {  	v57 =	vshll.u32 v44, $0x10;
	v19 =	vadd.f32 v63, v62;
	v25 =	vadd.f32 v34, v37  }
0x36b: {  	v59 =	vshll.u32 v46, $0x10;
	v28 =	vadd.f32 v41, v39;
	v48 =	vadd.f32 v35, v47  }
0x36c: {  	v20 =	vld [tilespmem:s12+$0xB0C0];
	v50 =	vshll.u32 v33, $0x10;
	v53 =	vadd.f32 v52, v51;
	v61 =	vadd.f32 v59, v57  }
0x36d: {  	v33 =	vld [tilespmem:s12+$0xB1C0];
	v54 =	vshll.u32 v40, $0x10;
	v29 =	vadd.f32 v31, v29;
	v31 =	vadd.f32 v45, v43  }
0x36e: {  	v30 =	vld [tilespmem:s12+$0xB0D0];
	v55 =	vshll.u32 v42, $0x10;
	v22 =	vadd.f32 v23, v22;
	v23 =	vadd.f32 v50, v49  }
0x36f: {  	v56 =	vld [tilespmem:s12+$0xB1D0];
	v6 =	vadd.f32 v21, v6;
	v21 =	vadd.f32 v55, v54  }
0x370: {  	v58 =	vld [tilespmem:s12+$0xB060];
	v16 =	vadd.f32 v19, v16;
	v25 =	vadd.f32 v28, v25  }
0x371: {  	v60 =	vld [tilespmem:s12+$0xB0E0];
	v19 =	vadd.f32 v42, v40;
	v24 =	vadd.f32 v48, v31  }
0x372: {  	v34 =	vld [tilespmem:s12+$0xB040];
	v10 =	vadd.f32 v29, v10;
	v23 =	vadd.f32 v53, v23  }
0x373: {  	v63 =	vld [tilespmem:s12+$0xB160];
	v21 =	vadd.f32 v61, v21;
	v0 =	vadd.f32 v22, v0  }
0x374: {  	v39 =	vld [tilespmem:s12+$0xB1E0];
	v2 =	vadd.f32 v6, v2;
	v61 =	vadd.f32 v18, v8  }
0x375: {  	v28 =	vld [tilespmem:s12+$0xB140];
	v14 =	vadd.f32 v16, v14;
	v9 =	vadd.f32 v25, v9  }
0x376: {  	v29 =	vld [tilespmem:s12+$0xB150];
	v16 =	vadd.f32 v46, v44;
	v36 =	vshll.u32 v20, $0x10;
	v38 =	vshll.u32 v33, $0x10  }
0x377: {  	s10 =	sadd.s32 @!p0 $0x1E0, s10;
	s13 =	simm.s32 @!p0 $0xB000;
	v25 =	vld [tilespmem:s12+$0xB050];
	v46 =	vshll.u32 v58, $0x10;
	s12 =	simm.s32 @!p0 $0x20;
	v57 =	vadd.f32 v60, v58;
	v11 =	vadd.f32 v24, v11  }
0x378: {  	v13 =	vadd.f32 v23, v13;
	v62 =	vshll.u32 v34, $0x10;
	[tilespmem:s13], [sflag:$0x8] =	stream.indirect.gather @!p0 [hbm4b:s3+s12], $0x80, s10, s12, $0xb8;
	v4 =	vadd.f32 v21, v4;
	[tilespmem:$0x14000] =	vst v63  }
0x379: {  	v40 =	vshll.u32 v63, $0x10;
	v52 =	vadd.f32 v20, v34;
	v58 =	vadd.f32 v39, v63;
	[tilespmem:s11+$0x80] =	vst v9  }
0x37a: {  	v63 =	vadd.f32 v61, v5;
	v24 =	vadd.f32 v36, v62;
	[tilespmem:s11+$0xF0] =	vst v14;
	v37 =	vshll.u32 v28, $0x10  }
0x37b: {  	v45 =	vshll.u32 v56, $0x10;
	v54 =	vadd.f32 v16, v19;
	[tilespmem:s11+$0x480] =	vst v10;
	v41 =	vadd.f32 v38, v37  }
0x37c: {  	v47 =	vshll.u32 v60, $0x10;
	[tilespmem:s11+$0x490] =	vst v0;
	v53 =	vadd.f32 v33, v28;
	v60 =	vadd.f32 v58, v57  }
0x37d: {  	[tilespmem:s11+$0x4A0] =	vst v2;
	v37 =	vadd.f32 v47, v46;
	v24 =	vadd.f32 v41, v24;
	v41 =	vshll.u32 v39, $0x10  }
0x37e: {  	[tilespmem:s11+$0x90] =	vst v11;
	v44 =	vshll.u32 v29, $0x10;
	v56 =	vadd.f32 v56, v29;
	v48 =	vadd.f32 v41, v40  }
0x37f: {  	v43 =	vshll.u32 v30, $0x10;
	[tilespmem:s11+$0xA0] =	vst v13;
	v3 =	vadd.f32 v54, v3;
	v36 =	vadd.f32 v45, v44  }
0x380: {  	[tilespmem:s11+$0xB0] =	vst v4;
	v42 =	vshll.u32 v25, $0x10;
	v4 =	vadd.f32 v53, v52;
	v51 =	vadd.f32 v48, v37  }
0x381: {  	[tilespmem:s11+$0x4F0] =	vst v63;
	v62 =	vadd.f32 v60, v17;
	v23 =	vadd.f32 v43, v42  }
0x382: {  	s9 =	sadd.s32 $0x1, s9;
	v55 =	vadd.f32 v30, v25;
	[tilespmem:s11+$0x4B0] =	vst v3;
	v1 =	vadd.f32 v51, v1  }
0x383: {  	p0 =	sne.s32 s9, $0x40;
	v59 =	vadd.f32 v4, v12;
	[tilespmem:s11+$0x4E0] =	vst v62;
	v49 =	vadd.f32 v36, v23  }
.Ltmp8:
0x384: {  	v50 =	vadd.f32 v24, v15;
	[tilespmem:s11+$0xE0] =	vst v1;
	v1 =	vadd.f32 v56, v55;
	(pc) =	sbr.rel @p0 .LBB2_2-.Ltmp8, $4  }
0x385: {  	[tilespmem:s11+$0x4C0] =	vst v59;
	v9 =	vadd.f32 v49, v26  }
0x386: {  	[tilespmem:s11+$0xC0] =	vst v50;
	v1 =	vadd.f32 v1, v7  }
0x387: {  	[tilespmem:s11+$0xD0] =	vst v9  }
0x388: {  	[tilespmem:s11+$0x4D0] =	vst v1  }
0x389: {  	s1 =	sadd.s32 $0x1, s1  }
0x38a: {  	p0 =	sne.s32 s1, s6  }
.Ltmp9:
0x38b: {  	_ = 	snop;
	(pc) =	sbr.rel @p0 .LBB2_1-.Ltmp9, $4  }
0x38c: {  	[hbm4b:s5+s2] =	stream.linear.scatter [tilespmem:s0], [sflag:$0x9], $0x8000, $0x38;
	[tilespmem:$0x14000] =	vst v63  }
0x38d: {  	_ =	swait.ge [sflag:s7], $0x8000  }
0x38e: {  	[sflag:s7] =	ssyncset.done $0x0  }
0x38f: {  	[sflag:s7] =	ssyncadd.s32 $0xFFFF8000  }
0x390: {  	_ =	sfence.sel $0x180000  }
0x391: {  	[bflag:$0x0] =	sbarrier.arrive $0xFFFF  }
0x392: {  	_ =	strace $0x90000047  }
0x393: {  	s0 =	stileid.u32;
	[bflag:$0x2] =	sbarrier.arrive $0xFFFF  }
0x394: {  	p0 =	sne.s32 s0, $0x0;
	s0 =	rddreg [dreg:$0x3]  }
0x395: {  	s0 =	sadd.s32 @!p0 $0x100000, s0  }
0x396: {  	[sflag:s0] =	ssyncadd.tile.s32 @!p0 $0x1;
	_ =	shalt  }
.Lfunc_end2:
_tile_overlayer_lowered:
.L_overlay_start_2:
0x397: {  	(tag) =	ssettag $0x2  }
0x398: {  	s0 =	rddreg [dreg:$0x0];
	s2 =	stileid.u32  }
0x399: {  	s1 =	rddreg [dreg:$0x1];
	p0 =	sne.s32 s2, $0x0  }
0x39a: {  	s3 =	rddreg [dreg:$0x2];
	[bflag:$0x3] =	sbarrier.arrive $0xFFFF;
	s2 =	simm.s32 @!p0 $0x1C09  }
0x39b: {  	[timem:s3], [sflag:s2] =	dma.local @!p0 [hbm:s0], s1  }
0x39c: {  	s0 =	simm.s32 @!p0 $0x9  }
0x39d: {  	_ =	swait.ge @!p0 [sflag:s0], s1  }
0x39e: {  	s1 =	ssub.s32 @!p0 $0x0, s1;
	[sflag:s0] =	ssyncset.done @!p0 $0x0  }
0x39f: {  	[sflag:s0] =	ssyncadd.s32 @!p0 s1  }
0x3a0: {  	[bflag:$0x3] =	sbarrier.arrive $0xFFFF  }
0x3a1: {  	_ =	shalt  }

</sc_bundles>
